<compile_context>
chip_gen: v7x
topology: tpu7x:2x2x1
jax: 0.10.2.dev20260603
libtpu: 0.0.44.dev20260713+nightly
codegen_flags: <defaults>
</compile_context>

<pallas_src>
import functools

import jax
import jax.numpy as jnp
from jax import lax
from jax.experimental import pallas as pl
from jax.experimental.pallas import tpu as pltpu
from jax.experimental.pallas import tpu_sc as plsc

_NC = 2
_NS = 16
_NW = _NC * _NS
_CH = 128


_SG = 8
_C0_W = 1
_TOT_W = 2


def _sc_aggregate(table, src2, dst2, wts2, n_pad, with_deg):
  n_chunks = src2.shape[0]
  D = table.shape[1]
  n_sg_all = n_chunks // (_NS * _SG)
  n_sg0 = (n_sg_all * _C0_W + _TOT_W // 2) // _TOT_W
  n_sg1 = n_sg_all - n_sg0
  cpw0 = n_sg0 * _SG
  cpw1 = n_sg1 * _SG
  rpt = n_pad // _NS
  mesh = plsc.VectorSubcoreMesh(core_axis_name="c", subcore_axis_name="s",
                                num_cores=_NC, num_subcores=_NS)
  n_acc = _NC * n_pad
  out_type = [jax.ShapeDtypeStruct((n_acc, D), jnp.float32)]
  scratch = [
      pltpu.VMEM((_SG, _CH), jnp.int32),
      pltpu.VMEM((_SG, _CH), jnp.int32),
      pltpu.VMEM((_CH, D), jnp.float32),
      pltpu.VMEM((_CH, D), jnp.float32),
      pltpu.SemaphoreType.DMA,
      pltpu.SemaphoreType.DMA,
      pltpu.SemaphoreType.DMA,
      pltpu.SemaphoreType.DMA,
      pltpu.SemaphoreType.DMA,
  ]
  if with_deg:
    out_type.append(jax.ShapeDtypeStruct((n_acc,), jnp.float32))
    scratch += [pltpu.VMEM((_SG, _CH), jnp.float32),
                pltpu.VMEM_SHARED((n_pad,), jnp.float32)]
  scratch.append(pltpu.VMEM_SHARED((n_pad, D), jnp.float32))

  def body(*refs):
    if with_deg:
      (table_h, src_h, dst_h, wts_h, acc_h, deg_h,
       src_sg, dst_sg, rows0, rows1, gsem0, gsem1, ssem0, ssem1, dsem,
       wts_sg, deg_sh, acc_sh) = refs
    else:
      (table_h, src_h, dst_h, acc_h,
       src_sg, dst_sg, rows0, rows1, gsem0, gsem1, ssem0, ssem1, dsem,
       acc_sh) = refs
    rows = (rows0, rows1)
    gsems = (gsem0, gsem1)
    ssems = (ssem0, ssem1)
    cid = lax.axis_index("c")
    sid = lax.axis_index("s")
    w = cid * _NS + sid

    zv = jnp.zeros((16,), jnp.float32)

    def zero_row(r, carry):
      for c in range(D // 16):
        rows0[r, pl.ds(c * 16, 16)] = zv
      return carry

    lax.fori_loop(0, _CH, zero_row, 0)
    r0 = sid * rpt
    for k in range(rpt // _CH):
      pltpu.sync_copy(rows0, acc_sh.at[pl.ds(r0 + k * _CH, _CH)])
    if with_deg:
      for k in range(rpt // _CH):
        pltpu.sync_copy(rows0.at[0], deg_sh.at[pl.ds(r0 + k * _CH, _CH)])
    plsc.subcore_barrier()

    crow_w = jnp.where(cid == 0, sid * cpw0, _NS * cpw0 + sid * cpw1)
    n_sg_c = jnp.where(cid == 0, n_sg0, n_sg1)

    def sg_step(s, carry):
      crow = crow_w + s * _SG
      pltpu.sync_copy(src_h.at[pl.ds(crow, _SG)], src_sg)
      gd = [pltpu.async_copy(table_h.at[src_sg.at[0]], rows0, gsem0),
            pltpu.async_copy(table_h.at[src_sg.at[1]], rows1, gsem1)]
      gd += [None] * (_SG - 2)
      pltpu.sync_copy(dst_h.at[pl.ds(crow, _SG)], dst_sg)
      if with_deg:
        pltpu.sync_copy(wts_h.at[pl.ds(crow, _SG)], wts_sg)
      dd = []
      last_sd = [None, None]
      for j in range(_SG):
        b = j % 2
        gd[j].wait()
        sd = pltpu.async_copy(rows[b], acc_sh.at[dst_sg.at[j]],
                              ssems[b], add=True)
        last_sd[b] = sd
        if with_deg:
          dd.append(pltpu.async_copy(wts_sg.at[j], deg_sh.at[dst_sg.at[j]],
                                     dsem, add=True))
        if j + 2 < _SG:
          sd.wait()
          gd[j + 2] = pltpu.async_copy(table_h.at[src_sg.at[j + 2]],
                                       rows[b], gsems[b])
      last_sd[0].wait()
      last_sd[1].wait()
      for d in dd:
        d.wait()
      return carry

    lax.fori_loop(0, n_sg_c, sg_step, 0)

    plsc.subcore_barrier()
    out_r0 = cid * n_pad + sid * rpt
    pltpu.sync_copy(acc_sh.at[pl.ds(r0, rpt)], acc_h.at[pl.ds(out_r0, rpt)])
    if with_deg:
      pltpu.sync_copy(deg_sh.at[pl.ds(r0, rpt)], deg_h.at[pl.ds(out_r0, rpt)])

  kfn = pl.kernel(body, out_type=tuple(out_type), mesh=mesh,
                  scratch_types=tuple(scratch))
  if with_deg:
    return kfn(table, src2, dst2, wts2)
  return (kfn(table, src2, dst2)[0],)


def _tc_dense(h_pad, acc, deg2, Ws, Wn, b, Wtail, btail, n_real=None):
  n_pad, D = h_pad.shape
  H = Ws.shape[1]
  BLK = 1024
  nb = n_pad // BLK

  dual = acc.shape[0] == 2 * n_pad

  def body(*refs):
    refs = list(refs)
    h_ref, a0_ref = refs[:2]
    a1_ref = refs.pop(2) if dual else None
    d0_ref = refs[2]
    d1_ref = refs.pop(3) if dual else None
    ws_ref, wn_ref, b_ref = refs[3:6]
    if Wtail is not None:
      wt_ref, bt_ref, o_ref = refs[6:9]
    else:
      o_ref = refs[6]
    deg = d0_ref[...] + d1_ref[...] if dual else d0_ref[...]
    inv = 1.0 / jnp.maximum(deg, 1.0)
    agg = a0_ref[...] + a1_ref[...] if dual else a0_ref[...]
    neigh = agg * inv
    pre = (jnp.dot(h_ref[...], ws_ref[...], preferred_element_type=jnp.float32)
           + jnp.dot(neigh, wn_ref[...], preferred_element_type=jnp.float32)
           + b_ref[...])
    hh = jnp.maximum(pre, 0.0)
    if n_real is not None:
      i = pl.program_id(0)
      row = i * BLK + lax.broadcasted_iota(jnp.int32, (BLK, 1), 0)
      hh = jnp.where(row < n_real, hh, 0.0)
    if Wtail is not None:
      o_ref[...] = (jnp.dot(hh, wt_ref[...],
                            preferred_element_type=jnp.float32) + bt_ref[...])
    else:
      o_ref[...] = hh

  in_specs = [pl.BlockSpec((BLK, D), lambda i: (i, 0)),
              pl.BlockSpec((BLK, D), lambda i: (i, 0))]
  args = [h_pad, acc]
  if dual:
    in_specs.append(pl.BlockSpec((BLK, D), lambda i: (i + nb, 0)))
    args.append(acc)
  in_specs.append(pl.BlockSpec((BLK, 1), lambda i: (i, 0)))
  args.append(deg2)
  if dual:
    in_specs.append(pl.BlockSpec((BLK, 1), lambda i: (i + nb, 0)))
    args.append(deg2)
  in_specs += [
      pl.BlockSpec((D, H), lambda i: (0, 0)),
      pl.BlockSpec((D, H), lambda i: (0, 0)),
      pl.BlockSpec((1, H), lambda i: (0, 0)),
  ]
  args += [Ws, Wn, b.reshape(1, H)]
  out_w = H
  if Wtail is not None:
    in_specs += [pl.BlockSpec((H, Wtail.shape[1]), lambda i: (0, 0)),
                 pl.BlockSpec((1, Wtail.shape[1]), lambda i: (0, 0))]
    args += [Wtail, btail.reshape(1, -1)]
    out_w = Wtail.shape[1]
  return pl.pallas_call(
      body,
      grid=(nb,),
      in_specs=in_specs,
      out_specs=pl.BlockSpec((BLK, out_w), lambda i: (i, 0)),
      out_shape=jax.ShapeDtypeStruct((n_pad, out_w), jnp.float32),
  )(*args)


def _sc_pair(z_full, x0p, x1p, lidx):
  H = z_full.shape[1]
  P = x0p.shape[0]
  ppc = P // _NC
  ppw = P // _NW
  mesh = plsc.VectorSubcoreMesh(core_axis_name="c", subcore_axis_name="s",
                                num_cores=_NC, num_subcores=_NS)

  @functools.partial(
      pl.kernel, mesh=mesh,
      out_type=jax.ShapeDtypeStruct((P, H), jnp.float32),
      scratch_types=(
          pltpu.VMEM((ppw,), jnp.int32),
          pltpu.VMEM((ppw,), jnp.int32),
          pltpu.VMEM((ppw, H), jnp.float32),
          pltpu.VMEM_SHARED((ppc, H), jnp.float32),
          pltpu.SemaphoreType.DMA,
      ))
  def k(z_h, x0_h, x1_h, li_h, o_h, idx_v, dst_v, rows_v, acc_sh, sem):
    cid = lax.axis_index("c")
    sid = lax.axis_index("s")
    l0 = sid * ppw
    g0 = cid * ppc + l0
    pltpu.sync_copy(li_h.at[pl.ds(l0, ppw)], dst_v)
    pltpu.sync_copy(x0_h.at[pl.ds(g0, ppw)], idx_v)
    pltpu.async_copy(z_h.at[idx_v], rows_v, sem).wait()
    pltpu.sync_copy(rows_v, acc_sh.at[pl.ds(l0, ppw)])
    pltpu.sync_copy(x1_h.at[pl.ds(g0, ppw)], idx_v)
    pltpu.async_copy(z_h.at[idx_v], rows_v, sem).wait()
    pltpu.sync_copy(rows_v, acc_sh.at[dst_v], add=True)
    plsc.subcore_barrier()
    pltpu.sync_copy(acc_sh.at[pl.ds(l0, ppw)], o_h.at[pl.ds(g0, ppw)])

  return k(z_full, x0p, x1p, lidx)


def kernel(h, edge_index, x, W_self1, W_neigh1, b1, W_self2, W_neigh2, b2,
           W_out, b_out):
  N, D = h.shape
  E = edge_index.shape[1]
  H = W_self1.shape[1]
  C = W_out.shape[1]
  P = x.shape[0]

  n_pad = (N // 1024 + 1) * 1024
  src = edge_index[0]
  dst = edge_index[1]
  e_w = -(-E // _NW)
  epw = -(-e_w // (_CH * _SG)) * (_CH * _SG)
  e_lift = _NW * e_w
  src_w = jnp.concatenate(
      [src, jnp.zeros((e_lift - E,), jnp.int32)]).reshape(_NW, e_w)
  dst_w = jnp.concatenate(
      [dst, jnp.zeros((e_lift - E,), jnp.int32)]).reshape(_NW, e_w)
  wts_w = jnp.concatenate(
      [jnp.ones((E,), jnp.float32),
       jnp.zeros((e_lift - E,), jnp.float32)]).reshape(_NW, e_w)
  npad_w = epw - e_w
  pad_src = jnp.full((_NW, npad_w), N, jnp.int32)
  pad_dst = ((jnp.arange(_NW, dtype=jnp.int32)[:, None] * 317
              + jnp.arange(npad_w, dtype=jnp.int32)[None, :] * 41) % N)
  src3 = jnp.concatenate([src_w, pad_src], axis=1).reshape(-1, _CH)
  dst3 = jnp.concatenate([dst_w, pad_dst], axis=1).reshape(-1, _CH)
  wts3 = jnp.concatenate(
      [wts_w, jnp.zeros((_NW, npad_w), jnp.float32)], axis=1).reshape(-1, _CH)

  h_pad = jnp.concatenate([h, jnp.zeros((n_pad - N, D), jnp.float32)])

  acc1, deg = _sc_aggregate(h_pad, src3, dst3, wts3, n_pad, with_deg=True)
  deg2 = deg.reshape(-1, 1)
  h1 = _tc_dense(h_pad, acc1, deg2, W_self1, W_neigh1, b1, None, None,
                 n_real=N)

  (acc2,) = _sc_aggregate(h1, src3, dst3, None, n_pad, with_deg=False)
  W_out_pad = jnp.pad(W_out, ((0, 0), (0, H - C)))
  b_out_pad = jnp.pad(0.5 * b_out, (0, H - C))
  z_full = _tc_dense(h1, acc2, deg2, W_self2, W_neigh2, b2,
                     W_out_pad, b_out_pad)
  lidx = jnp.arange(P // _NC, dtype=jnp.int32)
  pair_full = _sc_pair(z_full, x[:, 0], x[:, 1], lidx)
  return pair_full[:, :C]

# --- scband reference (transcript-rebuilt; emitter-appended) ---
"""Pipeline reference for scband-graph-sage-44951127719993 (READ-ONLY COPY).

The authoritative reference and input builder live on the scoring server;
editing this copy changes nothing except your own understanding.
"""

import jax, jax.numpy as jnp
import numpy as np

N = 10000
E = 320000
D = 128
H = 128
C = 2
P = 4096


def setup_inputs(seed: int = 0) -> dict:
    key = jax.random.key(seed)
    ks = jax.random.split(key, 12)
    h = jax.random.normal(ks[0], (N, D), dtype=jnp.float32)
    edge_index = jax.random.randint(ks[1], (2, E), 0, N, dtype=jnp.int32)
    x = jax.random.randint(ks[2], (P, 2), 0, N, dtype=jnp.int32)
    # DGL SAGEConv (mean aggregator): fc_self (no bias), fc_neigh (no bias), shared bias
    W_self1 = jax.random.normal(ks[3], (D, H), dtype=jnp.float32) * 0.05
    W_neigh1 = jax.random.normal(ks[4], (D, H), dtype=jnp.float32) * 0.05
    b1 = jnp.zeros((H,), dtype=jnp.float32)
    W_self2 = jax.random.normal(ks[5], (H, H), dtype=jnp.float32) * 0.05
    W_neigh2 = jax.random.normal(ks[6], (H, H), dtype=jnp.float32) * 0.05
    b2 = jnp.zeros((H,), dtype=jnp.float32)
    W_out = jax.random.normal(ks[7], (H, C), dtype=jnp.float32) * 0.05
    b_out = jnp.zeros((C,), dtype=jnp.float32)
    return {"h": h, "edge_index": edge_index, "x": x,
            "W_self1": W_self1, "W_neigh1": W_neigh1, "b1": b1,
            "W_self2": W_self2, "W_neigh2": W_neigh2, "b2": b2,
            "W_out": W_out, "b_out": b_out}


def _sage_layer(h, src, dst, W_self, W_neigh, b):
    # mean aggregation over incoming edges (src -> dst)
    msgs = jnp.take(h, src, axis=0)                      # gather  [E, d]
    agg = jax.ops.segment_sum(msgs, dst, num_segments=N)  # scatter-add
    deg = jax.ops.segment_sum(jnp.ones((src.shape[0],), dtype=h.dtype), dst, num_segments=N)
    h_neigh = agg / jnp.maximum(deg, 1.0)[:, None]
    out = h @ W_self + h_neigh @ W_neigh + b
    return jax.nn.relu(out)


def reference(h, edge_index, x, W_self1, W_neigh1, b1, W_self2, W_neigh2, b2, W_out, b_out):
    src = edge_index[0]
    dst = edge_index[1]
    h1 = _sage_layer(h, src, dst, W_self1, W_neigh1, b1)
    h2 = _sage_layer(h1, src, dst, W_self2, W_neigh2, b2)
    pair = jnp.take(h2, x[:, 0], axis=0) + jnp.take(h2, x[:, 1], axis=0)
    return pair @ W_out + b_out

if __name__ == "__main__":
    import jax
    _d = setup_inputs()
    print(jax.jit(kernel)(*tuple(_d.values())))

</pallas_src>

<mosaic_0001>
#map = affine_map<(d0, d1) -> (0, 0)>
module attributes {stable_mosaic.version = 14 : i64} {
  func.func @body(%arg0: i32, %arg1: i32, %arg2: memref<10240x128xf32, #tpu.memory_space<hbm>>, %arg3: memref<2560x128xi32, #tpu.memory_space<hbm>>, %arg4: memref<2560x128xi32, #tpu.memory_space<hbm>>, %arg5: memref<20480x128xf32, #tpu.memory_space<hbm>>, %arg6: memref<8x128xi32, #tpu.memory_space<vmem>>, %arg7: memref<8x128xi32, #tpu.memory_space<vmem>>, %arg8: memref<128x128xf32, #tpu.memory_space<vmem>>, %arg9: memref<128x128xf32, #tpu.memory_space<vmem>>, %arg10: memref<!tpu.dma_semaphore, #tpu.memory_space<semaphore_mem>>, %arg11: memref<!tpu.dma_semaphore, #tpu.memory_space<semaphore_mem>>, %arg12: memref<!tpu.dma_semaphore, #tpu.memory_space<semaphore_mem>>, %arg13: memref<!tpu.dma_semaphore, #tpu.memory_space<semaphore_mem>>, %arg14: memref<!tpu.dma_semaphore, #tpu.memory_space<semaphore_mem>>, %arg15: memref<10240x128xf32, #tpu.memory_space<vmem_shared>>) attributes {dimension_semantics = [#tpu.dimension_semantics<core_parallel>, #tpu.dimension_semantics<subcore_parallel>], iteration_bounds = array<i64: 2, 16>, scalar_prefetch = 0 : i64, scratch_operands = 10 : i64, tpu.core_type = #tpu.core_type<sc_vector_subcore>, window_params = [{transform_indices = #map}, {transform_indices = #map}, {transform_indices = #map}, {transform_indices = #map}]} {
    %mul3A = arith.constant 16 : i32
    %mul3A_0 = arith.muli %arg0, %mul3A : i32
    %add3A = arith.addi %mul3A_0, %arg1 : i32
    %broadcast_in_dim3A = arith.constant 0.000000e+00 : f32
    %broadcast_in_dim3A_1 = vector.broadcast %broadcast_in_dim3A : f32 to vector<16xf32>
    %scan3A = arith.constant 0 : i32
    %scan3A_2 = arith.constant 0 : i32
    %scan3A_3 = arith.constant 128 : i32
    %scan3A_4 = arith.addi %scan3A_2, %scan3A_3 : i32
    %scan3A_5 = arith.constant 1 : i32
    scf.for %scan3A_45 = %scan3A_2 to %scan3A_4 step %scan3A_5  : i32 {
      %swap3A = arith.index_cast %scan3A_45 : i32 to index
      %swap3A_46 = arith.constant 0 : index
      %swap3A_47 = tpu.vector_load %arg8[%swap3A, %swap3A_46] {strides = array<i32>} : memref<128x128xf32, #tpu.memory_space<vmem>>, vector<1x16xf32>,
      %swap3A_48 = vector.shape_cast %swap3A_47 : vector<1x16xf32> to vector<16xf32>
      %swap3A_49 = vector.shape_cast %broadcast_in_dim3A_1 : vector<16xf32> to vector<1x16xf32>
      tpu.vector_store %arg8[%swap3A, %swap3A_46], %swap3A_49 {strides = array<i32>} : memref<128x128xf32, #tpu.memory_space<vmem>>, vector<1x16xf32>,
      %swap3A_50 = arith.index_cast %scan3A_45 : i32 to index
      %swap3A_51 = arith.constant 16 : index
      %swap3A_52 = tpu.vector_load %arg8[%swap3A_50, %swap3A_51] {strides = array<i32>} : memref<128x128xf32, #tpu.memory_space<vmem>>, vector<1x16xf32>,
      %swap3A_53 = vector.shape_cast %swap3A_52 : vector<1x16xf32> to vector<16xf32>
      %swap3A_54 = vector.shape_cast %broadcast_in_dim3A_1 : vector<16xf32> to vector<1x16xf32>
      tpu.vector_store %arg8[%swap3A_50, %swap3A_51], %swap3A_54 {strides = array<i32>} : memref<128x128xf32, #tpu.memory_space<vmem>>, vector<1x16xf32>,
      %swap3A_55 = arith.index_cast %scan3A_45 : i32 to index
      %swap3A_56 = arith.constant 32 : index
      %swap3A_57 = tpu.vector_load %arg8[%swap3A_55, %swap3A_56] {strides = array<i32>} : memref<128x128xf32, #tpu.memory_space<vmem>>, vector<1x16xf32>,
      %swap3A_58 = vector.shape_cast %swap3A_57 : vector<1x16xf32> to vector<16xf32>
      %swap3A_59 = vector.shape_cast %broadcast_in_dim3A_1 : vector<16xf32> to vector<1x16xf32>
      tpu.vector_store %arg8[%swap3A_55, %swap3A_56], %swap3A_59 {strides = array<i32>} : memref<128x128xf32, #tpu.memory_space<vmem>>, vector<1x16xf32>,
      %swap3A_60 = arith.index_cast %scan3A_45 : i32 to index
      %swap3A_61 = arith.constant 48 : index
      %swap3A_62 = tpu.vector_load %arg8[%swap3A_60, %swap3A_61] {strides = array<i32>} : memref<128x128xf32, #tpu.memory_space<vmem>>, vector<1x16xf32>,
      %swap3A_63 = vector.shape_cast %swap3A_62 : vector<1x16xf32> to vector<16xf32>
      %swap3A_64 = vector.shape_cast %broadcast_in_dim3A_1 : vector<16xf32> to vector<1x16xf32>
      tpu.vector_store %arg8[%swap3A_60, %swap3A_61], %swap3A_64 {strides = array<i32>} : memref<128x128xf32, #tpu.memory_space<vmem>>, vector<1x16xf32>,
      %swap3A_65 = arith.index_cast %scan3A_45 : i32 to index
      %swap3A_66 = arith.constant 64 : index
      %swap3A_67 = tpu.vector_load %arg8[%swap3A_65, %swap3A_66] {strides = array<i32>} : memref<128x128xf32, #tpu.memory_space<vmem>>, vector<1x16xf32>,
      %swap3A_68 = vector.shape_cast %swap3A_67 : vector<1x16xf32> to vector<16xf32>
      %swap3A_69 = vector.shape_cast %broadcast_in_dim3A_1 : vector<16xf32> to vector<1x16xf32>
      tpu.vector_store %arg8[%swap3A_65, %swap3A_66], %swap3A_69 {strides = array<i32>} : memref<128x128xf32, #tpu.memory_space<vmem>>, vector<1x16xf32>,
      %swap3A_70 = arith.index_cast %scan3A_45 : i32 to index
      %swap3A_71 = arith.constant 80 : index
      %swap3A_72 = tpu.vector_load %arg8[%swap3A_70, %swap3A_71] {strides = array<i32>} : memref<128x128xf32, #tpu.memory_space<vmem>>, vector<1x16xf32>,
      %swap3A_73 = vector.shape_cast %swap3A_72 : vector<1x16xf32> to vector<16xf32>
      %swap3A_74 = vector.shape_cast %broadcast_in_dim3A_1 : vector<16xf32> to vector<1x16xf32>
      tpu.vector_store %arg8[%swap3A_70, %swap3A_71], %swap3A_74 {strides = array<i32>} : memref<128x128xf32, #tpu.memory_space<vmem>>, vector<1x16xf32>,
      %swap3A_75 = arith.index_cast %scan3A_45 : i32 to index
      %swap3A_76 = arith.constant 96 : index
      %swap3A_77 = tpu.vector_load %arg8[%swap3A_75, %swap3A_76] {strides = array<i32>} : memref<128x128xf32, #tpu.memory_space<vmem>>, vector<1x16xf32>,
      %swap3A_78 = vector.shape_cast %swap3A_77 : vector<1x16xf32> to vector<16xf32>
      %swap3A_79 = vector.shape_cast %broadcast_in_dim3A_1 : vector<16xf32> to vector<1x16xf32>
      tpu.vector_store %arg8[%swap3A_75, %swap3A_76], %swap3A_79 {strides = array<i32>} : memref<128x128xf32, #tpu.memory_space<vmem>>, vector<1x16xf32>,
      %swap3A_80 = arith.index_cast %scan3A_45 : i32 to index
      %swap3A_81 = arith.constant 112 : index
      %swap3A_82 = tpu.vector_load %arg8[%swap3A_80, %swap3A_81] {strides = array<i32>} : memref<128x128xf32, #tpu.memory_space<vmem>>, vector<1x16xf32>,
      %swap3A_83 = vector.shape_cast %swap3A_82 : vector<1x16xf32> to vector<16xf32>
      %swap3A_84 = vector.shape_cast %broadcast_in_dim3A_1 : vector<16xf32> to vector<1x16xf32>
      tpu.vector_store %arg8[%swap3A_80, %swap3A_81], %swap3A_84 {strides = array<i32>} : memref<128x128xf32, #tpu.memory_space<vmem>>, vector<1x16xf32>,
    }
    %scan3A_6 = arith.constant 128 : i32
    %mul3A_7 = arith.constant 640 : i32
    %mul3A_8 = arith.muli %arg1, %mul3A_7 : i32
    %add3A_9 = arith.constant 0 : i32
    %add3A_10 = arith.addi %mul3A_8, %add3A_9 : i32
    "tpu.region"() ({
      %run_scoped3A = tpu.sem_alloc : memref<!tpu.dma_semaphore, #tpu.memory_space<semaphore_mem>>
      %dma_start3A = arith.constant 0 : i32
      %dma_start3A_45 = tpu.memref_slice %arg15[%add3A_10, %dma_start3A] : memref<10240x128xf32, #tpu.memory_space<vmem_shared>> -> memref<128x128xf32, #tpu.memory_space<vmem_shared>>
      %dma_start3A_46 = arith.constant 0 : i32
      %dma_start3A_47 = tpu.memref_slice %arg15[%add3A_10, %dma_start3A_46] : memref<10240x128xf32, #tpu.memory_space<vmem_shared>> -> memref<128x128xf32, #tpu.memory_space<vmem_shared>>
      tpu.enqueue_dma source(%arg8 : memref<128x128xf32, #tpu.memory_space<vmem>>) target(%dma_start3A_47 : memref<128x128xf32, #tpu.memory_space<vmem_shared>>) target_semaphore(%run_scoped3A : memref<!tpu.dma_semaphore, #tpu.memory_space<semaphore_mem>>)
      %dma_wait3A = arith.constant 0 : i32
      %dma_wait3A_48 = tpu.memref_slice %arg15[%add3A_10, %dma_wait3A] : memref<10240x128xf32, #tpu.memory_space<vmem_shared>> -> memref<128x128xf32, #tpu.memory_space<vmem_shared>>
      %dma_wait3A_49 = arith.constant 0 : i32
      %dma_wait3A_50 = tpu.memref_slice %arg15[%add3A_10, %dma_wait3A_49] : memref<10240x128xf32, #tpu.memory_space<vmem_shared>> -> memref<128x128xf32, #tpu.memory_space<vmem_shared>>
      tpu.wait_dma2 semaphore(%run_scoped3A : memref<!tpu.dma_semaphore, #tpu.memory_space<semaphore_mem>>) src(%arg8 : memref<128x128xf32, #tpu.memory_space<vmem>>) dst(%dma_wait3A_50 : memref<128x128xf32, #tpu.memory_space<vmem_shared>>)
      tpu.yield
    }) : () -> ()
    %add3A_11 = arith.constant 128 : i32
    %add3A_12 = arith.addi %mul3A_8, %add3A_11 : i32
    "tpu.region"() ({
      %run_scoped3A = tpu.sem_alloc : memref<!tpu.dma_semaphore, #tpu.memory_space<semaphore_mem>>
      %dma_start3A = arith.constant 0 : i32
      %dma_start3A_45 = tpu.memref_slice %arg15[%add3A_12, %dma_start3A] : memref<10240x128xf32, #tpu.memory_space<vmem_shared>> -> memref<128x128xf32, #tpu.memory_space<vmem_shared>>
      %dma_start3A_46 = arith.constant 0 : i32
      %dma_start3A_47 = tpu.memref_slice %arg15[%add3A_12, %dma_start3A_46] : memref<10240x128xf32, #tpu.memory_space<vmem_shared>> -> memref<128x128xf32, #tpu.memory_space<vmem_shared>>
      tpu.enqueue_dma source(%arg8 : memref<128x128xf32, #tpu.memory_space<vmem>>) target(%dma_start3A_47 : memref<128x128xf32, #tpu.memory_space<vmem_shared>>) target_semaphore(%run_scoped3A : memref<!tpu.dma_semaphore, #tpu.memory_space<semaphore_mem>>)
      %dma_wait3A = arith.constant 0 : i32
      %dma_wait3A_48 = tpu.memref_slice %arg15[%add3A_12, %dma_wait3A] : memref<10240x128xf32, #tpu.memory_space<vmem_shared>> -> memref<128x128xf32, #tpu.memory_space<vmem_shared>>
      %dma_wait3A_49 = arith.constant 0 : i32
      %dma_wait3A_50 = tpu.memref_slice %arg15[%add3A_12, %dma_wait3A_49] : memref<10240x128xf32, #tpu.memory_space<vmem_shared>> -> memref<128x128xf32, #tpu.memory_space<vmem_shared>>
      tpu.wait_dma2 semaphore(%run_scoped3A : memref<!tpu.dma_semaphore, #tpu.memory_space<semaphore_mem>>) src(%arg8 : memref<128x128xf32, #tpu.memory_space<vmem>>) dst(%dma_wait3A_50 : memref<128x128xf32, #tpu.memory_space<vmem_shared>>)
      tpu.yield
    }) : () -> ()
    %add3A_13 = arith.constant 256 : i32
    %add3A_14 = arith.addi %mul3A_8, %add3A_13 : i32
    "tpu.region"() ({
      %run_scoped3A = tpu.sem_alloc : memref<!tpu.dma_semaphore, #tpu.memory_space<semaphore_mem>>
      %dma_start3A = arith.constant 0 : i32
      %dma_start3A_45 = tpu.memref_slice %arg15[%add3A_14, %dma_start3A] : memref<10240x128xf32, #tpu.memory_space<vmem_shared>> -> memref<128x128xf32, #tpu.memory_space<vmem_shared>>
      %dma_start3A_46 = arith.constant 0 : i32
      %dma_start3A_47 = tpu.memref_slice %arg15[%add3A_14, %dma_start3A_46] : memref<10240x128xf32, #tpu.memory_space<vmem_shared>> -> memref<128x128xf32, #tpu.memory_space<vmem_shared>>
      tpu.enqueue_dma source(%arg8 : memref<128x128xf32, #tpu.memory_space<vmem>>) target(%dma_start3A_47 : memref<128x128xf32, #tpu.memory_space<vmem_shared>>) target_semaphore(%run_scoped3A : memref<!tpu.dma_semaphore, #tpu.memory_space<semaphore_mem>>)
      %dma_wait3A = arith.constant 0 : i32
      %dma_wait3A_48 = tpu.memref_slice %arg15[%add3A_14, %dma_wait3A] : memref<10240x128xf32, #tpu.memory_space<vmem_shared>> -> memref<128x128xf32, #tpu.memory_space<vmem_shared>>
      %dma_wait3A_49 = arith.constant 0 : i32
      %dma_wait3A_50 = tpu.memref_slice %arg15[%add3A_14, %dma_wait3A_49] : memref<10240x128xf32, #tpu.memory_space<vmem_shared>> -> memref<128x128xf32, #tpu.memory_space<vmem_shared>>
      tpu.wait_dma2 semaphore(%run_scoped3A : memref<!tpu.dma_semaphore, #tpu.memory_space<semaphore_mem>>) src(%arg8 : memref<128x128xf32, #tpu.memory_space<vmem>>) dst(%dma_wait3A_50 : memref<128x128xf32, #tpu.memory_space<vmem_shared>>)
      tpu.yield
    }) : () -> ()
    %add3A_15 = arith.constant 384 : i32
    %add3A_16 = arith.addi %mul3A_8, %add3A_15 : i32
    "tpu.region"() ({
      %run_scoped3A = tpu.sem_alloc : memref<!tpu.dma_semaphore, #tpu.memory_space<semaphore_mem>>
      %dma_start3A = arith.constant 0 : i32
      %dma_start3A_45 = tpu.memref_slice %arg15[%add3A_16, %dma_start3A] : memref<10240x128xf32, #tpu.memory_space<vmem_shared>> -> memref<128x128xf32, #tpu.memory_space<vmem_shared>>
      %dma_start3A_46 = arith.constant 0 : i32
      %dma_start3A_47 = tpu.memref_slice %arg15[%add3A_16, %dma_start3A_46] : memref<10240x128xf32, #tpu.memory_space<vmem_shared>> -> memref<128x128xf32, #tpu.memory_space<vmem_shared>>
      tpu.enqueue_dma source(%arg8 : memref<128x128xf32, #tpu.memory_space<vmem>>) target(%dma_start3A_47 : memref<128x128xf32, #tpu.memory_space<vmem_shared>>) target_semaphore(%run_scoped3A : memref<!tpu.dma_semaphore, #tpu.memory_space<semaphore_mem>>)
      %dma_wait3A = arith.constant 0 : i32
      %dma_wait3A_48 = tpu.memref_slice %arg15[%add3A_16, %dma_wait3A] : memref<10240x128xf32, #tpu.memory_space<vmem_shared>> -> memref<128x128xf32, #tpu.memory_space<vmem_shared>>
      %dma_wait3A_49 = arith.constant 0 : i32
      %dma_wait3A_50 = tpu.memref_slice %arg15[%add3A_16, %dma_wait3A_49] : memref<10240x128xf32, #tpu.memory_space<vmem_shared>> -> memref<128x128xf32, #tpu.memory_space<vmem_shared>>
      tpu.wait_dma2 semaphore(%run_scoped3A : memref<!tpu.dma_semaphore, #tpu.memory_space<semaphore_mem>>) src(%arg8 : memref<128x128xf32, #tpu.memory_space<vmem>>) dst(%dma_wait3A_50 : memref<128x128xf32, #tpu.memory_space<vmem_shared>>)
      tpu.yield
    }) : () -> ()
    %add3A_17 = arith.constant 512 : i32
    %add3A_18 = arith.addi %mul3A_8, %add3A_17 : i32
    "tpu.region"() ({
      %run_scoped3A = tpu.sem_alloc : memref<!tpu.dma_semaphore, #tpu.memory_space<semaphore_mem>>
      %dma_start3A = arith.constant 0 : i32
      %dma_start3A_45 = tpu.memref_slice %arg15[%add3A_18, %dma_start3A] : memref<10240x128xf32, #tpu.memory_space<vmem_shared>> -> memref<128x128xf32, #tpu.memory_space<vmem_shared>>
      %dma_start3A_46 = arith.constant 0 : i32
      %dma_start3A_47 = tpu.memref_slice %arg15[%add3A_18, %dma_start3A_46] : memref<10240x128xf32, #tpu.memory_space<vmem_shared>> -> memref<128x128xf32, #tpu.memory_space<vmem_shared>>
      tpu.enqueue_dma source(%arg8 : memref<128x128xf32, #tpu.memory_space<vmem>>) target(%dma_start3A_47 : memref<128x128xf32, #tpu.memory_space<vmem_shared>>) target_semaphore(%run_scoped3A : memref<!tpu.dma_semaphore, #tpu.memory_space<semaphore_mem>>)
      %dma_wait3A = arith.constant 0 : i32
      %dma_wait3A_48 = tpu.memref_slice %arg15[%add3A_18, %dma_wait3A] : memref<10240x128xf32, #tpu.memory_space<vmem_shared>> -> memref<128x128xf32, #tpu.memory_space<vmem_shared>>
      %dma_wait3A_49 = arith.constant 0 : i32
      %dma_wait3A_50 = tpu.memref_slice %arg15[%add3A_18, %dma_wait3A_49] : memref<10240x128xf32, #tpu.memory_space<vmem_shared>> -> memref<128x128xf32, #tpu.memory_space<vmem_shared>>
      tpu.wait_dma2 semaphore(%run_scoped3A : memref<!tpu.dma_semaphore, #tpu.memory_space<semaphore_mem>>) src(%arg8 : memref<128x128xf32, #tpu.memory_space<vmem>>) dst(%dma_wait3A_50 : memref<128x128xf32, #tpu.memory_space<vmem_shared>>)
      tpu.yield
    }) : () -> ()
    %barrier3A = arith.constant 0 : index
    tpu.barrier barrier_id(%barrier3A)
    %eq3A = arith.constant 0 : i32
    %eq3A_19 = arith.cmpi eq, %arg0, %eq3A : i32
    %mul3A_20 = arith.constant 80 : i32
    %mul3A_21 = arith.muli %arg1, %mul3A_20 : i32
    %mul3A_22 = arith.constant 80 : i32
    %mul3A_23 = arith.muli %arg1, %mul3A_22 : i32
    %add3A_24 = arith.constant 1280 : i32
    %add3A_25 = arith.addi %add3A_24, %mul3A_23 : i32
    %select_n3A = arith.select %eq3A_19, %mul3A_21, %add3A_25 : i32
    %eq3A_26 = arith.constant 0 : i32
    %eq3A_27 = arith.cmpi eq, %arg0, %eq3A_26 : i32
    %jit3A = arith.constant 10 : i32
    %jit3A_28 = arith.constant 10 : i32
    %select_n3A_29 = arith.select %eq3A_27, %jit3A, %jit3A_28 : i32
    %while3A = arith.constant 0 : i32
    %while3A_30 = arith.constant 0 : i32
    %while3A_31 = arith.subi %select_n3A_29, %while3A_30 : i32
    %while3A_32 = arith.addi %while3A_30, %while3A_31 : i32
    %while3A_33 = arith.constant 1 : i32
    %while3A_34 = arith.divsi %while3A_31, %while3A_33 : i32
    %while3A_35 = arith.muli %while3A_34, %while3A_33 : i32
    %while3A_36 = arith.addi %while3A_30, %while3A_35 : i32
    %while3A_37 = arith.constant 1 : i32
    scf.for %while3A_45 = %while3A_30 to %while3A_36 step %while3A_37  : i32 {
      %mul3A_46 = arith.constant 8 : i32
      %mul3A_47 = arith.muli %while3A_45, %mul3A_46 : i32
      %add3A_48 = arith.addi %select_n3A, %mul3A_47 : i32
      "tpu.region"() ({
        %run_scoped3A = tpu.sem_alloc : memref<!tpu.dma_semaphore, #tpu.memory_space<semaphore_mem>>
        %dma_start3A_271 = arith.constant 0 : i32
        %dma_start3A_272 = tpu.memref_slice %arg3[%add3A_48, %dma_start3A_271] : memref<2560x128xi32, #tpu.memory_space<hbm>> -> memref<8x128xi32, #tpu.memory_space<hbm>>
        %dma_start3A_273 = arith.constant 0 : i32
        %dma_start3A_274 = tpu.memref_slice %arg3[%add3A_48, %dma_start3A_273] : memref<2560x128xi32, #tpu.memory_space<hbm>> -> memref<8x128xi32, #tpu.memory_space<hbm>>
        tpu.enqueue_dma source(%dma_start3A_274 : memref<8x128xi32, #tpu.memory_space<hbm>>) target(%arg6 : memref<8x128xi32, #tpu.memory_space<vmem>>) target_semaphore(%run_scoped3A : memref<!tpu.dma_semaphore, #tpu.memory_space<semaphore_mem>>)
        %dma_wait3A_275 = arith.constant 0 : i32
        %dma_wait3A_276 = tpu.memref_slice %arg3[%add3A_48, %dma_wait3A_275] : memref<2560x128xi32, #tpu.memory_space<hbm>> -> memref<8x128xi32, #tpu.memory_space<hbm>>
        %dma_wait3A_277 = arith.constant 0 : i32
        %dma_wait3A_278 = tpu.memref_slice %arg3[%add3A_48, %dma_wait3A_277] : memref<2560x128xi32, #tpu.memory_space<hbm>> -> memref<8x128xi32, #tpu.memory_space<hbm>>
        tpu.wait_dma2 semaphore(%run_scoped3A : memref<!tpu.dma_semaphore, #tpu.memory_space<semaphore_mem>>) src(%dma_wait3A_278 : memref<8x128xi32, #tpu.memory_space<hbm>>) dst(%arg6 : memref<8x128xi32, #tpu.memory_space<vmem>>)
        tpu.yield
      }) : () -> ()
      %dma_start3A = arith.constant 0 : i32
      %dma_start3A_49 = arith.constant 0 : i32
      %dma_start3A_50 = tpu.memref_slice %arg6[%dma_start3A, %dma_start3A_49] : memref<8x128xi32, #tpu.memory_space<vmem>> -> memref<1x128xi32, #tpu.memory_space<vmem>>
      %dma_start3A_51 = tpu.memref_squeeze %dma_start3A_50 : memref<1x128xi32, #tpu.memory_space<vmem>> -> memref<128xi32, #tpu.memory_space<vmem>>
      %dma_start3A_52 = arith.constant 0 : i32
      %dma_start3A_53 = arith.constant 0 : i32
      %dma_start3A_54 = tpu.memref_slice %arg2[%dma_start3A_52, %dma_start3A_53] : memref<10240x128xf32, #tpu.memory_space<hbm>> -> memref<10240x128xf32, #tpu.memory_space<hbm>>
      tpu.enqueue_indirect_dma source(%dma_start3A_54 : memref<10240x128xf32, #tpu.memory_space<hbm>>) target(%arg8 : memref<128x128xf32, #tpu.memory_space<vmem>>) offsets(%dma_start3A_51 : memref<128xi32, #tpu.memory_space<vmem>>) semaphore(%arg10 : memref<!tpu.dma_semaphore, #tpu.memory_space<semaphore_mem>>)
      %dma_start3A_55 = arith.constant 1 : i32
      %dma_start3A_56 = arith.constant 0 : i32
      %dma_start3A_57 = tpu.memref_slice %arg6[%dma_start3A_55, %dma_start3A_56] : memref<8x128xi32, #tpu.memory_space<vmem>> -> memref<1x128xi32, #tpu.memory_space<vmem>>
      %dma_start3A_58 = tpu.memref_squeeze %dma_start3A_57 : memref<1x128xi32, #tpu.memory_space<vmem>> -> memref<128xi32, #tpu.memory_space<vmem>>
      %dma_start3A_59 = arith.constant 0 : i32
      %dma_start3A_60 = arith.constant 0 : i32
      %dma_start3A_61 = tpu.memref_slice %arg2[%dma_start3A_59, %dma_start3A_60] : memref<10240x128xf32, #tpu.memory_space<hbm>> -> memref<10240x128xf32, #tpu.memory_space<hbm>>
      tpu.enqueue_indirect_dma source(%dma_start3A_61 : memref<10240x128xf32, #tpu.memory_space<hbm>>) target(%arg9 : memref<128x128xf32, #tpu.memory_space<vmem>>) offsets(%dma_start3A_58 : memref<128xi32, #tpu.memory_space<vmem>>) semaphore(%arg11 : memref<!tpu.dma_semaphore, #tpu.memory_space<semaphore_mem>>)
      "tpu.region"() ({
        %run_scoped3A = tpu.sem_alloc : memref<!tpu.dma_semaphore, #tpu.memory_space<semaphore_mem>>
        %dma_start3A_271 = arith.constant 0 : i32
        %dma_start3A_272 = tpu.memref_slice %arg4[%add3A_48, %dma_start3A_271] : memref<2560x128xi32, #tpu.memory_space<hbm>> -> memref<8x128xi32, #tpu.memory_space<hbm>>
        %dma_start3A_273 = arith.constant 0 : i32
        %dma_start3A_274 = tpu.memref_slice %arg4[%add3A_48, %dma_start3A_273] : memref<2560x128xi32, #tpu.memory_space<hbm>> -> memref<8x128xi32, #tpu.memory_space<hbm>>
        tpu.enqueue_dma source(%dma_start3A_274 : memref<8x128xi32, #tpu.memory_space<hbm>>) target(%arg7 : memref<8x128xi32, #tpu.memory_space<vmem>>) target_semaphore(%run_scoped3A : memref<!tpu.dma_semaphore, #tpu.memory_space<semaphore_mem>>)
        %dma_wait3A_275 = arith.constant 0 : i32
        %dma_wait3A_276 = tpu.memref_slice %arg4[%add3A_48, %dma_wait3A_275] : memref<2560x128xi32, #tpu.memory_space<hbm>> -> memref<8x128xi32, #tpu.memory_space<hbm>>
        %dma_wait3A_277 = arith.constant 0 : i32
        %dma_wait3A_278 = tpu.memref_slice %arg4[%add3A_48, %dma_wait3A_277] : memref<2560x128xi32, #tpu.memory_space<hbm>> -> memref<8x128xi32, #tpu.memory_space<hbm>>
        tpu.wait_dma2 semaphore(%run_scoped3A : memref<!tpu.dma_semaphore, #tpu.memory_space<semaphore_mem>>) src(%dma_wait3A_278 : memref<8x128xi32, #tpu.memory_space<hbm>>) dst(%arg7 : memref<8x128xi32, #tpu.memory_space<vmem>>)
        tpu.yield
      }) : () -> ()
      %dma_wait3A = arith.constant 0 : i32
      %dma_wait3A_62 = arith.constant 0 : i32
      %dma_wait3A_63 = tpu.memref_slice %arg6[%dma_wait3A, %dma_wait3A_62] : memref<8x128xi32, #tpu.memory_space<vmem>> -> memref<1x128xi32, #tpu.memory_space<vmem>>
      %dma_wait3A_64 = tpu.memref_squeeze %dma_wait3A_63 : memref<1x128xi32, #tpu.memory_space<vmem>> -> memref<128xi32, #tpu.memory_space<vmem>>
      %dma_wait3A_65 = arith.constant 0 : i32
      %dma_wait3A_66 = arith.constant 0 : i32
      %dma_wait3A_67 = tpu.memref_slice %arg2[%dma_wait3A_65, %dma_wait3A_66] : memref<10240x128xf32, #tpu.memory_space<hbm>> -> memref<10240x128xf32, #tpu.memory_space<hbm>>
      tpu.wait_indirect_dma semaphore(%arg10 : memref<!tpu.dma_semaphore, #tpu.memory_space<semaphore_mem>>) src(%dma_wait3A_67 : memref<10240x128xf32, #tpu.memory_space<hbm>>) dst(%arg8 : memref<128x128xf32, #tpu.memory_space<vmem>>)
      %dma_start3A_68 = arith.constant 0 : i32
      %dma_start3A_69 = arith.constant 0 : i32
      %dma_start3A_70 = tpu.memref_slice %arg7[%dma_start3A_68, %dma_start3A_69] : memref<8x128xi32, #tpu.memory_space<vmem>> -> memref<1x128xi32, #tpu.memory_space<vmem>>
      %dma_start3A_71 = tpu.memref_squeeze %dma_start3A_70 : memref<1x128xi32, #tpu.memory_space<vmem>> -> memref<128xi32, #tpu.memory_space<vmem>>
      %dma_start3A_72 = arith.constant 0 : i32
      %dma_start3A_73 = arith.constant 0 : i32
      %dma_start3A_74 = tpu.memref_slice %arg15[%dma_start3A_72, %dma_start3A_73] : memref<10240x128xf32, #tpu.memory_space<vmem_shared>> -> memref<10240x128xf32, #tpu.memory_space<vmem_shared>>
      tpu.enqueue_indirect_dma source(%arg8 : memref<128x128xf32, #tpu.memory_space<vmem>>) target(%dma_start3A_74 : memref<10240x128xf32, #tpu.memory_space<vmem_shared>>) offsets(%dma_start3A_71 : memref<128xi32, #tpu.memory_space<vmem>>) semaphore(%arg12 : memref<!tpu.dma_semaphore, #tpu.memory_space<semaphore_mem>>) {add = true}
      %dma_wait3A_75 = arith.constant 0 : i32
      %dma_wait3A_76 = arith.constant 0 : i32
      %dma_wait3A_77 = tpu.memref_slice %arg7[%dma_wait3A_75, %dma_wait3A_76] : memref<8x128xi32, #tpu.memory_space<vmem>> -> memref<1x128xi32, #tpu.memory_space<vmem>>
      %dma_wait3A_78 = tpu.memref_squeeze %dma_wait3A_77 : memref<1x128xi32, #tpu.memory_space<vmem>> -> memref<128xi32, #tpu.memory_space<vmem>>
      %dma_wait3A_79 = arith.constant 0 : i32
      %dma_wait3A_80 = arith.constant 0 : i32
      %dma_wait3A_81 = tpu.memref_slice %arg15[%dma_wait3A_79, %dma_wait3A_80] : memref<10240x128xf32, #tpu.memory_space<vmem_shared>> -> memref<10240x128xf32, #tpu.memory_space<vmem_shared>>
      tpu.wait_indirect_dma semaphore(%arg12 : memref<!tpu.dma_semaphore, #tpu.memory_space<semaphore_mem>>) src(%arg8 : memref<128x128xf32, #tpu.memory_space<vmem>>) dst(%dma_wait3A_81 : memref<10240x128xf32, #tpu.memory_space<vmem_shared>>)
      %dma_start3A_82 = arith.constant 2 : i32
      %dma_start3A_83 = arith.constant 0 : i32
      %dma_start3A_84 = tpu.memref_slice %arg6[%dma_start3A_82, %dma_start3A_83] : memref<8x128xi32, #tpu.memory_space<vmem>> -> memref<1x128xi32, #tpu.memory_space<vmem>>
      %dma_start3A_85 = tpu.memref_squeeze %dma_start3A_84 : memref<1x128xi32, #tpu.memory_space<vmem>> -> memref<128xi32, #tpu.memory_space<vmem>>
      %dma_start3A_86 = arith.constant 0 : i32
      %dma_start3A_87 = arith.constant 0 : i32
      %dma_start3A_88 = tpu.memref_slice %arg2[%dma_start3A_86, %dma_start3A_87] : memref<10240x128xf32, #tpu.memory_space<hbm>> -> memref<10240x128xf32, #tpu.memory_space<hbm>>
      tpu.enqueue_indirect_dma source(%dma_start3A_88 : memref<10240x128xf32, #tpu.memory_space<hbm>>) target(%arg8 : memref<128x128xf32, #tpu.memory_space<vmem>>) offsets(%dma_start3A_85 : memref<128xi32, #tpu.memory_space<vmem>>) semaphore(%arg10 : memref<!tpu.dma_semaphore, #tpu.memory_space<semaphore_mem>>)
      %dma_wait3A_89 = arith.constant 1 : i32
      %dma_wait3A_90 = arith.constant 0 : i32
      %dma_wait3A_91 = tpu.memref_slice %arg6[%dma_wait3A_89, %dma_wait3A_90] : memref<8x128xi32, #tpu.memory_space<vmem>> -> memref<1x128xi32, #tpu.memory_space<vmem>>
      %dma_wait3A_92 = tpu.memref_squeeze %dma_wait3A_91 : memref<1x128xi32, #tpu.memory_space<vmem>> -> memref<128xi32, #tpu.memory_space<vmem>>
      %dma_wait3A_93 = arith.constant 0 : i32
      %dma_wait3A_94 = arith.constant 0 : i32
      %dma_wait3A_95 = tpu.memref_slice %arg2[%dma_wait3A_93, %dma_wait3A_94] : memref<10240x128xf32, #tpu.memory_space<hbm>> -> memref<10240x128xf32, #tpu.memory_space<hbm>>
      tpu.wait_indirect_dma semaphore(%arg11 : memref<!tpu.dma_semaphore, #tpu.memory_space<semaphore_mem>>) src(%dma_wait3A_95 : memref<10240x128xf32, #tpu.memory_space<hbm>>) dst(%arg9 : memref<128x128xf32, #tpu.memory_space<vmem>>)
      %dma_start3A_96 = arith.constant 1 : i32
      %dma_start3A_97 = arith.constant 0 : i32
      %dma_start3A_98 = tpu.memref_slice %arg7[%dma_start3A_96, %dma_start3A_97] : memref<8x128xi32, #tpu.memory_space<vmem>> -> memref<1x128xi32, #tpu.memory_space<vmem>>
      %dma_start3A_99 = tpu.memref_squeeze %dma_start3A_98 : memref<1x128xi32, #tpu.memory_space<vmem>> -> memref<128xi32, #tpu.memory_space<vmem>>
      %dma_start3A_100 = arith.constant 0 : i32
      %dma_start3A_101 = arith.constant 0 : i32
      %dma_start3A_102 = tpu.memref_slice %arg15[%dma_start3A_100, %dma_start3A_101] : memref<10240x128xf32, #tpu.memory_space<vmem_shared>> -> memref<10240x128xf32, #tpu.memory_space<vmem_shared>>
      tpu.enqueue_indirect_dma source(%arg9 : memref<128x128xf32, #tpu.memory_space<vmem>>) target(%dma_start3A_102 : memref<10240x128xf32, #tpu.memory_space<vmem_shared>>) offsets(%dma_start3A_99 : memref<128xi32, #tpu.memory_space<vmem>>) semaphore(%arg13 : memref<!tpu.dma_semaphore, #tpu.memory_space<semaphore_mem>>) {add = true}
      %dma_wait3A_103 = arith.constant 1 : i32
      %dma_wait3A_104 = arith.constant 0 : i32
      %dma_wait3A_105 = tpu.memref_slice %arg7[%dma_wait3A_103, %dma_wait3A_104] : memref<8x128xi32, #tpu.memory_space<vmem>> -> memref<1x128xi32, #tpu.memory_space<vmem>>
      %dma_wait3A_106 = tpu.memref_squeeze %dma_wait3A_105 : memref<1x128xi32, #tpu.memory_space<vmem>> -> memref<128xi32, #tpu.memory_space<vmem>>
      %dma_wait3A_107 = arith.constant 0 : i32
      %dma_wait3A_108 = arith.constant 0 : i32
      %dma_wait3A_109 = tpu.memref_slice %arg15[%dma_wait3A_107, %dma_wait3A_108] : memref<10240x128xf32, #tpu.memory_space<vmem_shared>> -> memref<10240x128xf32, #tpu.memory_space<vmem_shared>>
      tpu.wait_indirect_dma semaphore(%arg13 : memref<!tpu.dma_semaphore, #tpu.memory_space<semaphore_mem>>) src(%arg9 : memref<128x128xf32, #tpu.memory_space<vmem>>) dst(%dma_wait3A_109 : memref<10240x128xf32, #tpu.memory_space<vmem_shared>>)
      %dma_start3A_110 = arith.constant 3 : i32
      %dma_start3A_111 = arith.constant 0 : i32
      %dma_start3A_112 = tpu.memref_slice %arg6[%dma_start3A_110, %dma_start3A_111] : memref<8x128xi32, #tpu.memory_space<vmem>> -> memref<1x128xi32, #tpu.memory_space<vmem>>
      %dma_start3A_113 = tpu.memref_squeeze %dma_start3A_112 : memref<1x128xi32, #tpu.memory_space<vmem>> -> memref<128xi32, #tpu.memory_space<vmem>>
      %dma_start3A_114 = arith.constant 0 : i32
      %dma_start3A_115 = arith.constant 0 : i32
      %dma_start3A_116 = tpu.memref_slice %arg2[%dma_start3A_114, %dma_start3A_115] : memref<10240x128xf32, #tpu.memory_space<hbm>> -> memref<10240x128xf32, #tpu.memory_space<hbm>>
      tpu.enqueue_indirect_dma source(%dma_start3A_116 : memref<10240x128xf32, #tpu.memory_space<hbm>>) target(%arg9 : memref<128x128xf32, #tpu.memory_space<vmem>>) offsets(%dma_start3A_113 : memref<128xi32, #tpu.memory_space<vmem>>) semaphore(%arg11 : memref<!tpu.dma_semaphore, #tpu.memory_space<semaphore_mem>>)
      %dma_wait3A_117 = arith.constant 2 : i32
      %dma_wait3A_118 = arith.constant 0 : i32
      %dma_wait3A_119 = tpu.memref_slice %arg6[%dma_wait3A_117, %dma_wait3A_118] : memref<8x128xi32, #tpu.memory_space<vmem>> -> memref<1x128xi32, #tpu.memory_space<vmem>>
      %dma_wait3A_120 = tpu.memref_squeeze %dma_wait3A_119 : memref<1x128xi32, #tpu.memory_space<vmem>> -> memref<128xi32, #tpu.memory_space<vmem>>
      %dma_wait3A_121 = arith.constant 0 : i32
      %dma_wait3A_122 = arith.constant 0 : i32
      %dma_wait3A_123 = tpu.memref_slice %arg2[%dma_wait3A_121, %dma_wait3A_122] : memref<10240x128xf32, #tpu.memory_space<hbm>> -> memref<10240x128xf32, #tpu.memory_space<hbm>>
      tpu.wait_indirect_dma semaphore(%arg10 : memref<!tpu.dma_semaphore, #tpu.memory_space<semaphore_mem>>) src(%dma_wait3A_123 : memref<10240x128xf32, #tpu.memory_space<hbm>>) dst(%arg8 : memref<128x128xf32, #tpu.memory_space<vmem>>)
      %dma_start3A_124 = arith.constant 2 : i32
      %dma_start3A_125 = arith.constant 0 : i32
      %dma_start3A_126 = tpu.memref_slice %arg7[%dma_start3A_124, %dma_start3A_125] : memref<8x128xi32, #tpu.memory_space<vmem>> -> memref<1x128xi32, #tpu.memory_space<vmem>>
      %dma_start3A_127 = tpu.memref_squeeze %dma_start3A_126 : memref<1x128xi32, #tpu.memory_space<vmem>> -> memref<128xi32, #tpu.memory_space<vmem>>
      %dma_start3A_128 = arith.constant 0 : i32
      %dma_start3A_129 = arith.constant 0 : i32
      %dma_start3A_130 = tpu.memref_slice %arg15[%dma_start3A_128, %dma_start3A_129] : memref<10240x128xf32, #tpu.memory_space<vmem_shared>> -> memref<10240x128xf32, #tpu.memory_space<vmem_shared>>
      tpu.enqueue_indirect_dma source(%arg8 : memref<128x128xf32, #tpu.memory_space<vmem>>) target(%dma_start3A_130 : memref<10240x128xf32, #tpu.memory_space<vmem_shared>>) offsets(%dma_start3A_127 : memref<128xi32, #tpu.memory_space<vmem>>) semaphore(%arg12 : memref<!tpu.dma_semaphore, #tpu.memory_space<semaphore_mem>>) {add = true}
      %dma_wait3A_131 = arith.constant 2 : i32
      %dma_wait3A_132 = arith.constant 0 : i32
      %dma_wait3A_133 = tpu.memref_slice %arg7[%dma_wait3A_131, %dma_wait3A_132] : memref<8x128xi32, #tpu.memory_space<vmem>> -> memref<1x128xi32, #tpu.memory_space<vmem>>
      %dma_wait3A_134 = tpu.memref_squeeze %dma_wait3A_133 : memref<1x128xi32, #tpu.memory_space<vmem>> -> memref<128xi32, #tpu.memory_space<vmem>>
      %dma_wait3A_135 = arith.constant 0 : i32
      %dma_wait3A_136 = arith.constant 0 : i32
      %dma_wait3A_137 = tpu.memref_slice %arg15[%dma_wait3A_135, %dma_wait3A_136] : memref<10240x128xf32, #tpu.memory_space<vmem_shared>> -> memref<10240x128xf32, #tpu.memory_space<vmem_shared>>
      tpu.wait_indirect_dma semaphore(%arg12 : memref<!tpu.dma_semaphore, #tpu.memory_space<semaphore_mem>>) src(%arg8 : memref<128x128xf32, #tpu.memory_space<vmem>>) dst(%dma_wait3A_137 : memref<10240x128xf32, #tpu.memory_space<vmem_shared>>)
      %dma_start3A_138 = arith.constant 4 : i32
      %dma_start3A_139 = arith.constant 0 : i32
      %dma_start3A_140 = tpu.memref_slice %arg6[%dma_start3A_138, %dma_start3A_139] : memref<8x128xi32, #tpu.memory_space<vmem>> -> memref<1x128xi32, #tpu.memory_space<vmem>>
      %dma_start3A_141 = tpu.memref_squeeze %dma_start3A_140 : memref<1x128xi32, #tpu.memory_space<vmem>> -> memref<128xi32, #tpu.memory_space<vmem>>
      %dma_start3A_142 = arith.constant 0 : i32
      %dma_start3A_143 = arith.constant 0 : i32
      %dma_start3A_144 = tpu.memref_slice %arg2[%dma_start3A_142, %dma_start3A_143] : memref<10240x128xf32, #tpu.memory_space<hbm>> -> memref<10240x128xf32, #tpu.memory_space<hbm>>
      tpu.enqueue_indirect_dma source(%dma_start3A_144 : memref<10240x128xf32, #tpu.memory_space<hbm>>) target(%arg8 : memref<128x128xf32, #tpu.memory_space<vmem>>) offsets(%dma_start3A_141 : memref<128xi32, #tpu.memory_space<vmem>>) semaphore(%arg10 : memref<!tpu.dma_semaphore, #tpu.memory_space<semaphore_mem>>)
      %dma_wait3A_145 = arith.constant 3 : i32
      %dma_wait3A_146 = arith.constant 0 : i32
      %dma_wait3A_147 = tpu.memref_slice %arg6[%dma_wait3A_145, %dma_wait3A_146] : memref<8x128xi32, #tpu.memory_space<vmem>> -> memref<1x128xi32, #tpu.memory_space<vmem>>
      %dma_wait3A_148 = tpu.memref_squeeze %dma_wait3A_147 : memref<1x128xi32, #tpu.memory_space<vmem>> -> memref<128xi32, #tpu.memory_space<vmem>>
      %dma_wait3A_149 = arith.constant 0 : i32
      %dma_wait3A_150 = arith.constant 0 : i32
      %dma_wait3A_151 = tpu.memref_slice %arg2[%dma_wait3A_149, %dma_wait3A_150] : memref<10240x128xf32, #tpu.memory_space<hbm>> -> memref<10240x128xf32, #tpu.memory_space<hbm>>
      tpu.wait_indirect_dma semaphore(%arg11 : memref<!tpu.dma_semaphore, #tpu.memory_space<semaphore_mem>>) src(%dma_wait3A_151 : memref<10240x128xf32, #tpu.memory_space<hbm>>) dst(%arg9 : memref<128x128xf32, #tpu.memory_space<vmem>>)
      %dma_start3A_152 = arith.constant 3 : i32
      %dma_start3A_153 = arith.constant 0 : i32
      %dma_start3A_154 = tpu.memref_slice %arg7[%dma_start3A_152, %dma_start3A_153] : memref<8x128xi32, #tpu.memory_space<vmem>> -> memref<1x128xi32, #tpu.memory_space<vmem>>
      %dma_start3A_155 = tpu.memref_squeeze %dma_start3A_154 : memref<1x128xi32, #tpu.memory_space<vmem>> -> memref<128xi32, #tpu.memory_space<vmem>>
      %dma_start3A_156 = arith.constant 0 : i32
      %dma_start3A_157 = arith.constant 0 : i32
      %dma_start3A_158 = tpu.memref_slice %arg15[%dma_start3A_156, %dma_start3A_157] : memref<10240x128xf32, #tpu.memory_space<vmem_shared>> -> memref<10240x128xf32, #tpu.memory_space<vmem_shared>>
      tpu.enqueue_indirect_dma source(%arg9 : memref<128x128xf32, #tpu.memory_space<vmem>>) target(%dma_start3A_158 : memref<10240x128xf32, #tpu.memory_space<vmem_shared>>) offsets(%dma_start3A_155 : memref<128xi32, #tpu.memory_space<vmem>>) semaphore(%arg13 : memref<!tpu.dma_semaphore, #tpu.memory_space<semaphore_mem>>) {add = true}
      %dma_wait3A_159 = arith.constant 3 : i32
      %dma_wait3A_160 = arith.constant 0 : i32
      %dma_wait3A_161 = tpu.memref_slice %arg7[%dma_wait3A_159, %dma_wait3A_160] : memref<8x128xi32, #tpu.memory_space<vmem>> -> memref<1x128xi32, #tpu.memory_space<vmem>>
      %dma_wait3A_162 = tpu.memref_squeeze %dma_wait3A_161 : memref<1x128xi32, #tpu.memory_space<vmem>> -> memref<128xi32, #tpu.memory_space<vmem>>
      %dma_wait3A_163 = arith.constant 0 : i32
      %dma_wait3A_164 = arith.constant 0 : i32
      %dma_wait3A_165 = tpu.memref_slice %arg15[%dma_wait3A_163, %dma_wait3A_164] : memref<10240x128xf32, #tpu.memory_space<vmem_shared>> -> memref<10240x128xf32, #tpu.memory_space<vmem_shared>>
      tpu.wait_indirect_dma semaphore(%arg13 : memref<!tpu.dma_semaphore, #tpu.memory_space<semaphore_mem>>) src(%arg9 : memref<128x128xf32, #tpu.memory_space<vmem>>) dst(%dma_wait3A_165 : memref<10240x128xf32, #tpu.memory_space<vmem_shared>>)
      %dma_start3A_166 = arith.constant 5 : i32
      %dma_start3A_167 = arith.constant 0 : i32
      %dma_start3A_168 = tpu.memref_slice %arg6[%dma_start3A_166, %dma_start3A_167] : memref<8x128xi32, #tpu.memory_space<vmem>> -> memref<1x128xi32, #tpu.memory_space<vmem>>
      %dma_start3A_169 = tpu.memref_squeeze %dma_start3A_168 : memref<1x128xi32, #tpu.memory_space<vmem>> -> memref<128xi32, #tpu.memory_space<vmem>>
      %dma_start3A_170 = arith.constant 0 : i32
      %dma_start3A_171 = arith.constant 0 : i32
      %dma_start3A_172 = tpu.memref_slice %arg2[%dma_start3A_170, %dma_start3A_171] : memref<10240x128xf32, #tpu.memory_space<hbm>> -> memref<10240x128xf32, #tpu.memory_space<hbm>>
      tpu.enqueue_indirect_dma source(%dma_start3A_172 : memref<10240x128xf32, #tpu.memory_space<hbm>>) target(%arg9 : memref<128x128xf32, #tpu.memory_space<vmem>>) offsets(%dma_start3A_169 : memref<128xi32, #tpu.memory_space<vmem>>) semaphore(%arg11 : memref<!tpu.dma_semaphore, #tpu.memory_space<semaphore_mem>>)
      %dma_wait3A_173 = arith.constant 4 : i32
      %dma_wait3A_174 = arith.constant 0 : i32
      %dma_wait3A_175 = tpu.memref_slice %arg6[%dma_wait3A_173, %dma_wait3A_174] : memref<8x128xi32, #tpu.memory_space<vmem>> -> memref<1x128xi32, #tpu.memory_space<vmem>>
      %dma_wait3A_176 = tpu.memref_squeeze %dma_wait3A_175 : memref<1x128xi32, #tpu.memory_space<vmem>> -> memref<128xi32, #tpu.memory_space<vmem>>
      %dma_wait3A_177 = arith.constant 0 : i32
      %dma_wait3A_178 = arith.constant 0 : i32
      %dma_wait3A_179 = tpu.memref_slice %arg2[%dma_wait3A_177, %dma_wait3A_178] : memref<10240x128xf32, #tpu.memory_space<hbm>> -> memref<10240x128xf32, #tpu.memory_space<hbm>>
      tpu.wait_indirect_dma semaphore(%arg10 : memref<!tpu.dma_semaphore, #tpu.memory_space<semaphore_mem>>) src(%dma_wait3A_179 : memref<10240x128xf32, #tpu.memory_space<hbm>>) dst(%arg8 : memref<128x128xf32, #tpu.memory_space<vmem>>)
      %dma_start3A_180 = arith.constant 4 : i32
      %dma_start3A_181 = arith.constant 0 : i32
      %dma_start3A_182 = tpu.memref_slice %arg7[%dma_start3A_180, %dma_start3A_181] : memref<8x128xi32, #tpu.memory_space<vmem>> -> memref<1x128xi32, #tpu.memory_space<vmem>>
      %dma_start3A_183 = tpu.memref_squeeze %dma_start3A_182 : memref<1x128xi32, #tpu.memory_space<vmem>> -> memref<128xi32, #tpu.memory_space<vmem>>
      %dma_start3A_184 = arith.constant 0 : i32
      %dma_start3A_185 = arith.constant 0 : i32
      %dma_start3A_186 = tpu.memref_slice %arg15[%dma_start3A_184, %dma_start3A_185] : memref<10240x128xf32, #tpu.memory_space<vmem_shared>> -> memref<10240x128xf32, #tpu.memory_space<vmem_shared>>
      tpu.enqueue_indirect_dma source(%arg8 : memref<128x128xf32, #tpu.memory_space<vmem>>) target(%dma_start3A_186 : memref<10240x128xf32, #tpu.memory_space<vmem_shared>>) offsets(%dma_start3A_183 : memref<128xi32, #tpu.memory_space<vmem>>) semaphore(%arg12 : memref<!tpu.dma_semaphore, #tpu.memory_space<semaphore_mem>>) {add = true}
      %dma_wait3A_187 = arith.constant 4 : i32
      %dma_wait3A_188 = arith.constant 0 : i32
      %dma_wait3A_189 = tpu.memref_slice %arg7[%dma_wait3A_187, %dma_wait3A_188] : memref<8x128xi32, #tpu.memory_space<vmem>> -> memref<1x128xi32, #tpu.memory_space<vmem>>
      %dma_wait3A_190 = tpu.memref_squeeze %dma_wait3A_189 : memref<1x128xi32, #tpu.memory_space<vmem>> -> memref<128xi32, #tpu.memory_space<vmem>>
      %dma_wait3A_191 = arith.constant 0 : i32
      %dma_wait3A_192 = arith.constant 0 : i32
      %dma_wait3A_193 = tpu.memref_slice %arg15[%dma_wait3A_191, %dma_wait3A_192] : memref<10240x128xf32, #tpu.memory_space<vmem_shared>> -> memref<10240x128xf32, #tpu.memory_space<vmem_shared>>
      tpu.wait_indirect_dma semaphore(%arg12 : memref<!tpu.dma_semaphore, #tpu.memory_space<semaphore_mem>>) src(%arg8 : memref<128x128xf32, #tpu.memory_space<vmem>>) dst(%dma_wait3A_193 : memref<10240x128xf32, #tpu.memory_space<vmem_shared>>)
      %dma_start3A_194 = arith.constant 6 : i32
      %dma_start3A_195 = arith.constant 0 : i32
      %dma_start3A_196 = tpu.memref_slice %arg6[%dma_start3A_194, %dma_start3A_195] : memref<8x128xi32, #tpu.memory_space<vmem>> -> memref<1x128xi32, #tpu.memory_space<vmem>>
      %dma_start3A_197 = tpu.memref_squeeze %dma_start3A_196 : memref<1x128xi32, #tpu.memory_space<vmem>> -> memref<128xi32, #tpu.memory_space<vmem>>
      %dma_start3A_198 = arith.constant 0 : i32
      %dma_start3A_199 = arith.constant 0 : i32
      %dma_start3A_200 = tpu.memref_slice %arg2[%dma_start3A_198, %dma_start3A_199] : memref<10240x128xf32, #tpu.memory_space<hbm>> -> memref<10240x128xf32, #tpu.memory_space<hbm>>
      tpu.enqueue_indirect_dma source(%dma_start3A_200 : memref<10240x128xf32, #tpu.memory_space<hbm>>) target(%arg8 : memref<128x128xf32, #tpu.memory_space<vmem>>) offsets(%dma_start3A_197 : memref<128xi32, #tpu.memory_space<vmem>>) semaphore(%arg10 : memref<!tpu.dma_semaphore, #tpu.memory_space<semaphore_mem>>)
      %dma_wait3A_201 = arith.constant 5 : i32
      %dma_wait3A_202 = arith.constant 0 : i32
      %dma_wait3A_203 = tpu.memref_slice %arg6[%dma_wait3A_201, %dma_wait3A_202] : memref<8x128xi32, #tpu.memory_space<vmem>> -> memref<1x128xi32, #tpu.memory_space<vmem>>
      %dma_wait3A_204 = tpu.memref_squeeze %dma_wait3A_203 : memref<1x128xi32, #tpu.memory_space<vmem>> -> memref<128xi32, #tpu.memory_space<vmem>>
      %dma_wait3A_205 = arith.constant 0 : i32
      %dma_wait3A_206 = arith.constant 0 : i32
      %dma_wait3A_207 = tpu.memref_slice %arg2[%dma_wait3A_205, %dma_wait3A_206] : memref<10240x128xf32, #tpu.memory_space<hbm>> -> memref<10240x128xf32, #tpu.memory_space<hbm>>
      tpu.wait_indirect_dma semaphore(%arg11 : memref<!tpu.dma_semaphore, #tpu.memory_space<semaphore_mem>>) src(%dma_wait3A_207 : memref<10240x128xf32, #tpu.memory_space<hbm>>) dst(%arg9 : memref<128x128xf32, #tpu.memory_space<vmem>>)
      %dma_start3A_208 = arith.constant 5 : i32
      %dma_start3A_209 = arith.constant 0 : i32
      %dma_start3A_210 = tpu.memref_slice %arg7[%dma_start3A_208, %dma_start3A_209] : memref<8x128xi32, #tpu.memory_space<vmem>> -> memref<1x128xi32, #tpu.memory_space<vmem>>
      %dma_start3A_211 = tpu.memref_squeeze %dma_start3A_210 : memref<1x128xi32, #tpu.memory_space<vmem>> -> memref<128xi32, #tpu.memory_space<vmem>>
      %dma_start3A_212 = arith.constant 0 : i32
      %dma_start3A_213 = arith.constant 0 : i32
      %dma_start3A_214 = tpu.memref_slice %arg15[%dma_start3A_212, %dma_start3A_213] : memref<10240x128xf32, #tpu.memory_space<vmem_shared>> -> memref<10240x128xf32, #tpu.memory_space<vmem_shared>>
      tpu.enqueue_indirect_dma source(%arg9 : memref<128x128xf32, #tpu.memory_space<vmem>>) target(%dma_start3A_214 : memref<10240x128xf32, #tpu.memory_space<vmem_shared>>) offsets(%dma_start3A_211 : memref<128xi32, #tpu.memory_space<vmem>>) semaphore(%arg13 : memref<!tpu.dma_semaphore, #tpu.memory_space<semaphore_mem>>) {add = true}
      %dma_wait3A_215 = arith.constant 5 : i32
      %dma_wait3A_216 = arith.constant 0 : i32
      %dma_wait3A_217 = tpu.memref_slice %arg7[%dma_wait3A_215, %dma_wait3A_216] : memref<8x128xi32, #tpu.memory_space<vmem>> -> memref<1x128xi32, #tpu.memory_space<vmem>>
      %dma_wait3A_218 = tpu.memref_squeeze %dma_wait3A_217 : memref<1x128xi32, #tpu.memory_space<vmem>> -> memref<128xi32, #tpu.memory_space<vmem>>
      %dma_wait3A_219 = arith.constant 0 : i32
      %dma_wait3A_220 = arith.constant 0 : i32
      %dma_wait3A_221 = tpu.memref_slice %arg15[%dma_wait3A_219, %dma_wait3A_220] : memref<10240x128xf32, #tpu.memory_space<vmem_shared>> -> memref<10240x128xf32, #tpu.memory_space<vmem_shared>>
      tpu.wait_indirect_dma semaphore(%arg13 : memref<!tpu.dma_semaphore, #tpu.memory_space<semaphore_mem>>) src(%arg9 : memref<128x128xf32, #tpu.memory_space<vmem>>) dst(%dma_wait3A_221 : memref<10240x128xf32, #tpu.memory_space<vmem_shared>>)
      %dma_start3A_222 = arith.constant 7 : i32
      %dma_start3A_223 = arith.constant 0 : i32
      %dma_start3A_224 = tpu.memref_slice %arg6[%dma_start3A_222, %dma_start3A_223] : memref<8x128xi32, #tpu.memory_space<vmem>> -> memref<1x128xi32, #tpu.memory_space<vmem>>
      %dma_start3A_225 = tpu.memref_squeeze %dma_start3A_224 : memref<1x128xi32, #tpu.memory_space<vmem>> -> memref<128xi32, #tpu.memory_space<vmem>>
      %dma_start3A_226 = arith.constant 0 : i32
      %dma_start3A_227 = arith.constant 0 : i32
      %dma_start3A_228 = tpu.memref_slice %arg2[%dma_start3A_226, %dma_start3A_227] : memref<10240x128xf32, #tpu.memory_space<hbm>> -> memref<10240x128xf32, #tpu.memory_space<hbm>>
      tpu.enqueue_indirect_dma source(%dma_start3A_228 : memref<10240x128xf32, #tpu.memory_space<hbm>>) target(%arg9 : memref<128x128xf32, #tpu.memory_space<vmem>>) offsets(%dma_start3A_225 : memref<128xi32, #tpu.memory_space<vmem>>) semaphore(%arg11 : memref<!tpu.dma_semaphore, #tpu.memory_space<semaphore_mem>>)
      %dma_wait3A_229 = arith.constant 6 : i32
      %dma_wait3A_230 = arith.constant 0 : i32
      %dma_wait3A_231 = tpu.memref_slice %arg6[%dma_wait3A_229, %dma_wait3A_230] : memref<8x128xi32, #tpu.memory_space<vmem>> -> memref<1x128xi32, #tpu.memory_space<vmem>>
      %dma_wait3A_232 = tpu.memref_squeeze %dma_wait3A_231 : memref<1x128xi32, #tpu.memory_space<vmem>> -> memref<128xi32, #tpu.memory_space<vmem>>
      %dma_wait3A_233 = arith.constant 0 : i32
      %dma_wait3A_234 = arith.constant 0 : i32
      %dma_wait3A_235 = tpu.memref_slice %arg2[%dma_wait3A_233, %dma_wait3A_234] : memref<10240x128xf32, #tpu.memory_space<hbm>> -> memref<10240x128xf32, #tpu.memory_space<hbm>>
      tpu.wait_indirect_dma semaphore(%arg10 : memref<!tpu.dma_semaphore, #tpu.memory_space<semaphore_mem>>) src(%dma_wait3A_235 : memref<10240x128xf32, #tpu.memory_space<hbm>>) dst(%arg8 : memref<128x128xf32, #tpu.memory_space<vmem>>)
      %dma_start3A_236 = arith.constant 6 : i32
      %dma_start3A_237 = arith.constant 0 : i32
      %dma_start3A_238 = tpu.memref_slice %arg7[%dma_start3A_236, %dma_start3A_237] : memref<8x128xi32, #tpu.memory_space<vmem>> -> memref<1x128xi32, #tpu.memory_space<vmem>>
      %dma_start3A_239 = tpu.memref_squeeze %dma_start3A_238 : memref<1x128xi32, #tpu.memory_space<vmem>> -> memref<128xi32, #tpu.memory_space<vmem>>
      %dma_start3A_240 = arith.constant 0 : i32
      %dma_start3A_241 = arith.constant 0 : i32
      %dma_start3A_242 = tpu.memref_slice %arg15[%dma_start3A_240, %dma_start3A_241] : memref<10240x128xf32, #tpu.memory_space<vmem_shared>> -> memref<10240x128xf32, #tpu.memory_space<vmem_shared>>
      tpu.enqueue_indirect_dma source(%arg8 : memref<128x128xf32, #tpu.memory_space<vmem>>) target(%dma_start3A_242 : memref<10240x128xf32, #tpu.memory_space<vmem_shared>>) offsets(%dma_start3A_239 : memref<128xi32, #tpu.memory_space<vmem>>) semaphore(%arg12 : memref<!tpu.dma_semaphore, #tpu.memory_space<semaphore_mem>>) {add = true}
      %dma_wait3A_243 = arith.constant 7 : i32
      %dma_wait3A_244 = arith.constant 0 : i32
      %dma_wait3A_245 = tpu.memref_slice %arg6[%dma_wait3A_243, %dma_wait3A_244] : memref<8x128xi32, #tpu.memory_space<vmem>> -> memref<1x128xi32, #tpu.memory_space<vmem>>
      %dma_wait3A_246 = tpu.memref_squeeze %dma_wait3A_245 : memref<1x128xi32, #tpu.memory_space<vmem>> -> memref<128xi32, #tpu.memory_space<vmem>>
      %dma_wait3A_247 = arith.constant 0 : i32
      %dma_wait3A_248 = arith.constant 0 : i32
      %dma_wait3A_249 = tpu.memref_slice %arg2[%dma_wait3A_247, %dma_wait3A_248] : memref<10240x128xf32, #tpu.memory_space<hbm>> -> memref<10240x128xf32, #tpu.memory_space<hbm>>
      tpu.wait_indirect_dma semaphore(%arg11 : memref<!tpu.dma_semaphore, #tpu.memory_space<semaphore_mem>>) src(%dma_wait3A_249 : memref<10240x128xf32, #tpu.memory_space<hbm>>) dst(%arg9 : memref<128x128xf32, #tpu.memory_space<vmem>>)
      %dma_start3A_250 = arith.constant 7 : i32
      %dma_start3A_251 = arith.constant 0 : i32
      %dma_start3A_252 = tpu.memref_slice %arg7[%dma_start3A_250, %dma_start3A_251] : memref<8x128xi32, #tpu.memory_space<vmem>> -> memref<1x128xi32, #tpu.memory_space<vmem>>
      %dma_start3A_253 = tpu.memref_squeeze %dma_start3A_252 : memref<1x128xi32, #tpu.memory_space<vmem>> -> memref<128xi32, #tpu.memory_space<vmem>>
      %dma_start3A_254 = arith.constant 0 : i32
      %dma_start3A_255 = arith.constant 0 : i32
      %dma_start3A_256 = tpu.memref_slice %arg15[%dma_start3A_254, %dma_start3A_255] : memref<10240x128xf32, #tpu.memory_space<vmem_shared>> -> memref<10240x128xf32, #tpu.memory_space<vmem_shared>>
      tpu.enqueue_indirect_dma source(%arg9 : memref<128x128xf32, #tpu.memory_space<vmem>>) target(%dma_start3A_256 : memref<10240x128xf32, #tpu.memory_space<vmem_shared>>) offsets(%dma_start3A_253 : memref<128xi32, #tpu.memory_space<vmem>>) semaphore(%arg13 : memref<!tpu.dma_semaphore, #tpu.memory_space<semaphore_mem>>) {add = true}
      %dma_wait3A_257 = arith.constant 6 : i32
      %dma_wait3A_258 = arith.constant 0 : i32
      %dma_wait3A_259 = tpu.memref_slice %arg7[%dma_wait3A_257, %dma_wait3A_258] : memref<8x128xi32, #tpu.memory_space<vmem>> -> memref<1x128xi32, #tpu.memory_space<vmem>>
      %dma_wait3A_260 = tpu.memref_squeeze %dma_wait3A_259 : memref<1x128xi32, #tpu.memory_space<vmem>> -> memref<128xi32, #tpu.memory_space<vmem>>
      %dma_wait3A_261 = arith.constant 0 : i32
      %dma_wait3A_262 = arith.constant 0 : i32
      %dma_wait3A_263 = tpu.memref_slice %arg15[%dma_wait3A_261, %dma_wait3A_262] : memref<10240x128xf32, #tpu.memory_space<vmem_shared>> -> memref<10240x128xf32, #tpu.memory_space<vmem_shared>>
      tpu.wait_indirect_dma semaphore(%arg12 : memref<!tpu.dma_semaphore, #tpu.memory_space<semaphore_mem>>) src(%arg8 : memref<128x128xf32, #tpu.memory_space<vmem>>) dst(%dma_wait3A_263 : memref<10240x128xf32, #tpu.memory_space<vmem_shared>>)
      %dma_wait3A_264 = arith.constant 7 : i32
      %dma_wait3A_265 = arith.constant 0 : i32
      %dma_wait3A_266 = tpu.memref_slice %arg7[%dma_wait3A_264, %dma_wait3A_265] : memref<8x128xi32, #tpu.memory_space<vmem>> -> memref<1x128xi32, #tpu.memory_space<vmem>>
      %dma_wait3A_267 = tpu.memref_squeeze %dma_wait3A_266 : memref<1x128xi32, #tpu.memory_space<vmem>> -> memref<128xi32, #tpu.memory_space<vmem>>
      %dma_wait3A_268 = arith.constant 0 : i32
      %dma_wait3A_269 = arith.constant 0 : i32
      %dma_wait3A_270 = tpu.memref_slice %arg15[%dma_wait3A_268, %dma_wait3A_269] : memref<10240x128xf32, #tpu.memory_space<vmem_shared>> -> memref<10240x128xf32, #tpu.memory_space<vmem_shared>>
      tpu.wait_indirect_dma semaphore(%arg13 : memref<!tpu.dma_semaphore, #tpu.memory_space<semaphore_mem>>) src(%arg9 : memref<128x128xf32, #tpu.memory_space<vmem>>) dst(%dma_wait3A_270 : memref<10240x128xf32, #tpu.memory_space<vmem_shared>>)
    }
    %while3A_38 = arith.constant 1 : i32
    scf.for %while3A_45 = %while3A_36 to %while3A_32 step %while3A_38  : i32 {
      %mul3A_46 = arith.constant 8 : i32
      %mul3A_47 = arith.muli %while3A_45, %mul3A_46 : i32
      %add3A_48 = arith.addi %select_n3A, %mul3A_47 : i32
      "tpu.region"() ({
        %run_scoped3A = tpu.sem_alloc : memref<!tpu.dma_semaphore, #tpu.memory_space<semaphore_mem>>
        %dma_start3A_271 = arith.constant 0 : i32
        %dma_start3A_272 = tpu.memref_slice %arg3[%add3A_48, %dma_start3A_271] : memref<2560x128xi32, #tpu.memory_space<hbm>> -> memref<8x128xi32, #tpu.memory_space<hbm>>
        %dma_start3A_273 = arith.constant 0 : i32
        %dma_start3A_274 = tpu.memref_slice %arg3[%add3A_48, %dma_start3A_273] : memref<2560x128xi32, #tpu.memory_space<hbm>> -> memref<8x128xi32, #tpu.memory_space<hbm>>
        tpu.enqueue_dma source(%dma_start3A_274 : memref<8x128xi32, #tpu.memory_space<hbm>>) target(%arg6 : memref<8x128xi32, #tpu.memory_space<vmem>>) target_semaphore(%run_scoped3A : memref<!tpu.dma_semaphore, #tpu.memory_space<semaphore_mem>>)
        %dma_wait3A_275 = arith.constant 0 : i32
        %dma_wait3A_276 = tpu.memref_slice %arg3[%add3A_48, %dma_wait3A_275] : memref<2560x128xi32, #tpu.memory_space<hbm>> -> memref<8x128xi32, #tpu.memory_space<hbm>>
        %dma_wait3A_277 = arith.constant 0 : i32
        %dma_wait3A_278 = tpu.memref_slice %arg3[%add3A_48, %dma_wait3A_277] : memref<2560x128xi32, #tpu.memory_space<hbm>> -> memref<8x128xi32, #tpu.memory_space<hbm>>
        tpu.wait_dma2 semaphore(%run_scoped3A : memref<!tpu.dma_semaphore, #tpu.memory_space<semaphore_mem>>) src(%dma_wait3A_278 : memref<8x128xi32, #tpu.memory_space<hbm>>) dst(%arg6 : memref<8x128xi32, #tpu.memory_space<vmem>>)
        tpu.yield
      }) : () -> ()
      %dma_start3A = arith.constant 0 : i32
      %dma_start3A_49 = arith.constant 0 : i32
      %dma_start3A_50 = tpu.memref_slice %arg6[%dma_start3A, %dma_start3A_49] : memref<8x128xi32, #tpu.memory_space<vmem>> -> memref<1x128xi32, #tpu.memory_space<vmem>>
      %dma_start3A_51 = tpu.memref_squeeze %dma_start3A_50 : memref<1x128xi32, #tpu.memory_space<vmem>> -> memref<128xi32, #tpu.memory_space<vmem>>
      %dma_start3A_52 = arith.constant 0 : i32
      %dma_start3A_53 = arith.constant 0 : i32
      %dma_start3A_54 = tpu.memref_slice %arg2[%dma_start3A_52, %dma_start3A_53] : memref<10240x128xf32, #tpu.memory_space<hbm>> -> memref<10240x128xf32, #tpu.memory_space<hbm>>
      tpu.enqueue_indirect_dma source(%dma_start3A_54 : memref<10240x128xf32, #tpu.memory_space<hbm>>) target(%arg8 : memref<128x128xf32, #tpu.memory_space<vmem>>) offsets(%dma_start3A_51 : memref<128xi32, #tpu.memory_space<vmem>>) semaphore(%arg10 : memref<!tpu.dma_semaphore, #tpu.memory_space<semaphore_mem>>)
      %dma_start3A_55 = arith.constant 1 : i32
      %dma_start3A_56 = arith.constant 0 : i32
      %dma_start3A_57 = tpu.memref_slice %arg6[%dma_start3A_55, %dma_start3A_56] : memref<8x128xi32, #tpu.memory_space<vmem>> -> memref<1x128xi32, #tpu.memory_space<vmem>>
      %dma_start3A_58 = tpu.memref_squeeze %dma_start3A_57 : memref<1x128xi32, #tpu.memory_space<vmem>> -> memref<128xi32, #tpu.memory_space<vmem>>
      %dma_start3A_59 = arith.constant 0 : i32
      %dma_start3A_60 = arith.constant 0 : i32
      %dma_start3A_61 = tpu.memref_slice %arg2[%dma_start3A_59, %dma_start3A_60] : memref<10240x128xf32, #tpu.memory_space<hbm>> -> memref<10240x128xf32, #tpu.memory_space<hbm>>
      tpu.enqueue_indirect_dma source(%dma_start3A_61 : memref<10240x128xf32, #tpu.memory_space<hbm>>) target(%arg9 : memref<128x128xf32, #tpu.memory_space<vmem>>) offsets(%dma_start3A_58 : memref<128xi32, #tpu.memory_space<vmem>>) semaphore(%arg11 : memref<!tpu.dma_semaphore, #tpu.memory_space<semaphore_mem>>)
      "tpu.region"() ({
        %run_scoped3A = tpu.sem_alloc : memref<!tpu.dma_semaphore, #tpu.memory_space<semaphore_mem>>
        %dma_start3A_271 = arith.constant 0 : i32
        %dma_start3A_272 = tpu.memref_slice %arg4[%add3A_48, %dma_start3A_271] : memref<2560x128xi32, #tpu.memory_space<hbm>> -> memref<8x128xi32, #tpu.memory_space<hbm>>
        %dma_start3A_273 = arith.constant 0 : i32
        %dma_start3A_274 = tpu.memref_slice %arg4[%add3A_48, %dma_start3A_273] : memref<2560x128xi32, #tpu.memory_space<hbm>> -> memref<8x128xi32, #tpu.memory_space<hbm>>
        tpu.enqueue_dma source(%dma_start3A_274 : memref<8x128xi32, #tpu.memory_space<hbm>>) target(%arg7 : memref<8x128xi32, #tpu.memory_space<vmem>>) target_semaphore(%run_scoped3A : memref<!tpu.dma_semaphore, #tpu.memory_space<semaphore_mem>>)
        %dma_wait3A_275 = arith.constant 0 : i32
        %dma_wait3A_276 = tpu.memref_slice %arg4[%add3A_48, %dma_wait3A_275] : memref<2560x128xi32, #tpu.memory_space<hbm>> -> memref<8x128xi32, #tpu.memory_space<hbm>>
        %dma_wait3A_277 = arith.constant 0 : i32
        %dma_wait3A_278 = tpu.memref_slice %arg4[%add3A_48, %dma_wait3A_277] : memref<2560x128xi32, #tpu.memory_space<hbm>> -> memref<8x128xi32, #tpu.memory_space<hbm>>
        tpu.wait_dma2 semaphore(%run_scoped3A : memref<!tpu.dma_semaphore, #tpu.memory_space<semaphore_mem>>) src(%dma_wait3A_278 : memref<8x128xi32, #tpu.memory_space<hbm>>) dst(%arg7 : memref<8x128xi32, #tpu.memory_space<vmem>>)
        tpu.yield
      }) : () -> ()
      %dma_wait3A = arith.constant 0 : i32
      %dma_wait3A_62 = arith.constant 0 : i32
      %dma_wait3A_63 = tpu.memref_slice %arg6[%dma_wait3A, %dma_wait3A_62] : memref<8x128xi32, #tpu.memory_space<vmem>> -> memref<1x128xi32, #tpu.memory_space<vmem>>
      %dma_wait3A_64 = tpu.memref_squeeze %dma_wait3A_63 : memref<1x128xi32, #tpu.memory_space<vmem>> -> memref<128xi32, #tpu.memory_space<vmem>>
      %dma_wait3A_65 = arith.constant 0 : i32
      %dma_wait3A_66 = arith.constant 0 : i32
      %dma_wait3A_67 = tpu.memref_slice %arg2[%dma_wait3A_65, %dma_wait3A_66] : memref<10240x128xf32, #tpu.memory_space<hbm>> -> memref<10240x128xf32, #tpu.memory_space<hbm>>
      tpu.wait_indirect_dma semaphore(%arg10 : memref<!tpu.dma_semaphore, #tpu.memory_space<semaphore_mem>>) src(%dma_wait3A_67 : memref<10240x128xf32, #tpu.memory_space<hbm>>) dst(%arg8 : memref<128x128xf32, #tpu.memory_space<vmem>>)
      %dma_start3A_68 = arith.constant 0 : i32
      %dma_start3A_69 = arith.constant 0 : i32
      %dma_start3A_70 = tpu.memref_slice %arg7[%dma_start3A_68, %dma_start3A_69] : memref<8x128xi32, #tpu.memory_space<vmem>> -> memref<1x128xi32, #tpu.memory_space<vmem>>
      %dma_start3A_71 = tpu.memref_squeeze %dma_start3A_70 : memref<1x128xi32, #tpu.memory_space<vmem>> -> memref<128xi32, #tpu.memory_space<vmem>>
      %dma_start3A_72 = arith.constant 0 : i32
      %dma_start3A_73 = arith.constant 0 : i32
      %dma_start3A_74 = tpu.memref_slice %arg15[%dma_start3A_72, %dma_start3A_73] : memref<10240x128xf32, #tpu.memory_space<vmem_shared>> -> memref<10240x128xf32, #tpu.memory_space<vmem_shared>>
      tpu.enqueue_indirect_dma source(%arg8 : memref<128x128xf32, #tpu.memory_space<vmem>>) target(%dma_start3A_74 : memref<10240x128xf32, #tpu.memory_space<vmem_shared>>) offsets(%dma_start3A_71 : memref<128xi32, #tpu.memory_space<vmem>>) semaphore(%arg12 : memref<!tpu.dma_semaphore, #tpu.memory_space<semaphore_mem>>) {add = true}
      %dma_wait3A_75 = arith.constant 0 : i32
      %dma_wait3A_76 = arith.constant 0 : i32
      %dma_wait3A_77 = tpu.memref_slice %arg7[%dma_wait3A_75, %dma_wait3A_76] : memref<8x128xi32, #tpu.memory_space<vmem>> -> memref<1x128xi32, #tpu.memory_space<vmem>>
      %dma_wait3A_78 = tpu.memref_squeeze %dma_wait3A_77 : memref<1x128xi32, #tpu.memory_space<vmem>> -> memref<128xi32, #tpu.memory_space<vmem>>
      %dma_wait3A_79 = arith.constant 0 : i32
      %dma_wait3A_80 = arith.constant 0 : i32
      %dma_wait3A_81 = tpu.memref_slice %arg15[%dma_wait3A_79, %dma_wait3A_80] : memref<10240x128xf32, #tpu.memory_space<vmem_shared>> -> memref<10240x128xf32, #tpu.memory_space<vmem_shared>>
      tpu.wait_indirect_dma semaphore(%arg12 : memref<!tpu.dma_semaphore, #tpu.memory_space<semaphore_mem>>) src(%arg8 : memref<128x128xf32, #tpu.memory_space<vmem>>) dst(%dma_wait3A_81 : memref<10240x128xf32, #tpu.memory_space<vmem_shared>>)
      %dma_start3A_82 = arith.constant 2 : i32
      %dma_start3A_83 = arith.constant 0 : i32
      %dma_start3A_84 = tpu.memref_slice %arg6[%dma_start3A_82, %dma_start3A_83] : memref<8x128xi32, #tpu.memory_space<vmem>> -> memref<1x128xi32, #tpu.memory_space<vmem>>
      %dma_start3A_85 = tpu.memref_squeeze %dma_start3A_84 : memref<1x128xi32, #tpu.memory_space<vmem>> -> memref<128xi32, #tpu.memory_space<vmem>>
      %dma_start3A_86 = arith.constant 0 : i32
      %dma_start3A_87 = arith.constant 0 : i32
      %dma_start3A_88 = tpu.memref_slice %arg2[%dma_start3A_86, %dma_start3A_87] : memref<10240x128xf32, #tpu.memory_space<hbm>> -> memref<10240x128xf32, #tpu.memory_space<hbm>>
      tpu.enqueue_indirect_dma source(%dma_start3A_88 : memref<10240x128xf32, #tpu.memory_space<hbm>>) target(%arg8 : memref<128x128xf32, #tpu.memory_space<vmem>>) offsets(%dma_start3A_85 : memref<128xi32, #tpu.memory_space<vmem>>) semaphore(%arg10 : memref<!tpu.dma_semaphore, #tpu.memory_space<semaphore_mem>>)
      %dma_wait3A_89 = arith.constant 1 : i32
      %dma_wait3A_90 = arith.constant 0 : i32
      %dma_wait3A_91 = tpu.memref_slice %arg6[%dma_wait3A_89, %dma_wait3A_90] : memref<8x128xi32, #tpu.memory_space<vmem>> -> memref<1x128xi32, #tpu.memory_space<vmem>>
      %dma_wait3A_92 = tpu.memref_squeeze %dma_wait3A_91 : memref<1x128xi32, #tpu.memory_space<vmem>> -> memref<128xi32, #tpu.memory_space<vmem>>
      %dma_wait3A_93 = arith.constant 0 : i32
      %dma_wait3A_94 = arith.constant 0 : i32
      %dma_wait3A_95 = tpu.memref_slice %arg2[%dma_wait3A_93, %dma_wait3A_94] : memref<10240x128xf32, #tpu.memory_space<hbm>> -> memref<10240x128xf32, #tpu.memory_space<hbm>>
      tpu.wait_indirect_dma semaphore(%arg11 : memref<!tpu.dma_semaphore, #tpu.memory_space<semaphore_mem>>) src(%dma_wait3A_95 : memref<10240x128xf32, #tpu.memory_space<hbm>>) dst(%arg9 : memref<128x128xf32, #tpu.memory_space<vmem>>)
      %dma_start3A_96 = arith.constant 1 : i32
      %dma_start3A_97 = arith.constant 0 : i32
      %dma_start3A_98 = tpu.memref_slice %arg7[%dma_start3A_96, %dma_start3A_97] : memref<8x128xi32, #tpu.memory_space<vmem>> -> memref<1x128xi32, #tpu.memory_space<vmem>>
      %dma_start3A_99 = tpu.memref_squeeze %dma_start3A_98 : memref<1x128xi32, #tpu.memory_space<vmem>> -> memref<128xi32, #tpu.memory_space<vmem>>
      %dma_start3A_100 = arith.constant 0 : i32
      %dma_start3A_101 = arith.constant 0 : i32
      %dma_start3A_102 = tpu.memref_slice %arg15[%dma_start3A_100, %dma_start3A_101] : memref<10240x128xf32, #tpu.memory_space<vmem_shared>> -> memref<10240x128xf32, #tpu.memory_space<vmem_shared>>
      tpu.enqueue_indirect_dma source(%arg9 : memref<128x128xf32, #tpu.memory_space<vmem>>) target(%dma_start3A_102 : memref<10240x128xf32, #tpu.memory_space<vmem_shared>>) offsets(%dma_start3A_99 : memref<128xi32, #tpu.memory_space<vmem>>) semaphore(%arg13 : memref<!tpu.dma_semaphore, #tpu.memory_space<semaphore_mem>>) {add = true}
      %dma_wait3A_103 = arith.constant 1 : i32
      %dma_wait3A_104 = arith.constant 0 : i32
      %dma_wait3A_105 = tpu.memref_slice %arg7[%dma_wait3A_103, %dma_wait3A_104] : memref<8x128xi32, #tpu.memory_space<vmem>> -> memref<1x128xi32, #tpu.memory_space<vmem>>
      %dma_wait3A_106 = tpu.memref_squeeze %dma_wait3A_105 : memref<1x128xi32, #tpu.memory_space<vmem>> -> memref<128xi32, #tpu.memory_space<vmem>>
      %dma_wait3A_107 = arith.constant 0 : i32
      %dma_wait3A_108 = arith.constant 0 : i32
      %dma_wait3A_109 = tpu.memref_slice %arg15[%dma_wait3A_107, %dma_wait3A_108] : memref<10240x128xf32, #tpu.memory_space<vmem_shared>> -> memref<10240x128xf32, #tpu.memory_space<vmem_shared>>
      tpu.wait_indirect_dma semaphore(%arg13 : memref<!tpu.dma_semaphore, #tpu.memory_space<semaphore_mem>>) src(%arg9 : memref<128x128xf32, #tpu.memory_space<vmem>>) dst(%dma_wait3A_109 : memref<10240x128xf32, #tpu.memory_space<vmem_shared>>)
      %dma_start3A_110 = arith.constant 3 : i32
      %dma_start3A_111 = arith.constant 0 : i32
      %dma_start3A_112 = tpu.memref_slice %arg6[%dma_start3A_110, %dma_start3A_111] : memref<8x128xi32, #tpu.memory_space<vmem>> -> memref<1x128xi32, #tpu.memory_space<vmem>>
      %dma_start3A_113 = tpu.memref_squeeze %dma_start3A_112 : memref<1x128xi32, #tpu.memory_space<vmem>> -> memref<128xi32, #tpu.memory_space<vmem>>
      %dma_start3A_114 = arith.constant 0 : i32
      %dma_start3A_115 = arith.constant 0 : i32
      %dma_start3A_116 = tpu.memref_slice %arg2[%dma_start3A_114, %dma_start3A_115] : memref<10240x128xf32, #tpu.memory_space<hbm>> -> memref<10240x128xf32, #tpu.memory_space<hbm>>
      tpu.enqueue_indirect_dma source(%dma_start3A_116 : memref<10240x128xf32, #tpu.memory_space<hbm>>) target(%arg9 : memref<128x128xf32, #tpu.memory_space<vmem>>) offsets(%dma_start3A_113 : memref<128xi32, #tpu.memory_space<vmem>>) semaphore(%arg11 : memref<!tpu.dma_semaphore, #tpu.memory_space<semaphore_mem>>)
      %dma_wait3A_117 = arith.constant 2 : i32
      %dma_wait3A_118 = arith.constant 0 : i32
      %dma_wait3A_119 = tpu.memref_slice %arg6[%dma_wait3A_117, %dma_wait3A_118] : memref<8x128xi32, #tpu.memory_space<vmem>> -> memref<1x128xi32, #tpu.memory_space<vmem>>
      %dma_wait3A_120 = tpu.memref_squeeze %dma_wait3A_119 : memref<1x128xi32, #tpu.memory_space<vmem>> -> memref<128xi32, #tpu.memory_space<vmem>>
      %dma_wait3A_121 = arith.constant 0 : i32
      %dma_wait3A_122 = arith.constant 0 : i32
      %dma_wait3A_123 = tpu.memref_slice %arg2[%dma_wait3A_121, %dma_wait3A_122] : memref<10240x128xf32, #tpu.memory_space<hbm>> -> memref<10240x128xf32, #tpu.memory_space<hbm>>
      tpu.wait_indirect_dma semaphore(%arg10 : memref<!tpu.dma_semaphore, #tpu.memory_space<semaphore_mem>>) src(%dma_wait3A_123 : memref<10240x128xf32, #tpu.memory_space<hbm>>) dst(%arg8 : memref<128x128xf32, #tpu.memory_space<vmem>>)
      %dma_start3A_124 = arith.constant 2 : i32
      %dma_start3A_125 = arith.constant 0 : i32
      %dma_start3A_126 = tpu.memref_slice %arg7[%dma_start3A_124, %dma_start3A_125] : memref<8x128xi32, #tpu.memory_space<vmem>> -> memref<1x128xi32, #tpu.memory_space<vmem>>
      %dma_start3A_127 = tpu.memref_squeeze %dma_start3A_126 : memref<1x128xi32, #tpu.memory_space<vmem>> -> memref<128xi32, #tpu.memory_space<vmem>>
      %dma_start3A_128 = arith.constant 0 : i32
      %dma_start3A_129 = arith.constant 0 : i32
      %dma_start3A_130 = tpu.memref_slice %arg15[%dma_start3A_128, %dma_start3A_129] : memref<10240x128xf32, #tpu.memory_space<vmem_shared>> -> memref<10240x128xf32, #tpu.memory_space<vmem_shared>>
      tpu.enqueue_indirect_dma source(%arg8 : memref<128x128xf32, #tpu.memory_space<vmem>>) target(%dma_start3A_130 : memref<10240x128xf32, #tpu.memory_space<vmem_shared>>) offsets(%dma_start3A_127 : memref<128xi32, #tpu.memory_space<vmem>>) semaphore(%arg12 : memref<!tpu.dma_semaphore, #tpu.memory_space<semaphore_mem>>) {add = true}
      %dma_wait3A_131 = arith.constant 2 : i32
      %dma_wait3A_132 = arith.constant 0 : i32
      %dma_wait3A_133 = tpu.memref_slice %arg7[%dma_wait3A_131, %dma_wait3A_132] : memref<8x128xi32, #tpu.memory_space<vmem>> -> memref<1x128xi32, #tpu.memory_space<vmem>>
      %dma_wait3A_134 = tpu.memref_squeeze %dma_wait3A_133 : memref<1x128xi32, #tpu.memory_space<vmem>> -> memref<128xi32, #tpu.memory_space<vmem>>
      %dma_wait3A_135 = arith.constant 0 : i32
      %dma_wait3A_136 = arith.constant 0 : i32
      %dma_wait3A_137 = tpu.memref_slice %arg15[%dma_wait3A_135, %dma_wait3A_136] : memref<10240x128xf32, #tpu.memory_space<vmem_shared>> -> memref<10240x128xf32, #tpu.memory_space<vmem_shared>>
      tpu.wait_indirect_dma semaphore(%arg12 : memref<!tpu.dma_semaphore, #tpu.memory_space<semaphore_mem>>) src(%arg8 : memref<128x128xf32, #tpu.memory_space<vmem>>) dst(%dma_wait3A_137 : memref<10240x128xf32, #tpu.memory_space<vmem_shared>>)
      %dma_start3A_138 = arith.constant 4 : i32
      %dma_start3A_139 = arith.constant 0 : i32
      %dma_start3A_140 = tpu.memref_slice %arg6[%dma_start3A_138, %dma_start3A_139] : memref<8x128xi32, #tpu.memory_space<vmem>> -> memref<1x128xi32, #tpu.memory_space<vmem>>
      %dma_start3A_141 = tpu.memref_squeeze %dma_start3A_140 : memref<1x128xi32, #tpu.memory_space<vmem>> -> memref<128xi32, #tpu.memory_space<vmem>>
      %dma_start3A_142 = arith.constant 0 : i32
      %dma_start3A_143 = arith.constant 0 : i32
      %dma_start3A_144 = tpu.memref_slice %arg2[%dma_start3A_142, %dma_start3A_143] : memref<10240x128xf32, #tpu.memory_space<hbm>> -> memref<10240x128xf32, #tpu.memory_space<hbm>>
      tpu.enqueue_indirect_dma source(%dma_start3A_144 : memref<10240x128xf32, #tpu.memory_space<hbm>>) target(%arg8 : memref<128x128xf32, #tpu.memory_space<vmem>>) offsets(%dma_start3A_141 : memref<128xi32, #tpu.memory_space<vmem>>) semaphore(%arg10 : memref<!tpu.dma_semaphore, #tpu.memory_space<semaphore_mem>>)
      %dma_wait3A_145 = arith.constant 3 : i32
      %dma_wait3A_146 = arith.constant 0 : i32
      %dma_wait3A_147 = tpu.memref_slice %arg6[%dma_wait3A_145, %dma_wait3A_146] : memref<8x128xi32, #tpu.memory_space<vmem>> -> memref<1x128xi32, #tpu.memory_space<vmem>>
      %dma_wait3A_148 = tpu.memref_squeeze %dma_wait3A_147 : memref<1x128xi32, #tpu.memory_space<vmem>> -> memref<128xi32, #tpu.memory_space<vmem>>
      %dma_wait3A_149 = arith.constant 0 : i32
      %dma_wait3A_150 = arith.constant 0 : i32
      %dma_wait3A_151 = tpu.memref_slice %arg2[%dma_wait3A_149, %dma_wait3A_150] : memref<10240x128xf32, #tpu.memory_space<hbm>> -> memref<10240x128xf32, #tpu.memory_space<hbm>>
      tpu.wait_indirect_dma semaphore(%arg11 : memref<!tpu.dma_semaphore, #tpu.memory_space<semaphore_mem>>) src(%dma_wait3A_151 : memref<10240x128xf32, #tpu.memory_space<hbm>>) dst(%arg9 : memref<128x128xf32, #tpu.memory_space<vmem>>)
      %dma_start3A_152 = arith.constant 3 : i32
      %dma_start3A_153 = arith.constant 0 : i32
      %dma_start3A_154 = tpu.memref_slice %arg7[%dma_start3A_152, %dma_start3A_153] : memref<8x128xi32, #tpu.memory_space<vmem>> -> memref<1x128xi32, #tpu.memory_space<vmem>>
      %dma_start3A_155 = tpu.memref_squeeze %dma_start3A_154 : memref<1x128xi32, #tpu.memory_space<vmem>> -> memref<128xi32, #tpu.memory_space<vmem>>
      %dma_start3A_156 = arith.constant 0 : i32
      %dma_start3A_157 = arith.constant 0 : i32
      %dma_start3A_158 = tpu.memref_slice %arg15[%dma_start3A_156, %dma_start3A_157] : memref<10240x128xf32, #tpu.memory_space<vmem_shared>> -> memref<10240x128xf32, #tpu.memory_space<vmem_shared>>
      tpu.enqueue_indirect_dma source(%arg9 : memref<128x128xf32, #tpu.memory_space<vmem>>) target(%dma_start3A_158 : memref<10240x128xf32, #tpu.memory_space<vmem_shared>>) offsets(%dma_start3A_155 : memref<128xi32, #tpu.memory_space<vmem>>) semaphore(%arg13 : memref<!tpu.dma_semaphore, #tpu.memory_space<semaphore_mem>>) {add = true}
      %dma_wait3A_159 = arith.constant 3 : i32
      %dma_wait3A_160 = arith.constant 0 : i32
      %dma_wait3A_161 = tpu.memref_slice %arg7[%dma_wait3A_159, %dma_wait3A_160] : memref<8x128xi32, #tpu.memory_space<vmem>> -> memref<1x128xi32, #tpu.memory_space<vmem>>
      %dma_wait3A_162 = tpu.memref_squeeze %dma_wait3A_161 : memref<1x128xi32, #tpu.memory_space<vmem>> -> memref<128xi32, #tpu.memory_space<vmem>>
      %dma_wait3A_163 = arith.constant 0 : i32
      %dma_wait3A_164 = arith.constant 0 : i32
      %dma_wait3A_165 = tpu.memref_slice %arg15[%dma_wait3A_163, %dma_wait3A_164] : memref<10240x128xf32, #tpu.memory_space<vmem_shared>> -> memref<10240x128xf32, #tpu.memory_space<vmem_shared>>
      tpu.wait_indirect_dma semaphore(%arg13 : memref<!tpu.dma_semaphore, #tpu.memory_space<semaphore_mem>>) src(%arg9 : memref<128x128xf32, #tpu.memory_space<vmem>>) dst(%dma_wait3A_165 : memref<10240x128xf32, #tpu.memory_space<vmem_shared>>)
      %dma_start3A_166 = arith.constant 5 : i32
      %dma_start3A_167 = arith.constant 0 : i32
      %dma_start3A_168 = tpu.memref_slice %arg6[%dma_start3A_166, %dma_start3A_167] : memref<8x128xi32, #tpu.memory_space<vmem>> -> memref<1x128xi32, #tpu.memory_space<vmem>>
      %dma_start3A_169 = tpu.memref_squeeze %dma_start3A_168 : memref<1x128xi32, #tpu.memory_space<vmem>> -> memref<128xi32, #tpu.memory_space<vmem>>
      %dma_start3A_170 = arith.constant 0 : i32
      %dma_start3A_171 = arith.constant 0 : i32
      %dma_start3A_172 = tpu.memref_slice %arg2[%dma_start3A_170, %dma_start3A_171] : memref<10240x128xf32, #tpu.memory_space<hbm>> -> memref<10240x128xf32, #tpu.memory_space<hbm>>
      tpu.enqueue_indirect_dma source(%dma_start3A_172 : memref<10240x128xf32, #tpu.memory_space<hbm>>) target(%arg9 : memref<128x128xf32, #tpu.memory_space<vmem>>) offsets(%dma_start3A_169 : memref<128xi32, #tpu.memory_space<vmem>>) semaphore(%arg11 : memref<!tpu.dma_semaphore, #tpu.memory_space<semaphore_mem>>)
      %dma_wait3A_173 = arith.constant 4 : i32
      %dma_wait3A_174 = arith.constant 0 : i32
      %dma_wait3A_175 = tpu.memref_slice %arg6[%dma_wait3A_173, %dma_wait3A_174] : memref<8x128xi32, #tpu.memory_space<vmem>> -> memref<1x128xi32, #tpu.memory_space<vmem>>
      %dma_wait3A_176 = tpu.memref_squeeze %dma_wait3A_175 : memref<1x128xi32, #tpu.memory_space<vmem>> -> memref<128xi32, #tpu.memory_space<vmem>>
      %dma_wait3A_177 = arith.constant 0 : i32
      %dma_wait3A_178 = arith.constant 0 : i32
      %dma_wait3A_179 = tpu.memref_slice %arg2[%dma_wait3A_177, %dma_wait3A_178] : memref<10240x128xf32, #tpu.memory_space<hbm>> -> memref<10240x128xf32, #tpu.memory_space<hbm>>
      tpu.wait_indirect_dma semaphore(%arg10 : memref<!tpu.dma_semaphore, #tpu.memory_space<semaphore_mem>>) src(%dma_wait3A_179 : memref<10240x128xf32, #tpu.memory_space<hbm>>) dst(%arg8 : memref<128x128xf32, #tpu.memory_space<vmem>>)
      %dma_start3A_180 = arith.constant 4 : i32
      %dma_start3A_181 = arith.constant 0 : i32
      %dma_start3A_182 = tpu.memref_slice %arg7[%dma_start3A_180, %dma_start3A_181] : memref<8x128xi32, #tpu.memory_space<vmem>> -> memref<1x128xi32, #tpu.memory_space<vmem>>
      %dma_start3A_183 = tpu.memref_squeeze %dma_start3A_182 : memref<1x128xi32, #tpu.memory_space<vmem>> -> memref<128xi32, #tpu.memory_space<vmem>>
      %dma_start3A_184 = arith.constant 0 : i32
      %dma_start3A_185 = arith.constant 0 : i32
      %dma_start3A_186 = tpu.memref_slice %arg15[%dma_start3A_184, %dma_start3A_185] : memref<10240x128xf32, #tpu.memory_space<vmem_shared>> -> memref<10240x128xf32, #tpu.memory_space<vmem_shared>>
      tpu.enqueue_indirect_dma source(%arg8 : memref<128x128xf32, #tpu.memory_space<vmem>>) target(%dma_start3A_186 : memref<10240x128xf32, #tpu.memory_space<vmem_shared>>) offsets(%dma_start3A_183 : memref<128xi32, #tpu.memory_space<vmem>>) semaphore(%arg12 : memref<!tpu.dma_semaphore, #tpu.memory_space<semaphore_mem>>) {add = true}
      %dma_wait3A_187 = arith.constant 4 : i32
      %dma_wait3A_188 = arith.constant 0 : i32
      %dma_wait3A_189 = tpu.memref_slice %arg7[%dma_wait3A_187, %dma_wait3A_188] : memref<8x128xi32, #tpu.memory_space<vmem>> -> memref<1x128xi32, #tpu.memory_space<vmem>>
      %dma_wait3A_190 = tpu.memref_squeeze %dma_wait3A_189 : memref<1x128xi32, #tpu.memory_space<vmem>> -> memref<128xi32, #tpu.memory_space<vmem>>
      %dma_wait3A_191 = arith.constant 0 : i32
      %dma_wait3A_192 = arith.constant 0 : i32
      %dma_wait3A_193 = tpu.memref_slice %arg15[%dma_wait3A_191, %dma_wait3A_192] : memref<10240x128xf32, #tpu.memory_space<vmem_shared>> -> memref<10240x128xf32, #tpu.memory_space<vmem_shared>>
      tpu.wait_indirect_dma semaphore(%arg12 : memref<!tpu.dma_semaphore, #tpu.memory_space<semaphore_mem>>) src(%arg8 : memref<128x128xf32, #tpu.memory_space<vmem>>) dst(%dma_wait3A_193 : memref<10240x128xf32, #tpu.memory_space<vmem_shared>>)
      %dma_start3A_194 = arith.constant 6 : i32
      %dma_start3A_195 = arith.constant 0 : i32
      %dma_start3A_196 = tpu.memref_slice %arg6[%dma_start3A_194, %dma_start3A_195] : memref<8x128xi32, #tpu.memory_space<vmem>> -> memref<1x128xi32, #tpu.memory_space<vmem>>
      %dma_start3A_197 = tpu.memref_squeeze %dma_start3A_196 : memref<1x128xi32, #tpu.memory_space<vmem>> -> memref<128xi32, #tpu.memory_space<vmem>>
      %dma_start3A_198 = arith.constant 0 : i32
      %dma_start3A_199 = arith.constant 0 : i32
      %dma_start3A_200 = tpu.memref_slice %arg2[%dma_start3A_198, %dma_start3A_199] : memref<10240x128xf32, #tpu.memory_space<hbm>> -> memref<10240x128xf32, #tpu.memory_space<hbm>>
      tpu.enqueue_indirect_dma source(%dma_start3A_200 : memref<10240x128xf32, #tpu.memory_space<hbm>>) target(%arg8 : memref<128x128xf32, #tpu.memory_space<vmem>>) offsets(%dma_start3A_197 : memref<128xi32, #tpu.memory_space<vmem>>) semaphore(%arg10 : memref<!tpu.dma_semaphore, #tpu.memory_space<semaphore_mem>>)
      %dma_wait3A_201 = arith.constant 5 : i32
      %dma_wait3A_202 = arith.constant 0 : i32
      %dma_wait3A_203 = tpu.memref_slice %arg6[%dma_wait3A_201, %dma_wait3A_202] : memref<8x128xi32, #tpu.memory_space<vmem>> -> memref<1x128xi32, #tpu.memory_space<vmem>>
      %dma_wait3A_204 = tpu.memref_squeeze %dma_wait3A_203 : memref<1x128xi32, #tpu.memory_space<vmem>> -> memref<128xi32, #tpu.memory_space<vmem>>
      %dma_wait3A_205 = arith.constant 0 : i32
      %dma_wait3A_206 = arith.constant 0 : i32
      %dma_wait3A_207 = tpu.memref_slice %arg2[%dma_wait3A_205, %dma_wait3A_206] : memref<10240x128xf32, #tpu.memory_space<hbm>> -> memref<10240x128xf32, #tpu.memory_space<hbm>>
      tpu.wait_indirect_dma semaphore(%arg11 : memref<!tpu.dma_semaphore, #tpu.memory_space<semaphore_mem>>) src(%dma_wait3A_207 : memref<10240x128xf32, #tpu.memory_space<hbm>>) dst(%arg9 : memref<128x128xf32, #tpu.memory_space<vmem>>)
      %dma_start3A_208 = arith.constant 5 : i32
      %dma_start3A_209 = arith.constant 0 : i32
      %dma_start3A_210 = tpu.memref_slice %arg7[%dma_start3A_208, %dma_start3A_209] : memref<8x128xi32, #tpu.memory_space<vmem>> -> memref<1x128xi32, #tpu.memory_space<vmem>>
      %dma_start3A_211 = tpu.memref_squeeze %dma_start3A_210 : memref<1x128xi32, #tpu.memory_space<vmem>> -> memref<128xi32, #tpu.memory_space<vmem>>
      %dma_start3A_212 = arith.constant 0 : i32
      %dma_start3A_213 = arith.constant 0 : i32
      %dma_start3A_214 = tpu.memref_slice %arg15[%dma_start3A_212, %dma_start3A_213] : memref<10240x128xf32, #tpu.memory_space<vmem_shared>> -> memref<10240x128xf32, #tpu.memory_space<vmem_shared>>
      tpu.enqueue_indirect_dma source(%arg9 : memref<128x128xf32, #tpu.memory_space<vmem>>) target(%dma_start3A_214 : memref<10240x128xf32, #tpu.memory_space<vmem_shared>>) offsets(%dma_start3A_211 : memref<128xi32, #tpu.memory_space<vmem>>) semaphore(%arg13 : memref<!tpu.dma_semaphore, #tpu.memory_space<semaphore_mem>>) {add = true}
      %dma_wait3A_215 = arith.constant 5 : i32
      %dma_wait3A_216 = arith.constant 0 : i32
      %dma_wait3A_217 = tpu.memref_slice %arg7[%dma_wait3A_215, %dma_wait3A_216] : memref<8x128xi32, #tpu.memory_space<vmem>> -> memref<1x128xi32, #tpu.memory_space<vmem>>
      %dma_wait3A_218 = tpu.memref_squeeze %dma_wait3A_217 : memref<1x128xi32, #tpu.memory_space<vmem>> -> memref<128xi32, #tpu.memory_space<vmem>>
      %dma_wait3A_219 = arith.constant 0 : i32
      %dma_wait3A_220 = arith.constant 0 : i32
      %dma_wait3A_221 = tpu.memref_slice %arg15[%dma_wait3A_219, %dma_wait3A_220] : memref<10240x128xf32, #tpu.memory_space<vmem_shared>> -> memref<10240x128xf32, #tpu.memory_space<vmem_shared>>
      tpu.wait_indirect_dma semaphore(%arg13 : memref<!tpu.dma_semaphore, #tpu.memory_space<semaphore_mem>>) src(%arg9 : memref<128x128xf32, #tpu.memory_space<vmem>>) dst(%dma_wait3A_221 : memref<10240x128xf32, #tpu.memory_space<vmem_shared>>)
      %dma_start3A_222 = arith.constant 7 : i32
      %dma_start3A_223 = arith.constant 0 : i32
      %dma_start3A_224 = tpu.memref_slice %arg6[%dma_start3A_222, %dma_start3A_223] : memref<8x128xi32, #tpu.memory_space<vmem>> -> memref<1x128xi32, #tpu.memory_space<vmem>>
      %dma_start3A_225 = tpu.memref_squeeze %dma_start3A_224 : memref<1x128xi32, #tpu.memory_space<vmem>> -> memref<128xi32, #tpu.memory_space<vmem>>
      %dma_start3A_226 = arith.constant 0 : i32
      %dma_start3A_227 = arith.constant 0 : i32
      %dma_start3A_228 = tpu.memref_slice %arg2[%dma_start3A_226, %dma_start3A_227] : memref<10240x128xf32, #tpu.memory_space<hbm>> -> memref<10240x128xf32, #tpu.memory_space<hbm>>
      tpu.enqueue_indirect_dma source(%dma_start3A_228 : memref<10240x128xf32, #tpu.memory_space<hbm>>) target(%arg9 : memref<128x128xf32, #tpu.memory_space<vmem>>) offsets(%dma_start3A_225 : memref<128xi32, #tpu.memory_space<vmem>>) semaphore(%arg11 : memref<!tpu.dma_semaphore, #tpu.memory_space<semaphore_mem>>)
      %dma_wait3A_229 = arith.constant 6 : i32
      %dma_wait3A_230 = arith.constant 0 : i32
      %dma_wait3A_231 = tpu.memref_slice %arg6[%dma_wait3A_229, %dma_wait3A_230] : memref<8x128xi32, #tpu.memory_space<vmem>> -> memref<1x128xi32, #tpu.memory_space<vmem>>
      %dma_wait3A_232 = tpu.memref_squeeze %dma_wait3A_231 : memref<1x128xi32, #tpu.memory_space<vmem>> -> memref<128xi32, #tpu.memory_space<vmem>>
      %dma_wait3A_233 = arith.constant 0 : i32
      %dma_wait3A_234 = arith.constant 0 : i32
      %dma_wait3A_235 = tpu.memref_slice %arg2[%dma_wait3A_233, %dma_wait3A_234] : memref<10240x128xf32, #tpu.memory_space<hbm>> -> memref<10240x128xf32, #tpu.memory_space<hbm>>
      tpu.wait_indirect_dma semaphore(%arg10 : memref<!tpu.dma_semaphore, #tpu.memory_space<semaphore_mem>>) src(%dma_wait3A_235 : memref<10240x128xf32, #tpu.memory_space<hbm>>) dst(%arg8 : memref<128x128xf32, #tpu.memory_space<vmem>>)
      %dma_start3A_236 = arith.constant 6 : i32
      %dma_start3A_237 = arith.constant 0 : i32
      %dma_start3A_238 = tpu.memref_slice %arg7[%dma_start3A_236, %dma_start3A_237] : memref<8x128xi32, #tpu.memory_space<vmem>> -> memref<1x128xi32, #tpu.memory_space<vmem>>
      %dma_start3A_239 = tpu.memref_squeeze %dma_start3A_238 : memref<1x128xi32, #tpu.memory_space<vmem>> -> memref<128xi32, #tpu.memory_space<vmem>>
      %dma_start3A_240 = arith.constant 0 : i32
      %dma_start3A_241 = arith.constant 0 : i32
      %dma_start3A_242 = tpu.memref_slice %arg15[%dma_start3A_240, %dma_start3A_241] : memref<10240x128xf32, #tpu.memory_space<vmem_shared>> -> memref<10240x128xf32, #tpu.memory_space<vmem_shared>>
      tpu.enqueue_indirect_dma source(%arg8 : memref<128x128xf32, #tpu.memory_space<vmem>>) target(%dma_start3A_242 : memref<10240x128xf32, #tpu.memory_space<vmem_shared>>) offsets(%dma_start3A_239 : memref<128xi32, #tpu.memory_space<vmem>>) semaphore(%arg12 : memref<!tpu.dma_semaphore, #tpu.memory_space<semaphore_mem>>) {add = true}
      %dma_wait3A_243 = arith.constant 7 : i32
      %dma_wait3A_244 = arith.constant 0 : i32
      %dma_wait3A_245 = tpu.memref_slice %arg6[%dma_wait3A_243, %dma_wait3A_244] : memref<8x128xi32, #tpu.memory_space<vmem>> -> memref<1x128xi32, #tpu.memory_space<vmem>>
      %dma_wait3A_246 = tpu.memref_squeeze %dma_wait3A_245 : memref<1x128xi32, #tpu.memory_space<vmem>> -> memref<128xi32, #tpu.memory_space<vmem>>
      %dma_wait3A_247 = arith.constant 0 : i32
      %dma_wait3A_248 = arith.constant 0 : i32
      %dma_wait3A_249 = tpu.memref_slice %arg2[%dma_wait3A_247, %dma_wait3A_248] : memref<10240x128xf32, #tpu.memory_space<hbm>> -> memref<10240x128xf32, #tpu.memory_space<hbm>>
      tpu.wait_indirect_dma semaphore(%arg11 : memref<!tpu.dma_semaphore, #tpu.memory_space<semaphore_mem>>) src(%dma_wait3A_249 : memref<10240x128xf32, #tpu.memory_space<hbm>>) dst(%arg9 : memref<128x128xf32, #tpu.memory_space<vmem>>)
      %dma_start3A_250 = arith.constant 7 : i32
      %dma_start3A_251 = arith.constant 0 : i32
      %dma_start3A_252 = tpu.memref_slice %arg7[%dma_start3A_250, %dma_start3A_251] : memref<8x128xi32, #tpu.memory_space<vmem>> -> memref<1x128xi32, #tpu.memory_space<vmem>>
      %dma_start3A_253 = tpu.memref_squeeze %dma_start3A_252 : memref<1x128xi32, #tpu.memory_space<vmem>> -> memref<128xi32, #tpu.memory_space<vmem>>
      %dma_start3A_254 = arith.constant 0 : i32
      %dma_start3A_255 = arith.constant 0 : i32
      %dma_start3A_256 = tpu.memref_slice %arg15[%dma_start3A_254, %dma_start3A_255] : memref<10240x128xf32, #tpu.memory_space<vmem_shared>> -> memref<10240x128xf32, #tpu.memory_space<vmem_shared>>
      tpu.enqueue_indirect_dma source(%arg9 : memref<128x128xf32, #tpu.memory_space<vmem>>) target(%dma_start3A_256 : memref<10240x128xf32, #tpu.memory_space<vmem_shared>>) offsets(%dma_start3A_253 : memref<128xi32, #tpu.memory_space<vmem>>) semaphore(%arg13 : memref<!tpu.dma_semaphore, #tpu.memory_space<semaphore_mem>>) {add = true}
      %dma_wait3A_257 = arith.constant 6 : i32
      %dma_wait3A_258 = arith.constant 0 : i32
      %dma_wait3A_259 = tpu.memref_slice %arg7[%dma_wait3A_257, %dma_wait3A_258] : memref<8x128xi32, #tpu.memory_space<vmem>> -> memref<1x128xi32, #tpu.memory_space<vmem>>
      %dma_wait3A_260 = tpu.memref_squeeze %dma_wait3A_259 : memref<1x128xi32, #tpu.memory_space<vmem>> -> memref<128xi32, #tpu.memory_space<vmem>>
      %dma_wait3A_261 = arith.constant 0 : i32
      %dma_wait3A_262 = arith.constant 0 : i32
      %dma_wait3A_263 = tpu.memref_slice %arg15[%dma_wait3A_261, %dma_wait3A_262] : memref<10240x128xf32, #tpu.memory_space<vmem_shared>> -> memref<10240x128xf32, #tpu.memory_space<vmem_shared>>
      tpu.wait_indirect_dma semaphore(%arg12 : memref<!tpu.dma_semaphore, #tpu.memory_space<semaphore_mem>>) src(%arg8 : memref<128x128xf32, #tpu.memory_space<vmem>>) dst(%dma_wait3A_263 : memref<10240x128xf32, #tpu.memory_space<vmem_shared>>)
      %dma_wait3A_264 = arith.constant 7 : i32
      %dma_wait3A_265 = arith.constant 0 : i32
      %dma_wait3A_266 = tpu.memref_slice %arg7[%dma_wait3A_264, %dma_wait3A_265] : memref<8x128xi32, #tpu.memory_space<vmem>> -> memref<1x128xi32, #tpu.memory_space<vmem>>
      %dma_wait3A_267 = tpu.memref_squeeze %dma_wait3A_266 : memref<1x128xi32, #tpu.memory_space<vmem>> -> memref<128xi32, #tpu.memory_space<vmem>>
      %dma_wait3A_268 = arith.constant 0 : i32
      %dma_wait3A_269 = arith.constant 0 : i32
      %dma_wait3A_270 = tpu.memref_slice %arg15[%dma_wait3A_268, %dma_wait3A_269] : memref<10240x128xf32, #tpu.memory_space<vmem_shared>> -> memref<10240x128xf32, #tpu.memory_space<vmem_shared>>
      tpu.wait_indirect_dma semaphore(%arg13 : memref<!tpu.dma_semaphore, #tpu.memory_space<semaphore_mem>>) src(%arg9 : memref<128x128xf32, #tpu.memory_space<vmem>>) dst(%dma_wait3A_270 : memref<10240x128xf32, #tpu.memory_space<vmem_shared>>)
    }
    %barrier3A_39 = arith.constant 0 : index
    tpu.barrier barrier_id(%barrier3A_39)
    %mul3A_40 = arith.constant 10240 : i32
    %mul3A_41 = arith.muli %arg0, %mul3A_40 : i32
    %mul3A_42 = arith.constant 640 : i32
    %mul3A_43 = arith.muli %arg1, %mul3A_42 : i32
    %add3A_44 = arith.addi %mul3A_41, %mul3A_43 : i32
    "tpu.region"() ({
      %run_scoped3A = tpu.sem_alloc : memref<!tpu.dma_semaphore, #tpu.memory_space<semaphore_mem>>
      %dma_start3A = arith.constant 0 : i32
      %dma_start3A_45 = tpu.memref_slice %arg5[%add3A_44, %dma_start3A] : memref<20480x128xf32, #tpu.memory_space<hbm>> -> memref<640x128xf32, #tpu.memory_space<hbm>>
      %dma_start3A_46 = arith.constant 0 : i32
      %dma_start3A_47 = tpu.memref_slice %arg15[%mul3A_8, %dma_start3A_46] : memref<10240x128xf32, #tpu.memory_space<vmem_shared>> -> memref<640x128xf32, #tpu.memory_space<vmem_shared>>
      tpu.enqueue_dma source(%dma_start3A_47 : memref<640x128xf32, #tpu.memory_space<vmem_shared>>) target(%dma_start3A_45 : memref<640x128xf32, #tpu.memory_space<hbm>>) target_semaphore(%run_scoped3A : memref<!tpu.dma_semaphore, #tpu.memory_space<semaphore_mem>>)
      %dma_wait3A = arith.constant 0 : i32
      %dma_wait3A_48 = tpu.memref_slice %arg5[%add3A_44, %dma_wait3A] : memref<20480x128xf32, #tpu.memory_space<hbm>> -> memref<640x128xf32, #tpu.memory_space<hbm>>
      %dma_wait3A_49 = arith.constant 0 : i32
      %dma_wait3A_50 = tpu.memref_slice %arg15[%mul3A_8, %dma_wait3A_49] : memref<10240x128xf32, #tpu.memory_space<vmem_shared>> -> memref<640x128xf32, #tpu.memory_space<vmem_shared>>
      tpu.wait_dma2 semaphore(%run_scoped3A : memref<!tpu.dma_semaphore, #tpu.memory_space<semaphore_mem>>) src(%dma_wait3A_50 : memref<640x128xf32, #tpu.memory_space<vmem_shared>>) dst(%dma_wait3A_48 : memref<640x128xf32, #tpu.memory_space<hbm>>)
      tpu.yield
    }) : () -> ()
    return
  }
}

#map = affine_map<(d0, d1) -> (0, 0)>
#map1 = affine_map<(d0, d1) -> (0)>
module attributes {stable_mosaic.version = 14 : i64} {
  func.func @body(%arg0: i32, %arg1: i32, %arg2: memref<10240x128xf32, #tpu.memory_space<hbm>>, %arg3: memref<2560x128xi32, #tpu.memory_space<hbm>>, %arg4: memref<2560x128xi32, #tpu.memory_space<hbm>>, %arg5: memref<2560x128xf32, #tpu.memory_space<hbm>>, %arg6: memref<20480x128xf32, #tpu.memory_space<hbm>>, %arg7: memref<20480xf32, #tpu.memory_space<hbm>>, %arg8: memref<8x128xi32, #tpu.memory_space<vmem>>, %arg9: memref<8x128xi32, #tpu.memory_space<vmem>>, %arg10: memref<128x128xf32, #tpu.memory_space<vmem>>, %arg11: memref<128x128xf32, #tpu.memory_space<vmem>>, %arg12: memref<!tpu.dma_semaphore, #tpu.memory_space<semaphore_mem>>, %arg13: memref<!tpu.dma_semaphore, #tpu.memory_space<semaphore_mem>>, %arg14: memref<!tpu.dma_semaphore, #tpu.memory_space<semaphore_mem>>, %arg15: memref<!tpu.dma_semaphore, #tpu.memory_space<semaphore_mem>>, %arg16: memref<!tpu.dma_semaphore, #tpu.memory_space<semaphore_mem>>, %arg17: memref<8x128xf32, #tpu.memory_space<vmem>>, %arg18: memref<10240xf32, #tpu.memory_space<vmem_shared>>, %arg19: memref<10240x128xf32, #tpu.memory_space<vmem_shared>>) attributes {dimension_semantics = [#tpu.dimension_semantics<core_parallel>, #tpu.dimension_semantics<subcore_parallel>], iteration_bounds = array<i64: 2, 16>, scalar_prefetch = 0 : i64, scratch_operands = 12 : i64, tpu.core_type = #tpu.core_type<sc_vector_subcore>, window_params = [{transform_indices = #map}, {transform_indices = #map}, {transform_indices = #map}, {transform_indices = #map}, {transform_indices = #map}, {transform_indices = #map1}]} {
    %mul3A = arith.constant 16 : i32
    %mul3A_0 = arith.muli %arg0, %mul3A : i32
    %add3A = arith.addi %mul3A_0, %arg1 : i32
    %broadcast_in_dim3A = arith.constant 0.000000e+00 : f32
    %broadcast_in_dim3A_1 = vector.broadcast %broadcast_in_dim3A : f32 to vector<16xf32>
    %scan3A = arith.constant 0 : i32
    %scan3A_2 = arith.constant 0 : i32
    %scan3A_3 = arith.constant 128 : i32
    %scan3A_4 = arith.addi %scan3A_2, %scan3A_3 : i32
    %scan3A_5 = arith.constant 1 : i32
    scf.for %scan3A_59 = %scan3A_2 to %scan3A_4 step %scan3A_5  : i32 {
      %swap3A = arith.index_cast %scan3A_59 : i32 to index
      %swap3A_60 = arith.constant 0 : index
      %swap3A_61 = tpu.vector_load %arg10[%swap3A, %swap3A_60] {strides = array<i32>} : memref<128x128xf32, #tpu.memory_space<vmem>>, vector<1x16xf32>,
      %swap3A_62 = vector.shape_cast %swap3A_61 : vector<1x16xf32> to vector<16xf32>
      %swap3A_63 = vector.shape_cast %broadcast_in_dim3A_1 : vector<16xf32> to vector<1x16xf32>
      tpu.vector_store %arg10[%swap3A, %swap3A_60], %swap3A_63 {strides = array<i32>} : memref<128x128xf32, #tpu.memory_space<vmem>>, vector<1x16xf32>,
      %swap3A_64 = arith.index_cast %scan3A_59 : i32 to index
      %swap3A_65 = arith.constant 16 : index
      %swap3A_66 = tpu.vector_load %arg10[%swap3A_64, %swap3A_65] {strides = array<i32>} : memref<128x128xf32, #tpu.memory_space<vmem>>, vector<1x16xf32>,
      %swap3A_67 = vector.shape_cast %swap3A_66 : vector<1x16xf32> to vector<16xf32>
      %swap3A_68 = vector.shape_cast %broadcast_in_dim3A_1 : vector<16xf32> to vector<1x16xf32>
      tpu.vector_store %arg10[%swap3A_64, %swap3A_65], %swap3A_68 {strides = array<i32>} : memref<128x128xf32, #tpu.memory_space<vmem>>, vector<1x16xf32>,
      %swap3A_69 = arith.index_cast %scan3A_59 : i32 to index
      %swap3A_70 = arith.constant 32 : index
      %swap3A_71 = tpu.vector_load %arg10[%swap3A_69, %swap3A_70] {strides = array<i32>} : memref<128x128xf32, #tpu.memory_space<vmem>>, vector<1x16xf32>,
      %swap3A_72 = vector.shape_cast %swap3A_71 : vector<1x16xf32> to vector<16xf32>
      %swap3A_73 = vector.shape_cast %broadcast_in_dim3A_1 : vector<16xf32> to vector<1x16xf32>
      tpu.vector_store %arg10[%swap3A_69, %swap3A_70], %swap3A_73 {strides = array<i32>} : memref<128x128xf32, #tpu.memory_space<vmem>>, vector<1x16xf32>,
      %swap3A_74 = arith.index_cast %scan3A_59 : i32 to index
      %swap3A_75 = arith.constant 48 : index
      %swap3A_76 = tpu.vector_load %arg10[%swap3A_74, %swap3A_75] {strides = array<i32>} : memref<128x128xf32, #tpu.memory_space<vmem>>, vector<1x16xf32>,
      %swap3A_77 = vector.shape_cast %swap3A_76 : vector<1x16xf32> to vector<16xf32>
      %swap3A_78 = vector.shape_cast %broadcast_in_dim3A_1 : vector<16xf32> to vector<1x16xf32>
      tpu.vector_store %arg10[%swap3A_74, %swap3A_75], %swap3A_78 {strides = array<i32>} : memref<128x128xf32, #tpu.memory_space<vmem>>, vector<1x16xf32>,
      %swap3A_79 = arith.index_cast %scan3A_59 : i32 to index
      %swap3A_80 = arith.constant 64 : index
      %swap3A_81 = tpu.vector_load %arg10[%swap3A_79, %swap3A_80] {strides = array<i32>} : memref<128x128xf32, #tpu.memory_space<vmem>>, vector<1x16xf32>,
      %swap3A_82 = vector.shape_cast %swap3A_81 : vector<1x16xf32> to vector<16xf32>
      %swap3A_83 = vector.shape_cast %broadcast_in_dim3A_1 : vector<16xf32> to vector<1x16xf32>
      tpu.vector_store %arg10[%swap3A_79, %swap3A_80], %swap3A_83 {strides = array<i32>} : memref<128x128xf32, #tpu.memory_space<vmem>>, vector<1x16xf32>,
      %swap3A_84 = arith.index_cast %scan3A_59 : i32 to index
      %swap3A_85 = arith.constant 80 : index
      %swap3A_86 = tpu.vector_load %arg10[%swap3A_84, %swap3A_85] {strides = array<i32>} : memref<128x128xf32, #tpu.memory_space<vmem>>, vector<1x16xf32>,
      %swap3A_87 = vector.shape_cast %swap3A_86 : vector<1x16xf32> to vector<16xf32>
      %swap3A_88 = vector.shape_cast %broadcast_in_dim3A_1 : vector<16xf32> to vector<1x16xf32>
      tpu.vector_store %arg10[%swap3A_84, %swap3A_85], %swap3A_88 {strides = array<i32>} : memref<128x128xf32, #tpu.memory_space<vmem>>, vector<1x16xf32>,
      %swap3A_89 = arith.index_cast %scan3A_59 : i32 to index
      %swap3A_90 = arith.constant 96 : index
      %swap3A_91 = tpu.vector_load %arg10[%swap3A_89, %swap3A_90] {strides = array<i32>} : memref<128x128xf32, #tpu.memory_space<vmem>>, vector<1x16xf32>,
      %swap3A_92 = vector.shape_cast %swap3A_91 : vector<1x16xf32> to vector<16xf32>
      %swap3A_93 = vector.shape_cast %broadcast_in_dim3A_1 : vector<16xf32> to vector<1x16xf32>
      tpu.vector_store %arg10[%swap3A_89, %swap3A_90], %swap3A_93 {strides = array<i32>} : memref<128x128xf32, #tpu.memory_space<vmem>>, vector<1x16xf32>,
      %swap3A_94 = arith.index_cast %scan3A_59 : i32 to index
      %swap3A_95 = arith.constant 112 : index
      %swap3A_96 = tpu.vector_load %arg10[%swap3A_94, %swap3A_95] {strides = array<i32>} : memref<128x128xf32, #tpu.memory_space<vmem>>, vector<1x16xf32>,
      %swap3A_97 = vector.shape_cast %swap3A_96 : vector<1x16xf32> to vector<16xf32>
      %swap3A_98 = vector.shape_cast %broadcast_in_dim3A_1 : vector<16xf32> to vector<1x16xf32>
      tpu.vector_store %arg10[%swap3A_94, %swap3A_95], %swap3A_98 {strides = array<i32>} : memref<128x128xf32, #tpu.memory_space<vmem>>, vector<1x16xf32>,
    }
    %scan3A_6 = arith.constant 128 : i32
    %mul3A_7 = arith.constant 640 : i32
    %mul3A_8 = arith.muli %arg1, %mul3A_7 : i32
    %add3A_9 = arith.constant 0 : i32
    %add3A_10 = arith.addi %mul3A_8, %add3A_9 : i32
    "tpu.region"() ({
      %run_scoped3A_59 = tpu.sem_alloc : memref<!tpu.dma_semaphore, #tpu.memory_space<semaphore_mem>>
      %dma_start3A = arith.constant 0 : i32
      %dma_start3A_60 = tpu.memref_slice %arg19[%add3A_10, %dma_start3A] : memref<10240x128xf32, #tpu.memory_space<vmem_shared>> -> memref<128x128xf32, #tpu.memory_space<vmem_shared>>
      %dma_start3A_61 = arith.constant 0 : i32
      %dma_start3A_62 = tpu.memref_slice %arg19[%add3A_10, %dma_start3A_61] : memref<10240x128xf32, #tpu.memory_space<vmem_shared>> -> memref<128x128xf32, #tpu.memory_space<vmem_shared>>
      tpu.enqueue_dma source(%arg10 : memref<128x128xf32, #tpu.memory_space<vmem>>) target(%dma_start3A_62 : memref<128x128xf32, #tpu.memory_space<vmem_shared>>) target_semaphore(%run_scoped3A_59 : memref<!tpu.dma_semaphore, #tpu.memory_space<semaphore_mem>>)
      %dma_wait3A = arith.constant 0 : i32
      %dma_wait3A_63 = tpu.memref_slice %arg19[%add3A_10, %dma_wait3A] : memref<10240x128xf32, #tpu.memory_space<vmem_shared>> -> memref<128x128xf32, #tpu.memory_space<vmem_shared>>
      %dma_wait3A_64 = arith.constant 0 : i32
      %dma_wait3A_65 = tpu.memref_slice %arg19[%add3A_10, %dma_wait3A_64] : memref<10240x128xf32, #tpu.memory_space<vmem_shared>> -> memref<128x128xf32, #tpu.memory_space<vmem_shared>>
      tpu.wait_dma2 semaphore(%run_scoped3A_59 : memref<!tpu.dma_semaphore, #tpu.memory_space<semaphore_mem>>) src(%arg10 : memref<128x128xf32, #tpu.memory_space<vmem>>) dst(%dma_wait3A_65 : memref<128x128xf32, #tpu.memory_space<vmem_shared>>)
      tpu.yield
    }) : () -> ()
    %add3A_11 = arith.constant 128 : i32
    %add3A_12 = arith.addi %mul3A_8, %add3A_11 : i32
    "tpu.region"() ({
      %run_scoped3A_59 = tpu.sem_alloc : memref<!tpu.dma_semaphore, #tpu.memory_space<semaphore_mem>>
      %dma_start3A = arith.constant 0 : i32
      %dma_start3A_60 = tpu.memref_slice %arg19[%add3A_12, %dma_start3A] : memref<10240x128xf32, #tpu.memory_space<vmem_shared>> -> memref<128x128xf32, #tpu.memory_space<vmem_shared>>
      %dma_start3A_61 = arith.constant 0 : i32
      %dma_start3A_62 = tpu.memref_slice %arg19[%add3A_12, %dma_start3A_61] : memref<10240x128xf32, #tpu.memory_space<vmem_shared>> -> memref<128x128xf32, #tpu.memory_space<vmem_shared>>
      tpu.enqueue_dma source(%arg10 : memref<128x128xf32, #tpu.memory_space<vmem>>) target(%dma_start3A_62 : memref<128x128xf32, #tpu.memory_space<vmem_shared>>) target_semaphore(%run_scoped3A_59 : memref<!tpu.dma_semaphore, #tpu.memory_space<semaphore_mem>>)
      %dma_wait3A = arith.constant 0 : i32
      %dma_wait3A_63 = tpu.memref_slice %arg19[%add3A_12, %dma_wait3A] : memref<10240x128xf32, #tpu.memory_space<vmem_shared>> -> memref<128x128xf32, #tpu.memory_space<vmem_shared>>
      %dma_wait3A_64 = arith.constant 0 : i32
      %dma_wait3A_65 = tpu.memref_slice %arg19[%add3A_12, %dma_wait3A_64] : memref<10240x128xf32, #tpu.memory_space<vmem_shared>> -> memref<128x128xf32, #tpu.memory_space<vmem_shared>>
      tpu.wait_dma2 semaphore(%run_scoped3A_59 : memref<!tpu.dma_semaphore, #tpu.memory_space<semaphore_mem>>) src(%arg10 : memref<128x128xf32, #tpu.memory_space<vmem>>) dst(%dma_wait3A_65 : memref<128x128xf32, #tpu.memory_space<vmem_shared>>)
      tpu.yield
    }) : () -> ()
    %add3A_13 = arith.constant 256 : i32
    %add3A_14 = arith.addi %mul3A_8, %add3A_13 : i32
    "tpu.region"() ({
      %run_scoped3A_59 = tpu.sem_alloc : memref<!tpu.dma_semaphore, #tpu.memory_space<semaphore_mem>>
      %dma_start3A = arith.constant 0 : i32
      %dma_start3A_60 = tpu.memref_slice %arg19[%add3A_14, %dma_start3A] : memref<10240x128xf32, #tpu.memory_space<vmem_shared>> -> memref<128x128xf32, #tpu.memory_space<vmem_shared>>
      %dma_start3A_61 = arith.constant 0 : i32
      %dma_start3A_62 = tpu.memref_slice %arg19[%add3A_14, %dma_start3A_61] : memref<10240x128xf32, #tpu.memory_space<vmem_shared>> -> memref<128x128xf32, #tpu.memory_space<vmem_shared>>
      tpu.enqueue_dma source(%arg10 : memref<128x128xf32, #tpu.memory_space<vmem>>) target(%dma_start3A_62 : memref<128x128xf32, #tpu.memory_space<vmem_shared>>) target_semaphore(%run_scoped3A_59 : memref<!tpu.dma_semaphore, #tpu.memory_space<semaphore_mem>>)
      %dma_wait3A = arith.constant 0 : i32
      %dma_wait3A_63 = tpu.memref_slice %arg19[%add3A_14, %dma_wait3A] : memref<10240x128xf32, #tpu.memory_space<vmem_shared>> -> memref<128x128xf32, #tpu.memory_space<vmem_shared>>
      %dma_wait3A_64 = arith.constant 0 : i32
      %dma_wait3A_65 = tpu.memref_slice %arg19[%add3A_14, %dma_wait3A_64] : memref<10240x128xf32, #tpu.memory_space<vmem_shared>> -> memref<128x128xf32, #tpu.memory_space<vmem_shared>>
      tpu.wait_dma2 semaphore(%run_scoped3A_59 : memref<!tpu.dma_semaphore, #tpu.memory_space<semaphore_mem>>) src(%arg10 : memref<128x128xf32, #tpu.memory_space<vmem>>) dst(%dma_wait3A_65 : memref<128x128xf32, #tpu.memory_space<vmem_shared>>)
      tpu.yield
    }) : () -> ()
    %add3A_15 = arith.constant 384 : i32
    %add3A_16 = arith.addi %mul3A_8, %add3A_15 : i32
    "tpu.region"() ({
      %run_scoped3A_59 = tpu.sem_alloc : memref<!tpu.dma_semaphore, #tpu.memory_space<semaphore_mem>>
      %dma_start3A = arith.constant 0 : i32
      %dma_start3A_60 = tpu.memref_slice %arg19[%add3A_16, %dma_start3A] : memref<10240x128xf32, #tpu.memory_space<vmem_shared>> -> memref<128x128xf32, #tpu.memory_space<vmem_shared>>
      %dma_start3A_61 = arith.constant 0 : i32
      %dma_start3A_62 = tpu.memref_slice %arg19[%add3A_16, %dma_start3A_61] : memref<10240x128xf32, #tpu.memory_space<vmem_shared>> -> memref<128x128xf32, #tpu.memory_space<vmem_shared>>
      tpu.enqueue_dma source(%arg10 : memref<128x128xf32, #tpu.memory_space<vmem>>) target(%dma_start3A_62 : memref<128x128xf32, #tpu.memory_space<vmem_shared>>) target_semaphore(%run_scoped3A_59 : memref<!tpu.dma_semaphore, #tpu.memory_space<semaphore_mem>>)
      %dma_wait3A = arith.constant 0 : i32
      %dma_wait3A_63 = tpu.memref_slice %arg19[%add3A_16, %dma_wait3A] : memref<10240x128xf32, #tpu.memory_space<vmem_shared>> -> memref<128x128xf32, #tpu.memory_space<vmem_shared>>
      %dma_wait3A_64 = arith.constant 0 : i32
      %dma_wait3A_65 = tpu.memref_slice %arg19[%add3A_16, %dma_wait3A_64] : memref<10240x128xf32, #tpu.memory_space<vmem_shared>> -> memref<128x128xf32, #tpu.memory_space<vmem_shared>>
      tpu.wait_dma2 semaphore(%run_scoped3A_59 : memref<!tpu.dma_semaphore, #tpu.memory_space<semaphore_mem>>) src(%arg10 : memref<128x128xf32, #tpu.memory_space<vmem>>) dst(%dma_wait3A_65 : memref<128x128xf32, #tpu.memory_space<vmem_shared>>)
      tpu.yield
    }) : () -> ()
    %add3A_17 = arith.constant 512 : i32
    %add3A_18 = arith.addi %mul3A_8, %add3A_17 : i32
    "tpu.region"() ({
      %run_scoped3A_59 = tpu.sem_alloc : memref<!tpu.dma_semaphore, #tpu.memory_space<semaphore_mem>>
      %dma_start3A = arith.constant 0 : i32
      %dma_start3A_60 = tpu.memref_slice %arg19[%add3A_18, %dma_start3A] : memref<10240x128xf32, #tpu.memory_space<vmem_shared>> -> memref<128x128xf32, #tpu.memory_space<vmem_shared>>
      %dma_start3A_61 = arith.constant 0 : i32
      %dma_start3A_62 = tpu.memref_slice %arg19[%add3A_18, %dma_start3A_61] : memref<10240x128xf32, #tpu.memory_space<vmem_shared>> -> memref<128x128xf32, #tpu.memory_space<vmem_shared>>
      tpu.enqueue_dma source(%arg10 : memref<128x128xf32, #tpu.memory_space<vmem>>) target(%dma_start3A_62 : memref<128x128xf32, #tpu.memory_space<vmem_shared>>) target_semaphore(%run_scoped3A_59 : memref<!tpu.dma_semaphore, #tpu.memory_space<semaphore_mem>>)
      %dma_wait3A = arith.constant 0 : i32
      %dma_wait3A_63 = tpu.memref_slice %arg19[%add3A_18, %dma_wait3A] : memref<10240x128xf32, #tpu.memory_space<vmem_shared>> -> memref<128x128xf32, #tpu.memory_space<vmem_shared>>
      %dma_wait3A_64 = arith.constant 0 : i32
      %dma_wait3A_65 = tpu.memref_slice %arg19[%add3A_18, %dma_wait3A_64] : memref<10240x128xf32, #tpu.memory_space<vmem_shared>> -> memref<128x128xf32, #tpu.memory_space<vmem_shared>>
      tpu.wait_dma2 semaphore(%run_scoped3A_59 : memref<!tpu.dma_semaphore, #tpu.memory_space<semaphore_mem>>) src(%arg10 : memref<128x128xf32, #tpu.memory_space<vmem>>) dst(%dma_wait3A_65 : memref<128x128xf32, #tpu.memory_space<vmem_shared>>)
      tpu.yield
    }) : () -> ()
    %add3A_19 = arith.constant 0 : i32
    %add3A_20 = arith.addi %mul3A_8, %add3A_19 : i32
    %run_scoped3A = arith.constant 0 : i32
    "tpu.region"() ({
      %run_scoped3A_59 = tpu.sem_alloc : memref<!tpu.dma_semaphore, #tpu.memory_space<semaphore_mem>>
      %dma_start3A = arith.constant 0 : i32
      %dma_start3A_60 = tpu.memref_slice %arg10[%run_scoped3A, %dma_start3A] : memref<128x128xf32, #tpu.memory_space<vmem>> -> memref<1x128xf32, #tpu.memory_space<vmem>>
      %dma_start3A_61 = tpu.memref_squeeze %dma_start3A_60 : memref<1x128xf32, #tpu.memory_space<vmem>> -> memref<128xf32, #tpu.memory_space<vmem>>
      %dma_start3A_62 = tpu.memref_slice %arg18[%add3A_20] : memref<10240xf32, #tpu.memory_space<vmem_shared>> -> memref<128xf32, #tpu.memory_space<vmem_shared>>
      %dma_start3A_63 = tpu.memref_slice %arg18[%add3A_20] : memref<10240xf32, #tpu.memory_space<vmem_shared>> -> memref<128xf32, #tpu.memory_space<vmem_shared>>
      %dma_start3A_64 = arith.constant 0 : i32
      %dma_start3A_65 = tpu.memref_slice %arg10[%run_scoped3A, %dma_start3A_64] : memref<128x128xf32, #tpu.memory_space<vmem>> -> memref<1x128xf32, #tpu.memory_space<vmem>>
      %dma_start3A_66 = tpu.memref_squeeze %dma_start3A_65 : memref<1x128xf32, #tpu.memory_space<vmem>> -> memref<128xf32, #tpu.memory_space<vmem>>
      tpu.enqueue_dma source(%dma_start3A_66 : memref<128xf32, #tpu.memory_space<vmem>>) target(%dma_start3A_63 : memref<128xf32, #tpu.memory_space<vmem_shared>>) target_semaphore(%run_scoped3A_59 : memref<!tpu.dma_semaphore, #tpu.memory_space<semaphore_mem>>)
      %dma_wait3A = arith.constant 0 : i32
      %dma_wait3A_67 = tpu.memref_slice %arg10[%run_scoped3A, %dma_wait3A] : memref<128x128xf32, #tpu.memory_space<vmem>> -> memref<1x128xf32, #tpu.memory_space<vmem>>
      %dma_wait3A_68 = tpu.memref_squeeze %dma_wait3A_67 : memref<1x128xf32, #tpu.memory_space<vmem>> -> memref<128xf32, #tpu.memory_space<vmem>>
      %dma_wait3A_69 = tpu.memref_slice %arg18[%add3A_20] : memref<10240xf32, #tpu.memory_space<vmem_shared>> -> memref<128xf32, #tpu.memory_space<vmem_shared>>
      %dma_wait3A_70 = tpu.memref_slice %arg18[%add3A_20] : memref<10240xf32, #tpu.memory_space<vmem_shared>> -> memref<128xf32, #tpu.memory_space<vmem_shared>>
      %dma_wait3A_71 = arith.constant 0 : i32
      %dma_wait3A_72 = tpu.memref_slice %arg10[%run_scoped3A, %dma_wait3A_71] : memref<128x128xf32, #tpu.memory_space<vmem>> -> memref<1x128xf32, #tpu.memory_space<vmem>>
      %dma_wait3A_73 = tpu.memref_squeeze %dma_wait3A_72 : memref<1x128xf32, #tpu.memory_space<vmem>> -> memref<128xf32, #tpu.memory_space<vmem>>
      tpu.wait_dma2 semaphore(%run_scoped3A_59 : memref<!tpu.dma_semaphore, #tpu.memory_space<semaphore_mem>>) src(%dma_wait3A_73 : memref<128xf32, #tpu.memory_space<vmem>>) dst(%dma_wait3A_70 : memref<128xf32, #tpu.memory_space<vmem_shared>>)
      tpu.yield
    }) : () -> ()
    %add3A_21 = arith.constant 128 : i32
    %add3A_22 = arith.addi %mul3A_8, %add3A_21 : i32
    %run_scoped3A_23 = arith.constant 0 : i32
    "tpu.region"() ({
      %run_scoped3A_59 = tpu.sem_alloc : memref<!tpu.dma_semaphore, #tpu.memory_space<semaphore_mem>>
      %dma_start3A = arith.constant 0 : i32
      %dma_start3A_60 = tpu.memref_slice %arg10[%run_scoped3A_23, %dma_start3A] : memref<128x128xf32, #tpu.memory_space<vmem>> -> memref<1x128xf32, #tpu.memory_space<vmem>>
      %dma_start3A_61 = tpu.memref_squeeze %dma_start3A_60 : memref<1x128xf32, #tpu.memory_space<vmem>> -> memref<128xf32, #tpu.memory_space<vmem>>
      %dma_start3A_62 = tpu.memref_slice %arg18[%add3A_22] : memref<10240xf32, #tpu.memory_space<vmem_shared>> -> memref<128xf32, #tpu.memory_space<vmem_shared>>
      %dma_start3A_63 = tpu.memref_slice %arg18[%add3A_22] : memref<10240xf32, #tpu.memory_space<vmem_shared>> -> memref<128xf32, #tpu.memory_space<vmem_shared>>
      %dma_start3A_64 = arith.constant 0 : i32
      %dma_start3A_65 = tpu.memref_slice %arg10[%run_scoped3A_23, %dma_start3A_64] : memref<128x128xf32, #tpu.memory_space<vmem>> -> memref<1x128xf32, #tpu.memory_space<vmem>>
      %dma_start3A_66 = tpu.memref_squeeze %dma_start3A_65 : memref<1x128xf32, #tpu.memory_space<vmem>> -> memref<128xf32, #tpu.memory_space<vmem>>
      tpu.enqueue_dma source(%dma_start3A_66 : memref<128xf32, #tpu.memory_space<vmem>>) target(%dma_start3A_63 : memref<128xf32, #tpu.memory_space<vmem_shared>>) target_semaphore(%run_scoped3A_59 : memref<!tpu.dma_semaphore, #tpu.memory_space<semaphore_mem>>)
      %dma_wait3A = arith.constant 0 : i32
      %dma_wait3A_67 = tpu.memref_slice %arg10[%run_scoped3A_23, %dma_wait3A] : memref<128x128xf32, #tpu.memory_space<vmem>> -> memref<1x128xf32, #tpu.memory_space<vmem>>
      %dma_wait3A_68 = tpu.memref_squeeze %dma_wait3A_67 : memref<1x128xf32, #tpu.memory_space<vmem>> -> memref<128xf32, #tpu.memory_space<vmem>>
      %dma_wait3A_69 = tpu.memref_slice %arg18[%add3A_22] : memref<10240xf32, #tpu.memory_space<vmem_shared>> -> memref<128xf32, #tpu.memory_space<vmem_shared>>
      %dma_wait3A_70 = tpu.memref_slice %arg18[%add3A_22] : memref<10240xf32, #tpu.memory_space<vmem_shared>> -> memref<128xf32, #tpu.memory_space<vmem_shared>>
      %dma_wait3A_71 = arith.constant 0 : i32
      %dma_wait3A_72 = tpu.memref_slice %arg10[%run_scoped3A_23, %dma_wait3A_71] : memref<128x128xf32, #tpu.memory_space<vmem>> -> memref<1x128xf32, #tpu.memory_space<vmem>>
      %dma_wait3A_73 = tpu.memref_squeeze %dma_wait3A_72 : memref<1x128xf32, #tpu.memory_space<vmem>> -> memref<128xf32, #tpu.memory_space<vmem>>
      tpu.wait_dma2 semaphore(%run_scoped3A_59 : memref<!tpu.dma_semaphore, #tpu.memory_space<semaphore_mem>>) src(%dma_wait3A_73 : memref<128xf32, #tpu.memory_space<vmem>>) dst(%dma_wait3A_70 : memref<128xf32, #tpu.memory_space<vmem_shared>>)
      tpu.yield
    }) : () -> ()
    %add3A_24 = arith.constant 256 : i32
    %add3A_25 = arith.addi %mul3A_8, %add3A_24 : i32
    %run_scoped3A_26 = arith.constant 0 : i32
    "tpu.region"() ({
      %run_scoped3A_59 = tpu.sem_alloc : memref<!tpu.dma_semaphore, #tpu.memory_space<semaphore_mem>>
      %dma_start3A = arith.constant 0 : i32
      %dma_start3A_60 = tpu.memref_slice %arg10[%run_scoped3A_26, %dma_start3A] : memref<128x128xf32, #tpu.memory_space<vmem>> -> memref<1x128xf32, #tpu.memory_space<vmem>>
      %dma_start3A_61 = tpu.memref_squeeze %dma_start3A_60 : memref<1x128xf32, #tpu.memory_space<vmem>> -> memref<128xf32, #tpu.memory_space<vmem>>
      %dma_start3A_62 = tpu.memref_slice %arg18[%add3A_25] : memref<10240xf32, #tpu.memory_space<vmem_shared>> -> memref<128xf32, #tpu.memory_space<vmem_shared>>
      %dma_start3A_63 = tpu.memref_slice %arg18[%add3A_25] : memref<10240xf32, #tpu.memory_space<vmem_shared>> -> memref<128xf32, #tpu.memory_space<vmem_shared>>
      %dma_start3A_64 = arith.constant 0 : i32
      %dma_start3A_65 = tpu.memref_slice %arg10[%run_scoped3A_26, %dma_start3A_64] : memref<128x128xf32, #tpu.memory_space<vmem>> -> memref<1x128xf32, #tpu.memory_space<vmem>>
      %dma_start3A_66 = tpu.memref_squeeze %dma_start3A_65 : memref<1x128xf32, #tpu.memory_space<vmem>> -> memref<128xf32, #tpu.memory_space<vmem>>
      tpu.enqueue_dma source(%dma_start3A_66 : memref<128xf32, #tpu.memory_space<vmem>>) target(%dma_start3A_63 : memref<128xf32, #tpu.memory_space<vmem_shared>>) target_semaphore(%run_scoped3A_59 : memref<!tpu.dma_semaphore, #tpu.memory_space<semaphore_mem>>)
      %dma_wait3A = arith.constant 0 : i32
      %dma_wait3A_67 = tpu.memref_slice %arg10[%run_scoped3A_26, %dma_wait3A] : memref<128x128xf32, #tpu.memory_space<vmem>> -> memref<1x128xf32, #tpu.memory_space<vmem>>
      %dma_wait3A_68 = tpu.memref_squeeze %dma_wait3A_67 : memref<1x128xf32, #tpu.memory_space<vmem>> -> memref<128xf32, #tpu.memory_space<vmem>>
      %dma_wait3A_69 = tpu.memref_slice %arg18[%add3A_25] : memref<10240xf32, #tpu.memory_space<vmem_shared>> -> memref<128xf32, #tpu.memory_space<vmem_shared>>
      %dma_wait3A_70 = tpu.memref_slice %arg18[%add3A_25] : memref<10240xf32, #tpu.memory_space<vmem_shared>> -> memref<128xf32, #tpu.memory_space<vmem_shared>>
      %dma_wait3A_71 = arith.constant 0 : i32
      %dma_wait3A_72 = tpu.memref_slice %arg10[%run_scoped3A_26, %dma_wait3A_71] : memref<128x128xf32, #tpu.memory_space<vmem>> -> memref<1x128xf32, #tpu.memory_space<vmem>>
      %dma_wait3A_73 = tpu.memref_squeeze %dma_wait3A_72 : memref<1x128xf32, #tpu.memory_space<vmem>> -> memref<128xf32, #tpu.memory_space<vmem>>
      tpu.wait_dma2 semaphore(%run_scoped3A_59 : memref<!tpu.dma_semaphore, #tpu.memory_space<semaphore_mem>>) src(%dma_wait3A_73 : memref<128xf32, #tpu.memory_space<vmem>>) dst(%dma_wait3A_70 : memref<128xf32, #tpu.memory_space<vmem_shared>>)
      tpu.yield
    }) : () -> ()
    %add3A_27 = arith.constant 384 : i32
    %add3A_28 = arith.addi %mul3A_8, %add3A_27 : i32
    %run_scoped3A_29 = arith.constant 0 : i32
    "tpu.region"() ({
      %run_scoped3A_59 = tpu.sem_alloc : memref<!tpu.dma_semaphore, #tpu.memory_space<semaphore_mem>>
      %dma_start3A = arith.constant 0 : i32
      %dma_start3A_60 = tpu.memref_slice %arg10[%run_scoped3A_29, %dma_start3A] : memref<128x128xf32, #tpu.memory_space<vmem>> -> memref<1x128xf32, #tpu.memory_space<vmem>>
      %dma_start3A_61 = tpu.memref_squeeze %dma_start3A_60 : memref<1x128xf32, #tpu.memory_space<vmem>> -> memref<128xf32, #tpu.memory_space<vmem>>
      %dma_start3A_62 = tpu.memref_slice %arg18[%add3A_28] : memref<10240xf32, #tpu.memory_space<vmem_shared>> -> memref<128xf32, #tpu.memory_space<vmem_shared>>
      %dma_start3A_63 = tpu.memref_slice %arg18[%add3A_28] : memref<10240xf32, #tpu.memory_space<vmem_shared>> -> memref<128xf32, #tpu.memory_space<vmem_shared>>
      %dma_start3A_64 = arith.constant 0 : i32
      %dma_start3A_65 = tpu.memref_slice %arg10[%run_scoped3A_29, %dma_start3A_64] : memref<128x128xf32, #tpu.memory_space<vmem>> -> memref<1x128xf32, #tpu.memory_space<vmem>>
      %dma_start3A_66 = tpu.memref_squeeze %dma_start3A_65 : memref<1x128xf32, #tpu.memory_space<vmem>> -> memref<128xf32, #tpu.memory_space<vmem>>
      tpu.enqueue_dma source(%dma_start3A_66 : memref<128xf32, #tpu.memory_space<vmem>>) target(%dma_start3A_63 : memref<128xf32, #tpu.memory_space<vmem_shared>>) target_semaphore(%run_scoped3A_59 : memref<!tpu.dma_semaphore, #tpu.memory_space<semaphore_mem>>)
      %dma_wait3A = arith.constant 0 : i32
      %dma_wait3A_67 = tpu.memref_slice %arg10[%run_scoped3A_29, %dma_wait3A] : memref<128x128xf32, #tpu.memory_space<vmem>> -> memref<1x128xf32, #tpu.memory_space<vmem>>
      %dma_wait3A_68 = tpu.memref_squeeze %dma_wait3A_67 : memref<1x128xf32, #tpu.memory_space<vmem>> -> memref<128xf32, #tpu.memory_space<vmem>>
      %dma_wait3A_69 = tpu.memref_slice %arg18[%add3A_28] : memref<10240xf32, #tpu.memory_space<vmem_shared>> -> memref<128xf32, #tpu.memory_space<vmem_shared>>
      %dma_wait3A_70 = tpu.memref_slice %arg18[%add3A_28] : memref<10240xf32, #tpu.memory_space<vmem_shared>> -> memref<128xf32, #tpu.memory_space<vmem_shared>>
      %dma_wait3A_71 = arith.constant 0 : i32
      %dma_wait3A_72 = tpu.memref_slice %arg10[%run_scoped3A_29, %dma_wait3A_71] : memref<128x128xf32, #tpu.memory_space<vmem>> -> memref<1x128xf32, #tpu.memory_space<vmem>>
      %dma_wait3A_73 = tpu.memref_squeeze %dma_wait3A_72 : memref<1x128xf32, #tpu.memory_space<vmem>> -> memref<128xf32, #tpu.memory_space<vmem>>
      tpu.wait_dma2 semaphore(%run_scoped3A_59 : memref<!tpu.dma_semaphore, #tpu.memory_space<semaphore_mem>>) src(%dma_wait3A_73 : memref<128xf32, #tpu.memory_space<vmem>>) dst(%dma_wait3A_70 : memref<128xf32, #tpu.memory_space<vmem_shared>>)
      tpu.yield
    }) : () -> ()
    %add3A_30 = arith.constant 512 : i32
    %add3A_31 = arith.addi %mul3A_8, %add3A_30 : i32
    %run_scoped3A_32 = arith.constant 0 : i32
    "tpu.region"() ({
      %run_scoped3A_59 = tpu.sem_alloc : memref<!tpu.dma_semaphore, #tpu.memory_space<semaphore_mem>>
      %dma_start3A = arith.constant 0 : i32
      %dma_start3A_60 = tpu.memref_slice %arg10[%run_scoped3A_32, %dma_start3A] : memref<128x128xf32, #tpu.memory_space<vmem>> -> memref<1x128xf32, #tpu.memory_space<vmem>>
      %dma_start3A_61 = tpu.memref_squeeze %dma_start3A_60 : memref<1x128xf32, #tpu.memory_space<vmem>> -> memref<128xf32, #tpu.memory_space<vmem>>
      %dma_start3A_62 = tpu.memref_slice %arg18[%add3A_31] : memref<10240xf32, #tpu.memory_space<vmem_shared>> -> memref<128xf32, #tpu.memory_space<vmem_shared>>
      %dma_start3A_63 = tpu.memref_slice %arg18[%add3A_31] : memref<10240xf32, #tpu.memory_space<vmem_shared>> -> memref<128xf32, #tpu.memory_space<vmem_shared>>
      %dma_start3A_64 = arith.constant 0 : i32
      %dma_start3A_65 = tpu.memref_slice %arg10[%run_scoped3A_32, %dma_start3A_64] : memref<128x128xf32, #tpu.memory_space<vmem>> -> memref<1x128xf32, #tpu.memory_space<vmem>>
      %dma_start3A_66 = tpu.memref_squeeze %dma_start3A_65 : memref<1x128xf32, #tpu.memory_space<vmem>> -> memref<128xf32, #tpu.memory_space<vmem>>
      tpu.enqueue_dma source(%dma_start3A_66 : memref<128xf32, #tpu.memory_space<vmem>>) target(%dma_start3A_63 : memref<128xf32, #tpu.memory_space<vmem_shared>>) target_semaphore(%run_scoped3A_59 : memref<!tpu.dma_semaphore, #tpu.memory_space<semaphore_mem>>)
      %dma_wait3A = arith.constant 0 : i32
      %dma_wait3A_67 = tpu.memref_slice %arg10[%run_scoped3A_32, %dma_wait3A] : memref<128x128xf32, #tpu.memory_space<vmem>> -> memref<1x128xf32, #tpu.memory_space<vmem>>
      %dma_wait3A_68 = tpu.memref_squeeze %dma_wait3A_67 : memref<1x128xf32, #tpu.memory_space<vmem>> -> memref<128xf32, #tpu.memory_space<vmem>>
      %dma_wait3A_69 = tpu.memref_slice %arg18[%add3A_31] : memref<10240xf32, #tpu.memory_space<vmem_shared>> -> memref<128xf32, #tpu.memory_space<vmem_shared>>
      %dma_wait3A_70 = tpu.memref_slice %arg18[%add3A_31] : memref<10240xf32, #tpu.memory_space<vmem_shared>> -> memref<128xf32, #tpu.memory_space<vmem_shared>>
      %dma_wait3A_71 = arith.constant 0 : i32
      %dma_wait3A_72 = tpu.memref_slice %arg10[%run_scoped3A_32, %dma_wait3A_71] : memref<128x128xf32, #tpu.memory_space<vmem>> -> memref<1x128xf32, #tpu.memory_space<vmem>>
      %dma_wait3A_73 = tpu.memref_squeeze %dma_wait3A_72 : memref<1x128xf32, #tpu.memory_space<vmem>> -> memref<128xf32, #tpu.memory_space<vmem>>
      tpu.wait_dma2 semaphore(%run_scoped3A_59 : memref<!tpu.dma_semaphore, #tpu.memory_space<semaphore_mem>>) src(%dma_wait3A_73 : memref<128xf32, #tpu.memory_space<vmem>>) dst(%dma_wait3A_70 : memref<128xf32, #tpu.memory_space<vmem_shared>>)
      tpu.yield
    }) : () -> ()
    %barrier3A = arith.constant 0 : index
    tpu.barrier barrier_id(%barrier3A)
    %eq3A = arith.constant 0 : i32
    %eq3A_33 = arith.cmpi eq, %arg0, %eq3A : i32
    %mul3A_34 = arith.constant 80 : i32
    %mul3A_35 = arith.muli %arg1, %mul3A_34 : i32
    %mul3A_36 = arith.constant 80 : i32
    %mul3A_37 = arith.muli %arg1, %mul3A_36 : i32
    %add3A_38 = arith.constant 1280 : i32
    %add3A_39 = arith.addi %add3A_38, %mul3A_37 : i32
    %select_n3A = arith.select %eq3A_33, %mul3A_35, %add3A_39 : i32
    %eq3A_40 = arith.constant 0 : i32
    %eq3A_41 = arith.cmpi eq, %arg0, %eq3A_40 : i32
    %jit3A = arith.constant 10 : i32
    %jit3A_42 = arith.constant 10 : i32
    %select_n3A_43 = arith.select %eq3A_41, %jit3A, %jit3A_42 : i32
    %while3A = arith.constant 0 : i32
    %while3A_44 = arith.constant 0 : i32
    %while3A_45 = arith.subi %select_n3A_43, %while3A_44 : i32
    %while3A_46 = arith.addi %while3A_44, %while3A_45 : i32
    %while3A_47 = arith.constant 1 : i32
    %while3A_48 = arith.divsi %while3A_45, %while3A_47 : i32
    %while3A_49 = arith.muli %while3A_48, %while3A_47 : i32
    %while3A_50 = arith.addi %while3A_44, %while3A_49 : i32
    %while3A_51 = arith.constant 1 : i32
    scf.for %while3A_59 = %while3A_44 to %while3A_50 step %while3A_51  : i32 {
      %mul3A_60 = arith.constant 8 : i32
      %mul3A_61 = arith.muli %while3A_59, %mul3A_60 : i32
      %add3A_62 = arith.addi %select_n3A, %mul3A_61 : i32
      "tpu.region"() ({
        %run_scoped3A_445 = tpu.sem_alloc : memref<!tpu.dma_semaphore, #tpu.memory_space<semaphore_mem>>
        %dma_start3A_446 = arith.constant 0 : i32
        %dma_start3A_447 = tpu.memref_slice %arg3[%add3A_62, %dma_start3A_446] : memref<2560x128xi32, #tpu.memory_space<hbm>> -> memref<8x128xi32, #tpu.memory_space<hbm>>
        %dma_start3A_448 = arith.constant 0 : i32
        %dma_start3A_449 = tpu.memref_slice %arg3[%add3A_62, %dma_start3A_448] : memref<2560x128xi32, #tpu.memory_space<hbm>> -> memref<8x128xi32, #tpu.memory_space<hbm>>
        tpu.enqueue_dma source(%dma_start3A_449 : memref<8x128xi32, #tpu.memory_space<hbm>>) target(%arg8 : memref<8x128xi32, #tpu.memory_space<vmem>>) target_semaphore(%run_scoped3A_445 : memref<!tpu.dma_semaphore, #tpu.memory_space<semaphore_mem>>)
        %dma_wait3A_450 = arith.constant 0 : i32
        %dma_wait3A_451 = tpu.memref_slice %arg3[%add3A_62, %dma_wait3A_450] : memref<2560x128xi32, #tpu.memory_space<hbm>> -> memref<8x128xi32, #tpu.memory_space<hbm>>
        %dma_wait3A_452 = arith.constant 0 : i32
        %dma_wait3A_453 = tpu.memref_slice %arg3[%add3A_62, %dma_wait3A_452] : memref<2560x128xi32, #tpu.memory_space<hbm>> -> memref<8x128xi32, #tpu.memory_space<hbm>>
        tpu.wait_dma2 semaphore(%run_scoped3A_445 : memref<!tpu.dma_semaphore, #tpu.memory_space<semaphore_mem>>) src(%dma_wait3A_453 : memref<8x128xi32, #tpu.memory_space<hbm>>) dst(%arg8 : memref<8x128xi32, #tpu.memory_space<vmem>>)
        tpu.yield
      }) : () -> ()
      %dma_start3A = arith.constant 0 : i32
      %dma_start3A_63 = arith.constant 0 : i32
      %dma_start3A_64 = tpu.memref_slice %arg8[%dma_start3A, %dma_start3A_63] : memref<8x128xi32, #tpu.memory_space<vmem>> -> memref<1x128xi32, #tpu.memory_space<vmem>>
      %dma_start3A_65 = tpu.memref_squeeze %dma_start3A_64 : memref<1x128xi32, #tpu.memory_space<vmem>> -> memref<128xi32, #tpu.memory_space<vmem>>
      %dma_start3A_66 = arith.constant 0 : i32
      %dma_start3A_67 = arith.constant 0 : i32
      %dma_start3A_68 = tpu.memref_slice %arg2[%dma_start3A_66, %dma_start3A_67] : memref<10240x128xf32, #tpu.memory_space<hbm>> -> memref<10240x128xf32, #tpu.memory_space<hbm>>
      tpu.enqueue_indirect_dma source(%dma_start3A_68 : memref<10240x128xf32, #tpu.memory_space<hbm>>) target(%arg10 : memref<128x128xf32, #tpu.memory_space<vmem>>) offsets(%dma_start3A_65 : memref<128xi32, #tpu.memory_space<vmem>>) semaphore(%arg12 : memref<!tpu.dma_semaphore, #tpu.memory_space<semaphore_mem>>)
      %dma_start3A_69 = arith.constant 1 : i32
      %dma_start3A_70 = arith.constant 0 : i32
      %dma_start3A_71 = tpu.memref_slice %arg8[%dma_start3A_69, %dma_start3A_70] : memref<8x128xi32, #tpu.memory_space<vmem>> -> memref<1x128xi32, #tpu.memory_space<vmem>>
      %dma_start3A_72 = tpu.memref_squeeze %dma_start3A_71 : memref<1x128xi32, #tpu.memory_space<vmem>> -> memref<128xi32, #tpu.memory_space<vmem>>
      %dma_start3A_73 = arith.constant 0 : i32
      %dma_start3A_74 = arith.constant 0 : i32
      %dma_start3A_75 = tpu.memref_slice %arg2[%dma_start3A_73, %dma_start3A_74] : memref<10240x128xf32, #tpu.memory_space<hbm>> -> memref<10240x128xf32, #tpu.memory_space<hbm>>
      tpu.enqueue_indirect_dma source(%dma_start3A_75 : memref<10240x128xf32, #tpu.memory_space<hbm>>) target(%arg11 : memref<128x128xf32, #tpu.memory_space<vmem>>) offsets(%dma_start3A_72 : memref<128xi32, #tpu.memory_space<vmem>>) semaphore(%arg13 : memref<!tpu.dma_semaphore, #tpu.memory_space<semaphore_mem>>)
      "tpu.region"() ({
        %run_scoped3A_445 = tpu.sem_alloc : memref<!tpu.dma_semaphore, #tpu.memory_space<semaphore_mem>>
        %dma_start3A_446 = arith.constant 0 : i32
        %dma_start3A_447 = tpu.memref_slice %arg4[%add3A_62, %dma_start3A_446] : memref<2560x128xi32, #tpu.memory_space<hbm>> -> memref<8x128xi32, #tpu.memory_space<hbm>>
        %dma_start3A_448 = arith.constant 0 : i32
        %dma_start3A_449 = tpu.memref_slice %arg4[%add3A_62, %dma_start3A_448] : memref<2560x128xi32, #tpu.memory_space<hbm>> -> memref<8x128xi32, #tpu.memory_space<hbm>>
        tpu.enqueue_dma source(%dma_start3A_449 : memref<8x128xi32, #tpu.memory_space<hbm>>) target(%arg9 : memref<8x128xi32, #tpu.memory_space<vmem>>) target_semaphore(%run_scoped3A_445 : memref<!tpu.dma_semaphore, #tpu.memory_space<semaphore_mem>>)
        %dma_wait3A_450 = arith.constant 0 : i32
        %dma_wait3A_451 = tpu.memref_slice %arg4[%add3A_62, %dma_wait3A_450] : memref<2560x128xi32, #tpu.memory_space<hbm>> -> memref<8x128xi32, #tpu.memory_space<hbm>>
        %dma_wait3A_452 = arith.constant 0 : i32
        %dma_wait3A_453 = tpu.memref_slice %arg4[%add3A_62, %dma_wait3A_452] : memref<2560x128xi32, #tpu.memory_space<hbm>> -> memref<8x128xi32, #tpu.memory_space<hbm>>
        tpu.wait_dma2 semaphore(%run_scoped3A_445 : memref<!tpu.dma_semaphore, #tpu.memory_space<semaphore_mem>>) src(%dma_wait3A_453 : memref<8x128xi32, #tpu.memory_space<hbm>>) dst(%arg9 : memref<8x128xi32, #tpu.memory_space<vmem>>)
        tpu.yield
      }) : () -> ()
      "tpu.region"() ({
        %run_scoped3A_445 = tpu.sem_alloc : memref<!tpu.dma_semaphore, #tpu.memory_space<semaphore_mem>>
        %dma_start3A_446 = arith.constant 0 : i32
        %dma_start3A_447 = tpu.memref_slice %arg5[%add3A_62, %dma_start3A_446] : memref<2560x128xf32, #tpu.memory_space<hbm>> -> memref<8x128xf32, #tpu.memory_space<hbm>>
        %dma_start3A_448 = arith.constant 0 : i32
        %dma_start3A_449 = tpu.memref_slice %arg5[%add3A_62, %dma_start3A_448] : memref<2560x128xf32, #tpu.memory_space<hbm>> -> memref<8x128xf32, #tpu.memory_space<hbm>>
        tpu.enqueue_dma source(%dma_start3A_449 : memref<8x128xf32, #tpu.memory_space<hbm>>) target(%arg17 : memref<8x128xf32, #tpu.memory_space<vmem>>) target_semaphore(%run_scoped3A_445 : memref<!tpu.dma_semaphore, #tpu.memory_space<semaphore_mem>>)
        %dma_wait3A_450 = arith.constant 0 : i32
        %dma_wait3A_451 = tpu.memref_slice %arg5[%add3A_62, %dma_wait3A_450] : memref<2560x128xf32, #tpu.memory_space<hbm>> -> memref<8x128xf32, #tpu.memory_space<hbm>>
        %dma_wait3A_452 = arith.constant 0 : i32
        %dma_wait3A_453 = tpu.memref_slice %arg5[%add3A_62, %dma_wait3A_452] : memref<2560x128xf32, #tpu.memory_space<hbm>> -> memref<8x128xf32, #tpu.memory_space<hbm>>
        tpu.wait_dma2 semaphore(%run_scoped3A_445 : memref<!tpu.dma_semaphore, #tpu.memory_space<semaphore_mem>>) src(%dma_wait3A_453 : memref<8x128xf32, #tpu.memory_space<hbm>>) dst(%arg17 : memref<8x128xf32, #tpu.memory_space<vmem>>)
        tpu.yield
      }) : () -> ()
      %dma_wait3A = arith.constant 0 : i32
      %dma_wait3A_76 = arith.constant 0 : i32
      %dma_wait3A_77 = tpu.memref_slice %arg8[%dma_wait3A, %dma_wait3A_76] : memref<8x128xi32, #tpu.memory_space<vmem>> -> memref<1x128xi32, #tpu.memory_space<vmem>>
      %dma_wait3A_78 = tpu.memref_squeeze %dma_wait3A_77 : memref<1x128xi32, #tpu.memory_space<vmem>> -> memref<128xi32, #tpu.memory_space<vmem>>
      %dma_wait3A_79 = arith.constant 0 : i32
      %dma_wait3A_80 = arith.constant 0 : i32
      %dma_wait3A_81 = tpu.memref_slice %arg2[%dma_wait3A_79, %dma_wait3A_80] : memref<10240x128xf32, #tpu.memory_space<hbm>> -> memref<10240x128xf32, #tpu.memory_space<hbm>>
      tpu.wait_indirect_dma semaphore(%arg12 : memref<!tpu.dma_semaphore, #tpu.memory_space<semaphore_mem>>) src(%dma_wait3A_81 : memref<10240x128xf32, #tpu.memory_space<hbm>>) dst(%arg10 : memref<128x128xf32, #tpu.memory_space<vmem>>)
      %dma_start3A_82 = arith.constant 0 : i32
      %dma_start3A_83 = arith.constant 0 : i32
      %dma_start3A_84 = tpu.memref_slice %arg9[%dma_start3A_82, %dma_start3A_83] : memref<8x128xi32, #tpu.memory_space<vmem>> -> memref<1x128xi32, #tpu.memory_space<vmem>>
      %dma_start3A_85 = tpu.memref_squeeze %dma_start3A_84 : memref<1x128xi32, #tpu.memory_space<vmem>> -> memref<128xi32, #tpu.memory_space<vmem>>
      %dma_start3A_86 = arith.constant 0 : i32
      %dma_start3A_87 = arith.constant 0 : i32
      %dma_start3A_88 = tpu.memref_slice %arg19[%dma_start3A_86, %dma_start3A_87] : memref<10240x128xf32, #tpu.memory_space<vmem_shared>> -> memref<10240x128xf32, #tpu.memory_space<vmem_shared>>
      tpu.enqueue_indirect_dma source(%arg10 : memref<128x128xf32, #tpu.memory_space<vmem>>) target(%dma_start3A_88 : memref<10240x128xf32, #tpu.memory_space<vmem_shared>>) offsets(%dma_start3A_85 : memref<128xi32, #tpu.memory_space<vmem>>) semaphore(%arg14 : memref<!tpu.dma_semaphore, #tpu.memory_space<semaphore_mem>>) {add = true}
      %dma_start3A_89 = arith.constant 0 : i32
      %dma_start3A_90 = arith.constant 0 : i32
      %dma_start3A_91 = arith.constant 0 : i32
      %dma_start3A_92 = tpu.memref_slice %arg17[%dma_start3A_89, %dma_start3A_91] : memref<8x128xf32, #tpu.memory_space<vmem>> -> memref<1x128xf32, #tpu.memory_space<vmem>>
      %dma_start3A_93 = tpu.memref_squeeze %dma_start3A_92 : memref<1x128xf32, #tpu.memory_space<vmem>> -> memref<128xf32, #tpu.memory_space<vmem>>
      %dma_start3A_94 = arith.constant 0 : i32
      %dma_start3A_95 = tpu.memref_slice %arg9[%dma_start3A_90, %dma_start3A_94] : memref<8x128xi32, #tpu.memory_space<vmem>> -> memref<1x128xi32, #tpu.memory_space<vmem>>
      %dma_start3A_96 = tpu.memref_squeeze %dma_start3A_95 : memref<1x128xi32, #tpu.memory_space<vmem>> -> memref<128xi32, #tpu.memory_space<vmem>>
      %dma_start3A_97 = arith.constant 0 : i32
      %dma_start3A_98 = tpu.memref_slice %arg18[%dma_start3A_97] : memref<10240xf32, #tpu.memory_space<vmem_shared>> -> memref<10240xf32, #tpu.memory_space<vmem_shared>>
      tpu.enqueue_indirect_dma source(%dma_start3A_93 : memref<128xf32, #tpu.memory_space<vmem>>) target(%dma_start3A_98 : memref<10240xf32, #tpu.memory_space<vmem_shared>>) offsets(%dma_start3A_96 : memref<128xi32, #tpu.memory_space<vmem>>) semaphore(%arg16 : memref<!tpu.dma_semaphore, #tpu.memory_space<semaphore_mem>>) {add = true}
      %dma_wait3A_99 = arith.constant 0 : i32
      %dma_wait3A_100 = arith.constant 0 : i32
      %dma_wait3A_101 = tpu.memref_slice %arg9[%dma_wait3A_99, %dma_wait3A_100] : memref<8x128xi32, #tpu.memory_space<vmem>> -> memref<1x128xi32, #tpu.memory_space<vmem>>
      %dma_wait3A_102 = tpu.memref_squeeze %dma_wait3A_101 : memref<1x128xi32, #tpu.memory_space<vmem>> -> memref<128xi32, #tpu.memory_space<vmem>>
      %dma_wait3A_103 = arith.constant 0 : i32
      %dma_wait3A_104 = arith.constant 0 : i32
      %dma_wait3A_105 = tpu.memref_slice %arg19[%dma_wait3A_103, %dma_wait3A_104] : memref<10240x128xf32, #tpu.memory_space<vmem_shared>> -> memref<10240x128xf32, #tpu.memory_space<vmem_shared>>
      tpu.wait_indirect_dma semaphore(%arg14 : memref<!tpu.dma_semaphore, #tpu.memory_space<semaphore_mem>>) src(%arg10 : memref<128x128xf32, #tpu.memory_space<vmem>>) dst(%dma_wait3A_105 : memref<10240x128xf32, #tpu.memory_space<vmem_shared>>)
      %dma_start3A_106 = arith.constant 2 : i32
      %dma_start3A_107 = arith.constant 0 : i32
      %dma_start3A_108 = tpu.memref_slice %arg8[%dma_start3A_106, %dma_start3A_107] : memref<8x128xi32, #tpu.memory_space<vmem>> -> memref<1x128xi32, #tpu.memory_space<vmem>>
      %dma_start3A_109 = tpu.memref_squeeze %dma_start3A_108 : memref<1x128xi32, #tpu.memory_space<vmem>> -> memref<128xi32, #tpu.memory_space<vmem>>
      %dma_start3A_110 = arith.constant 0 : i32
      %dma_start3A_111 = arith.constant 0 : i32
      %dma_start3A_112 = tpu.memref_slice %arg2[%dma_start3A_110, %dma_start3A_111] : memref<10240x128xf32, #tpu.memory_space<hbm>> -> memref<10240x128xf32, #tpu.memory_space<hbm>>
      tpu.enqueue_indirect_dma source(%dma_start3A_112 : memref<10240x128xf32, #tpu.memory_space<hbm>>) target(%arg10 : memref<128x128xf32, #tpu.memory_space<vmem>>) offsets(%dma_start3A_109 : memref<128xi32, #tpu.memory_space<vmem>>) semaphore(%arg12 : memref<!tpu.dma_semaphore, #tpu.memory_space<semaphore_mem>>)
      %dma_wait3A_113 = arith.constant 1 : i32
      %dma_wait3A_114 = arith.constant 0 : i32
      %dma_wait3A_115 = tpu.memref_slice %arg8[%dma_wait3A_113, %dma_wait3A_114] : memref<8x128xi32, #tpu.memory_space<vmem>> -> memref<1x128xi32, #tpu.memory_space<vmem>>
      %dma_wait3A_116 = tpu.memref_squeeze %dma_wait3A_115 : memref<1x128xi32, #tpu.memory_space<vmem>> -> memref<128xi32, #tpu.memory_space<vmem>>
      %dma_wait3A_117 = arith.constant 0 : i32
      %dma_wait3A_118 = arith.constant 0 : i32
      %dma_wait3A_119 = tpu.memref_slice %arg2[%dma_wait3A_117, %dma_wait3A_118] : memref<10240x128xf32, #tpu.memory_space<hbm>> -> memref<10240x128xf32, #tpu.memory_space<hbm>>
      tpu.wait_indirect_dma semaphore(%arg13 : memref<!tpu.dma_semaphore, #tpu.memory_space<semaphore_mem>>) src(%dma_wait3A_119 : memref<10240x128xf32, #tpu.memory_space<hbm>>) dst(%arg11 : memref<128x128xf32, #tpu.memory_space<vmem>>)
      %dma_start3A_120 = arith.constant 1 : i32
      %dma_start3A_121 = arith.constant 0 : i32
      %dma_start3A_122 = tpu.memref_slice %arg9[%dma_start3A_120, %dma_start3A_121] : memref<8x128xi32, #tpu.memory_space<vmem>> -> memref<1x128xi32, #tpu.memory_space<vmem>>
      %dma_start3A_123 = tpu.memref_squeeze %dma_start3A_122 : memref<1x128xi32, #tpu.memory_space<vmem>> -> memref<128xi32, #tpu.memory_space<vmem>>
      %dma_start3A_124 = arith.constant 0 : i32
      %dma_start3A_125 = arith.constant 0 : i32
      %dma_start3A_126 = tpu.memref_slice %arg19[%dma_start3A_124, %dma_start3A_125] : memref<10240x128xf32, #tpu.memory_space<vmem_shared>> -> memref<10240x128xf32, #tpu.memory_space<vmem_shared>>
      tpu.enqueue_indirect_dma source(%arg11 : memref<128x128xf32, #tpu.memory_space<vmem>>) target(%dma_start3A_126 : memref<10240x128xf32, #tpu.memory_space<vmem_shared>>) offsets(%dma_start3A_123 : memref<128xi32, #tpu.memory_space<vmem>>) semaphore(%arg15 : memref<!tpu.dma_semaphore, #tpu.memory_space<semaphore_mem>>) {add = true}
      %dma_start3A_127 = arith.constant 1 : i32
      %dma_start3A_128 = arith.constant 1 : i32
      %dma_start3A_129 = arith.constant 0 : i32
      %dma_start3A_130 = tpu.memref_slice %arg17[%dma_start3A_127, %dma_start3A_129] : memref<8x128xf32, #tpu.memory_space<vmem>> -> memref<1x128xf32, #tpu.memory_space<vmem>>
      %dma_start3A_131 = tpu.memref_squeeze %dma_start3A_130 : memref<1x128xf32, #tpu.memory_space<vmem>> -> memref<128xf32, #tpu.memory_space<vmem>>
      %dma_start3A_132 = arith.constant 0 : i32
      %dma_start3A_133 = tpu.memref_slice %arg9[%dma_start3A_128, %dma_start3A_132] : memref<8x128xi32, #tpu.memory_space<vmem>> -> memref<1x128xi32, #tpu.memory_space<vmem>>
      %dma_start3A_134 = tpu.memref_squeeze %dma_start3A_133 : memref<1x128xi32, #tpu.memory_space<vmem>> -> memref<128xi32, #tpu.memory_space<vmem>>
      %dma_start3A_135 = arith.constant 0 : i32
      %dma_start3A_136 = tpu.memref_slice %arg18[%dma_start3A_135] : memref<10240xf32, #tpu.memory_space<vmem_shared>> -> memref<10240xf32, #tpu.memory_space<vmem_shared>>
      tpu.enqueue_indirect_dma source(%dma_start3A_131 : memref<128xf32, #tpu.memory_space<vmem>>) target(%dma_start3A_136 : memref<10240xf32, #tpu.memory_space<vmem_shared>>) offsets(%dma_start3A_134 : memref<128xi32, #tpu.memory_space<vmem>>) semaphore(%arg16 : memref<!tpu.dma_semaphore, #tpu.memory_space<semaphore_mem>>) {add = true}
      %dma_wait3A_137 = arith.constant 1 : i32
      %dma_wait3A_138 = arith.constant 0 : i32
      %dma_wait3A_139 = tpu.memref_slice %arg9[%dma_wait3A_137, %dma_wait3A_138] : memref<8x128xi32, #tpu.memory_space<vmem>> -> memref<1x128xi32, #tpu.memory_space<vmem>>
      %dma_wait3A_140 = tpu.memref_squeeze %dma_wait3A_139 : memref<1x128xi32, #tpu.memory_space<vmem>> -> memref<128xi32, #tpu.memory_space<vmem>>
      %dma_wait3A_141 = arith.constant 0 : i32
      %dma_wait3A_142 = arith.constant 0 : i32
      %dma_wait3A_143 = tpu.memref_slice %arg19[%dma_wait3A_141, %dma_wait3A_142] : memref<10240x128xf32, #tpu.memory_space<vmem_shared>> -> memref<10240x128xf32, #tpu.memory_space<vmem_shared>>
      tpu.wait_indirect_dma semaphore(%arg15 : memref<!tpu.dma_semaphore, #tpu.memory_space<semaphore_mem>>) src(%arg11 : memref<128x128xf32, #tpu.memory_space<vmem>>) dst(%dma_wait3A_143 : memref<10240x128xf32, #tpu.memory_space<vmem_shared>>)
      %dma_start3A_144 = arith.constant 3 : i32
      %dma_start3A_145 = arith.constant 0 : i32
      %dma_start3A_146 = tpu.memref_slice %arg8[%dma_start3A_144, %dma_start3A_145] : memref<8x128xi32, #tpu.memory_space<vmem>> -> memref<1x128xi32, #tpu.memory_space<vmem>>
      %dma_start3A_147 = tpu.memref_squeeze %dma_start3A_146 : memref<1x128xi32, #tpu.memory_space<vmem>> -> memref<128xi32, #tpu.memory_space<vmem>>
      %dma_start3A_148 = arith.constant 0 : i32
      %dma_start3A_149 = arith.constant 0 : i32
      %dma_start3A_150 = tpu.memref_slice %arg2[%dma_start3A_148, %dma_start3A_149] : memref<10240x128xf32, #tpu.memory_space<hbm>> -> memref<10240x128xf32, #tpu.memory_space<hbm>>
      tpu.enqueue_indirect_dma source(%dma_start3A_150 : memref<10240x128xf32, #tpu.memory_space<hbm>>) target(%arg11 : memref<128x128xf32, #tpu.memory_space<vmem>>) offsets(%dma_start3A_147 : memref<128xi32, #tpu.memory_space<vmem>>) semaphore(%arg13 : memref<!tpu.dma_semaphore, #tpu.memory_space<semaphore_mem>>)
      %dma_wait3A_151 = arith.constant 2 : i32
      %dma_wait3A_152 = arith.constant 0 : i32
      %dma_wait3A_153 = tpu.memref_slice %arg8[%dma_wait3A_151, %dma_wait3A_152] : memref<8x128xi32, #tpu.memory_space<vmem>> -> memref<1x128xi32, #tpu.memory_space<vmem>>
      %dma_wait3A_154 = tpu.memref_squeeze %dma_wait3A_153 : memref<1x128xi32, #tpu.memory_space<vmem>> -> memref<128xi32, #tpu.memory_space<vmem>>
      %dma_wait3A_155 = arith.constant 0 : i32
      %dma_wait3A_156 = arith.constant 0 : i32
      %dma_wait3A_157 = tpu.memref_slice %arg2[%dma_wait3A_155, %dma_wait3A_156] : memref<10240x128xf32, #tpu.memory_space<hbm>> -> memref<10240x128xf32, #tpu.memory_space<hbm>>
      tpu.wait_indirect_dma semaphore(%arg12 : memref<!tpu.dma_semaphore, #tpu.memory_space<semaphore_mem>>) src(%dma_wait3A_157 : memref<10240x128xf32, #tpu.memory_space<hbm>>) dst(%arg10 : memref<128x128xf32, #tpu.memory_space<vmem>>)
      %dma_start3A_158 = arith.constant 2 : i32
      %dma_start3A_159 = arith.constant 0 : i32
      %dma_start3A_160 = tpu.memref_slice %arg9[%dma_start3A_158, %dma_start3A_159] : memref<8x128xi32, #tpu.memory_space<vmem>> -> memref<1x128xi32, #tpu.memory_space<vmem>>
      %dma_start3A_161 = tpu.memref_squeeze %dma_start3A_160 : memref<1x128xi32, #tpu.memory_space<vmem>> -> memref<128xi32, #tpu.memory_space<vmem>>
      %dma_start3A_162 = arith.constant 0 : i32
      %dma_start3A_163 = arith.constant 0 : i32
      %dma_start3A_164 = tpu.memref_slice %arg19[%dma_start3A_162, %dma_start3A_163] : memref<10240x128xf32, #tpu.memory_space<vmem_shared>> -> memref<10240x128xf32, #tpu.memory_space<vmem_shared>>
      tpu.enqueue_indirect_dma source(%arg10 : memref<128x128xf32, #tpu.memory_space<vmem>>) target(%dma_start3A_164 : memref<10240x128xf32, #tpu.memory_space<vmem_shared>>) offsets(%dma_start3A_161 : memref<128xi32, #tpu.memory_space<vmem>>) semaphore(%arg14 : memref<!tpu.dma_semaphore, #tpu.memory_space<semaphore_mem>>) {add = true}
      %dma_start3A_165 = arith.constant 2 : i32
      %dma_start3A_166 = arith.constant 2 : i32
      %dma_start3A_167 = arith.constant 0 : i32
      %dma_start3A_168 = tpu.memref_slice %arg17[%dma_start3A_165, %dma_start3A_167] : memref<8x128xf32, #tpu.memory_space<vmem>> -> memref<1x128xf32, #tpu.memory_space<vmem>>
      %dma_start3A_169 = tpu.memref_squeeze %dma_start3A_168 : memref<1x128xf32, #tpu.memory_space<vmem>> -> memref<128xf32, #tpu.memory_space<vmem>>
      %dma_start3A_170 = arith.constant 0 : i32
      %dma_start3A_171 = tpu.memref_slice %arg9[%dma_start3A_166, %dma_start3A_170] : memref<8x128xi32, #tpu.memory_space<vmem>> -> memref<1x128xi32, #tpu.memory_space<vmem>>
      %dma_start3A_172 = tpu.memref_squeeze %dma_start3A_171 : memref<1x128xi32, #tpu.memory_space<vmem>> -> memref<128xi32, #tpu.memory_space<vmem>>
      %dma_start3A_173 = arith.constant 0 : i32
      %dma_start3A_174 = tpu.memref_slice %arg18[%dma_start3A_173] : memref<10240xf32, #tpu.memory_space<vmem_shared>> -> memref<10240xf32, #tpu.memory_space<vmem_shared>>
      tpu.enqueue_indirect_dma source(%dma_start3A_169 : memref<128xf32, #tpu.memory_space<vmem>>) target(%dma_start3A_174 : memref<10240xf32, #tpu.memory_space<vmem_shared>>) offsets(%dma_start3A_172 : memref<128xi32, #tpu.memory_space<vmem>>) semaphore(%arg16 : memref<!tpu.dma_semaphore, #tpu.memory_space<semaphore_mem>>) {add = true}
      %dma_wait3A_175 = arith.constant 2 : i32
      %dma_wait3A_176 = arith.constant 0 : i32
      %dma_wait3A_177 = tpu.memref_slice %arg9[%dma_wait3A_175, %dma_wait3A_176] : memref<8x128xi32, #tpu.memory_space<vmem>> -> memref<1x128xi32, #tpu.memory_space<vmem>>
      %dma_wait3A_178 = tpu.memref_squeeze %dma_wait3A_177 : memref<1x128xi32, #tpu.memory_space<vmem>> -> memref<128xi32, #tpu.memory_space<vmem>>
      %dma_wait3A_179 = arith.constant 0 : i32
      %dma_wait3A_180 = arith.constant 0 : i32
      %dma_wait3A_181 = tpu.memref_slice %arg19[%dma_wait3A_179, %dma_wait3A_180] : memref<10240x128xf32, #tpu.memory_space<vmem_shared>> -> memref<10240x128xf32, #tpu.memory_space<vmem_shared>>
      tpu.wait_indirect_dma semaphore(%arg14 : memref<!tpu.dma_semaphore, #tpu.memory_space<semaphore_mem>>) src(%arg10 : memref<128x128xf32, #tpu.memory_space<vmem>>) dst(%dma_wait3A_181 : memref<10240x128xf32, #tpu.memory_space<vmem_shared>>)
      %dma_start3A_182 = arith.constant 4 : i32
      %dma_start3A_183 = arith.constant 0 : i32
      %dma_start3A_184 = tpu.memref_slice %arg8[%dma_start3A_182, %dma_start3A_183] : memref<8x128xi32, #tpu.memory_space<vmem>> -> memref<1x128xi32, #tpu.memory_space<vmem>>
      %dma_start3A_185 = tpu.memref_squeeze %dma_start3A_184 : memref<1x128xi32, #tpu.memory_space<vmem>> -> memref<128xi32, #tpu.memory_space<vmem>>
      %dma_start3A_186 = arith.constant 0 : i32
      %dma_start3A_187 = arith.constant 0 : i32
      %dma_start3A_188 = tpu.memref_slice %arg2[%dma_start3A_186, %dma_start3A_187] : memref<10240x128xf32, #tpu.memory_space<hbm>> -> memref<10240x128xf32, #tpu.memory_space<hbm>>
      tpu.enqueue_indirect_dma source(%dma_start3A_188 : memref<10240x128xf32, #tpu.memory_space<hbm>>) target(%arg10 : memref<128x128xf32, #tpu.memory_space<vmem>>) offsets(%dma_start3A_185 : memref<128xi32, #tpu.memory_space<vmem>>) semaphore(%arg12 : memref<!tpu.dma_semaphore, #tpu.memory_space<semaphore_mem>>)
      %dma_wait3A_189 = arith.constant 3 : i32
      %dma_wait3A_190 = arith.constant 0 : i32
      %dma_wait3A_191 = tpu.memref_slice %arg8[%dma_wait3A_189, %dma_wait3A_190] : memref<8x128xi32, #tpu.memory_space<vmem>> -> memref<1x128xi32, #tpu.memory_space<vmem>>
      %dma_wait3A_192 = tpu.memref_squeeze %dma_wait3A_191 : memref<1x128xi32, #tpu.memory_space<vmem>> -> memref<128xi32, #tpu.memory_space<vmem>>
      %dma_wait3A_193 = arith.constant 0 : i32
      %dma_wait3A_194 = arith.constant 0 : i32
      %dma_wait3A_195 = tpu.memref_slice %arg2[%dma_wait3A_193, %dma_wait3A_194] : memref<10240x128xf32, #tpu.memory_space<hbm>> -> memref<10240x128xf32, #tpu.memory_space<hbm>>
      tpu.wait_indirect_dma semaphore(%arg13 : memref<!tpu.dma_semaphore, #tpu.memory_space<semaphore_mem>>) src(%dma_wait3A_195 : memref<10240x128xf32, #tpu.memory_space<hbm>>) dst(%arg11 : memref<128x128xf32, #tpu.memory_space<vmem>>)
      %dma_start3A_196 = arith.constant 3 : i32
      %dma_start3A_197 = arith.constant 0 : i32
      %dma_start3A_198 = tpu.memref_slice %arg9[%dma_start3A_196, %dma_start3A_197] : memref<8x128xi32, #tpu.memory_space<vmem>> -> memref<1x128xi32, #tpu.memory_space<vmem>>
      %dma_start3A_199 = tpu.memref_squeeze %dma_start3A_198 : memref<1x128xi32, #tpu.memory_space<vmem>> -> memref<128xi32, #tpu.memory_space<vmem>>
      %dma_start3A_200 = arith.constant 0 : i32
      %dma_start3A_201 = arith.constant 0 : i32
      %dma_start3A_202 = tpu.memref_slice %arg19[%dma_start3A_200, %dma_start3A_201] : memref<10240x128xf32, #tpu.memory_space<vmem_shared>> -> memref<10240x128xf32, #tpu.memory_space<vmem_shared>>
      tpu.enqueue_indirect_dma source(%arg11 : memref<128x128xf32, #tpu.memory_space<vmem>>) target(%dma_start3A_202 : memref<10240x128xf32, #tpu.memory_space<vmem_shared>>) offsets(%dma_start3A_199 : memref<128xi32, #tpu.memory_space<vmem>>) semaphore(%arg15 : memref<!tpu.dma_semaphore, #tpu.memory_space<semaphore_mem>>) {add = true}
      %dma_start3A_203 = arith.constant 3 : i32
      %dma_start3A_204 = arith.constant 3 : i32
      %dma_start3A_205 = arith.constant 0 : i32
      %dma_start3A_206 = tpu.memref_slice %arg17[%dma_start3A_203, %dma_start3A_205] : memref<8x128xf32, #tpu.memory_space<vmem>> -> memref<1x128xf32, #tpu.memory_space<vmem>>
      %dma_start3A_207 = tpu.memref_squeeze %dma_start3A_206 : memref<1x128xf32, #tpu.memory_space<vmem>> -> memref<128xf32, #tpu.memory_space<vmem>>
      %dma_start3A_208 = arith.constant 0 : i32
      %dma_start3A_209 = tpu.memref_slice %arg9[%dma_start3A_204, %dma_start3A_208] : memref<8x128xi32, #tpu.memory_space<vmem>> -> memref<1x128xi32, #tpu.memory_space<vmem>>
      %dma_start3A_210 = tpu.memref_squeeze %dma_start3A_209 : memref<1x128xi32, #tpu.memory_space<vmem>> -> memref<128xi32, #tpu.memory_space<vmem>>
      %dma_start3A_211 = arith.constant 0 : i32
      %dma_start3A_212 = tpu.memref_slice %arg18[%dma_start3A_211] : memref<10240xf32, #tpu.memory_space<vmem_shared>> -> memref<10240xf32, #tpu.memory_space<vmem_shared>>
      tpu.enqueue_indirect_dma source(%dma_start3A_207 : memref<128xf32, #tpu.memory_space<vmem>>) target(%dma_start3A_212 : memref<10240xf32, #tpu.memory_space<vmem_shared>>) offsets(%dma_start3A_210 : memref<128xi32, #tpu.memory_space<vmem>>) semaphore(%arg16 : memref<!tpu.dma_semaphore, #tpu.memory_space<semaphore_mem>>) {add = true}
      %dma_wait3A_213 = arith.constant 3 : i32
      %dma_wait3A_214 = arith.constant 0 : i32
      %dma_wait3A_215 = tpu.memref_slice %arg9[%dma_wait3A_213, %dma_wait3A_214] : memref<8x128xi32, #tpu.memory_space<vmem>> -> memref<1x128xi32, #tpu.memory_space<vmem>>
      %dma_wait3A_216 = tpu.memref_squeeze %dma_wait3A_215 : memref<1x128xi32, #tpu.memory_space<vmem>> -> memref<128xi32, #tpu.memory_space<vmem>>
      %dma_wait3A_217 = arith.constant 0 : i32
      %dma_wait3A_218 = arith.constant 0 : i32
      %dma_wait3A_219 = tpu.memref_slice %arg19[%dma_wait3A_217, %dma_wait3A_218] : memref<10240x128xf32, #tpu.memory_space<vmem_shared>> -> memref<10240x128xf32, #tpu.memory_space<vmem_shared>>
      tpu.wait_indirect_dma semaphore(%arg15 : memref<!tpu.dma_semaphore, #tpu.memory_space<semaphore_mem>>) src(%arg11 : memref<128x128xf32, #tpu.memory_space<vmem>>) dst(%dma_wait3A_219 : memref<10240x128xf32, #tpu.memory_space<vmem_shared>>)
      %dma_start3A_220 = arith.constant 5 : i32
      %dma_start3A_221 = arith.constant 0 : i32
      %dma_start3A_222 = tpu.memref_slice %arg8[%dma_start3A_220, %dma_start3A_221] : memref<8x128xi32, #tpu.memory_space<vmem>> -> memref<1x128xi32, #tpu.memory_space<vmem>>
      %dma_start3A_223 = tpu.memref_squeeze %dma_start3A_222 : memref<1x128xi32, #tpu.memory_space<vmem>> -> memref<128xi32, #tpu.memory_space<vmem>>
      %dma_start3A_224 = arith.constant 0 : i32
      %dma_start3A_225 = arith.constant 0 : i32
      %dma_start3A_226 = tpu.memref_slice %arg2[%dma_start3A_224, %dma_start3A_225] : memref<10240x128xf32, #tpu.memory_space<hbm>> -> memref<10240x128xf32, #tpu.memory_space<hbm>>
      tpu.enqueue_indirect_dma source(%dma_start3A_226 : memref<10240x128xf32, #tpu.memory_space<hbm>>) target(%arg11 : memref<128x128xf32, #tpu.memory_space<vmem>>) offsets(%dma_start3A_223 : memref<128xi32, #tpu.memory_space<vmem>>) semaphore(%arg13 : memref<!tpu.dma_semaphore, #tpu.memory_space<semaphore_mem>>)
      %dma_wait3A_227 = arith.constant 4 : i32
      %dma_wait3A_228 = arith.constant 0 : i32
      %dma_wait3A_229 = tpu.memref_slice %arg8[%dma_wait3A_227, %dma_wait3A_228] : memref<8x128xi32, #tpu.memory_space<vmem>> -> memref<1x128xi32, #tpu.memory_space<vmem>>
      %dma_wait3A_230 = tpu.memref_squeeze %dma_wait3A_229 : memref<1x128xi32, #tpu.memory_space<vmem>> -> memref<128xi32, #tpu.memory_space<vmem>>
      %dma_wait3A_231 = arith.constant 0 : i32
      %dma_wait3A_232 = arith.constant 0 : i32
      %dma_wait3A_233 = tpu.memref_slice %arg2[%dma_wait3A_231, %dma_wait3A_232] : memref<10240x128xf32, #tpu.memory_space<hbm>> -> memref<10240x128xf32, #tpu.memory_space<hbm>>
      tpu.wait_indirect_dma semaphore(%arg12 : memref<!tpu.dma_semaphore, #tpu.memory_space<semaphore_mem>>) src(%dma_wait3A_233 : memref<10240x128xf32, #tpu.memory_space<hbm>>) dst(%arg10 : memref<128x128xf32, #tpu.memory_space<vmem>>)
      %dma_start3A_234 = arith.constant 4 : i32
      %dma_start3A_235 = arith.constant 0 : i32
      %dma_start3A_236 = tpu.memref_slice %arg9[%dma_start3A_234, %dma_start3A_235] : memref<8x128xi32, #tpu.memory_space<vmem>> -> memref<1x128xi32, #tpu.memory_space<vmem>>
      %dma_start3A_237 = tpu.memref_squeeze %dma_start3A_236 : memref<1x128xi32, #tpu.memory_space<vmem>> -> memref<128xi32, #tpu.memory_space<vmem>>
      %dma_start3A_238 = arith.constant 0 : i32
      %dma_start3A_239 = arith.constant 0 : i32
      %dma_start3A_240 = tpu.memref_slice %arg19[%dma_start3A_238, %dma_start3A_239] : memref<10240x128xf32, #tpu.memory_space<vmem_shared>> -> memref<10240x128xf32, #tpu.memory_space<vmem_shared>>
      tpu.enqueue_indirect_dma source(%arg10 : memref<128x128xf32, #tpu.memory_space<vmem>>) target(%dma_start3A_240 : memref<10240x128xf32, #tpu.memory_space<vmem_shared>>) offsets(%dma_start3A_237 : memref<128xi32, #tpu.memory_space<vmem>>) semaphore(%arg14 : memref<!tpu.dma_semaphore, #tpu.memory_space<semaphore_mem>>) {add = true}
      %dma_start3A_241 = arith.constant 4 : i32
      %dma_start3A_242 = arith.constant 4 : i32
      %dma_start3A_243 = arith.constant 0 : i32
      %dma_start3A_244 = tpu.memref_slice %arg17[%dma_start3A_241, %dma_start3A_243] : memref<8x128xf32, #tpu.memory_space<vmem>> -> memref<1x128xf32, #tpu.memory_space<vmem>>
      %dma_start3A_245 = tpu.memref_squeeze %dma_start3A_244 : memref<1x128xf32, #tpu.memory_space<vmem>> -> memref<128xf32, #tpu.memory_space<vmem>>
      %dma_start3A_246 = arith.constant 0 : i32
      %dma_start3A_247 = tpu.memref_slice %arg9[%dma_start3A_242, %dma_start3A_246] : memref<8x128xi32, #tpu.memory_space<vmem>> -> memref<1x128xi32, #tpu.memory_space<vmem>>
      %dma_start3A_248 = tpu.memref_squeeze %dma_start3A_247 : memref<1x128xi32, #tpu.memory_space<vmem>> -> memref<128xi32, #tpu.memory_space<vmem>>
      %dma_start3A_249 = arith.constant 0 : i32
      %dma_start3A_250 = tpu.memref_slice %arg18[%dma_start3A_249] : memref<10240xf32, #tpu.memory_space<vmem_shared>> -> memref<10240xf32, #tpu.memory_space<vmem_shared>>
      tpu.enqueue_indirect_dma source(%dma_start3A_245 : memref<128xf32, #tpu.memory_space<vmem>>) target(%dma_start3A_250 : memref<10240xf32, #tpu.memory_space<vmem_shared>>) offsets(%dma_start3A_248 : memref<128xi32, #tpu.memory_space<vmem>>) semaphore(%arg16 : memref<!tpu.dma_semaphore, #tpu.memory_space<semaphore_mem>>) {add = true}
      %dma_wait3A_251 = arith.constant 4 : i32
      %dma_wait3A_252 = arith.constant 0 : i32
      %dma_wait3A_253 = tpu.memref_slice %arg9[%dma_wait3A_251, %dma_wait3A_252] : memref<8x128xi32, #tpu.memory_space<vmem>> -> memref<1x128xi32, #tpu.memory_space<vmem>>
      %dma_wait3A_254 = tpu.memref_squeeze %dma_wait3A_253 : memref<1x128xi32, #tpu.memory_space<vmem>> -> memref<128xi32, #tpu.memory_space<vmem>>
      %dma_wait3A_255 = arith.constant 0 : i32
      %dma_wait3A_256 = arith.constant 0 : i32
      %dma_wait3A_257 = tpu.memref_slice %arg19[%dma_wait3A_255, %dma_wait3A_256] : memref<10240x128xf32, #tpu.memory_space<vmem_shared>> -> memref<10240x128xf32, #tpu.memory_space<vmem_shared>>
      tpu.wait_indirect_dma semaphore(%arg14 : memref<!tpu.dma_semaphore, #tpu.memory_space<semaphore_mem>>) src(%arg10 : memref<128x128xf32, #tpu.memory_space<vmem>>) dst(%dma_wait3A_257 : memref<10240x128xf32, #tpu.memory_space<vmem_shared>>)
      %dma_start3A_258 = arith.constant 6 : i32
      %dma_start3A_259 = arith.constant 0 : i32
      %dma_start3A_260 = tpu.memref_slice %arg8[%dma_start3A_258, %dma_start3A_259] : memref<8x128xi32, #tpu.memory_space<vmem>> -> memref<1x128xi32, #tpu.memory_space<vmem>>
      %dma_start3A_261 = tpu.memref_squeeze %dma_start3A_260 : memref<1x128xi32, #tpu.memory_space<vmem>> -> memref<128xi32, #tpu.memory_space<vmem>>
      %dma_start3A_262 = arith.constant 0 : i32
      %dma_start3A_263 = arith.constant 0 : i32
      %dma_start3A_264 = tpu.memref_slice %arg2[%dma_start3A_262, %dma_start3A_263] : memref<10240x128xf32, #tpu.memory_space<hbm>> -> memref<10240x128xf32, #tpu.memory_space<hbm>>
      tpu.enqueue_indirect_dma source(%dma_start3A_264 : memref<10240x128xf32, #tpu.memory_space<hbm>>) target(%arg10 : memref<128x128xf32, #tpu.memory_space<vmem>>) offsets(%dma_start3A_261 : memref<128xi32, #tpu.memory_space<vmem>>) semaphore(%arg12 : memref<!tpu.dma_semaphore, #tpu.memory_space<semaphore_mem>>)
      %dma_wait3A_265 = arith.constant 5 : i32
      %dma_wait3A_266 = arith.constant 0 : i32
      %dma_wait3A_267 = tpu.memref_slice %arg8[%dma_wait3A_265, %dma_wait3A_266] : memref<8x128xi32, #tpu.memory_space<vmem>> -> memref<1x128xi32, #tpu.memory_space<vmem>>
      %dma_wait3A_268 = tpu.memref_squeeze %dma_wait3A_267 : memref<1x128xi32, #tpu.memory_space<vmem>> -> memref<128xi32, #tpu.memory_space<vmem>>
      %dma_wait3A_269 = arith.constant 0 : i32
      %dma_wait3A_270 = arith.constant 0 : i32
      %dma_wait3A_271 = tpu.memref_slice %arg2[%dma_wait3A_269, %dma_wait3A_270] : memref<10240x128xf32, #tpu.memory_space<hbm>> -> memref<10240x128xf32, #tpu.memory_space<hbm>>
      tpu.wait_indirect_dma semaphore(%arg13 : memref<!tpu.dma_semaphore, #tpu.memory_space<semaphore_mem>>) src(%dma_wait3A_271 : memref<10240x128xf32, #tpu.memory_space<hbm>>) dst(%arg11 : memref<128x128xf32, #tpu.memory_space<vmem>>)
      %dma_start3A_272 = arith.constant 5 : i32
      %dma_start3A_273 = arith.constant 0 : i32
      %dma_start3A_274 = tpu.memref_slice %arg9[%dma_start3A_272, %dma_start3A_273] : memref<8x128xi32, #tpu.memory_space<vmem>> -> memref<1x128xi32, #tpu.memory_space<vmem>>
      %dma_start3A_275 = tpu.memref_squeeze %dma_start3A_274 : memref<1x128xi32, #tpu.memory_space<vmem>> -> memref<128xi32, #tpu.memory_space<vmem>>
      %dma_start3A_276 = arith.constant 0 : i32
      %dma_start3A_277 = arith.constant 0 : i32
      %dma_start3A_278 = tpu.memref_slice %arg19[%dma_start3A_276, %dma_start3A_277] : memref<10240x128xf32, #tpu.memory_space<vmem_shared>> -> memref<10240x128xf32, #tpu.memory_space<vmem_shared>>
      tpu.enqueue_indirect_dma source(%arg11 : memref<128x128xf32, #tpu.memory_space<vmem>>) target(%dma_start3A_278 : memref<10240x128xf32, #tpu.memory_space<vmem_shared>>) offsets(%dma_start3A_275 : memref<128xi32, #tpu.memory_space<vmem>>) semaphore(%arg15 : memref<!tpu.dma_semaphore, #tpu.memory_space<semaphore_mem>>) {add = true}
      %dma_start3A_279 = arith.constant 5 : i32
      %dma_start3A_280 = arith.constant 5 : i32
      %dma_start3A_281 = arith.constant 0 : i32
      %dma_start3A_282 = tpu.memref_slice %arg17[%dma_start3A_279, %dma_start3A_281] : memref<8x128xf32, #tpu.memory_space<vmem>> -> memref<1x128xf32, #tpu.memory_space<vmem>>
      %dma_start3A_283 = tpu.memref_squeeze %dma_start3A_282 : memref<1x128xf32, #tpu.memory_space<vmem>> -> memref<128xf32, #tpu.memory_space<vmem>>
      %dma_start3A_284 = arith.constant 0 : i32
      %dma_start3A_285 = tpu.memref_slice %arg9[%dma_start3A_280, %dma_start3A_284] : memref<8x128xi32, #tpu.memory_space<vmem>> -> memref<1x128xi32, #tpu.memory_space<vmem>>
      %dma_start3A_286 = tpu.memref_squeeze %dma_start3A_285 : memref<1x128xi32, #tpu.memory_space<vmem>> -> memref<128xi32, #tpu.memory_space<vmem>>
      %dma_start3A_287 = arith.constant 0 : i32
      %dma_start3A_288 = tpu.memref_slice %arg18[%dma_start3A_287] : memref<10240xf32, #tpu.memory_space<vmem_shared>> -> memref<10240xf32, #tpu.memory_space<vmem_shared>>
      tpu.enqueue_indirect_dma source(%dma_start3A_283 : memref<128xf32, #tpu.memory_space<vmem>>) target(%dma_start3A_288 : memref<10240xf32, #tpu.memory_space<vmem_shared>>) offsets(%dma_start3A_286 : memref<128xi32, #tpu.memory_space<vmem>>) semaphore(%arg16 : memref<!tpu.dma_semaphore, #tpu.memory_space<semaphore_mem>>) {add = true}
      %dma_wait3A_289 = arith.constant 5 : i32
      %dma_wait3A_290 = arith.constant 0 : i32
      %dma_wait3A_291 = tpu.memref_slice %arg9[%dma_wait3A_289, %dma_wait3A_290] : memref<8x128xi32, #tpu.memory_space<vmem>> -> memref<1x128xi32, #tpu.memory_space<vmem>>
      %dma_wait3A_292 = tpu.memref_squeeze %dma_wait3A_291 : memref<1x128xi32, #tpu.memory_space<vmem>> -> memref<128xi32, #tpu.memory_space<vmem>>
      %dma_wait3A_293 = arith.constant 0 : i32
      %dma_wait3A_294 = arith.constant 0 : i32
      %dma_wait3A_295 = tpu.memref_slice %arg19[%dma_wait3A_293, %dma_wait3A_294] : memref<10240x128xf32, #tpu.memory_space<vmem_shared>> -> memref<10240x128xf32, #tpu.memory_space<vmem_shared>>
      tpu.wait_indirect_dma semaphore(%arg15 : memref<!tpu.dma_semaphore, #tpu.memory_space<semaphore_mem>>) src(%arg11 : memref<128x128xf32, #tpu.memory_space<vmem>>) dst(%dma_wait3A_295 : memref<10240x128xf32, #tpu.memory_space<vmem_shared>>)
      %dma_start3A_296 = arith.constant 7 : i32
      %dma_start3A_297 = arith.constant 0 : i32
      %dma_start3A_298 = tpu.memref_slice %arg8[%dma_start3A_296, %dma_start3A_297] : memref<8x128xi32, #tpu.memory_space<vmem>> -> memref<1x128xi32, #tpu.memory_space<vmem>>
      %dma_start3A_299 = tpu.memref_squeeze %dma_start3A_298 : memref<1x128xi32, #tpu.memory_space<vmem>> -> memref<128xi32, #tpu.memory_space<vmem>>
      %dma_start3A_300 = arith.constant 0 : i32
      %dma_start3A_301 = arith.constant 0 : i32
      %dma_start3A_302 = tpu.memref_slice %arg2[%dma_start3A_300, %dma_start3A_301] : memref<10240x128xf32, #tpu.memory_space<hbm>> -> memref<10240x128xf32, #tpu.memory_space<hbm>>
      tpu.enqueue_indirect_dma source(%dma_start3A_302 : memref<10240x128xf32, #tpu.memory_space<hbm>>) target(%arg11 : memref<128x128xf32, #tpu.memory_space<vmem>>) offsets(%dma_start3A_299 : memref<128xi32, #tpu.memory_space<vmem>>) semaphore(%arg13 : memref<!tpu.dma_semaphore, #tpu.memory_space<semaphore_mem>>)
      %dma_wait3A_303 = arith.constant 6 : i32
      %dma_wait3A_304 = arith.constant 0 : i32
      %dma_wait3A_305 = tpu.memref_slice %arg8[%dma_wait3A_303, %dma_wait3A_304] : memref<8x128xi32, #tpu.memory_space<vmem>> -> memref<1x128xi32, #tpu.memory_space<vmem>>
      %dma_wait3A_306 = tpu.memref_squeeze %dma_wait3A_305 : memref<1x128xi32, #tpu.memory_space<vmem>> -> memref<128xi32, #tpu.memory_space<vmem>>
      %dma_wait3A_307 = arith.constant 0 : i32
      %dma_wait3A_308 = arith.constant 0 : i32
      %dma_wait3A_309 = tpu.memref_slice %arg2[%dma_wait3A_307, %dma_wait3A_308] : memref<10240x128xf32, #tpu.memory_space<hbm>> -> memref<10240x128xf32, #tpu.memory_space<hbm>>
      tpu.wait_indirect_dma semaphore(%arg12 : memref<!tpu.dma_semaphore, #tpu.memory_space<semaphore_mem>>) src(%dma_wait3A_309 : memref<10240x128xf32, #tpu.memory_space<hbm>>) dst(%arg10 : memref<128x128xf32, #tpu.memory_space<vmem>>)
      %dma_start3A_310 = arith.constant 6 : i32
      %dma_start3A_311 = arith.constant 0 : i32
      %dma_start3A_312 = tpu.memref_slice %arg9[%dma_start3A_310, %dma_start3A_311] : memref<8x128xi32, #tpu.memory_space<vmem>> -> memref<1x128xi32, #tpu.memory_space<vmem>>
      %dma_start3A_313 = tpu.memref_squeeze %dma_start3A_312 : memref<1x128xi32, #tpu.memory_space<vmem>> -> memref<128xi32, #tpu.memory_space<vmem>>
      %dma_start3A_314 = arith.constant 0 : i32
      %dma_start3A_315 = arith.constant 0 : i32
      %dma_start3A_316 = tpu.memref_slice %arg19[%dma_start3A_314, %dma_start3A_315] : memref<10240x128xf32, #tpu.memory_space<vmem_shared>> -> memref<10240x128xf32, #tpu.memory_space<vmem_shared>>
      tpu.enqueue_indirect_dma source(%arg10 : memref<128x128xf32, #tpu.memory_space<vmem>>) target(%dma_start3A_316 : memref<10240x128xf32, #tpu.memory_space<vmem_shared>>) offsets(%dma_start3A_313 : memref<128xi32, #tpu.memory_space<vmem>>) semaphore(%arg14 : memref<!tpu.dma_semaphore, #tpu.memory_space<semaphore_mem>>) {add = true}
      %dma_start3A_317 = arith.constant 6 : i32
      %dma_start3A_318 = arith.constant 6 : i32
      %dma_start3A_319 = arith.constant 0 : i32
      %dma_start3A_320 = tpu.memref_slice %arg17[%dma_start3A_317, %dma_start3A_319] : memref<8x128xf32, #tpu.memory_space<vmem>> -> memref<1x128xf32, #tpu.memory_space<vmem>>
      %dma_start3A_321 = tpu.memref_squeeze %dma_start3A_320 : memref<1x128xf32, #tpu.memory_space<vmem>> -> memref<128xf32, #tpu.memory_space<vmem>>
      %dma_start3A_322 = arith.constant 0 : i32
      %dma_start3A_323 = tpu.memref_slice %arg9[%dma_start3A_318, %dma_start3A_322] : memref<8x128xi32, #tpu.memory_space<vmem>> -> memref<1x128xi32, #tpu.memory_space<vmem>>
      %dma_start3A_324 = tpu.memref_squeeze %dma_start3A_323 : memref<1x128xi32, #tpu.memory_space<vmem>> -> memref<128xi32, #tpu.memory_space<vmem>>
      %dma_start3A_325 = arith.constant 0 : i32
      %dma_start3A_326 = tpu.memref_slice %arg18[%dma_start3A_325] : memref<10240xf32, #tpu.memory_space<vmem_shared>> -> memref<10240xf32, #tpu.memory_space<vmem_shared>>
      tpu.enqueue_indirect_dma source(%dma_start3A_321 : memref<128xf32, #tpu.memory_space<vmem>>) target(%dma_start3A_326 : memref<10240xf32, #tpu.memory_space<vmem_shared>>) offsets(%dma_start3A_324 : memref<128xi32, #tpu.memory_space<vmem>>) semaphore(%arg16 : memref<!tpu.dma_semaphore, #tpu.memory_space<semaphore_mem>>) {add = true}
      %dma_wait3A_327 = arith.constant 7 : i32
      %dma_wait3A_328 = arith.constant 0 : i32
      %dma_wait3A_329 = tpu.memref_slice %arg8[%dma_wait3A_327, %dma_wait3A_328] : memref<8x128xi32, #tpu.memory_space<vmem>> -> memref<1x128xi32, #tpu.memory_space<vmem>>
      %dma_wait3A_330 = tpu.memref_squeeze %dma_wait3A_329 : memref<1x128xi32, #tpu.memory_space<vmem>> -> memref<128xi32, #tpu.memory_space<vmem>>
      %dma_wait3A_331 = arith.constant 0 : i32
      %dma_wait3A_332 = arith.constant 0 : i32
      %dma_wait3A_333 = tpu.memref_slice %arg2[%dma_wait3A_331, %dma_wait3A_332] : memref<10240x128xf32, #tpu.memory_space<hbm>> -> memref<10240x128xf32, #tpu.memory_space<hbm>>
      tpu.wait_indirect_dma semaphore(%arg13 : memref<!tpu.dma_semaphore, #tpu.memory_space<semaphore_mem>>) src(%dma_wait3A_333 : memref<10240x128xf32, #tpu.memory_space<hbm>>) dst(%arg11 : memref<128x128xf32, #tpu.memory_space<vmem>>)
      %dma_start3A_334 = arith.constant 7 : i32
      %dma_start3A_335 = arith.constant 0 : i32
      %dma_start3A_336 = tpu.memref_slice %arg9[%dma_start3A_334, %dma_start3A_335] : memref<8x128xi32, #tpu.memory_space<vmem>> -> memref<1x128xi32, #tpu.memory_space<vmem>>
      %dma_start3A_337 = tpu.memref_squeeze %dma_start3A_336 : memref<1x128xi32, #tpu.memory_space<vmem>> -> memref<128xi32, #tpu.memory_space<vmem>>
      %dma_start3A_338 = arith.constant 0 : i32
      %dma_start3A_339 = arith.constant 0 : i32
      %dma_start3A_340 = tpu.memref_slice %arg19[%dma_start3A_338, %dma_start3A_339] : memref<10240x128xf32, #tpu.memory_space<vmem_shared>> -> memref<10240x128xf32, #tpu.memory_space<vmem_shared>>
      tpu.enqueue_indirect_dma source(%arg11 : memref<128x128xf32, #tpu.memory_space<vmem>>) target(%dma_start3A_340 : memref<10240x128xf32, #tpu.memory_space<vmem_shared>>) offsets(%dma_start3A_337 : memref<128xi32, #tpu.memory_space<vmem>>) semaphore(%arg15 : memref<!tpu.dma_semaphore, #tpu.memory_space<semaphore_mem>>) {add = true}
      %dma_start3A_341 = arith.constant 7 : i32
      %dma_start3A_342 = arith.constant 7 : i32
      %dma_start3A_343 = arith.constant 0 : i32
      %dma_start3A_344 = tpu.memref_slice %arg17[%dma_start3A_341, %dma_start3A_343] : memref<8x128xf32, #tpu.memory_space<vmem>> -> memref<1x128xf32, #tpu.memory_space<vmem>>
      %dma_start3A_345 = tpu.memref_squeeze %dma_start3A_344 : memref<1x128xf32, #tpu.memory_space<vmem>> -> memref<128xf32, #tpu.memory_space<vmem>>
      %dma_start3A_346 = arith.constant 0 : i32
      %dma_start3A_347 = tpu.memref_slice %arg9[%dma_start3A_342, %dma_start3A_346] : memref<8x128xi32, #tpu.memory_space<vmem>> -> memref<1x128xi32, #tpu.memory_space<vmem>>
      %dma_start3A_348 = tpu.memref_squeeze %dma_start3A_347 : memref<1x128xi32, #tpu.memory_space<vmem>> -> memref<128xi32, #tpu.memory_space<vmem>>
      %dma_start3A_349 = arith.constant 0 : i32
      %dma_start3A_350 = tpu.memref_slice %arg18[%dma_start3A_349] : memref<10240xf32, #tpu.memory_space<vmem_shared>> -> memref<10240xf32, #tpu.memory_space<vmem_shared>>
      tpu.enqueue_indirect_dma source(%dma_start3A_345 : memref<128xf32, #tpu.memory_space<vmem>>) target(%dma_start3A_350 : memref<10240xf32, #tpu.memory_space<vmem_shared>>) offsets(%dma_start3A_348 : memref<128xi32, #tpu.memory_space<vmem>>) semaphore(%arg16 : memref<!tpu.dma_semaphore, #tpu.memory_space<semaphore_mem>>) {add = true}
      %dma_wait3A_351 = arith.constant 6 : i32
      %dma_wait3A_352 = arith.constant 0 : i32
      %dma_wait3A_353 = tpu.memref_slice %arg9[%dma_wait3A_351, %dma_wait3A_352] : memref<8x128xi32, #tpu.memory_space<vmem>> -> memref<1x128xi32, #tpu.memory_space<vmem>>
      %dma_wait3A_354 = tpu.memref_squeeze %dma_wait3A_353 : memref<1x128xi32, #tpu.memory_space<vmem>> -> memref<128xi32, #tpu.memory_space<vmem>>
      %dma_wait3A_355 = arith.constant 0 : i32
      %dma_wait3A_356 = arith.constant 0 : i32
      %dma_wait3A_357 = tpu.memref_slice %arg19[%dma_wait3A_355, %dma_wait3A_356] : memref<10240x128xf32, #tpu.memory_space<vmem_shared>> -> memref<10240x128xf32, #tpu.memory_space<vmem_shared>>
      tpu.wait_indirect_dma semaphore(%arg14 : memref<!tpu.dma_semaphore, #tpu.memory_space<semaphore_mem>>) src(%arg10 : memref<128x128xf32, #tpu.memory_space<vmem>>) dst(%dma_wait3A_357 : memref<10240x128xf32, #tpu.memory_space<vmem_shared>>)
      %dma_wait3A_358 = arith.constant 7 : i32
      %dma_wait3A_359 = arith.constant 0 : i32
      %dma_wait3A_360 = tpu.memref_slice %arg9[%dma_wait3A_358, %dma_wait3A_359] : memref<8x128xi32, #tpu.memory_space<vmem>> -> memref<1x128xi32, #tpu.memory_space<vmem>>
      %dma_wait3A_361 = tpu.memref_squeeze %dma_wait3A_360 : memref<1x128xi32, #tpu.memory_space<vmem>> -> memref<128xi32, #tpu.memory_space<vmem>>
      %dma_wait3A_362 = arith.constant 0 : i32
      %dma_wait3A_363 = arith.constant 0 : i32
      %dma_wait3A_364 = tpu.memref_slice %arg19[%dma_wait3A_362, %dma_wait3A_363] : memref<10240x128xf32, #tpu.memory_space<vmem_shared>> -> memref<10240x128xf32, #tpu.memory_space<vmem_shared>>
      tpu.wait_indirect_dma semaphore(%arg15 : memref<!tpu.dma_semaphore, #tpu.memory_space<semaphore_mem>>) src(%arg11 : memref<128x128xf32, #tpu.memory_space<vmem>>) dst(%dma_wait3A_364 : memref<10240x128xf32, #tpu.memory_space<vmem_shared>>)
      %dma_wait3A_365 = arith.constant 0 : i32
      %dma_wait3A_366 = arith.constant 0 : i32
      %dma_wait3A_367 = arith.constant 0 : i32
      %dma_wait3A_368 = tpu.memref_slice %arg17[%dma_wait3A_365, %dma_wait3A_367] : memref<8x128xf32, #tpu.memory_space<vmem>> -> memref<1x128xf32, #tpu.memory_space<vmem>>
      %dma_wait3A_369 = tpu.memref_squeeze %dma_wait3A_368 : memref<1x128xf32, #tpu.memory_space<vmem>> -> memref<128xf32, #tpu.memory_space<vmem>>
      %dma_wait3A_370 = arith.constant 0 : i32
      %dma_wait3A_371 = tpu.memref_slice %arg9[%dma_wait3A_366, %dma_wait3A_370] : memref<8x128xi32, #tpu.memory_space<vmem>> -> memref<1x128xi32, #tpu.memory_space<vmem>>
      %dma_wait3A_372 = tpu.memref_squeeze %dma_wait3A_371 : memref<1x128xi32, #tpu.memory_space<vmem>> -> memref<128xi32, #tpu.memory_space<vmem>>
      %dma_wait3A_373 = arith.constant 0 : i32
      %dma_wait3A_374 = tpu.memref_slice %arg18[%dma_wait3A_373] : memref<10240xf32, #tpu.memory_space<vmem_shared>> -> memref<10240xf32, #tpu.memory_space<vmem_shared>>
      tpu.wait_indirect_dma semaphore(%arg16 : memref<!tpu.dma_semaphore, #tpu.memory_space<semaphore_mem>>) src(%dma_wait3A_369 : memref<128xf32, #tpu.memory_space<vmem>>) dst(%dma_wait3A_374 : memref<10240xf32, #tpu.memory_space<vmem_shared>>)
      %dma_wait3A_375 = arith.constant 1 : i32
      %dma_wait3A_376 = arith.constant 1 : i32
      %dma_wait3A_377 = arith.constant 0 : i32
      %dma_wait3A_378 = tpu.memref_slice %arg17[%dma_wait3A_375, %dma_wait3A_377] : memref<8x128xf32, #tpu.memory_space<vmem>> -> memref<1x128xf32, #tpu.memory_space<vmem>>
      %dma_wait3A_379 = tpu.memref_squeeze %dma_wait3A_378 : memref<1x128xf32, #tpu.memory_space<vmem>> -> memref<128xf32, #tpu.memory_space<vmem>>
      %dma_wait3A_380 = arith.constant 0 : i32
      %dma_wait3A_381 = tpu.memref_slice %arg9[%dma_wait3A_376, %dma_wait3A_380] : memref<8x128xi32, #tpu.memory_space<vmem>> -> memref<1x128xi32, #tpu.memory_space<vmem>>
      %dma_wait3A_382 = tpu.memref_squeeze %dma_wait3A_381 : memref<1x128xi32, #tpu.memory_space<vmem>> -> memref<128xi32, #tpu.memory_space<vmem>>
      %dma_wait3A_383 = arith.constant 0 : i32
      %dma_wait3A_384 = tpu.memref_slice %arg18[%dma_wait3A_383] : memref<10240xf32, #tpu.memory_space<vmem_shared>> -> memref<10240xf32, #tpu.memory_space<vmem_shared>>
      tpu.wait_indirect_dma semaphore(%arg16 : memref<!tpu.dma_semaphore, #tpu.memory_space<semaphore_mem>>) src(%dma_wait3A_379 : memref<128xf32, #tpu.memory_space<vmem>>) dst(%dma_wait3A_384 : memref<10240xf32, #tpu.memory_space<vmem_shared>>)
      %dma_wait3A_385 = arith.constant 2 : i32
      %dma_wait3A_386 = arith.constant 2 : i32
      %dma_wait3A_387 = arith.constant 0 : i32
      %dma_wait3A_388 = tpu.memref_slice %arg17[%dma_wait3A_385, %dma_wait3A_387] : memref<8x128xf32, #tpu.memory_space<vmem>> -> memref<1x128xf32, #tpu.memory_space<vmem>>
      %dma_wait3A_389 = tpu.memref_squeeze %dma_wait3A_388 : memref<1x128xf32, #tpu.memory_space<vmem>> -> memref<128xf32, #tpu.memory_space<vmem>>
      %dma_wait3A_390 = arith.constant 0 : i32
      %dma_wait3A_391 = tpu.memref_slice %arg9[%dma_wait3A_386, %dma_wait3A_390] : memref<8x128xi32, #tpu.memory_space<vmem>> -> memref<1x128xi32, #tpu.memory_space<vmem>>
      %dma_wait3A_392 = tpu.memref_squeeze %dma_wait3A_391 : memref<1x128xi32, #tpu.memory_space<vmem>> -> memref<128xi32, #tpu.memory_space<vmem>>
      %dma_wait3A_393 = arith.constant 0 : i32
      %dma_wait3A_394 = tpu.memref_slice %arg18[%dma_wait3A_393] : memref<10240xf32, #tpu.memory_space<vmem_shared>> -> memref<10240xf32, #tpu.memory_space<vmem_shared>>
      tpu.wait_indirect_dma semaphore(%arg16 : memref<!tpu.dma_semaphore, #tpu.memory_space<semaphore_mem>>) src(%dma_wait3A_389 : memref<128xf32, #tpu.memory_space<vmem>>) dst(%dma_wait3A_394 : memref<10240xf32, #tpu.memory_space<vmem_shared>>)
      %dma_wait3A_395 = arith.constant 3 : i32
      %dma_wait3A_396 = arith.constant 3 : i32
      %dma_wait3A_397 = arith.constant 0 : i32
      %dma_wait3A_398 = tpu.memref_slice %arg17[%dma_wait3A_395, %dma_wait3A_397] : memref<8x128xf32, #tpu.memory_space<vmem>> -> memref<1x128xf32, #tpu.memory_space<vmem>>
      %dma_wait3A_399 = tpu.memref_squeeze %dma_wait3A_398 : memref<1x128xf32, #tpu.memory_space<vmem>> -> memref<128xf32, #tpu.memory_space<vmem>>
      %dma_wait3A_400 = arith.constant 0 : i32
      %dma_wait3A_401 = tpu.memref_slice %arg9[%dma_wait3A_396, %dma_wait3A_400] : memref<8x128xi32, #tpu.memory_space<vmem>> -> memref<1x128xi32, #tpu.memory_space<vmem>>
      %dma_wait3A_402 = tpu.memref_squeeze %dma_wait3A_401 : memref<1x128xi32, #tpu.memory_space<vmem>> -> memref<128xi32, #tpu.memory_space<vmem>>
      %dma_wait3A_403 = arith.constant 0 : i32
      %dma_wait3A_404 = tpu.memref_slice %arg18[%dma_wait3A_403] : memref<10240xf32, #tpu.memory_space<vmem_shared>> -> memref<10240xf32, #tpu.memory_space<vmem_shared>>
      tpu.wait_indirect_dma semaphore(%arg16 : memref<!tpu.dma_semaphore, #tpu.memory_space<semaphore_mem>>) src(%dma_wait3A_399 : memref<128xf32, #tpu.memory_space<vmem>>) dst(%dma_wait3A_404 : memref<10240xf32, #tpu.memory_space<vmem_shared>>)
      %dma_wait3A_405 = arith.constant 4 : i32
      %dma_wait3A_406 = arith.constant 4 : i32
      %dma_wait3A_407 = arith.constant 0 : i32
      %dma_wait3A_408 = tpu.memref_slice %arg17[%dma_wait3A_405, %dma_wait3A_407] : memref<8x128xf32, #tpu.memory_space<vmem>> -> memref<1x128xf32, #tpu.memory_space<vmem>>
      %dma_wait3A_409 = tpu.memref_squeeze %dma_wait3A_408 : memref<1x128xf32, #tpu.memory_space<vmem>> -> memref<128xf32, #tpu.memory_space<vmem>>
      %dma_wait3A_410 = arith.constant 0 : i32
      %dma_wait3A_411 = tpu.memref_slice %arg9[%dma_wait3A_406, %dma_wait3A_410] : memref<8x128xi32, #tpu.memory_space<vmem>> -> memref<1x128xi32, #tpu.memory_space<vmem>>
      %dma_wait3A_412 = tpu.memref_squeeze %dma_wait3A_411 : memref<1x128xi32, #tpu.memory_space<vmem>> -> memref<128xi32, #tpu.memory_space<vmem>>
      %dma_wait3A_413 = arith.constant 0 : i32
      %dma_wait3A_414 = tpu.memref_slice %arg18[%dma_wait3A_413] : memref<10240xf32, #tpu.memory_space<vmem_shared>> -> memref<10240xf32, #tpu.memory_space<vmem_shared>>
      tpu.wait_indirect_dma semaphore(%arg16 : memref<!tpu.dma_semaphore, #tpu.memory_space<semaphore_mem>>) src(%dma_wait3A_409 : memref<128xf32, #tpu.memory_space<vmem>>) dst(%dma_wait3A_414 : memref<10240xf32, #tpu.memory_space<vmem_shared>>)
      %dma_wait3A_415 = arith.constant 5 : i32
      %dma_wait3A_416 = arith.constant 5 : i32
      %dma_wait3A_417 = arith.constant 0 : i32
      %dma_wait3A_418 = tpu.memref_slice %arg17[%dma_wait3A_415, %dma_wait3A_417] : memref<8x128xf32, #tpu.memory_space<vmem>> -> memref<1x128xf32, #tpu.memory_space<vmem>>
      %dma_wait3A_419 = tpu.memref_squeeze %dma_wait3A_418 : memref<1x128xf32, #tpu.memory_space<vmem>> -> memref<128xf32, #tpu.memory_space<vmem>>
      %dma_wait3A_420 = arith.constant 0 : i32
      %dma_wait3A_421 = tpu.memref_slice %arg9[%dma_wait3A_416, %dma_wait3A_420] : memref<8x128xi32, #tpu.memory_space<vmem>> -> memref<1x128xi32, #tpu.memory_space<vmem>>
      %dma_wait3A_422 = tpu.memref_squeeze %dma_wait3A_421 : memref<1x128xi32, #tpu.memory_space<vmem>> -> memref<128xi32, #tpu.memory_space<vmem>>
      %dma_wait3A_423 = arith.constant 0 : i32
      %dma_wait3A_424 = tpu.memref_slice %arg18[%dma_wait3A_423] : memref<10240xf32, #tpu.memory_space<vmem_shared>> -> memref<10240xf32, #tpu.memory_space<vmem_shared>>
      tpu.wait_indirect_dma semaphore(%arg16 : memref<!tpu.dma_semaphore, #tpu.memory_space<semaphore_mem>>) src(%dma_wait3A_419 : memref<128xf32, #tpu.memory_space<vmem>>) dst(%dma_wait3A_424 : memref<10240xf32, #tpu.memory_space<vmem_shared>>)
      %dma_wait3A_425 = arith.constant 6 : i32
      %dma_wait3A_426 = arith.constant 6 : i32
      %dma_wait3A_427 = arith.constant 0 : i32
      %dma_wait3A_428 = tpu.memref_slice %arg17[%dma_wait3A_425, %dma_wait3A_427] : memref<8x128xf32, #tpu.memory_space<vmem>> -> memref<1x128xf32, #tpu.memory_space<vmem>>
      %dma_wait3A_429 = tpu.memref_squeeze %dma_wait3A_428 : memref<1x128xf32, #tpu.memory_space<vmem>> -> memref<128xf32, #tpu.memory_space<vmem>>
      %dma_wait3A_430 = arith.constant 0 : i32
      %dma_wait3A_431 = tpu.memref_slice %arg9[%dma_wait3A_426, %dma_wait3A_430] : memref<8x128xi32, #tpu.memory_space<vmem>> -> memref<1x128xi32, #tpu.memory_space<vmem>>
      %dma_wait3A_432 = tpu.memref_squeeze %dma_wait3A_431 : memref<1x128xi32, #tpu.memory_space<vmem>> -> memref<128xi32, #tpu.memory_space<vmem>>
      %dma_wait3A_433 = arith.constant 0 : i32
      %dma_wait3A_434 = tpu.memref_slice %arg18[%dma_wait3A_433] : memref<10240xf32, #tpu.memory_space<vmem_shared>> -> memref<10240xf32, #tpu.memory_space<vmem_shared>>
      tpu.wait_indirect_dma semaphore(%arg16 : memref<!tpu.dma_semaphore, #tpu.memory_space<semaphore_mem>>) src(%dma_wait3A_429 : memref<128xf32, #tpu.memory_space<vmem>>) dst(%dma_wait3A_434 : memref<10240xf32, #tpu.memory_space<vmem_shared>>)
      %dma_wait3A_435 = arith.constant 7 : i32
      %dma_wait3A_436 = arith.constant 7 : i32
      %dma_wait3A_437 = arith.constant 0 : i32
      %dma_wait3A_438 = tpu.memref_slice %arg17[%dma_wait3A_435, %dma_wait3A_437] : memref<8x128xf32, #tpu.memory_space<vmem>> -> memref<1x128xf32, #tpu.memory_space<vmem>>
      %dma_wait3A_439 = tpu.memref_squeeze %dma_wait3A_438 : memref<1x128xf32, #tpu.memory_space<vmem>> -> memref<128xf32, #tpu.memory_space<vmem>>
      %dma_wait3A_440 = arith.constant 0 : i32
      %dma_wait3A_441 = tpu.memref_slice %arg9[%dma_wait3A_436, %dma_wait3A_440] : memref<8x128xi32, #tpu.memory_space<vmem>> -> memref<1x128xi32, #tpu.memory_space<vmem>>
      %dma_wait3A_442 = tpu.memref_squeeze %dma_wait3A_441 : memref<1x128xi32, #tpu.memory_space<vmem>> -> memref<128xi32, #tpu.memory_space<vmem>>
      %dma_wait3A_443 = arith.constant 0 : i32
      %dma_wait3A_444 = tpu.memref_slice %arg18[%dma_wait3A_443] : memref<10240xf32, #tpu.memory_space<vmem_shared>> -> memref<10240xf32, #tpu.memory_space<vmem_shared>>
      tpu.wait_indirect_dma semaphore(%arg16 : memref<!tpu.dma_semaphore, #tpu.memory_space<semaphore_mem>>) src(%dma_wait3A_439 : memref<128xf32, #tpu.memory_space<vmem>>) dst(%dma_wait3A_444 : memref<10240xf32, #tpu.memory_space<vmem_shared>>)
    }
    %while3A_52 = arith.constant 1 : i32
    scf.for %while3A_59 = %while3A_50 to %while3A_46 step %while3A_52  : i32 {
      %mul3A_60 = arith.constant 8 : i32
      %mul3A_61 = arith.muli %while3A_59, %mul3A_60 : i32
      %add3A_62 = arith.addi %select_n3A, %mul3A_61 : i32
      "tpu.region"() ({
        %run_scoped3A_445 = tpu.sem_alloc : memref<!tpu.dma_semaphore, #tpu.memory_space<semaphore_mem>>
        %dma_start3A_446 = arith.constant 0 : i32
        %dma_start3A_447 = tpu.memref_slice %arg3[%add3A_62, %dma_start3A_446] : memref<2560x128xi32, #tpu.memory_space<hbm>> -> memref<8x128xi32, #tpu.memory_space<hbm>>
        %dma_start3A_448 = arith.constant 0 : i32
        %dma_start3A_449 = tpu.memref_slice %arg3[%add3A_62, %dma_start3A_448] : memref<2560x128xi32, #tpu.memory_space<hbm>> -> memref<8x128xi32, #tpu.memory_space<hbm>>
        tpu.enqueue_dma source(%dma_start3A_449 : memref<8x128xi32, #tpu.memory_space<hbm>>) target(%arg8 : memref<8x128xi32, #tpu.memory_space<vmem>>) target_semaphore(%run_scoped3A_445 : memref<!tpu.dma_semaphore, #tpu.memory_space<semaphore_mem>>)
        %dma_wait3A_450 = arith.constant 0 : i32
        %dma_wait3A_451 = tpu.memref_slice %arg3[%add3A_62, %dma_wait3A_450] : memref<2560x128xi32, #tpu.memory_space<hbm>> -> memref<8x128xi32, #tpu.memory_space<hbm>>
        %dma_wait3A_452 = arith.constant 0 : i32
        %dma_wait3A_453 = tpu.memref_slice %arg3[%add3A_62, %dma_wait3A_452] : memref<2560x128xi32, #tpu.memory_space<hbm>> -> memref<8x128xi32, #tpu.memory_space<hbm>>
        tpu.wait_dma2 semaphore(%run_scoped3A_445 : memref<!tpu.dma_semaphore, #tpu.memory_space<semaphore_mem>>) src(%dma_wait3A_453 : memref<8x128xi32, #tpu.memory_space<hbm>>) dst(%arg8 : memref<8x128xi32, #tpu.memory_space<vmem>>)
        tpu.yield
      }) : () -> ()
      %dma_start3A = arith.constant 0 : i32
      %dma_start3A_63 = arith.constant 0 : i32
      %dma_start3A_64 = tpu.memref_slice %arg8[%dma_start3A, %dma_start3A_63] : memref<8x128xi32, #tpu.memory_space<vmem>> -> memref<1x128xi32, #tpu.memory_space<vmem>>
      %dma_start3A_65 = tpu.memref_squeeze %dma_start3A_64 : memref<1x128xi32, #tpu.memory_space<vmem>> -> memref<128xi32, #tpu.memory_space<vmem>>
      %dma_start3A_66 = arith.constant 0 : i32
      %dma_start3A_67 = arith.constant 0 : i32
      %dma_start3A_68 = tpu.memref_slice %arg2[%dma_start3A_66, %dma_start3A_67] : memref<10240x128xf32, #tpu.memory_space<hbm>> -> memref<10240x128xf32, #tpu.memory_space<hbm>>
      tpu.enqueue_indirect_dma source(%dma_start3A_68 : memref<10240x128xf32, #tpu.memory_space<hbm>>) target(%arg10 : memref<128x128xf32, #tpu.memory_space<vmem>>) offsets(%dma_start3A_65 : memref<128xi32, #tpu.memory_space<vmem>>) semaphore(%arg12 : memref<!tpu.dma_semaphore, #tpu.memory_space<semaphore_mem>>)
      %dma_start3A_69 = arith.constant 1 : i32
      %dma_start3A_70 = arith.constant 0 : i32
      %dma_start3A_71 = tpu.memref_slice %arg8[%dma_start3A_69, %dma_start3A_70] : memref<8x128xi32, #tpu.memory_space<vmem>> -> memref<1x128xi32, #tpu.memory_space<vmem>>
      %dma_start3A_72 = tpu.memref_squeeze %dma_start3A_71 : memref<1x128xi32, #tpu.memory_space<vmem>> -> memref<128xi32, #tpu.memory_space<vmem>>
      %dma_start3A_73 = arith.constant 0 : i32
      %dma_start3A_74 = arith.constant 0 : i32
      %dma_start3A_75 = tpu.memref_slice %arg2[%dma_start3A_73, %dma_start3A_74] : memref<10240x128xf32, #tpu.memory_space<hbm>> -> memref<10240x128xf32, #tpu.memory_space<hbm>>
      tpu.enqueue_indirect_dma source(%dma_start3A_75 : memref<10240x128xf32, #tpu.memory_space<hbm>>) target(%arg11 : memref<128x128xf32, #tpu.memory_space<vmem>>) offsets(%dma_start3A_72 : memref<128xi32, #tpu.memory_space<vmem>>) semaphore(%arg13 : memref<!tpu.dma_semaphore, #tpu.memory_space<semaphore_mem>>)
      "tpu.region"() ({
        %run_scoped3A_445 = tpu.sem_alloc : memref<!tpu.dma_semaphore, #tpu.memory_space<semaphore_mem>>
        %dma_start3A_446 = arith.constant 0 : i32
        %dma_start3A_447 = tpu.memref_slice %arg4[%add3A_62, %dma_start3A_446] : memref<2560x128xi32, #tpu.memory_space<hbm>> -> memref<8x128xi32, #tpu.memory_space<hbm>>
        %dma_start3A_448 = arith.constant 0 : i32
        %dma_start3A_449 = tpu.memref_slice %arg4[%add3A_62, %dma_start3A_448] : memref<2560x128xi32, #tpu.memory_space<hbm>> -> memref<8x128xi32, #tpu.memory_space<hbm>>
        tpu.enqueue_dma source(%dma_start3A_449 : memref<8x128xi32, #tpu.memory_space<hbm>>) target(%arg9 : memref<8x128xi32, #tpu.memory_space<vmem>>) target_semaphore(%run_scoped3A_445 : memref<!tpu.dma_semaphore, #tpu.memory_space<semaphore_mem>>)
        %dma_wait3A_450 = arith.constant 0 : i32
        %dma_wait3A_451 = tpu.memref_slice %arg4[%add3A_62, %dma_wait3A_450] : memref<2560x128xi32, #tpu.memory_space<hbm>> -> memref<8x128xi32, #tpu.memory_space<hbm>>
        %dma_wait3A_452 = arith.constant 0 : i32
        %dma_wait3A_453 = tpu.memref_slice %arg4[%add3A_62, %dma_wait3A_452] : memref<2560x128xi32, #tpu.memory_space<hbm>> -> memref<8x128xi32, #tpu.memory_space<hbm>>
        tpu.wait_dma2 semaphore(%run_scoped3A_445 : memref<!tpu.dma_semaphore, #tpu.memory_space<semaphore_mem>>) src(%dma_wait3A_453 : memref<8x128xi32, #tpu.memory_space<hbm>>) dst(%arg9 : memref<8x128xi32, #tpu.memory_space<vmem>>)
        tpu.yield
      }) : () -> ()
      "tpu.region"() ({
        %run_scoped3A_445 = tpu.sem_alloc : memref<!tpu.dma_semaphore, #tpu.memory_space<semaphore_mem>>
        %dma_start3A_446 = arith.constant 0 : i32
        %dma_start3A_447 = tpu.memref_slice %arg5[%add3A_62, %dma_start3A_446] : memref<2560x128xf32, #tpu.memory_space<hbm>> -> memref<8x128xf32, #tpu.memory_space<hbm>>
        %dma_start3A_448 = arith.constant 0 : i32
        %dma_start3A_449 = tpu.memref_slice %arg5[%add3A_62, %dma_start3A_448] : memref<2560x128xf32, #tpu.memory_space<hbm>> -> memref<8x128xf32, #tpu.memory_space<hbm>>
        tpu.enqueue_dma source(%dma_start3A_449 : memref<8x128xf32, #tpu.memory_space<hbm>>) target(%arg17 : memref<8x128xf32, #tpu.memory_space<vmem>>) target_semaphore(%run_scoped3A_445 : memref<!tpu.dma_semaphore, #tpu.memory_space<semaphore_mem>>)
        %dma_wait3A_450 = arith.constant 0 : i32
        %dma_wait3A_451 = tpu.memref_slice %arg5[%add3A_62, %dma_wait3A_450] : memref<2560x128xf32, #tpu.memory_space<hbm>> -> memref<8x128xf32, #tpu.memory_space<hbm>>
        %dma_wait3A_452 = arith.constant 0 : i32
        %dma_wait3A_453 = tpu.memref_slice %arg5[%add3A_62, %dma_wait3A_452] : memref<2560x128xf32, #tpu.memory_space<hbm>> -> memref<8x128xf32, #tpu.memory_space<hbm>>
        tpu.wait_dma2 semaphore(%run_scoped3A_445 : memref<!tpu.dma_semaphore, #tpu.memory_space<semaphore_mem>>) src(%dma_wait3A_453 : memref<8x128xf32, #tpu.memory_space<hbm>>) dst(%arg17 : memref<8x128xf32, #tpu.memory_space<vmem>>)
        tpu.yield
      }) : () -> ()
      %dma_wait3A = arith.constant 0 : i32
      %dma_wait3A_76 = arith.constant 0 : i32
      %dma_wait3A_77 = tpu.memref_slice %arg8[%dma_wait3A, %dma_wait3A_76] : memref<8x128xi32, #tpu.memory_space<vmem>> -> memref<1x128xi32, #tpu.memory_space<vmem>>
      %dma_wait3A_78 = tpu.memref_squeeze %dma_wait3A_77 : memref<1x128xi32, #tpu.memory_space<vmem>> -> memref<128xi32, #tpu.memory_space<vmem>>
      %dma_wait3A_79 = arith.constant 0 : i32
      %dma_wait3A_80 = arith.constant 0 : i32
      %dma_wait3A_81 = tpu.memref_slice %arg2[%dma_wait3A_79, %dma_wait3A_80] : memref<10240x128xf32, #tpu.memory_space<hbm>> -> memref<10240x128xf32, #tpu.memory_space<hbm>>
      tpu.wait_indirect_dma semaphore(%arg12 : memref<!tpu.dma_semaphore, #tpu.memory_space<semaphore_mem>>) src(%dma_wait3A_81 : memref<10240x128xf32, #tpu.memory_space<hbm>>) dst(%arg10 : memref<128x128xf32, #tpu.memory_space<vmem>>)
      %dma_start3A_82 = arith.constant 0 : i32
      %dma_start3A_83 = arith.constant 0 : i32
      %dma_start3A_84 = tpu.memref_slice %arg9[%dma_start3A_82, %dma_start3A_83] : memref<8x128xi32, #tpu.memory_space<vmem>> -> memref<1x128xi32, #tpu.memory_space<vmem>>
      %dma_start3A_85 = tpu.memref_squeeze %dma_start3A_84 : memref<1x128xi32, #tpu.memory_space<vmem>> -> memref<128xi32, #tpu.memory_space<vmem>>
      %dma_start3A_86 = arith.constant 0 : i32
      %dma_start3A_87 = arith.constant 0 : i32
      %dma_start3A_88 = tpu.memref_slice %arg19[%dma_start3A_86, %dma_start3A_87] : memref<10240x128xf32, #tpu.memory_space<vmem_shared>> -> memref<10240x128xf32, #tpu.memory_space<vmem_shared>>
      tpu.enqueue_indirect_dma source(%arg10 : memref<128x128xf32, #tpu.memory_space<vmem>>) target(%dma_start3A_88 : memref<10240x128xf32, #tpu.memory_space<vmem_shared>>) offsets(%dma_start3A_85 : memref<128xi32, #tpu.memory_space<vmem>>) semaphore(%arg14 : memref<!tpu.dma_semaphore, #tpu.memory_space<semaphore_mem>>) {add = true}
      %dma_start3A_89 = arith.constant 0 : i32
      %dma_start3A_90 = arith.constant 0 : i32
      %dma_start3A_91 = arith.constant 0 : i32
      %dma_start3A_92 = tpu.memref_slice %arg17[%dma_start3A_89, %dma_start3A_91] : memref<8x128xf32, #tpu.memory_space<vmem>> -> memref<1x128xf32, #tpu.memory_space<vmem>>
      %dma_start3A_93 = tpu.memref_squeeze %dma_start3A_92 : memref<1x128xf32, #tpu.memory_space<vmem>> -> memref<128xf32, #tpu.memory_space<vmem>>
      %dma_start3A_94 = arith.constant 0 : i32
      %dma_start3A_95 = tpu.memref_slice %arg9[%dma_start3A_90, %dma_start3A_94] : memref<8x128xi32, #tpu.memory_space<vmem>> -> memref<1x128xi32, #tpu.memory_space<vmem>>
      %dma_start3A_96 = tpu.memref_squeeze %dma_start3A_95 : memref<1x128xi32, #tpu.memory_space<vmem>> -> memref<128xi32, #tpu.memory_space<vmem>>
      %dma_start3A_97 = arith.constant 0 : i32
      %dma_start3A_98 = tpu.memref_slice %arg18[%dma_start3A_97] : memref<10240xf32, #tpu.memory_space<vmem_shared>> -> memref<10240xf32, #tpu.memory_space<vmem_shared>>
      tpu.enqueue_indirect_dma source(%dma_start3A_93 : memref<128xf32, #tpu.memory_space<vmem>>) target(%dma_start3A_98 : memref<10240xf32, #tpu.memory_space<vmem_shared>>) offsets(%dma_start3A_96 : memref<128xi32, #tpu.memory_space<vmem>>) semaphore(%arg16 : memref<!tpu.dma_semaphore, #tpu.memory_space<semaphore_mem>>) {add = true}
      %dma_wait3A_99 = arith.constant 0 : i32
      %dma_wait3A_100 = arith.constant 0 : i32
      %dma_wait3A_101 = tpu.memref_slice %arg9[%dma_wait3A_99, %dma_wait3A_100] : memref<8x128xi32, #tpu.memory_space<vmem>> -> memref<1x128xi32, #tpu.memory_space<vmem>>
      %dma_wait3A_102 = tpu.memref_squeeze %dma_wait3A_101 : memref<1x128xi32, #tpu.memory_space<vmem>> -> memref<128xi32, #tpu.memory_space<vmem>>
      %dma_wait3A_103 = arith.constant 0 : i32
      %dma_wait3A_104 = arith.constant 0 : i32
      %dma_wait3A_105 = tpu.memref_slice %arg19[%dma_wait3A_103, %dma_wait3A_104] : memref<10240x128xf32, #tpu.memory_space<vmem_shared>> -> memref<10240x128xf32, #tpu.memory_space<vmem_shared>>
      tpu.wait_indirect_dma semaphore(%arg14 : memref<!tpu.dma_semaphore, #tpu.memory_space<semaphore_mem>>) src(%arg10 : memref<128x128xf32, #tpu.memory_space<vmem>>) dst(%dma_wait3A_105 : memref<10240x128xf32, #tpu.memory_space<vmem_shared>>)
      %dma_start3A_106 = arith.constant 2 : i32
      %dma_start3A_107 = arith.constant 0 : i32
      %dma_start3A_108 = tpu.memref_slice %arg8[%dma_start3A_106, %dma_start3A_107] : memref<8x128xi32, #tpu.memory_space<vmem>> -> memref<1x128xi32, #tpu.memory_space<vmem>>
      %dma_start3A_109 = tpu.memref_squeeze %dma_start3A_108 : memref<1x128xi32, #tpu.memory_space<vmem>> -> memref<128xi32, #tpu.memory_space<vmem>>
      %dma_start3A_110 = arith.constant 0 : i32
      %dma_start3A_111 = arith.constant 0 : i32
      %dma_start3A_112 = tpu.memref_slice %arg2[%dma_start3A_110, %dma_start3A_111] : memref<10240x128xf32, #tpu.memory_space<hbm>> -> memref<10240x128xf32, #tpu.memory_space<hbm>>
      tpu.enqueue_indirect_dma source(%dma_start3A_112 : memref<10240x128xf32, #tpu.memory_space<hbm>>) target(%arg10 : memref<128x128xf32, #tpu.memory_space<vmem>>) offsets(%dma_start3A_109 : memref<128xi32, #tpu.memory_space<vmem>>) semaphore(%arg12 : memref<!tpu.dma_semaphore, #tpu.memory_space<semaphore_mem>>)
      %dma_wait3A_113 = arith.constant 1 : i32
      %dma_wait3A_114 = arith.constant 0 : i32
      %dma_wait3A_115 = tpu.memref_slice %arg8[%dma_wait3A_113, %dma_wait3A_114] : memref<8x128xi32, #tpu.memory_space<vmem>> -> memref<1x128xi32, #tpu.memory_space<vmem>>
      %dma_wait3A_116 = tpu.memref_squeeze %dma_wait3A_115 : memref<1x128xi32, #tpu.memory_space<vmem>> -> memref<128xi32, #tpu.memory_space<vmem>>
      %dma_wait3A_117 = arith.constant 0 : i32
      %dma_wait3A_118 = arith.constant 0 : i32
      %dma_wait3A_119 = tpu.memref_slice %arg2[%dma_wait3A_117, %dma_wait3A_118] : memref<10240x128xf32, #tpu.memory_space<hbm>> -> memref<10240x128xf32, #tpu.memory_space<hbm>>
      tpu.wait_indirect_dma semaphore(%arg13 : memref<!tpu.dma_semaphore, #tpu.memory_space<semaphore_mem>>) src(%dma_wait3A_119 : memref<10240x128xf32, #tpu.memory_space<hbm>>) dst(%arg11 : memref<128x128xf32, #tpu.memory_space<vmem>>)
      %dma_start3A_120 = arith.constant 1 : i32
      %dma_start3A_121 = arith.constant 0 : i32
      %dma_start3A_122 = tpu.memref_slice %arg9[%dma_start3A_120, %dma_start3A_121] : memref<8x128xi32, #tpu.memory_space<vmem>> -> memref<1x128xi32, #tpu.memory_space<vmem>>
      %dma_start3A_123 = tpu.memref_squeeze %dma_start3A_122 : memref<1x128xi32, #tpu.memory_space<vmem>> -> memref<128xi32, #tpu.memory_space<vmem>>
      %dma_start3A_124 = arith.constant 0 : i32
      %dma_start3A_125 = arith.constant 0 : i32
      %dma_start3A_126 = tpu.memref_slice %arg19[%dma_start3A_124, %dma_start3A_125] : memref<10240x128xf32, #tpu.memory_space<vmem_shared>> -> memref<10240x128xf32, #tpu.memory_space<vmem_shared>>
      tpu.enqueue_indirect_dma source(%arg11 : memref<128x128xf32, #tpu.memory_space<vmem>>) target(%dma_start3A_126 : memref<10240x128xf32, #tpu.memory_space<vmem_shared>>) offsets(%dma_start3A_123 : memref<128xi32, #tpu.memory_space<vmem>>) semaphore(%arg15 : memref<!tpu.dma_semaphore, #tpu.memory_space<semaphore_mem>>) {add = true}
      %dma_start3A_127 = arith.constant 1 : i32
      %dma_start3A_128 = arith.constant 1 : i32
      %dma_start3A_129 = arith.constant 0 : i32
      %dma_start3A_130 = tpu.memref_slice %arg17[%dma_start3A_127, %dma_start3A_129] : memref<8x128xf32, #tpu.memory_space<vmem>> -> memref<1x128xf32, #tpu.memory_space<vmem>>
      %dma_start3A_131 = tpu.memref_squeeze %dma_start3A_130 : memref<1x128xf32, #tpu.memory_space<vmem>> -> memref<128xf32, #tpu.memory_space<vmem>>
      %dma_start3A_132 = arith.constant 0 : i32
      %dma_start3A_133 = tpu.memref_slice %arg9[%dma_start3A_128, %dma_start3A_132] : memref<8x128xi32, #tpu.memory_space<vmem>> -> memref<1x128xi32, #tpu.memory_space<vmem>>
      %dma_start3A_134 = tpu.memref_squeeze %dma_start3A_133 : memref<1x128xi32, #tpu.memory_space<vmem>> -> memref<128xi32, #tpu.memory_space<vmem>>
      %dma_start3A_135 = arith.constant 0 : i32
      %dma_start3A_136 = tpu.memref_slice %arg18[%dma_start3A_135] : memref<10240xf32, #tpu.memory_space<vmem_shared>> -> memref<10240xf32, #tpu.memory_space<vmem_shared>>
      tpu.enqueue_indirect_dma source(%dma_start3A_131 : memref<128xf32, #tpu.memory_space<vmem>>) target(%dma_start3A_136 : memref<10240xf32, #tpu.memory_space<vmem_shared>>) offsets(%dma_start3A_134 : memref<128xi32, #tpu.memory_space<vmem>>) semaphore(%arg16 : memref<!tpu.dma_semaphore, #tpu.memory_space<semaphore_mem>>) {add = true}
      %dma_wait3A_137 = arith.constant 1 : i32
      %dma_wait3A_138 = arith.constant 0 : i32
      %dma_wait3A_139 = tpu.memref_slice %arg9[%dma_wait3A_137, %dma_wait3A_138] : memref<8x128xi32, #tpu.memory_space<vmem>> -> memref<1x128xi32, #tpu.memory_space<vmem>>
      %dma_wait3A_140 = tpu.memref_squeeze %dma_wait3A_139 : memref<1x128xi32, #tpu.memory_space<vmem>> -> memref<128xi32, #tpu.memory_space<vmem>>
      %dma_wait3A_141 = arith.constant 0 : i32
      %dma_wait3A_142 = arith.constant 0 : i32
      %dma_wait3A_143 = tpu.memref_slice %arg19[%dma_wait3A_141, %dma_wait3A_142] : memref<10240x128xf32, #tpu.memory_space<vmem_shared>> -> memref<10240x128xf32, #tpu.memory_space<vmem_shared>>
      tpu.wait_indirect_dma semaphore(%arg15 : memref<!tpu.dma_semaphore, #tpu.memory_space<semaphore_mem>>) src(%arg11 : memref<128x128xf32, #tpu.memory_space<vmem>>) dst(%dma_wait3A_143 : memref<10240x128xf32, #tpu.memory_space<vmem_shared>>)
      %dma_start3A_144 = arith.constant 3 : i32
      %dma_start3A_145 = arith.constant 0 : i32
      %dma_start3A_146 = tpu.memref_slice %arg8[%dma_start3A_144, %dma_start3A_145] : memref<8x128xi32, #tpu.memory_space<vmem>> -> memref<1x128xi32, #tpu.memory_space<vmem>>
      %dma_start3A_147 = tpu.memref_squeeze %dma_start3A_146 : memref<1x128xi32, #tpu.memory_space<vmem>> -> memref<128xi32, #tpu.memory_space<vmem>>
      %dma_start3A_148 = arith.constant 0 : i32
      %dma_start3A_149 = arith.constant 0 : i32
      %dma_start3A_150 = tpu.memref_slice %arg2[%dma_start3A_148, %dma_start3A_149] : memref<10240x128xf32, #tpu.memory_space<hbm>> -> memref<10240x128xf32, #tpu.memory_space<hbm>>
      tpu.enqueue_indirect_dma source(%dma_start3A_150 : memref<10240x128xf32, #tpu.memory_space<hbm>>) target(%arg11 : memref<128x128xf32, #tpu.memory_space<vmem>>) offsets(%dma_start3A_147 : memref<128xi32, #tpu.memory_space<vmem>>) semaphore(%arg13 : memref<!tpu.dma_semaphore, #tpu.memory_space<semaphore_mem>>)
      %dma_wait3A_151 = arith.constant 2 : i32
      %dma_wait3A_152 = arith.constant 0 : i32
      %dma_wait3A_153 = tpu.memref_slice %arg8[%dma_wait3A_151, %dma_wait3A_152] : memref<8x128xi32, #tpu.memory_space<vmem>> -> memref<1x128xi32, #tpu.memory_space<vmem>>
      %dma_wait3A_154 = tpu.memref_squeeze %dma_wait3A_153 : memref<1x128xi32, #tpu.memory_space<vmem>> -> memref<128xi32, #tpu.memory_space<vmem>>
      %dma_wait3A_155 = arith.constant 0 : i32
      %dma_wait3A_156 = arith.constant 0 : i32
      %dma_wait3A_157 = tpu.memref_slice %arg2[%dma_wait3A_155, %dma_wait3A_156] : memref<10240x128xf32, #tpu.memory_space<hbm>> -> memref<10240x128xf32, #tpu.memory_space<hbm>>
      tpu.wait_indirect_dma semaphore(%arg12 : memref<!tpu.dma_semaphore, #tpu.memory_space<semaphore_mem>>) src(%dma_wait3A_157 : memref<10240x128xf32, #tpu.memory_space<hbm>>) dst(%arg10 : memref<128x128xf32, #tpu.memory_space<vmem>>)
      %dma_start3A_158 = arith.constant 2 : i32
      %dma_start3A_159 = arith.constant 0 : i32
      %dma_start3A_160 = tpu.memref_slice %arg9[%dma_start3A_158, %dma_start3A_159] : memref<8x128xi32, #tpu.memory_space<vmem>> -> memref<1x128xi32, #tpu.memory_space<vmem>>
      %dma_start3A_161 = tpu.memref_squeeze %dma_start3A_160 : memref<1x128xi32, #tpu.memory_space<vmem>> -> memref<128xi32, #tpu.memory_space<vmem>>
      %dma_start3A_162 = arith.constant 0 : i32
      %dma_start3A_163 = arith.constant 0 : i32
      %dma_start3A_164 = tpu.memref_slice %arg19[%dma_start3A_162, %dma_start3A_163] : memref<10240x128xf32, #tpu.memory_space<vmem_shared>> -> memref<10240x128xf32, #tpu.memory_space<vmem_shared>>
      tpu.enqueue_indirect_dma source(%arg10 : memref<128x128xf32, #tpu.memory_space<vmem>>) target(%dma_start3A_164 : memref<10240x128xf32, #tpu.memory_space<vmem_shared>>) offsets(%dma_start3A_161 : memref<128xi32, #tpu.memory_space<vmem>>) semaphore(%arg14 : memref<!tpu.dma_semaphore, #tpu.memory_space<semaphore_mem>>) {add = true}
      %dma_start3A_165 = arith.constant 2 : i32
      %dma_start3A_166 = arith.constant 2 : i32
      %dma_start3A_167 = arith.constant 0 : i32
      %dma_start3A_168 = tpu.memref_slice %arg17[%dma_start3A_165, %dma_start3A_167] : memref<8x128xf32, #tpu.memory_space<vmem>> -> memref<1x128xf32, #tpu.memory_space<vmem>>
      %dma_start3A_169 = tpu.memref_squeeze %dma_start3A_168 : memref<1x128xf32, #tpu.memory_space<vmem>> -> memref<128xf32, #tpu.memory_space<vmem>>
      %dma_start3A_170 = arith.constant 0 : i32
      %dma_start3A_171 = tpu.memref_slice %arg9[%dma_start3A_166, %dma_start3A_170] : memref<8x128xi32, #tpu.memory_space<vmem>> -> memref<1x128xi32, #tpu.memory_space<vmem>>
      %dma_start3A_172 = tpu.memref_squeeze %dma_start3A_171 : memref<1x128xi32, #tpu.memory_space<vmem>> -> memref<128xi32, #tpu.memory_space<vmem>>
      %dma_start3A_173 = arith.constant 0 : i32
      %dma_start3A_174 = tpu.memref_slice %arg18[%dma_start3A_173] : memref<10240xf32, #tpu.memory_space<vmem_shared>> -> memref<10240xf32, #tpu.memory_space<vmem_shared>>
      tpu.enqueue_indirect_dma source(%dma_start3A_169 : memref<128xf32, #tpu.memory_space<vmem>>) target(%dma_start3A_174 : memref<10240xf32, #tpu.memory_space<vmem_shared>>) offsets(%dma_start3A_172 : memref<128xi32, #tpu.memory_space<vmem>>) semaphore(%arg16 : memref<!tpu.dma_semaphore, #tpu.memory_space<semaphore_mem>>) {add = true}
      %dma_wait3A_175 = arith.constant 2 : i32
      %dma_wait3A_176 = arith.constant 0 : i32
      %dma_wait3A_177 = tpu.memref_slice %arg9[%dma_wait3A_175, %dma_wait3A_176] : memref<8x128xi32, #tpu.memory_space<vmem>> -> memref<1x128xi32, #tpu.memory_space<vmem>>
      %dma_wait3A_178 = tpu.memref_squeeze %dma_wait3A_177 : memref<1x128xi32, #tpu.memory_space<vmem>> -> memref<128xi32, #tpu.memory_space<vmem>>
      %dma_wait3A_179 = arith.constant 0 : i32
      %dma_wait3A_180 = arith.constant 0 : i32
      %dma_wait3A_181 = tpu.memref_slice %arg19[%dma_wait3A_179, %dma_wait3A_180] : memref<10240x128xf32, #tpu.memory_space<vmem_shared>> -> memref<10240x128xf32, #tpu.memory_space<vmem_shared>>
      tpu.wait_indirect_dma semaphore(%arg14 : memref<!tpu.dma_semaphore, #tpu.memory_space<semaphore_mem>>) src(%arg10 : memref<128x128xf32, #tpu.memory_space<vmem>>) dst(%dma_wait3A_181 : memref<10240x128xf32, #tpu.memory_space<vmem_shared>>)
      %dma_start3A_182 = arith.constant 4 : i32
      %dma_start3A_183 = arith.constant 0 : i32
      %dma_start3A_184 = tpu.memref_slice %arg8[%dma_start3A_182, %dma_start3A_183] : memref<8x128xi32, #tpu.memory_space<vmem>> -> memref<1x128xi32, #tpu.memory_space<vmem>>
      %dma_start3A_185 = tpu.memref_squeeze %dma_start3A_184 : memref<1x128xi32, #tpu.memory_space<vmem>> -> memref<128xi32, #tpu.memory_space<vmem>>
      %dma_start3A_186 = arith.constant 0 : i32
      %dma_start3A_187 = arith.constant 0 : i32
      %dma_start3A_188 = tpu.memref_slice %arg2[%dma_start3A_186, %dma_start3A_187] : memref<10240x128xf32, #tpu.memory_space<hbm>> -> memref<10240x128xf32, #tpu.memory_space<hbm>>
      tpu.enqueue_indirect_dma source(%dma_start3A_188 : memref<10240x128xf32, #tpu.memory_space<hbm>>) target(%arg10 : memref<128x128xf32, #tpu.memory_space<vmem>>) offsets(%dma_start3A_185 : memref<128xi32, #tpu.memory_space<vmem>>) semaphore(%arg12 : memref<!tpu.dma_semaphore, #tpu.memory_space<semaphore_mem>>)
      %dma_wait3A_189 = arith.constant 3 : i32
      %dma_wait3A_190 = arith.constant 0 : i32
      %dma_wait3A_191 = tpu.memref_slice %arg8[%dma_wait3A_189, %dma_wait3A_190] : memref<8x128xi32, #tpu.memory_space<vmem>> -> memref<1x128xi32, #tpu.memory_space<vmem>>
      %dma_wait3A_192 = tpu.memref_squeeze %dma_wait3A_191 : memref<1x128xi32, #tpu.memory_space<vmem>> -> memref<128xi32, #tpu.memory_space<vmem>>
      %dma_wait3A_193 = arith.constant 0 : i32
      %dma_wait3A_194 = arith.constant 0 : i32
      %dma_wait3A_195 = tpu.memref_slice %arg2[%dma_wait3A_193, %dma_wait3A_194] : memref<10240x128xf32, #tpu.memory_space<hbm>> -> memref<10240x128xf32, #tpu.memory_space<hbm>>
      tpu.wait_indirect_dma semaphore(%arg13 : memref<!tpu.dma_semaphore, #tpu.memory_space<semaphore_mem>>) src(%dma_wait3A_195 : memref<10240x128xf32, #tpu.memory_space<hbm>>) dst(%arg11 : memref<128x128xf32, #tpu.memory_space<vmem>>)
      %dma_start3A_196 = arith.constant 3 : i32
      %dma_start3A_197 = arith.constant 0 : i32
      %dma_start3A_198 = tpu.memref_slice %arg9[%dma_start3A_196, %dma_start3A_197] : memref<8x128xi32, #tpu.memory_space<vmem>> -> memref<1x128xi32, #tpu.memory_space<vmem>>
      %dma_start3A_199 = tpu.memref_squeeze %dma_start3A_198 : memref<1x128xi32, #tpu.memory_space<vmem>> -> memref<128xi32, #tpu.memory_space<vmem>>
      %dma_start3A_200 = arith.constant 0 : i32
      %dma_start3A_201 = arith.constant 0 : i32
      %dma_start3A_202 = tpu.memref_slice %arg19[%dma_start3A_200, %dma_start3A_201] : memref<10240x128xf32, #tpu.memory_space<vmem_shared>> -> memref<10240x128xf32, #tpu.memory_space<vmem_shared>>
      tpu.enqueue_indirect_dma source(%arg11 : memref<128x128xf32, #tpu.memory_space<vmem>>) target(%dma_start3A_202 : memref<10240x128xf32, #tpu.memory_space<vmem_shared>>) offsets(%dma_start3A_199 : memref<128xi32, #tpu.memory_space<vmem>>) semaphore(%arg15 : memref<!tpu.dma_semaphore, #tpu.memory_space<semaphore_mem>>) {add = true}
      %dma_start3A_203 = arith.constant 3 : i32
      %dma_start3A_204 = arith.constant 3 : i32
      %dma_start3A_205 = arith.constant 0 : i32
      %dma_start3A_206 = tpu.memref_slice %arg17[%dma_start3A_203, %dma_start3A_205] : memref<8x128xf32, #tpu.memory_space<vmem>> -> memref<1x128xf32, #tpu.memory_space<vmem>>
      %dma_start3A_207 = tpu.memref_squeeze %dma_start3A_206 : memref<1x128xf32, #tpu.memory_space<vmem>> -> memref<128xf32, #tpu.memory_space<vmem>>
      %dma_start3A_208 = arith.constant 0 : i32
      %dma_start3A_209 = tpu.memref_slice %arg9[%dma_start3A_204, %dma_start3A_208] : memref<8x128xi32, #tpu.memory_space<vmem>> -> memref<1x128xi32, #tpu.memory_space<vmem>>
      %dma_start3A_210 = tpu.memref_squeeze %dma_start3A_209 : memref<1x128xi32, #tpu.memory_space<vmem>> -> memref<128xi32, #tpu.memory_space<vmem>>
      %dma_start3A_211 = arith.constant 0 : i32
      %dma_start3A_212 = tpu.memref_slice %arg18[%dma_start3A_211] : memref<10240xf32, #tpu.memory_space<vmem_shared>> -> memref<10240xf32, #tpu.memory_space<vmem_shared>>
      tpu.enqueue_indirect_dma source(%dma_start3A_207 : memref<128xf32, #tpu.memory_space<vmem>>) target(%dma_start3A_212 : memref<10240xf32, #tpu.memory_space<vmem_shared>>) offsets(%dma_start3A_210 : memref<128xi32, #tpu.memory_space<vmem>>) semaphore(%arg16 : memref<!tpu.dma_semaphore, #tpu.memory_space<semaphore_mem>>) {add = true}
      %dma_wait3A_213 = arith.constant 3 : i32
      %dma_wait3A_214 = arith.constant 0 : i32
      %dma_wait3A_215 = tpu.memref_slice %arg9[%dma_wait3A_213, %dma_wait3A_214] : memref<8x128xi32, #tpu.memory_space<vmem>> -> memref<1x128xi32, #tpu.memory_space<vmem>>
      %dma_wait3A_216 = tpu.memref_squeeze %dma_wait3A_215 : memref<1x128xi32, #tpu.memory_space<vmem>> -> memref<128xi32, #tpu.memory_space<vmem>>
      %dma_wait3A_217 = arith.constant 0 : i32
      %dma_wait3A_218 = arith.constant 0 : i32
      %dma_wait3A_219 = tpu.memref_slice %arg19[%dma_wait3A_217, %dma_wait3A_218] : memref<10240x128xf32, #tpu.memory_space<vmem_shared>> -> memref<10240x128xf32, #tpu.memory_space<vmem_shared>>
      tpu.wait_indirect_dma semaphore(%arg15 : memref<!tpu.dma_semaphore, #tpu.memory_space<semaphore_mem>>) src(%arg11 : memref<128x128xf32, #tpu.memory_space<vmem>>) dst(%dma_wait3A_219 : memref<10240x128xf32, #tpu.memory_space<vmem_shared>>)
      %dma_start3A_220 = arith.constant 5 : i32
      %dma_start3A_221 = arith.constant 0 : i32
      %dma_start3A_222 = tpu.memref_slice %arg8[%dma_start3A_220, %dma_start3A_221] : memref<8x128xi32, #tpu.memory_space<vmem>> -> memref<1x128xi32, #tpu.memory_space<vmem>>
      %dma_start3A_223 = tpu.memref_squeeze %dma_start3A_222 : memref<1x128xi32, #tpu.memory_space<vmem>> -> memref<128xi32, #tpu.memory_space<vmem>>
      %dma_start3A_224 = arith.constant 0 : i32
      %dma_start3A_225 = arith.constant 0 : i32
      %dma_start3A_226 = tpu.memref_slice %arg2[%dma_start3A_224, %dma_start3A_225] : memref<10240x128xf32, #tpu.memory_space<hbm>> -> memref<10240x128xf32, #tpu.memory_space<hbm>>
      tpu.enqueue_indirect_dma source(%dma_start3A_226 : memref<10240x128xf32, #tpu.memory_space<hbm>>) target(%arg11 : memref<128x128xf32, #tpu.memory_space<vmem>>) offsets(%dma_start3A_223 : memref<128xi32, #tpu.memory_space<vmem>>) semaphore(%arg13 : memref<!tpu.dma_semaphore, #tpu.memory_space<semaphore_mem>>)
      %dma_wait3A_227 = arith.constant 4 : i32
      %dma_wait3A_228 = arith.constant 0 : i32
      %dma_wait3A_229 = tpu.memref_slice %arg8[%dma_wait3A_227, %dma_wait3A_228] : memref<8x128xi32, #tpu.memory_space<vmem>> -> memref<1x128xi32, #tpu.memory_space<vmem>>
      %dma_wait3A_230 = tpu.memref_squeeze %dma_wait3A_229 : memref<1x128xi32, #tpu.memory_space<vmem>> -> memref<128xi32, #tpu.memory_space<vmem>>
      %dma_wait3A_231 = arith.constant 0 : i32
      %dma_wait3A_232 = arith.constant 0 : i32
      %dma_wait3A_233 = tpu.memref_slice %arg2[%dma_wait3A_231, %dma_wait3A_232] : memref<10240x128xf32, #tpu.memory_space<hbm>> -> memref<10240x128xf32, #tpu.memory_space<hbm>>
      tpu.wait_indirect_dma semaphore(%arg12 : memref<!tpu.dma_semaphore, #tpu.memory_space<semaphore_mem>>) src(%dma_wait3A_233 : memref<10240x128xf32, #tpu.memory_space<hbm>>) dst(%arg10 : memref<128x128xf32, #tpu.memory_space<vmem>>)
      %dma_start3A_234 = arith.constant 4 : i32
      %dma_start3A_235 = arith.constant 0 : i32
      %dma_start3A_236 = tpu.memref_slice %arg9[%dma_start3A_234, %dma_start3A_235] : memref<8x128xi32, #tpu.memory_space<vmem>> -> memref<1x128xi32, #tpu.memory_space<vmem>>
      %dma_start3A_237 = tpu.memref_squeeze %dma_start3A_236 : memref<1x128xi32, #tpu.memory_space<vmem>> -> memref<128xi32, #tpu.memory_space<vmem>>
      %dma_start3A_238 = arith.constant 0 : i32
      %dma_start3A_239 = arith.constant 0 : i32
      %dma_start3A_240 = tpu.memref_slice %arg19[%dma_start3A_238, %dma_start3A_239] : memref<10240x128xf32, #tpu.memory_space<vmem_shared>> -> memref<10240x128xf32, #tpu.memory_space<vmem_shared>>
      tpu.enqueue_indirect_dma source(%arg10 : memref<128x128xf32, #tpu.memory_space<vmem>>) target(%dma_start3A_240 : memref<10240x128xf32, #tpu.memory_space<vmem_shared>>) offsets(%dma_start3A_237 : memref<128xi32, #tpu.memory_space<vmem>>) semaphore(%arg14 : memref<!tpu.dma_semaphore, #tpu.memory_space<semaphore_mem>>) {add = true}
      %dma_start3A_241 = arith.constant 4 : i32
      %dma_start3A_242 = arith.constant 4 : i32
      %dma_start3A_243 = arith.constant 0 : i32
      %dma_start3A_244 = tpu.memref_slice %arg17[%dma_start3A_241, %dma_start3A_243] : memref<8x128xf32, #tpu.memory_space<vmem>> -> memref<1x128xf32, #tpu.memory_space<vmem>>
      %dma_start3A_245 = tpu.memref_squeeze %dma_start3A_244 : memref<1x128xf32, #tpu.memory_space<vmem>> -> memref<128xf32, #tpu.memory_space<vmem>>
      %dma_start3A_246 = arith.constant 0 : i32
      %dma_start3A_247 = tpu.memref_slice %arg9[%dma_start3A_242, %dma_start3A_246] : memref<8x128xi32, #tpu.memory_space<vmem>> -> memref<1x128xi32, #tpu.memory_space<vmem>>
      %dma_start3A_248 = tpu.memref_squeeze %dma_start3A_247 : memref<1x128xi32, #tpu.memory_space<vmem>> -> memref<128xi32, #tpu.memory_space<vmem>>
      %dma_start3A_249 = arith.constant 0 : i32
      %dma_start3A_250 = tpu.memref_slice %arg18[%dma_start3A_249] : memref<10240xf32, #tpu.memory_space<vmem_shared>> -> memref<10240xf32, #tpu.memory_space<vmem_shared>>
      tpu.enqueue_indirect_dma source(%dma_start3A_245 : memref<128xf32, #tpu.memory_space<vmem>>) target(%dma_start3A_250 : memref<10240xf32, #tpu.memory_space<vmem_shared>>) offsets(%dma_start3A_248 : memref<128xi32, #tpu.memory_space<vmem>>) semaphore(%arg16 : memref<!tpu.dma_semaphore, #tpu.memory_space<semaphore_mem>>) {add = true}
      %dma_wait3A_251 = arith.constant 4 : i32
      %dma_wait3A_252 = arith.constant 0 : i32
      %dma_wait3A_253 = tpu.memref_slice %arg9[%dma_wait3A_251, %dma_wait3A_252] : memref<8x128xi32, #tpu.memory_space<vmem>> -> memref<1x128xi32, #tpu.memory_space<vmem>>
      %dma_wait3A_254 = tpu.memref_squeeze %dma_wait3A_253 : memref<1x128xi32, #tpu.memory_space<vmem>> -> memref<128xi32, #tpu.memory_space<vmem>>
      %dma_wait3A_255 = arith.constant 0 : i32
      %dma_wait3A_256 = arith.constant 0 : i32
      %dma_wait3A_257 = tpu.memref_slice %arg19[%dma_wait3A_255, %dma_wait3A_256] : memref<10240x128xf32, #tpu.memory_space<vmem_shared>> -> memref<10240x128xf32, #tpu.memory_space<vmem_shared>>
      tpu.wait_indirect_dma semaphore(%arg14 : memref<!tpu.dma_semaphore, #tpu.memory_space<semaphore_mem>>) src(%arg10 : memref<128x128xf32, #tpu.memory_space<vmem>>) dst(%dma_wait3A_257 : memref<10240x128xf32, #tpu.memory_space<vmem_shared>>)
      %dma_start3A_258 = arith.constant 6 : i32
      %dma_start3A_259 = arith.constant 0 : i32
      %dma_start3A_260 = tpu.memref_slice %arg8[%dma_start3A_258, %dma_start3A_259] : memref<8x128xi32, #tpu.memory_space<vmem>> -> memref<1x128xi32, #tpu.memory_space<vmem>>
      %dma_start3A_261 = tpu.memref_squeeze %dma_start3A_260 : memref<1x128xi32, #tpu.memory_space<vmem>> -> memref<128xi32, #tpu.memory_space<vmem>>
      %dma_start3A_262 = arith.constant 0 : i32
      %dma_start3A_263 = arith.constant 0 : i32
      %dma_start3A_264 = tpu.memref_slice %arg2[%dma_start3A_262, %dma_start3A_263] : memref<10240x128xf32, #tpu.memory_space<hbm>> -> memref<10240x128xf32, #tpu.memory_space<hbm>>
      tpu.enqueue_indirect_dma source(%dma_start3A_264 : memref<10240x128xf32, #tpu.memory_space<hbm>>) target(%arg10 : memref<128x128xf32, #tpu.memory_space<vmem>>) offsets(%dma_start3A_261 : memref<128xi32, #tpu.memory_space<vmem>>) semaphore(%arg12 : memref<!tpu.dma_semaphore, #tpu.memory_space<semaphore_mem>>)
      %dma_wait3A_265 = arith.constant 5 : i32
      %dma_wait3A_266 = arith.constant 0 : i32
      %dma_wait3A_267 = tpu.memref_slice %arg8[%dma_wait3A_265, %dma_wait3A_266] : memref<8x128xi32, #tpu.memory_space<vmem>> -> memref<1x128xi32, #tpu.memory_space<vmem>>
      %dma_wait3A_268 = tpu.memref_squeeze %dma_wait3A_267 : memref<1x128xi32, #tpu.memory_space<vmem>> -> memref<128xi32, #tpu.memory_space<vmem>>
      %dma_wait3A_269 = arith.constant 0 : i32
      %dma_wait3A_270 = arith.constant 0 : i32
      %dma_wait3A_271 = tpu.memref_slice %arg2[%dma_wait3A_269, %dma_wait3A_270] : memref<10240x128xf32, #tpu.memory_space<hbm>> -> memref<10240x128xf32, #tpu.memory_space<hbm>>
      tpu.wait_indirect_dma semaphore(%arg13 : memref<!tpu.dma_semaphore, #tpu.memory_space<semaphore_mem>>) src(%dma_wait3A_271 : memref<10240x128xf32, #tpu.memory_space<hbm>>) dst(%arg11 : memref<128x128xf32, #tpu.memory_space<vmem>>)
      %dma_start3A_272 = arith.constant 5 : i32
      %dma_start3A_273 = arith.constant 0 : i32
      %dma_start3A_274 = tpu.memref_slice %arg9[%dma_start3A_272, %dma_start3A_273] : memref<8x128xi32, #tpu.memory_space<vmem>> -> memref<1x128xi32, #tpu.memory_space<vmem>>
      %dma_start3A_275 = tpu.memref_squeeze %dma_start3A_274 : memref<1x128xi32, #tpu.memory_space<vmem>> -> memref<128xi32, #tpu.memory_space<vmem>>
      %dma_start3A_276 = arith.constant 0 : i32
      %dma_start3A_277 = arith.constant 0 : i32
      %dma_start3A_278 = tpu.memref_slice %arg19[%dma_start3A_276, %dma_start3A_277] : memref<10240x128xf32, #tpu.memory_space<vmem_shared>> -> memref<10240x128xf32, #tpu.memory_space<vmem_shared>>
      tpu.enqueue_indirect_dma source(%arg11 : memref<128x128xf32, #tpu.memory_space<vmem>>) target(%dma_start3A_278 : memref<10240x128xf32, #tpu.memory_space<vmem_shared>>) offsets(%dma_start3A_275 : memref<128xi32, #tpu.memory_space<vmem>>) semaphore(%arg15 : memref<!tpu.dma_semaphore, #tpu.memory_space<semaphore_mem>>) {add = true}
      %dma_start3A_279 = arith.constant 5 : i32
      %dma_start3A_280 = arith.constant 5 : i32
      %dma_start3A_281 = arith.constant 0 : i32
      %dma_start3A_282 = tpu.memref_slice %arg17[%dma_start3A_279, %dma_start3A_281] : memref<8x128xf32, #tpu.memory_space<vmem>> -> memref<1x128xf32, #tpu.memory_space<vmem>>
      %dma_start3A_283 = tpu.memref_squeeze %dma_start3A_282 : memref<1x128xf32, #tpu.memory_space<vmem>> -> memref<128xf32, #tpu.memory_space<vmem>>
      %dma_start3A_284 = arith.constant 0 : i32
      %dma_start3A_285 = tpu.memref_slice %arg9[%dma_start3A_280, %dma_start3A_284] : memref<8x128xi32, #tpu.memory_space<vmem>> -> memref<1x128xi32, #tpu.memory_space<vmem>>
      %dma_start3A_286 = tpu.memref_squeeze %dma_start3A_285 : memref<1x128xi32, #tpu.memory_space<vmem>> -> memref<128xi32, #tpu.memory_space<vmem>>
      %dma_start3A_287 = arith.constant 0 : i32
      %dma_start3A_288 = tpu.memref_slice %arg18[%dma_start3A_287] : memref<10240xf32, #tpu.memory_space<vmem_shared>> -> memref<10240xf32, #tpu.memory_space<vmem_shared>>
      tpu.enqueue_indirect_dma source(%dma_start3A_283 : memref<128xf32, #tpu.memory_space<vmem>>) target(%dma_start3A_288 : memref<10240xf32, #tpu.memory_space<vmem_shared>>) offsets(%dma_start3A_286 : memref<128xi32, #tpu.memory_space<vmem>>) semaphore(%arg16 : memref<!tpu.dma_semaphore, #tpu.memory_space<semaphore_mem>>) {add = true}
      %dma_wait3A_289 = arith.constant 5 : i32
      %dma_wait3A_290 = arith.constant 0 : i32
      %dma_wait3A_291 = tpu.memref_slice %arg9[%dma_wait3A_289, %dma_wait3A_290] : memref<8x128xi32, #tpu.memory_space<vmem>> -> memref<1x128xi32, #tpu.memory_space<vmem>>
      %dma_wait3A_292 = tpu.memref_squeeze %dma_wait3A_291 : memref<1x128xi32, #tpu.memory_space<vmem>> -> memref<128xi32, #tpu.memory_space<vmem>>
      %dma_wait3A_293 = arith.constant 0 : i32
      %dma_wait3A_294 = arith.constant 0 : i32
      %dma_wait3A_295 = tpu.memref_slice %arg19[%dma_wait3A_293, %dma_wait3A_294] : memref<10240x128xf32, #tpu.memory_space<vmem_shared>> -> memref<10240x128xf32, #tpu.memory_space<vmem_shared>>
      tpu.wait_indirect_dma semaphore(%arg15 : memref<!tpu.dma_semaphore, #tpu.memory_space<semaphore_mem>>) src(%arg11 : memref<128x128xf32, #tpu.memory_space<vmem>>) dst(%dma_wait3A_295 : memref<10240x128xf32, #tpu.memory_space<vmem_shared>>)
      %dma_start3A_296 = arith.constant 7 : i32
      %dma_start3A_297 = arith.constant 0 : i32
      %dma_start3A_298 = tpu.memref_slice %arg8[%dma_start3A_296, %dma_start3A_297] : memref<8x128xi32, #tpu.memory_space<vmem>> -> memref<1x128xi32, #tpu.memory_space<vmem>>
      %dma_start3A_299 = tpu.memref_squeeze %dma_start3A_298 : memref<1x128xi32, #tpu.memory_space<vmem>> -> memref<128xi32, #tpu.memory_space<vmem>>
      %dma_start3A_300 = arith.constant 0 : i32
      %dma_start3A_301 = arith.constant 0 : i32
      %dma_start3A_302 = tpu.memref_slice %arg2[%dma_start3A_300, %dma_start3A_301] : memref<10240x128xf32, #tpu.memory_space<hbm>> -> memref<10240x128xf32, #tpu.memory_space<hbm>>
      tpu.enqueue_indirect_dma source(%dma_start3A_302 : memref<10240x128xf32, #tpu.memory_space<hbm>>) target(%arg11 : memref<128x128xf32, #tpu.memory_space<vmem>>) offsets(%dma_start3A_299 : memref<128xi32, #tpu.memory_space<vmem>>) semaphore(%arg13 : memref<!tpu.dma_semaphore, #tpu.memory_space<semaphore_mem>>)
      %dma_wait3A_303 = arith.constant 6 : i32
      %dma_wait3A_304 = arith.constant 0 : i32
      %dma_wait3A_305 = tpu.memref_slice %arg8[%dma_wait3A_303, %dma_wait3A_304] : memref<8x128xi32, #tpu.memory_space<vmem>> -> memref<1x128xi32, #tpu.memory_space<vmem>>
      %dma_wait3A_306 = tpu.memref_squeeze %dma_wait3A_305 : memref<1x128xi32, #tpu.memory_space<vmem>> -> memref<128xi32, #tpu.memory_space<vmem>>
      %dma_wait3A_307 = arith.constant 0 : i32
      %dma_wait3A_308 = arith.constant 0 : i32
      %dma_wait3A_309 = tpu.memref_slice %arg2[%dma_wait3A_307, %dma_wait3A_308] : memref<10240x128xf32, #tpu.memory_space<hbm>> -> memref<10240x128xf32, #tpu.memory_space<hbm>>
      tpu.wait_indirect_dma semaphore(%arg12 : memref<!tpu.dma_semaphore, #tpu.memory_space<semaphore_mem>>) src(%dma_wait3A_309 : memref<10240x128xf32, #tpu.memory_space<hbm>>) dst(%arg10 : memref<128x128xf32, #tpu.memory_space<vmem>>)
      %dma_start3A_310 = arith.constant 6 : i32
      %dma_start3A_311 = arith.constant 0 : i32
      %dma_start3A_312 = tpu.memref_slice %arg9[%dma_start3A_310, %dma_start3A_311] : memref<8x128xi32, #tpu.memory_space<vmem>> -> memref<1x128xi32, #tpu.memory_space<vmem>>
      %dma_start3A_313 = tpu.memref_squeeze %dma_start3A_312 : memref<1x128xi32, #tpu.memory_space<vmem>> -> memref<128xi32, #tpu.memory_space<vmem>>
      %dma_start3A_314 = arith.constant 0 : i32
      %dma_start3A_315 = arith.constant 0 : i32
      %dma_start3A_316 = tpu.memref_slice %arg19[%dma_start3A_314, %dma_start3A_315] : memref<10240x128xf32, #tpu.memory_space<vmem_shared>> -> memref<10240x128xf32, #tpu.memory_space<vmem_shared>>
      tpu.enqueue_indirect_dma source(%arg10 : memref<128x128xf32, #tpu.memory_space<vmem>>) target(%dma_start3A_316 : memref<10240x128xf32, #tpu.memory_space<vmem_shared>>) offsets(%dma_start3A_313 : memref<128xi32, #tpu.memory_space<vmem>>) semaphore(%arg14 : memref<!tpu.dma_semaphore, #tpu.memory_space<semaphore_mem>>) {add = true}
      %dma_start3A_317 = arith.constant 6 : i32
      %dma_start3A_318 = arith.constant 6 : i32
      %dma_start3A_319 = arith.constant 0 : i32
      %dma_start3A_320 = tpu.memref_slice %arg17[%dma_start3A_317, %dma_start3A_319] : memref<8x128xf32, #tpu.memory_space<vmem>> -> memref<1x128xf32, #tpu.memory_space<vmem>>
      %dma_start3A_321 = tpu.memref_squeeze %dma_start3A_320 : memref<1x128xf32, #tpu.memory_space<vmem>> -> memref<128xf32, #tpu.memory_space<vmem>>
      %dma_start3A_322 = arith.constant 0 : i32
      %dma_start3A_323 = tpu.memref_slice %arg9[%dma_start3A_318, %dma_start3A_322] : memref<8x128xi32, #tpu.memory_space<vmem>> -> memref<1x128xi32, #tpu.memory_space<vmem>>
      %dma_start3A_324 = tpu.memref_squeeze %dma_start3A_323 : memref<1x128xi32, #tpu.memory_space<vmem>> -> memref<128xi32, #tpu.memory_space<vmem>>
      %dma_start3A_325 = arith.constant 0 : i32
      %dma_start3A_326 = tpu.memref_slice %arg18[%dma_start3A_325] : memref<10240xf32, #tpu.memory_space<vmem_shared>> -> memref<10240xf32, #tpu.memory_space<vmem_shared>>
      tpu.enqueue_indirect_dma source(%dma_start3A_321 : memref<128xf32, #tpu.memory_space<vmem>>) target(%dma_start3A_326 : memref<10240xf32, #tpu.memory_space<vmem_shared>>) offsets(%dma_start3A_324 : memref<128xi32, #tpu.memory_space<vmem>>) semaphore(%arg16 : memref<!tpu.dma_semaphore, #tpu.memory_space<semaphore_mem>>) {add = true}
      %dma_wait3A_327 = arith.constant 7 : i32
      %dma_wait3A_328 = arith.constant 0 : i32
      %dma_wait3A_329 = tpu.memref_slice %arg8[%dma_wait3A_327, %dma_wait3A_328] : memref<8x128xi32, #tpu.memory_space<vmem>> -> memref<1x128xi32, #tpu.memory_space<vmem>>
      %dma_wait3A_330 = tpu.memref_squeeze %dma_wait3A_329 : memref<1x128xi32, #tpu.memory_space<vmem>> -> memref<128xi32, #tpu.memory_space<vmem>>
      %dma_wait3A_331 = arith.constant 0 : i32
      %dma_wait3A_332 = arith.constant 0 : i32
      %dma_wait3A_333 = tpu.memref_slice %arg2[%dma_wait3A_331, %dma_wait3A_332] : memref<10240x128xf32, #tpu.memory_space<hbm>> -> memref<10240x128xf32, #tpu.memory_space<hbm>>
      tpu.wait_indirect_dma semaphore(%arg13 : memref<!tpu.dma_semaphore, #tpu.memory_space<semaphore_mem>>) src(%dma_wait3A_333 : memref<10240x128xf32, #tpu.memory_space<hbm>>) dst(%arg11 : memref<128x128xf32, #tpu.memory_space<vmem>>)
      %dma_start3A_334 = arith.constant 7 : i32
      %dma_start3A_335 = arith.constant 0 : i32
      %dma_start3A_336 = tpu.memref_slice %arg9[%dma_start3A_334, %dma_start3A_335] : memref<8x128xi32, #tpu.memory_space<vmem>> -> memref<1x128xi32, #tpu.memory_space<vmem>>
      %dma_start3A_337 = tpu.memref_squeeze %dma_start3A_336 : memref<1x128xi32, #tpu.memory_space<vmem>> -> memref<128xi32, #tpu.memory_space<vmem>>
      %dma_start3A_338 = arith.constant 0 : i32
      %dma_start3A_339 = arith.constant 0 : i32
      %dma_start3A_340 = tpu.memref_slice %arg19[%dma_start3A_338, %dma_start3A_339] : memref<10240x128xf32, #tpu.memory_space<vmem_shared>> -> memref<10240x128xf32, #tpu.memory_space<vmem_shared>>
      tpu.enqueue_indirect_dma source(%arg11 : memref<128x128xf32, #tpu.memory_space<vmem>>) target(%dma_start3A_340 : memref<10240x128xf32, #tpu.memory_space<vmem_shared>>) offsets(%dma_start3A_337 : memref<128xi32, #tpu.memory_space<vmem>>) semaphore(%arg15 : memref<!tpu.dma_semaphore, #tpu.memory_space<semaphore_mem>>) {add = true}
      %dma_start3A_341 = arith.constant 7 : i32
      %dma_start3A_342 = arith.constant 7 : i32
      %dma_start3A_343 = arith.constant 0 : i32
      %dma_start3A_344 = tpu.memref_slice %arg17[%dma_start3A_341, %dma_start3A_343] : memref<8x128xf32, #tpu.memory_space<vmem>> -> memref<1x128xf32, #tpu.memory_space<vmem>>
      %dma_start3A_345 = tpu.memref_squeeze %dma_start3A_344 : memref<1x128xf32, #tpu.memory_space<vmem>> -> memref<128xf32, #tpu.memory_space<vmem>>
      %dma_start3A_346 = arith.constant 0 : i32
      %dma_start3A_347 = tpu.memref_slice %arg9[%dma_start3A_342, %dma_start3A_346] : memref<8x128xi32, #tpu.memory_space<vmem>> -> memref<1x128xi32, #tpu.memory_space<vmem>>
      %dma_start3A_348 = tpu.memref_squeeze %dma_start3A_347 : memref<1x128xi32, #tpu.memory_space<vmem>> -> memref<128xi32, #tpu.memory_space<vmem>>
      %dma_start3A_349 = arith.constant 0 : i32
      %dma_start3A_350 = tpu.memref_slice %arg18[%dma_start3A_349] : memref<10240xf32, #tpu.memory_space<vmem_shared>> -> memref<10240xf32, #tpu.memory_space<vmem_shared>>
      tpu.enqueue_indirect_dma source(%dma_start3A_345 : memref<128xf32, #tpu.memory_space<vmem>>) target(%dma_start3A_350 : memref<10240xf32, #tpu.memory_space<vmem_shared>>) offsets(%dma_start3A_348 : memref<128xi32, #tpu.memory_space<vmem>>) semaphore(%arg16 : memref<!tpu.dma_semaphore, #tpu.memory_space<semaphore_mem>>) {add = true}
      %dma_wait3A_351 = arith.constant 6 : i32
      %dma_wait3A_352 = arith.constant 0 : i32
      %dma_wait3A_353 = tpu.memref_slice %arg9[%dma_wait3A_351, %dma_wait3A_352] : memref<8x128xi32, #tpu.memory_space<vmem>> -> memref<1x128xi32, #tpu.memory_space<vmem>>
      %dma_wait3A_354 = tpu.memref_squeeze %dma_wait3A_353 : memref<1x128xi32, #tpu.memory_space<vmem>> -> memref<128xi32, #tpu.memory_space<vmem>>
      %dma_wait3A_355 = arith.constant 0 : i32
      %dma_wait3A_356 = arith.constant 0 : i32
      %dma_wait3A_357 = tpu.memref_slice %arg19[%dma_wait3A_355, %dma_wait3A_356] : memref<10240x128xf32, #tpu.memory_space<vmem_shared>> -> memref<10240x128xf32, #tpu.memory_space<vmem_shared>>
      tpu.wait_indirect_dma semaphore(%arg14 : memref<!tpu.dma_semaphore, #tpu.memory_space<semaphore_mem>>) src(%arg10 : memref<128x128xf32, #tpu.memory_space<vmem>>) dst(%dma_wait3A_357 : memref<10240x128xf32, #tpu.memory_space<vmem_shared>>)
      %dma_wait3A_358 = arith.constant 7 : i32
      %dma_wait3A_359 = arith.constant 0 : i32
      %dma_wait3A_360 = tpu.memref_slice %arg9[%dma_wait3A_358, %dma_wait3A_359] : memref<8x128xi32, #tpu.memory_space<vmem>> -> memref<1x128xi32, #tpu.memory_space<vmem>>
      %dma_wait3A_361 = tpu.memref_squeeze %dma_wait3A_360 : memref<1x128xi32, #tpu.memory_space<vmem>> -> memref<128xi32, #tpu.memory_space<vmem>>
      %dma_wait3A_362 = arith.constant 0 : i32
      %dma_wait3A_363 = arith.constant 0 : i32
      %dma_wait3A_364 = tpu.memref_slice %arg19[%dma_wait3A_362, %dma_wait3A_363] : memref<10240x128xf32, #tpu.memory_space<vmem_shared>> -> memref<10240x128xf32, #tpu.memory_space<vmem_shared>>
      tpu.wait_indirect_dma semaphore(%arg15 : memref<!tpu.dma_semaphore, #tpu.memory_space<semaphore_mem>>) src(%arg11 : memref<128x128xf32, #tpu.memory_space<vmem>>) dst(%dma_wait3A_364 : memref<10240x128xf32, #tpu.memory_space<vmem_shared>>)
      %dma_wait3A_365 = arith.constant 0 : i32
      %dma_wait3A_366 = arith.constant 0 : i32
      %dma_wait3A_367 = arith.constant 0 : i32
      %dma_wait3A_368 = tpu.memref_slice %arg17[%dma_wait3A_365, %dma_wait3A_367] : memref<8x128xf32, #tpu.memory_space<vmem>> -> memref<1x128xf32, #tpu.memory_space<vmem>>
      %dma_wait3A_369 = tpu.memref_squeeze %dma_wait3A_368 : memref<1x128xf32, #tpu.memory_space<vmem>> -> memref<128xf32, #tpu.memory_space<vmem>>
      %dma_wait3A_370 = arith.constant 0 : i32
      %dma_wait3A_371 = tpu.memref_slice %arg9[%dma_wait3A_366, %dma_wait3A_370] : memref<8x128xi32, #tpu.memory_space<vmem>> -> memref<1x128xi32, #tpu.memory_space<vmem>>
      %dma_wait3A_372 = tpu.memref_squeeze %dma_wait3A_371 : memref<1x128xi32, #tpu.memory_space<vmem>> -> memref<128xi32, #tpu.memory_space<vmem>>
      %dma_wait3A_373 = arith.constant 0 : i32
      %dma_wait3A_374 = tpu.memref_slice %arg18[%dma_wait3A_373] : memref<10240xf32, #tpu.memory_space<vmem_shared>> -> memref<10240xf32, #tpu.memory_space<vmem_shared>>
      tpu.wait_indirect_dma semaphore(%arg16 : memref<!tpu.dma_semaphore, #tpu.memory_space<semaphore_mem>>) src(%dma_wait3A_369 : memref<128xf32, #tpu.memory_space<vmem>>) dst(%dma_wait3A_374 : memref<10240xf32, #tpu.memory_space<vmem_shared>>)
      %dma_wait3A_375 = arith.constant 1 : i32
      %dma_wait3A_376 = arith.constant 1 : i32
      %dma_wait3A_377 = arith.constant 0 : i32
      %dma_wait3A_378 = tpu.memref_slice %arg17[%dma_wait3A_375, %dma_wait3A_377] : memref<8x128xf32, #tpu.memory_space<vmem>> -> memref<1x128xf32, #tpu.memory_space<vmem>>
      %dma_wait3A_379 = tpu.memref_squeeze %dma_wait3A_378 : memref<1x128xf32, #tpu.memory_space<vmem>> -> memref<128xf32, #tpu.memory_space<vmem>>
      %dma_wait3A_380 = arith.constant 0 : i32
      %dma_wait3A_381 = tpu.memref_slice %arg9[%dma_wait3A_376, %dma_wait3A_380] : memref<8x128xi32, #tpu.memory_space<vmem>> -> memref<1x128xi32, #tpu.memory_space<vmem>>
      %dma_wait3A_382 = tpu.memref_squeeze %dma_wait3A_381 : memref<1x128xi32, #tpu.memory_space<vmem>> -> memref<128xi32, #tpu.memory_space<vmem>>
      %dma_wait3A_383 = arith.constant 0 : i32
      %dma_wait3A_384 = tpu.memref_slice %arg18[%dma_wait3A_383] : memref<10240xf32, #tpu.memory_space<vmem_shared>> -> memref<10240xf32, #tpu.memory_space<vmem_shared>>
      tpu.wait_indirect_dma semaphore(%arg16 : memref<!tpu.dma_semaphore, #tpu.memory_space<semaphore_mem>>) src(%dma_wait3A_379 : memref<128xf32, #tpu.memory_space<vmem>>) dst(%dma_wait3A_384 : memref<10240xf32, #tpu.memory_space<vmem_shared>>)
      %dma_wait3A_385 = arith.constant 2 : i32
      %dma_wait3A_386 = arith.constant 2 : i32
      %dma_wait3A_387 = arith.constant 0 : i32
      %dma_wait3A_388 = tpu.memref_slice %arg17[%dma_wait3A_385, %dma_wait3A_387] : memref<8x128xf32, #tpu.memory_space<vmem>> -> memref<1x128xf32, #tpu.memory_space<vmem>>
      %dma_wait3A_389 = tpu.memref_squeeze %dma_wait3A_388 : memref<1x128xf32, #tpu.memory_space<vmem>> -> memref<128xf32, #tpu.memory_space<vmem>>
      %dma_wait3A_390 = arith.constant 0 : i32
      %dma_wait3A_391 = tpu.memref_slice %arg9[%dma_wait3A_386, %dma_wait3A_390] : memref<8x128xi32, #tpu.memory_space<vmem>> -> memref<1x128xi32, #tpu.memory_space<vmem>>
      %dma_wait3A_392 = tpu.memref_squeeze %dma_wait3A_391 : memref<1x128xi32, #tpu.memory_space<vmem>> -> memref<128xi32, #tpu.memory_space<vmem>>
      %dma_wait3A_393 = arith.constant 0 : i32
      %dma_wait3A_394 = tpu.memref_slice %arg18[%dma_wait3A_393] : memref<10240xf32, #tpu.memory_space<vmem_shared>> -> memref<10240xf32, #tpu.memory_space<vmem_shared>>
      tpu.wait_indirect_dma semaphore(%arg16 : memref<!tpu.dma_semaphore, #tpu.memory_space<semaphore_mem>>) src(%dma_wait3A_389 : memref<128xf32, #tpu.memory_space<vmem>>) dst(%dma_wait3A_394 : memref<10240xf32, #tpu.memory_space<vmem_shared>>)
      %dma_wait3A_395 = arith.constant 3 : i32
      %dma_wait3A_396 = arith.constant 3 : i32
      %dma_wait3A_397 = arith.constant 0 : i32
      %dma_wait3A_398 = tpu.memref_slice %arg17[%dma_wait3A_395, %dma_wait3A_397] : memref<8x128xf32, #tpu.memory_space<vmem>> -> memref<1x128xf32, #tpu.memory_space<vmem>>
      %dma_wait3A_399 = tpu.memref_squeeze %dma_wait3A_398 : memref<1x128xf32, #tpu.memory_space<vmem>> -> memref<128xf32, #tpu.memory_space<vmem>>
      %dma_wait3A_400 = arith.constant 0 : i32
      %dma_wait3A_401 = tpu.memref_slice %arg9[%dma_wait3A_396, %dma_wait3A_400] : memref<8x128xi32, #tpu.memory_space<vmem>> -> memref<1x128xi32, #tpu.memory_space<vmem>>
      %dma_wait3A_402 = tpu.memref_squeeze %dma_wait3A_401 : memref<1x128xi32, #tpu.memory_space<vmem>> -> memref<128xi32, #tpu.memory_space<vmem>>
      %dma_wait3A_403 = arith.constant 0 : i32
      %dma_wait3A_404 = tpu.memref_slice %arg18[%dma_wait3A_403] : memref<10240xf32, #tpu.memory_space<vmem_shared>> -> memref<10240xf32, #tpu.memory_space<vmem_shared>>
      tpu.wait_indirect_dma semaphore(%arg16 : memref<!tpu.dma_semaphore, #tpu.memory_space<semaphore_mem>>) src(%dma_wait3A_399 : memref<128xf32, #tpu.memory_space<vmem>>) dst(%dma_wait3A_404 : memref<10240xf32, #tpu.memory_space<vmem_shared>>)
      %dma_wait3A_405 = arith.constant 4 : i32
      %dma_wait3A_406 = arith.constant 4 : i32
      %dma_wait3A_407 = arith.constant 0 : i32
      %dma_wait3A_408 = tpu.memref_slice %arg17[%dma_wait3A_405, %dma_wait3A_407] : memref<8x128xf32, #tpu.memory_space<vmem>> -> memref<1x128xf32, #tpu.memory_space<vmem>>
      %dma_wait3A_409 = tpu.memref_squeeze %dma_wait3A_408 : memref<1x128xf32, #tpu.memory_space<vmem>> -> memref<128xf32, #tpu.memory_space<vmem>>
      %dma_wait3A_410 = arith.constant 0 : i32
      %dma_wait3A_411 = tpu.memref_slice %arg9[%dma_wait3A_406, %dma_wait3A_410] : memref<8x128xi32, #tpu.memory_space<vmem>> -> memref<1x128xi32, #tpu.memory_space<vmem>>
      %dma_wait3A_412 = tpu.memref_squeeze %dma_wait3A_411 : memref<1x128xi32, #tpu.memory_space<vmem>> -> memref<128xi32, #tpu.memory_space<vmem>>
      %dma_wait3A_413 = arith.constant 0 : i32
      %dma_wait3A_414 = tpu.memref_slice %arg18[%dma_wait3A_413] : memref<10240xf32, #tpu.memory_space<vmem_shared>> -> memref<10240xf32, #tpu.memory_space<vmem_shared>>
      tpu.wait_indirect_dma semaphore(%arg16 : memref<!tpu.dma_semaphore, #tpu.memory_space<semaphore_mem>>) src(%dma_wait3A_409 : memref<128xf32, #tpu.memory_space<vmem>>) dst(%dma_wait3A_414 : memref<10240xf32, #tpu.memory_space<vmem_shared>>)
      %dma_wait3A_415 = arith.constant 5 : i32
      %dma_wait3A_416 = arith.constant 5 : i32
      %dma_wait3A_417 = arith.constant 0 : i32
      %dma_wait3A_418 = tpu.memref_slice %arg17[%dma_wait3A_415, %dma_wait3A_417] : memref<8x128xf32, #tpu.memory_space<vmem>> -> memref<1x128xf32, #tpu.memory_space<vmem>>
      %dma_wait3A_419 = tpu.memref_squeeze %dma_wait3A_418 : memref<1x128xf32, #tpu.memory_space<vmem>> -> memref<128xf32, #tpu.memory_space<vmem>>
      %dma_wait3A_420 = arith.constant 0 : i32
      %dma_wait3A_421 = tpu.memref_slice %arg9[%dma_wait3A_416, %dma_wait3A_420] : memref<8x128xi32, #tpu.memory_space<vmem>> -> memref<1x128xi32, #tpu.memory_space<vmem>>
      %dma_wait3A_422 = tpu.memref_squeeze %dma_wait3A_421 : memref<1x128xi32, #tpu.memory_space<vmem>> -> memref<128xi32, #tpu.memory_space<vmem>>
      %dma_wait3A_423 = arith.constant 0 : i32
      %dma_wait3A_424 = tpu.memref_slice %arg18[%dma_wait3A_423] : memref<10240xf32, #tpu.memory_space<vmem_shared>> -> memref<10240xf32, #tpu.memory_space<vmem_shared>>
      tpu.wait_indirect_dma semaphore(%arg16 : memref<!tpu.dma_semaphore, #tpu.memory_space<semaphore_mem>>) src(%dma_wait3A_419 : memref<128xf32, #tpu.memory_space<vmem>>) dst(%dma_wait3A_424 : memref<10240xf32, #tpu.memory_space<vmem_shared>>)
      %dma_wait3A_425 = arith.constant 6 : i32
      %dma_wait3A_426 = arith.constant 6 : i32
      %dma_wait3A_427 = arith.constant 0 : i32
      %dma_wait3A_428 = tpu.memref_slice %arg17[%dma_wait3A_425, %dma_wait3A_427] : memref<8x128xf32, #tpu.memory_space<vmem>> -> memref<1x128xf32, #tpu.memory_space<vmem>>
      %dma_wait3A_429 = tpu.memref_squeeze %dma_wait3A_428 : memref<1x128xf32, #tpu.memory_space<vmem>> -> memref<128xf32, #tpu.memory_space<vmem>>
      %dma_wait3A_430 = arith.constant 0 : i32
      %dma_wait3A_431 = tpu.memref_slice %arg9[%dma_wait3A_426, %dma_wait3A_430] : memref<8x128xi32, #tpu.memory_space<vmem>> -> memref<1x128xi32, #tpu.memory_space<vmem>>
      %dma_wait3A_432 = tpu.memref_squeeze %dma_wait3A_431 : memref<1x128xi32, #tpu.memory_space<vmem>> -> memref<128xi32, #tpu.memory_space<vmem>>
      %dma_wait3A_433 = arith.constant 0 : i32
      %dma_wait3A_434 = tpu.memref_slice %arg18[%dma_wait3A_433] : memref<10240xf32, #tpu.memory_space<vmem_shared>> -> memref<10240xf32, #tpu.memory_space<vmem_shared>>
      tpu.wait_indirect_dma semaphore(%arg16 : memref<!tpu.dma_semaphore, #tpu.memory_space<semaphore_mem>>) src(%dma_wait3A_429 : memref<128xf32, #tpu.memory_space<vmem>>) dst(%dma_wait3A_434 : memref<10240xf32, #tpu.memory_space<vmem_shared>>)
      %dma_wait3A_435 = arith.constant 7 : i32
      %dma_wait3A_436 = arith.constant 7 : i32
      %dma_wait3A_437 = arith.constant 0 : i32
      %dma_wait3A_438 = tpu.memref_slice %arg17[%dma_wait3A_435, %dma_wait3A_437] : memref<8x128xf32, #tpu.memory_space<vmem>> -> memref<1x128xf32, #tpu.memory_space<vmem>>
      %dma_wait3A_439 = tpu.memref_squeeze %dma_wait3A_438 : memref<1x128xf32, #tpu.memory_space<vmem>> -> memref<128xf32, #tpu.memory_space<vmem>>
      %dma_wait3A_440 = arith.constant 0 : i32
      %dma_wait3A_441 = tpu.memref_slice %arg9[%dma_wait3A_436, %dma_wait3A_440] : memref<8x128xi32, #tpu.memory_space<vmem>> -> memref<1x128xi32, #tpu.memory_space<vmem>>
      %dma_wait3A_442 = tpu.memref_squeeze %dma_wait3A_441 : memref<1x128xi32, #tpu.memory_space<vmem>> -> memref<128xi32, #tpu.memory_space<vmem>>
      %dma_wait3A_443 = arith.constant 0 : i32
      %dma_wait3A_444 = tpu.memref_slice %arg18[%dma_wait3A_443] : memref<10240xf32, #tpu.memory_space<vmem_shared>> -> memref<10240xf32, #tpu.memory_space<vmem_shared>>
      tpu.wait_indirect_dma semaphore(%arg16 : memref<!tpu.dma_semaphore, #tpu.memory_space<semaphore_mem>>) src(%dma_wait3A_439 : memref<128xf32, #tpu.memory_space<vmem>>) dst(%dma_wait3A_444 : memref<10240xf32, #tpu.memory_space<vmem_shared>>)
    }
    %barrier3A_53 = arith.constant 0 : index
    tpu.barrier barrier_id(%barrier3A_53)
    %mul3A_54 = arith.constant 10240 : i32
    %mul3A_55 = arith.muli %arg0, %mul3A_54 : i32
    %mul3A_56 = arith.constant 640 : i32
    %mul3A_57 = arith.muli %arg1, %mul3A_56 : i32
    %add3A_58 = arith.addi %mul3A_55, %mul3A_57 : i32
    "tpu.region"() ({
      %run_scoped3A_59 = tpu.sem_alloc : memref<!tpu.dma_semaphore, #tpu.memory_space<semaphore_mem>>
      %dma_start3A = arith.constant 0 : i32
      %dma_start3A_60 = tpu.memref_slice %arg6[%add3A_58, %dma_start3A] : memref<20480x128xf32, #tpu.memory_space<hbm>> -> memref<640x128xf32, #tpu.memory_space<hbm>>
      %dma_start3A_61 = arith.constant 0 : i32
      %dma_start3A_62 = tpu.memref_slice %arg19[%mul3A_8, %dma_start3A_61] : memref<10240x128xf32, #tpu.memory_space<vmem_shared>> -> memref<640x128xf32, #tpu.memory_space<vmem_shared>>
      tpu.enqueue_dma source(%dma_start3A_62 : memref<640x128xf32, #tpu.memory_space<vmem_shared>>) target(%dma_start3A_60 : memref<640x128xf32, #tpu.memory_space<hbm>>) target_semaphore(%run_scoped3A_59 : memref<!tpu.dma_semaphore, #tpu.memory_space<semaphore_mem>>)
      %dma_wait3A = arith.constant 0 : i32
      %dma_wait3A_63 = tpu.memref_slice %arg6[%add3A_58, %dma_wait3A] : memref<20480x128xf32, #tpu.memory_space<hbm>> -> memref<640x128xf32, #tpu.memory_space<hbm>>
      %dma_wait3A_64 = arith.constant 0 : i32
      %dma_wait3A_65 = tpu.memref_slice %arg19[%mul3A_8, %dma_wait3A_64] : memref<10240x128xf32, #tpu.memory_space<vmem_shared>> -> memref<640x128xf32, #tpu.memory_space<vmem_shared>>
      tpu.wait_dma2 semaphore(%run_scoped3A_59 : memref<!tpu.dma_semaphore, #tpu.memory_space<semaphore_mem>>) src(%dma_wait3A_65 : memref<640x128xf32, #tpu.memory_space<vmem_shared>>) dst(%dma_wait3A_63 : memref<640x128xf32, #tpu.memory_space<hbm>>)
      tpu.yield
    }) : () -> ()
    "tpu.region"() ({
      %run_scoped3A_59 = tpu.sem_alloc : memref<!tpu.dma_semaphore, #tpu.memory_space<semaphore_mem>>
      %dma_start3A = tpu.memref_slice %arg7[%add3A_58] : memref<20480xf32, #tpu.memory_space<hbm>> -> memref<640xf32, #tpu.memory_space<hbm>>
      %dma_start3A_60 = tpu.memref_slice %arg18[%mul3A_8] : memref<10240xf32, #tpu.memory_space<vmem_shared>> -> memref<640xf32, #tpu.memory_space<vmem_shared>>
      tpu.enqueue_dma source(%dma_start3A_60 : memref<640xf32, #tpu.memory_space<vmem_shared>>) target(%dma_start3A : memref<640xf32, #tpu.memory_space<hbm>>) target_semaphore(%run_scoped3A_59 : memref<!tpu.dma_semaphore, #tpu.memory_space<semaphore_mem>>)
      %dma_wait3A = tpu.memref_slice %arg7[%add3A_58] : memref<20480xf32, #tpu.memory_space<hbm>> -> memref<640xf32, #tpu.memory_space<hbm>>
      %dma_wait3A_61 = tpu.memref_slice %arg18[%mul3A_8] : memref<10240xf32, #tpu.memory_space<vmem_shared>> -> memref<640xf32, #tpu.memory_space<vmem_shared>>
      tpu.wait_dma2 semaphore(%run_scoped3A_59 : memref<!tpu.dma_semaphore, #tpu.memory_space<semaphore_mem>>) src(%dma_wait3A_61 : memref<640xf32, #tpu.memory_space<vmem_shared>>) dst(%dma_wait3A : memref<640xf32, #tpu.memory_space<hbm>>)
      tpu.yield
    }) : () -> ()
    return
  }
}

#map = affine_map<(d0, d1) -> (0, 0)>
#map1 = affine_map<(d0, d1) -> (0)>
module attributes {stable_mosaic.version = 14 : i64} {
  func.func @k(%arg0: i32, %arg1: i32, %arg2: memref<10240x128xf32, #tpu.memory_space<hbm>>, %arg3: memref<4096xi32, #tpu.memory_space<hbm>>, %arg4: memref<4096xi32, #tpu.memory_space<hbm>>, %arg5: memref<2048xi32, #tpu.memory_space<hbm>>, %arg6: memref<4096x128xf32, #tpu.memory_space<hbm>>, %arg7: memref<128xi32, #tpu.memory_space<vmem>>, %arg8: memref<128xi32, #tpu.memory_space<vmem>>, %arg9: memref<128x128xf32, #tpu.memory_space<vmem>>, %arg10: memref<2048x128xf32, #tpu.memory_space<vmem_shared>>, %arg11: memref<!tpu.dma_semaphore, #tpu.memory_space<semaphore_mem>>) attributes {dimension_semantics = [#tpu.dimension_semantics<core_parallel>, #tpu.dimension_semantics<subcore_parallel>], iteration_bounds = array<i64: 2, 16>, scalar_prefetch = 0 : i64, scratch_operands = 5 : i64, tpu.core_type = #tpu.core_type<sc_vector_subcore>, window_params = [{transform_indices = #map}, {transform_indices = #map1}, {transform_indices = #map1}, {transform_indices = #map1}, {transform_indices = #map}]} {
    %mul3A = arith.constant 128 : i32
    %mul3A_0 = arith.muli %arg1, %mul3A : i32
    %mul3A_1 = arith.constant 2048 : i32
    %mul3A_2 = arith.muli %arg0, %mul3A_1 : i32
    %add3A = arith.addi %mul3A_2, %mul3A_0 : i32
    "tpu.region"() ({
      %run_scoped3A = tpu.sem_alloc : memref<!tpu.dma_semaphore, #tpu.memory_space<semaphore_mem>>
      %dma_start3A_13 = tpu.memref_slice %arg5[%mul3A_0] : memref<2048xi32, #tpu.memory_space<hbm>> -> memref<128xi32, #tpu.memory_space<hbm>>
      %dma_start3A_14 = tpu.memref_slice %arg5[%mul3A_0] : memref<2048xi32, #tpu.memory_space<hbm>> -> memref<128xi32, #tpu.memory_space<hbm>>
      tpu.enqueue_dma source(%dma_start3A_14 : memref<128xi32, #tpu.memory_space<hbm>>) target(%arg8 : memref<128xi32, #tpu.memory_space<vmem>>) target_semaphore(%run_scoped3A : memref<!tpu.dma_semaphore, #tpu.memory_space<semaphore_mem>>)
      %dma_wait3A_15 = tpu.memref_slice %arg5[%mul3A_0] : memref<2048xi32, #tpu.memory_space<hbm>> -> memref<128xi32, #tpu.memory_space<hbm>>
      %dma_wait3A_16 = tpu.memref_slice %arg5[%mul3A_0] : memref<2048xi32, #tpu.memory_space<hbm>> -> memref<128xi32, #tpu.memory_space<hbm>>
      tpu.wait_dma2 semaphore(%run_scoped3A : memref<!tpu.dma_semaphore, #tpu.memory_space<semaphore_mem>>) src(%dma_wait3A_16 : memref<128xi32, #tpu.memory_space<hbm>>) dst(%arg8 : memref<128xi32, #tpu.memory_space<vmem>>)
      tpu.yield
    }) : () -> ()
    "tpu.region"() ({
      %run_scoped3A = tpu.sem_alloc : memref<!tpu.dma_semaphore, #tpu.memory_space<semaphore_mem>>
      %dma_start3A_13 = tpu.memref_slice %arg3[%add3A] : memref<4096xi32, #tpu.memory_space<hbm>> -> memref<128xi32, #tpu.memory_space<hbm>>
      %dma_start3A_14 = tpu.memref_slice %arg3[%add3A] : memref<4096xi32, #tpu.memory_space<hbm>> -> memref<128xi32, #tpu.memory_space<hbm>>
      tpu.enqueue_dma source(%dma_start3A_14 : memref<128xi32, #tpu.memory_space<hbm>>) target(%arg7 : memref<128xi32, #tpu.memory_space<vmem>>) target_semaphore(%run_scoped3A : memref<!tpu.dma_semaphore, #tpu.memory_space<semaphore_mem>>)
      %dma_wait3A_15 = tpu.memref_slice %arg3[%add3A] : memref<4096xi32, #tpu.memory_space<hbm>> -> memref<128xi32, #tpu.memory_space<hbm>>
      %dma_wait3A_16 = tpu.memref_slice %arg3[%add3A] : memref<4096xi32, #tpu.memory_space<hbm>> -> memref<128xi32, #tpu.memory_space<hbm>>
      tpu.wait_dma2 semaphore(%run_scoped3A : memref<!tpu.dma_semaphore, #tpu.memory_space<semaphore_mem>>) src(%dma_wait3A_16 : memref<128xi32, #tpu.memory_space<hbm>>) dst(%arg7 : memref<128xi32, #tpu.memory_space<vmem>>)
      tpu.yield
    }) : () -> ()
    %dma_start3A = arith.constant 0 : i32
    %dma_start3A_3 = arith.constant 0 : i32
    %dma_start3A_4 = tpu.memref_slice %arg2[%dma_start3A, %dma_start3A_3] : memref<10240x128xf32, #tpu.memory_space<hbm>> -> memref<10240x128xf32, #tpu.memory_space<hbm>>
    tpu.enqueue_indirect_dma source(%dma_start3A_4 : memref<10240x128xf32, #tpu.memory_space<hbm>>) target(%arg9 : memref<128x128xf32, #tpu.memory_space<vmem>>) offsets(%arg7 : memref<128xi32, #tpu.memory_space<vmem>>) semaphore(%arg11 : memref<!tpu.dma_semaphore, #tpu.memory_space<semaphore_mem>>)
    %dma_wait3A = arith.constant 0 : i32
    %dma_wait3A_5 = arith.constant 0 : i32
    %dma_wait3A_6 = tpu.memref_slice %arg2[%dma_wait3A, %dma_wait3A_5] : memref<10240x128xf32, #tpu.memory_space<hbm>> -> memref<10240x128xf32, #tpu.memory_space<hbm>>
    tpu.wait_indirect_dma semaphore(%arg11 : memref<!tpu.dma_semaphore, #tpu.memory_space<semaphore_mem>>) src(%dma_wait3A_6 : memref<10240x128xf32, #tpu.memory_space<hbm>>) dst(%arg9 : memref<128x128xf32, #tpu.memory_space<vmem>>)
    "tpu.region"() ({
      %run_scoped3A = tpu.sem_alloc : memref<!tpu.dma_semaphore, #tpu.memory_space<semaphore_mem>>
      %dma_start3A_13 = arith.constant 0 : i32
      %dma_start3A_14 = tpu.memref_slice %arg10[%mul3A_0, %dma_start3A_13] : memref<2048x128xf32, #tpu.memory_space<vmem_shared>> -> memref<128x128xf32, #tpu.memory_space<vmem_shared>>
      %dma_start3A_15 = arith.constant 0 : i32
      %dma_start3A_16 = tpu.memref_slice %arg10[%mul3A_0, %dma_start3A_15] : memref<2048x128xf32, #tpu.memory_space<vmem_shared>> -> memref<128x128xf32, #tpu.memory_space<vmem_shared>>
      tpu.enqueue_dma source(%arg9 : memref<128x128xf32, #tpu.memory_space<vmem>>) target(%dma_start3A_16 : memref<128x128xf32, #tpu.memory_space<vmem_shared>>) target_semaphore(%run_scoped3A : memref<!tpu.dma_semaphore, #tpu.memory_space<semaphore_mem>>)
      %dma_wait3A_17 = arith.constant 0 : i32
      %dma_wait3A_18 = tpu.memref_slice %arg10[%mul3A_0, %dma_wait3A_17] : memref<2048x128xf32, #tpu.memory_space<vmem_shared>> -> memref<128x128xf32, #tpu.memory_space<vmem_shared>>
      %dma_wait3A_19 = arith.constant 0 : i32
      %dma_wait3A_20 = tpu.memref_slice %arg10[%mul3A_0, %dma_wait3A_19] : memref<2048x128xf32, #tpu.memory_space<vmem_shared>> -> memref<128x128xf32, #tpu.memory_space<vmem_shared>>
      tpu.wait_dma2 semaphore(%run_scoped3A : memref<!tpu.dma_semaphore, #tpu.memory_space<semaphore_mem>>) src(%arg9 : memref<128x128xf32, #tpu.memory_space<vmem>>) dst(%dma_wait3A_20 : memref<128x128xf32, #tpu.memory_space<vmem_shared>>)
      tpu.yield
    }) : () -> ()
    "tpu.region"() ({
      %run_scoped3A = tpu.sem_alloc : memref<!tpu.dma_semaphore, #tpu.memory_space<semaphore_mem>>
      %dma_start3A_13 = tpu.memref_slice %arg4[%add3A] : memref<4096xi32, #tpu.memory_space<hbm>> -> memref<128xi32, #tpu.memory_space<hbm>>
      %dma_start3A_14 = tpu.memref_slice %arg4[%add3A] : memref<4096xi32, #tpu.memory_space<hbm>> -> memref<128xi32, #tpu.memory_space<hbm>>
      tpu.enqueue_dma source(%dma_start3A_14 : memref<128xi32, #tpu.memory_space<hbm>>) target(%arg7 : memref<128xi32, #tpu.memory_space<vmem>>) target_semaphore(%run_scoped3A : memref<!tpu.dma_semaphore, #tpu.memory_space<semaphore_mem>>)
      %dma_wait3A_15 = tpu.memref_slice %arg4[%add3A] : memref<4096xi32, #tpu.memory_space<hbm>> -> memref<128xi32, #tpu.memory_space<hbm>>
      %dma_wait3A_16 = tpu.memref_slice %arg4[%add3A] : memref<4096xi32, #tpu.memory_space<hbm>> -> memref<128xi32, #tpu.memory_space<hbm>>
      tpu.wait_dma2 semaphore(%run_scoped3A : memref<!tpu.dma_semaphore, #tpu.memory_space<semaphore_mem>>) src(%dma_wait3A_16 : memref<128xi32, #tpu.memory_space<hbm>>) dst(%arg7 : memref<128xi32, #tpu.memory_space<vmem>>)
      tpu.yield
    }) : () -> ()
    %dma_start3A_7 = arith.constant 0 : i32
    %dma_start3A_8 = arith.constant 0 : i32
    %dma_start3A_9 = tpu.memref_slice %arg2[%dma_start3A_7, %dma_start3A_8] : memref<10240x128xf32, #tpu.memory_space<hbm>> -> memref<10240x128xf32, #tpu.memory_space<hbm>>
    tpu.enqueue_indirect_dma source(%dma_start3A_9 : memref<10240x128xf32, #tpu.memory_space<hbm>>) target(%arg9 : memref<128x128xf32, #tpu.memory_space<vmem>>) offsets(%arg7 : memref<128xi32, #tpu.memory_space<vmem>>) semaphore(%arg11 : memref<!tpu.dma_semaphore, #tpu.memory_space<semaphore_mem>>)
    %dma_wait3A_10 = arith.constant 0 : i32
    %dma_wait3A_11 = arith.constant 0 : i32
    %dma_wait3A_12 = tpu.memref_slice %arg2[%dma_wait3A_10, %dma_wait3A_11] : memref<10240x128xf32, #tpu.memory_space<hbm>> -> memref<10240x128xf32, #tpu.memory_space<hbm>>
    tpu.wait_indirect_dma semaphore(%arg11 : memref<!tpu.dma_semaphore, #tpu.memory_space<semaphore_mem>>) src(%dma_wait3A_12 : memref<10240x128xf32, #tpu.memory_space<hbm>>) dst(%arg9 : memref<128x128xf32, #tpu.memory_space<vmem>>)
    "tpu.region"() ({
      %run_scoped3A = tpu.sem_alloc : memref<!tpu.dma_semaphore, #tpu.memory_space<semaphore_mem>>
      %dma_start3A_13 = arith.constant 0 : i32
      %dma_start3A_14 = arith.constant 0 : i32
      %dma_start3A_15 = tpu.memref_slice %arg10[%dma_start3A_13, %dma_start3A_14] : memref<2048x128xf32, #tpu.memory_space<vmem_shared>> -> memref<2048x128xf32, #tpu.memory_space<vmem_shared>>
      tpu.enqueue_indirect_dma source(%arg9 : memref<128x128xf32, #tpu.memory_space<vmem>>) target(%dma_start3A_15 : memref<2048x128xf32, #tpu.memory_space<vmem_shared>>) offsets(%arg8 : memref<128xi32, #tpu.memory_space<vmem>>) semaphore(%run_scoped3A : memref<!tpu.dma_semaphore, #tpu.memory_space<semaphore_mem>>) {add = true}
      %dma_wait3A_16 = arith.constant 0 : i32
      %dma_wait3A_17 = arith.constant 0 : i32
      %dma_wait3A_18 = tpu.memref_slice %arg10[%dma_wait3A_16, %dma_wait3A_17] : memref<2048x128xf32, #tpu.memory_space<vmem_shared>> -> memref<2048x128xf32, #tpu.memory_space<vmem_shared>>
      tpu.wait_indirect_dma semaphore(%run_scoped3A : memref<!tpu.dma_semaphore, #tpu.memory_space<semaphore_mem>>) src(%arg9 : memref<128x128xf32, #tpu.memory_space<vmem>>) dst(%dma_wait3A_18 : memref<2048x128xf32, #tpu.memory_space<vmem_shared>>)
      tpu.yield
    }) : () -> ()
    %barrier3A = arith.constant 0 : index
    tpu.barrier barrier_id(%barrier3A)
    "tpu.region"() ({
      %run_scoped3A = tpu.sem_alloc : memref<!tpu.dma_semaphore, #tpu.memory_space<semaphore_mem>>
      %dma_start3A_13 = arith.constant 0 : i32
      %dma_start3A_14 = tpu.memref_slice %arg6[%add3A, %dma_start3A_13] : memref<4096x128xf32, #tpu.memory_space<hbm>> -> memref<128x128xf32, #tpu.memory_space<hbm>>
      %dma_start3A_15 = arith.constant 0 : i32
      %dma_start3A_16 = tpu.memref_slice %arg10[%mul3A_0, %dma_start3A_15] : memref<2048x128xf32, #tpu.memory_space<vmem_shared>> -> memref<128x128xf32, #tpu.memory_space<vmem_shared>>
      tpu.enqueue_dma source(%dma_start3A_16 : memref<128x128xf32, #tpu.memory_space<vmem_shared>>) target(%dma_start3A_14 : memref<128x128xf32, #tpu.memory_space<hbm>>) target_semaphore(%run_scoped3A : memref<!tpu.dma_semaphore, #tpu.memory_space<semaphore_mem>>)
      %dma_wait3A_17 = arith.constant 0 : i32
      %dma_wait3A_18 = tpu.memref_slice %arg6[%add3A, %dma_wait3A_17] : memref<4096x128xf32, #tpu.memory_space<hbm>> -> memref<128x128xf32, #tpu.memory_space<hbm>>
      %dma_wait3A_19 = arith.constant 0 : i32
      %dma_wait3A_20 = tpu.memref_slice %arg10[%mul3A_0, %dma_wait3A_19] : memref<2048x128xf32, #tpu.memory_space<vmem_shared>> -> memref<128x128xf32, #tpu.memory_space<vmem_shared>>
      tpu.wait_dma2 semaphore(%run_scoped3A : memref<!tpu.dma_semaphore, #tpu.memory_space<semaphore_mem>>) src(%dma_wait3A_20 : memref<128x128xf32, #tpu.memory_space<vmem_shared>>) dst(%dma_wait3A_18 : memref<128x128xf32, #tpu.memory_space<hbm>>)
      tpu.yield
    }) : () -> ()
    return
  }
}

module attributes {stable_mosaic.version = 14 : i64} {
  func.func @body(%arg0: i32, %arg1: memref<1024x128xf32, #tpu.memory_space<vmem>>, %arg2: memref<1024x128xf32, #tpu.memory_space<vmem>>, %arg3: memref<1024x128xf32, #tpu.memory_space<vmem>>, %arg4: memref<1024x1xf32, #tpu.memory_space<vmem>>, %arg5: memref<1024x1xf32, #tpu.memory_space<vmem>>, %arg6: memref<128x128xf32, #tpu.memory_space<vmem>>, %arg7: memref<128x128xf32, #tpu.memory_space<vmem>>, %arg8: memref<1x128xf32, #tpu.memory_space<vmem>>, %arg9: memref<1024x128xf32, #tpu.memory_space<vmem>>) attributes {dimension_semantics = [#tpu.dimension_semantics<arbitrary>], iteration_bounds = array<i64: 10>, scalar_prefetch = 0 : i64, scratch_operands = 0 : i64, tpu.core_type = #tpu.core_type<tc>, window_params = [{transform_indices = @transform_0, window_bounds = array<i64: 1024, 128>}, {transform_indices = @transform_1, window_bounds = array<i64: 1024, 128>}, {transform_indices = @transform_2, window_bounds = array<i64: 1024, 128>}, {transform_indices = @transform_3, window_bounds = array<i64: 1024, 1>}, {transform_indices = @transform_4, window_bounds = array<i64: 1024, 1>}, {pipeline_mode = #tpu.pipeline_mode<synchronous>, transform_indices = @transform_5, window_bounds = array<i64: 128, 128>}, {pipeline_mode = #tpu.pipeline_mode<synchronous>, transform_indices = @transform_6, window_bounds = array<i64: 128, 128>}, {pipeline_mode = #tpu.pipeline_mode<synchronous>, transform_indices = @transform_7, window_bounds = array<i64: 1, 128>}, {transform_indices = @transform_8, window_bounds = array<i64: 1024, 128>}]} {
    %get3A = arith.constant 0 : index
    %get3A_0 = arith.constant 0 : index
    %get3A_1 = vector.load %arg4[%get3A, %get3A_0] : memref<1024x1xf32, #tpu.memory_space<vmem>>, vector<1024x1xf32>
    %get3A_2 = arith.constant 0 : index
    %get3A_3 = arith.constant 0 : index
    %get3A_4 = vector.load %arg5[%get3A_2, %get3A_3] : memref<1024x1xf32, #tpu.memory_space<vmem>>, vector<1024x1xf32>
    %add3A = arith.addf %get3A_1, %get3A_4 : vector<1024x1xf32>
    %max3A = arith.constant 1.000000e+00 : f32
    %max3A_5 = vector.broadcast %max3A : f32 to vector<1024x1xf32>
    %max3A_6 = arith.maximumf %add3A, %max3A_5 : vector<1024x1xf32>
    %div3A = arith.constant 1.000000e+00 : f32
    %div3A_7 = vector.broadcast %div3A : f32 to vector<1024x1xf32>
    %div3A_8 = arith.divf %div3A_7, %max3A_6 : vector<1024x1xf32>
    %get3A_9 = arith.constant 0 : index
    %get3A_10 = arith.constant 0 : index
    %get3A_11 = vector.load %arg2[%get3A_9, %get3A_10] : memref<1024x128xf32, #tpu.memory_space<vmem>>, vector<1024x128xf32>
    %get3A_12 = arith.constant 0 : index
    %get3A_13 = arith.constant 0 : index
    %get3A_14 = vector.load %arg3[%get3A_12, %get3A_13] : memref<1024x128xf32, #tpu.memory_space<vmem>>, vector<1024x128xf32>
    %add3A_15 = arith.addf %get3A_11, %get3A_14 : vector<1024x128xf32>
    %mul3A = vector.broadcast %div3A_8 : vector<1024x1xf32> to vector<1024x128xf32>
    %mul3A_16 = arith.mulf %add3A_15, %mul3A : vector<1024x128xf32>
    %get3A_17 = arith.constant 0 : index
    %get3A_18 = arith.constant 0 : index
    %get3A_19 = vector.load %arg1[%get3A_17, %get3A_18] : memref<1024x128xf32, #tpu.memory_space<vmem>>, vector<1024x128xf32>
    %get3A_20 = arith.constant 0 : index
    %get3A_21 = arith.constant 0 : index
    %get3A_22 = vector.load %arg6[%get3A_20, %get3A_21] : memref<128x128xf32, #tpu.memory_space<vmem>>, vector<128x128xf32>
    %dot_general3A = arith.constant dense<0.000000e+00> : vector<1024x128xf32>
    %dot_general3A_23 = tpu.matmul %get3A_19, %get3A_22, %dot_general3A {dimension_numbers = #tpu.dot_dimension_numbers<[1], [0], [0], [1], [0, 0, 1, 1], [], []>, transpose_lhs_hint = false} : vector<1024x128xf32>, vector<128x128xf32>, vector<1024x128xf32> -> vector<1024x128xf32>
    %get3A_24 = arith.constant 0 : index
    %get3A_25 = arith.constant 0 : index
    %get3A_26 = vector.load %arg7[%get3A_24, %get3A_25] : memref<128x128xf32, #tpu.memory_space<vmem>>, vector<128x128xf32>
    %dot_general3A_27 = arith.constant dense<0.000000e+00> : vector<1024x128xf32>
    %dot_general3A_28 = tpu.matmul %mul3A_16, %get3A_26, %dot_general3A_27 {dimension_numbers = #tpu.dot_dimension_numbers<[1], [0], [0], [1], [0, 0, 1, 1], [], []>, transpose_lhs_hint = false} : vector<1024x128xf32>, vector<128x128xf32>, vector<1024x128xf32> -> vector<1024x128xf32>
    %add3A_29 = arith.addf %dot_general3A_23, %dot_general3A_28 : vector<1024x128xf32>
    %get3A_30 = arith.constant 0 : index
    %get3A_31 = arith.constant 0 : index
    %get3A_32 = vector.load %arg8[%get3A_30, %get3A_31] : memref<1x128xf32, #tpu.memory_space<vmem>>, vector<1x128xf32>
    %add3A_33 = vector.broadcast %get3A_32 : vector<1x128xf32> to vector<1024x128xf32>
    %add3A_34 = arith.addf %add3A_29, %add3A_33 : vector<1024x128xf32>
    %max3A_35 = arith.constant 0.000000e+00 : f32
    %max3A_36 = vector.broadcast %max3A_35 : f32 to vector<1024x128xf32>
    %max3A_37 = arith.maximumf %add3A_34, %max3A_36 : vector<1024x128xf32>
    %mul3A_38 = arith.constant 1024 : i32
    %mul3A_39 = arith.muli %arg0, %mul3A_38 : i32
    %iota3A = tpu.iota {dimensions = array<i32: 0>} : vector<1024x1xi32>
    %add3A_40 = vector.broadcast %mul3A_39 : i32 to vector<1024x1xi32>
    %add3A_41 = arith.addi %add3A_40, %iota3A : vector<1024x1xi32>
    %lt3A = arith.constant 10000 : i32
    %lt3A_42 = vector.broadcast %lt3A : i32 to vector<1024x1xi32>
    %lt3A_43 = arith.cmpi slt, %add3A_41, %lt3A_42 : vector<1024x1xi32>
    %jit3A = arith.constant 0.000000e+00 : f32
    %broadcast_in_dim3A = vector.shape_cast %lt3A_43 : vector<1024x1xi1> to vector<1024x1xi1>
    %broadcast_in_dim3A_44 = vector.broadcast %broadcast_in_dim3A : vector<1024x1xi1> to vector<1024x128xi1>
    %broadcast_in_dim3A_45 = vector.broadcast %jit3A : f32 to vector<1024x128xf32>
    %select_n3A = arith.select %broadcast_in_dim3A_44, %max3A_37, %broadcast_in_dim3A_45 : vector<1024x128xi1>, vector<1024x128xf32>
    %swap3A = arith.constant 0 : index
    %swap3A_46 = arith.constant 0 : index
    %swap3A_47 = vector.load %arg9[%swap3A, %swap3A_46] : memref<1024x128xf32, #tpu.memory_space<vmem>>, vector<1024x128xf32>
    tpu.vector_store %arg9[%swap3A, %swap3A_46], %select_n3A {strides = array<i32>} : memref<1024x128xf32, #tpu.memory_space<vmem>>, vector<1024x128xf32>,
    return
  }
  func.func @transform_0(%arg0: i32) -> (i32, i32) {
    %c0_i32 = arith.constant 0 : i32
    %c0_i32_0 = arith.constant 0 : i32
    return %arg0, %c0_i32 : i32, i32
  }
  func.func @transform_1(%arg0: i32) -> (i32, i32) {
    %c0_i32 = arith.constant 0 : i32
    %c0_i32_0 = arith.constant 0 : i32
    return %arg0, %c0_i32 : i32, i32
  }
  func.func @transform_2(%arg0: i32) -> (i32, i32) {
    %add3A = arith.constant 10 : i32
    %add3A_0 = arith.addi %arg0, %add3A : i32
    %c0_i32 = arith.constant 0 : i32
    %c0_i32_1 = arith.constant 0 : i32
    return %add3A_0, %c0_i32 : i32, i32
  }
  func.func @transform_3(%arg0: i32) -> (i32, i32) {
    %c0_i32 = arith.constant 0 : i32
    %c0_i32_0 = arith.constant 0 : i32
    return %arg0, %c0_i32 : i32, i32
  }
  func.func @transform_4(%arg0: i32) -> (i32, i32) {
    %add3A = arith.constant 10 : i32
    %add3A_0 = arith.addi %arg0, %add3A : i32
    %c0_i32 = arith.constant 0 : i32
    %c0_i32_1 = arith.constant 0 : i32
    return %add3A_0, %c0_i32 : i32, i32
  }
  func.func @transform_5(%arg0: i32) -> (i32, i32) {
    %c0_i32 = arith.constant 0 : i32
    %c0_i32_0 = arith.constant 0 : i32
    %c0_i32_1 = arith.constant 0 : i32
    return %c0_i32, %c0_i32_0 : i32, i32
  }
  func.func @transform_6(%arg0: i32) -> (i32, i32) {
    %c0_i32 = arith.constant 0 : i32
    %c0_i32_0 = arith.constant 0 : i32
    %c0_i32_1 = arith.constant 0 : i32
    return %c0_i32, %c0_i32_0 : i32, i32
  }
  func.func @transform_7(%arg0: i32) -> (i32, i32) {
    %c0_i32 = arith.constant 0 : i32
    %c0_i32_0 = arith.constant 0 : i32
    %c0_i32_1 = arith.constant 0 : i32
    return %c0_i32, %c0_i32_0 : i32, i32
  }
  func.func @transform_8(%arg0: i32) -> (i32, i32) {
    %c0_i32 = arith.constant 0 : i32
    %c0_i32_0 = arith.constant 0 : i32
    return %arg0, %c0_i32 : i32, i32
  }
}

module attributes {stable_mosaic.version = 14 : i64} {
  func.func @body(%arg0: i32, %arg1: memref<1024x128xf32, #tpu.memory_space<vmem>>, %arg2: memref<1024x128xf32, #tpu.memory_space<vmem>>, %arg3: memref<1024x128xf32, #tpu.memory_space<vmem>>, %arg4: memref<1024x1xf32, #tpu.memory_space<vmem>>, %arg5: memref<1024x1xf32, #tpu.memory_space<vmem>>, %arg6: memref<128x128xf32, #tpu.memory_space<vmem>>, %arg7: memref<128x128xf32, #tpu.memory_space<vmem>>, %arg8: memref<1x128xf32, #tpu.memory_space<vmem>>, %arg9: memref<128x128xf32, #tpu.memory_space<vmem>>, %arg10: memref<1x128xf32, #tpu.memory_space<vmem>>, %arg11: memref<1024x128xf32, #tpu.memory_space<vmem>>) attributes {dimension_semantics = [#tpu.dimension_semantics<arbitrary>], iteration_bounds = array<i64: 10>, scalar_prefetch = 0 : i64, scratch_operands = 0 : i64, tpu.core_type = #tpu.core_type<tc>, window_params = [{transform_indices = @transform_0, window_bounds = array<i64: 1024, 128>}, {transform_indices = @transform_1, window_bounds = array<i64: 1024, 128>}, {transform_indices = @transform_2, window_bounds = array<i64: 1024, 128>}, {transform_indices = @transform_3, window_bounds = array<i64: 1024, 1>}, {transform_indices = @transform_4, window_bounds = array<i64: 1024, 1>}, {pipeline_mode = #tpu.pipeline_mode<synchronous>, transform_indices = @transform_5, window_bounds = array<i64: 128, 128>}, {pipeline_mode = #tpu.pipeline_mode<synchronous>, transform_indices = @transform_6, window_bounds = array<i64: 128, 128>}, {pipeline_mode = #tpu.pipeline_mode<synchronous>, transform_indices = @transform_7, window_bounds = array<i64: 1, 128>}, {pipeline_mode = #tpu.pipeline_mode<synchronous>, transform_indices = @transform_8, window_bounds = array<i64: 128, 128>}, {pipeline_mode = #tpu.pipeline_mode<synchronous>, transform_indices = @transform_9, window_bounds = array<i64: 1, 128>}, {transform_indices = @transform_10, window_bounds = array<i64: 1024, 128>}]} {
    %get3A = arith.constant 0 : index
    %get3A_0 = arith.constant 0 : index
    %get3A_1 = vector.load %arg4[%get3A, %get3A_0] : memref<1024x1xf32, #tpu.memory_space<vmem>>, vector<1024x1xf32>
    %get3A_2 = arith.constant 0 : index
    %get3A_3 = arith.constant 0 : index
    %get3A_4 = vector.load %arg5[%get3A_2, %get3A_3] : memref<1024x1xf32, #tpu.memory_space<vmem>>, vector<1024x1xf32>
    %add3A = arith.addf %get3A_1, %get3A_4 : vector<1024x1xf32>
    %max3A = arith.constant 1.000000e+00 : f32
    %max3A_5 = vector.broadcast %max3A : f32 to vector<1024x1xf32>
    %max3A_6 = arith.maximumf %add3A, %max3A_5 : vector<1024x1xf32>
    %div3A = arith.constant 1.000000e+00 : f32
    %div3A_7 = vector.broadcast %div3A : f32 to vector<1024x1xf32>
    %div3A_8 = arith.divf %div3A_7, %max3A_6 : vector<1024x1xf32>
    %get3A_9 = arith.constant 0 : index
    %get3A_10 = arith.constant 0 : index
    %get3A_11 = vector.load %arg2[%get3A_9, %get3A_10] : memref<1024x128xf32, #tpu.memory_space<vmem>>, vector<1024x128xf32>
    %get3A_12 = arith.constant 0 : index
    %get3A_13 = arith.constant 0 : index
    %get3A_14 = vector.load %arg3[%get3A_12, %get3A_13] : memref<1024x128xf32, #tpu.memory_space<vmem>>, vector<1024x128xf32>
    %add3A_15 = arith.addf %get3A_11, %get3A_14 : vector<1024x128xf32>
    %mul3A = vector.broadcast %div3A_8 : vector<1024x1xf32> to vector<1024x128xf32>
    %mul3A_16 = arith.mulf %add3A_15, %mul3A : vector<1024x128xf32>
    %get3A_17 = arith.constant 0 : index
    %get3A_18 = arith.constant 0 : index
    %get3A_19 = vector.load %arg1[%get3A_17, %get3A_18] : memref<1024x128xf32, #tpu.memory_space<vmem>>, vector<1024x128xf32>
    %get3A_20 = arith.constant 0 : index
    %get3A_21 = arith.constant 0 : index
    %get3A_22 = vector.load %arg6[%get3A_20, %get3A_21] : memref<128x128xf32, #tpu.memory_space<vmem>>, vector<128x128xf32>
    %dot_general3A = arith.constant dense<0.000000e+00> : vector<1024x128xf32>
    %dot_general3A_23 = tpu.matmul %get3A_19, %get3A_22, %dot_general3A {dimension_numbers = #tpu.dot_dimension_numbers<[1], [0], [0], [1], [0, 0, 1, 1], [], []>, transpose_lhs_hint = false} : vector<1024x128xf32>, vector<128x128xf32>, vector<1024x128xf32> -> vector<1024x128xf32>
    %get3A_24 = arith.constant 0 : index
    %get3A_25 = arith.constant 0 : index
    %get3A_26 = vector.load %arg7[%get3A_24, %get3A_25] : memref<128x128xf32, #tpu.memory_space<vmem>>, vector<128x128xf32>
    %dot_general3A_27 = arith.constant dense<0.000000e+00> : vector<1024x128xf32>
    %dot_general3A_28 = tpu.matmul %mul3A_16, %get3A_26, %dot_general3A_27 {dimension_numbers = #tpu.dot_dimension_numbers<[1], [0], [0], [1], [0, 0, 1, 1], [], []>, transpose_lhs_hint = false} : vector<1024x128xf32>, vector<128x128xf32>, vector<1024x128xf32> -> vector<1024x128xf32>
    %add3A_29 = arith.addf %dot_general3A_23, %dot_general3A_28 : vector<1024x128xf32>
    %get3A_30 = arith.constant 0 : index
    %get3A_31 = arith.constant 0 : index
    %get3A_32 = vector.load %arg8[%get3A_30, %get3A_31] : memref<1x128xf32, #tpu.memory_space<vmem>>, vector<1x128xf32>
    %add3A_33 = vector.broadcast %get3A_32 : vector<1x128xf32> to vector<1024x128xf32>
    %add3A_34 = arith.addf %add3A_29, %add3A_33 : vector<1024x128xf32>
    %max3A_35 = arith.constant 0.000000e+00 : f32
    %max3A_36 = vector.broadcast %max3A_35 : f32 to vector<1024x128xf32>
    %max3A_37 = arith.maximumf %add3A_34, %max3A_36 : vector<1024x128xf32>
    %get3A_38 = arith.constant 0 : index
    %get3A_39 = arith.constant 0 : index
    %get3A_40 = vector.load %arg9[%get3A_38, %get3A_39] : memref<128x128xf32, #tpu.memory_space<vmem>>, vector<128x128xf32>
    %dot_general3A_41 = arith.constant dense<0.000000e+00> : vector<1024x128xf32>
    %dot_general3A_42 = tpu.matmul %max3A_37, %get3A_40, %dot_general3A_41 {dimension_numbers = #tpu.dot_dimension_numbers<[1], [0], [0], [1], [0, 0, 1, 1], [], []>, transpose_lhs_hint = false} : vector<1024x128xf32>, vector<128x128xf32>, vector<1024x128xf32> -> vector<1024x128xf32>
    %get3A_43 = arith.constant 0 : index
    %get3A_44 = arith.constant 0 : index
    %get3A_45 = vector.load %arg10[%get3A_43, %get3A_44] : memref<1x128xf32, #tpu.memory_space<vmem>>, vector<1x128xf32>
    %add3A_46 = vector.broadcast %get3A_45 : vector<1x128xf32> to vector<1024x128xf32>
    %add3A_47 = arith.addf %dot_general3A_42, %add3A_46 : vector<1024x128xf32>
    %swap3A = arith.constant 0 : index
    %swap3A_48 = arith.constant 0 : index
    %swap3A_49 = vector.load %arg11[%swap3A, %swap3A_48] : memref<1024x128xf32, #tpu.memory_space<vmem>>, vector<1024x128xf32>
    tpu.vector_store %arg11[%swap3A, %swap3A_48], %add3A_47 {strides = array<i32>} : memref<1024x128xf32, #tpu.memory_space<vmem>>, vector<1024x128xf32>,
    return
  }
  func.func @transform_0(%arg0: i32) -> (i32, i32) {
    %c0_i32 = arith.constant 0 : i32
    %c0_i32_0 = arith.constant 0 : i32
    return %arg0, %c0_i32 : i32, i32
  }
  func.func @transform_1(%arg0: i32) -> (i32, i32) {
    %c0_i32 = arith.constant 0 : i32
    %c0_i32_0 = arith.constant 0 : i32
    return %arg0, %c0_i32 : i32, i32
  }
  func.func @transform_2(%arg0: i32) -> (i32, i32) {
    %add3A = arith.constant 10 : i32
    %add3A_0 = arith.addi %arg0, %add3A : i32
    %c0_i32 = arith.constant 0 : i32
    %c0_i32_1 = arith.constant 0 : i32
    return %add3A_0, %c0_i32 : i32, i32
  }
  func.func @transform_3(%arg0: i32) -> (i32, i32) {
    %c0_i32 = arith.constant 0 : i32
    %c0_i32_0 = arith.constant 0 : i32
    return %arg0, %c0_i32 : i32, i32
  }
  func.func @transform_4(%arg0: i32) -> (i32, i32) {
    %add3A = arith.constant 10 : i32
    %add3A_0 = arith.addi %arg0, %add3A : i32
    %c0_i32 = arith.constant 0 : i32
    %c0_i32_1 = arith.constant 0 : i32
    return %add3A_0, %c0_i32 : i32, i32
  }
  func.func @transform_5(%arg0: i32) -> (i32, i32) {
    %c0_i32 = arith.constant 0 : i32
    %c0_i32_0 = arith.constant 0 : i32
    %c0_i32_1 = arith.constant 0 : i32
    return %c0_i32, %c0_i32_0 : i32, i32
  }
  func.func @transform_6(%arg0: i32) -> (i32, i32) {
    %c0_i32 = arith.constant 0 : i32
    %c0_i32_0 = arith.constant 0 : i32
    %c0_i32_1 = arith.constant 0 : i32
    return %c0_i32, %c0_i32_0 : i32, i32
  }
  func.func @transform_7(%arg0: i32) -> (i32, i32) {
    %c0_i32 = arith.constant 0 : i32
    %c0_i32_0 = arith.constant 0 : i32
    %c0_i32_1 = arith.constant 0 : i32
    return %c0_i32, %c0_i32_0 : i32, i32
  }
  func.func @transform_8(%arg0: i32) -> (i32, i32) {
    %c0_i32 = arith.constant 0 : i32
    %c0_i32_0 = arith.constant 0 : i32
    %c0_i32_1 = arith.constant 0 : i32
    return %c0_i32, %c0_i32_0 : i32, i32
  }
  func.func @transform_9(%arg0: i32) -> (i32, i32) {
    %c0_i32 = arith.constant 0 : i32
    %c0_i32_0 = arith.constant 0 : i32
    %c0_i32_1 = arith.constant 0 : i32
    return %c0_i32, %c0_i32_0 : i32, i32
  }
  func.func @transform_10(%arg0: i32) -> (i32, i32) {
    %c0_i32 = arith.constant 0 : i32
    %c0_i32_0 = arith.constant 0 : i32
    return %arg0, %c0_i32 : i32, i32
  }
}

</mosaic_0001>

<sc_bundles>
// kernel: kernel.10.cloned.1.call-start
scs
__scs_entry_jumppad:
0x0: {  	(pc) =	sbr.rel $0x88, $3  }
0x1: {  	(tag) =	ssettag $0x0;
	lr =	simm.s32 $0x1  }
0x2: {  	[smem:$0x3F96] =	sst lr;
	_ =	strace $0xD0000000  }
0x3: {  	_ = 	snop  }
0x4: {  	_ = 	snop  }
0x5: {  	_ = 	snop  }
0x6: {  	_ = 	snop  }
0x7: {  	_ = 	snop  }
__scs_overlays_trampoline_lowered:
0x8: {  	[smem:$0x3FA5] =	sst s0  }
0x9: {  	[smem:$0x3FA6] =	sst s1  }
0xa: {  	[smem:$0x3FA7] =	sst s2  }
0xb: {  	[smem:$0x3FA8] =	sst s3  }
0xc: {  	[smem:$0x3FA9] =	sst s4  }
0xd: {  	[smem:$0x3FAA] =	sst s5  }
0xe: {  	[smem:$0x3FAB] =	sst s6  }
0xf: {  	[smem:$0x3FAC] =	sst s7  }
0x10: {  	[smem:$0x3FAD] =	sst s8  }
0x11: {  	[smem:$0x3FAE] =	sst s9;
	s0 =	simm.s32 @!p0 $0x0  }
0x12: {  	s1 =	sld [smem:$0x3F94];
	s0 =	simm.s32 @p0 $0x1  }
0x13: {  	[smem:$0x3FAF] =	sst s0;
	s0 =	simm.s32 @!p1 $0x0  }
0x14: {  	s2 =	sld [smem:$0x3F93];
	s0 =	simm.s32 @p1 $0x1  }
0x15: {  	[smem:$0x3FB0] =	sst s0;
	s0 =	simm.s32 @!p2 $0x0  }
0x16: {  	s3 =	sld [smem:$0x3FDB];
	s0 =	simm.s32 @p2 $0x1  }
0x17: {  	s4 =	simm.s32 $0x1BF5;
	[smem:$0x3FB2] =	sst s0  }
0x18: {  	s0 =	sld [smem:$0x3F95];
	_ =	swait.ge [sflag:s4], $0x0  }
0x19: {  	s7 =	sld [smem:$0x3F96]  }
0x1a: {  	s8 =	sadd.s32 $0xFFFFE003, lr  }
0x1b: {  	s9 =	sadd.s32 $0xFFFFFEF7, lr;
	s5 =	simm.s32 $0xFFFFFFFF;
	p2 =	slt.u32 s8, $0xFFFFF086  }
0x1c: {  	p1 =	slt.u32 s9, $0xF7A;
	s5 =	simm.s32 @!p2 $0x0  }
0x1d: {  	s5 =	simm.s32 @p1 $0x1;
	p0 =	seq.s32 s7, s2  }
0x1e: {  	s7 =	smul.u32 @!p0 $0xF7A, s2;
	p2 =	seq.s32 @!p0 s5, $0x0  }
0x1f: {  	s9 =	smul.u32 $0xF7A, s1;
	s8 =	simm.s32 @!p0 $0x1BF5;
	p2 =	por !p2, p0  }
0x20: {  	[sflag:s8] =	ssyncset.s32 @!p0 $0xFFFFF086;
	s6 =	sadd.s32 @!p0 s3, s7;
	s7 =	simm.s32 @!p0 $0x108  }
0x21: {  	s3 =	sadd.s32 s3, s9;
	s6 =	sadd.s32 @!p0 $0x88, s6;
	s7 =	simm.s32 @p2 $0x1082  }
0x22: {  	[simem:s7], [sflag:s8] =	dma.local @!p0 [hbm:s6], $0xF7A  }
0x23: {  	s9 =	sor.u32 $0xD0000000, s2;
	s6 =	simm.s32 $0x108;
	_ =	swait.ge @!p0 [sflag:s8], $0x0  }
0x24: {  	s3 =	sadd.s32 $0x88, s3;
	s6 =	simm.s32 @!p1 $0x1082;
	[sflag:s4] =	ssyncset.s32 $0xFFFFF086  }
0x25: {  	[simem:s6], [sflag:s4] =	dma.local [hbm:s3], $0xF7A  }
0x26: {  	[smem:$0x3F96] =	sst s1;
	(tag) =	ssettag s2;
	_ =	strace s9  }
0x27: {  	s1 =	sld [smem:$0x3FA6]  }
0x28: {  	s2 =	sld [smem:$0x3FA7]  }
0x29: {  	s4 =	sld [smem:$0x3FA9]  }
0x2a: {  	p0 =	seq.s32 s5, $0x0;
	s5 =	sld [smem:$0x3FAA]  }
0x2b: {  	s6 =	sld [smem:$0x3FAB]  }
0x2c: {  	s7 =	sld [smem:$0x3FAC]  }
0x2d: {  	s3 =	simm.s32 $0x108;
	s8 =	sld [smem:$0x3FAD]  }
0x2e: {  	s3 =	simm.s32 @!p0 $0x1082;
	s9 =	sld [smem:$0x3FAE]  }
0x2f: {  	lr =	sadd.s32 s0, s3;
	s0 =	sld [smem:$0x3FA5]  }
0x30: {  	s3 =	sld [smem:$0x3FA8]  }
0x31: {  	[smem:$0x3FB1] =	sst s10  }
0x32: {  	s10 =	sld [smem:$0x3FAF];
	_ =	sdelay $0x3  }
0x33: {  	p0 =	seq.s32 s10, $0x1;
	s10 =	sld [smem:$0x3FB1];
	_ =	sdelay $0x3  }
0x34: {  	[smem:$0x3FB1] =	sst s10  }
0x35: {  	s10 =	sld [smem:$0x3FB0];
	_ =	sdelay $0x3  }
0x36: {  	p1 =	seq.s32 s10, $0x1;
	s10 =	sld [smem:$0x3FB1];
	_ =	sdelay $0x3  }
0x37: {  	[smem:$0x3FB1] =	sst s10  }
0x38: {  	s10 =	sld [smem:$0x3FB2]  }
0x39: {  	_ = 	snop;
	(pc) =	sbr.ind lr, $3  }
0x3a: {  	_ = 	snop  }
0x3b: {  	_ = 	snop  }
0x3c: {  	p2 =	seq.s32 s10, $0x1;
	s10 =	sld [smem:$0x3FB1]  }
0x3d: {  	_ =	shalt  }
0x3e: {  	_ =	shalt  }
0x3f: {  	_ =	shalt  }
0x40: {  	_ =	shalt  }
0x41: {  	_ =	shalt  }
0x42: {  	_ =	shalt  }
0x43: {  	_ =	shalt  }
0x44: {  	_ =	shalt  }
0x45: {  	_ =	shalt  }
0x46: {  	_ =	shalt  }
0x47: {  	_ =	shalt  }
0x48: {  	_ =	shalt  }
0x49: {  	_ =	shalt  }
0x4a: {  	_ =	shalt  }
0x4b: {  	_ =	shalt  }
0x4c: {  	_ =	shalt  }
0x4d: {  	_ =	shalt  }
0x4e: {  	_ =	shalt  }
0x4f: {  	_ =	shalt  }
0x50: {  	_ =	shalt  }
0x51: {  	_ =	shalt  }
0x52: {  	_ =	shalt  }
0x53: {  	_ =	shalt  }
0x54: {  	_ =	shalt  }
0x55: {  	_ =	shalt  }
0x56: {  	_ =	shalt  }
0x57: {  	_ =	shalt  }
0x58: {  	_ =	shalt  }
0x59: {  	_ =	shalt  }
0x5a: {  	_ =	shalt  }
0x5b: {  	_ =	shalt  }
0x5c: {  	_ =	shalt  }
0x5d: {  	_ =	shalt  }
0x5e: {  	_ =	shalt  }
0x5f: {  	_ =	shalt  }
0x60: {  	_ =	shalt  }
0x61: {  	_ =	shalt  }
0x62: {  	_ =	shalt  }
0x63: {  	_ =	shalt  }
0x64: {  	_ =	shalt  }
0x65: {  	_ =	shalt  }
0x66: {  	_ =	shalt  }
0x67: {  	_ =	shalt  }
0x68: {  	_ =	shalt  }
0x69: {  	_ =	shalt  }
0x6a: {  	_ =	shalt  }
0x6b: {  	_ =	shalt  }
0x6c: {  	_ =	shalt  }
0x6d: {  	_ =	shalt  }
0x6e: {  	_ =	shalt  }
0x6f: {  	_ =	shalt  }
0x70: {  	_ =	shalt  }
0x71: {  	_ =	shalt  }
0x72: {  	_ =	shalt  }
0x73: {  	_ =	shalt  }
0x74: {  	_ =	shalt  }
0x75: {  	_ =	shalt  }
0x76: {  	_ =	shalt  }
0x77: {  	_ =	shalt  }
0x78: {  	_ =	shalt  }
0x79: {  	_ =	shalt  }
0x7a: {  	_ =	shalt  }
0x7b: {  	_ =	shalt  }
0x7c: {  	_ =	shalt  }
0x7d: {  	_ =	shalt  }
0x7e: {  	_ =	shalt  }
0x7f: {  	_ =	shalt  }
0x80: {  	_ =	shalt  }
0x81: {  	_ =	shalt  }
0x82: {  	_ =	shalt  }
0x83: {  	_ =	shalt  }
0x84: {  	_ =	shalt  }
0x85: {  	_ =	shalt  }
0x86: {  	_ =	shalt  }
0x87: {  	_ =	shalt  }
.Lfunc_end0:
.L_simem_size_0:
called_computation.1_lowered:
.L_overlay_start_0:
0x88: {  	s2 =	sld [smem:$0x3FD9]  }
0x89: {  	s3 =	sld [smem:$0x3FFE];
	_ =	sdelay $0x1  }
0x8a: {  	s1 =	srdreg.scid  }
0x8b: {  	s0 =	sand.u32 $0x1, s1  }
0x8c: {  	s16 =	sshll.u32 s0, $0xA;
	s2 =	sadd.s32 s3, s2  }
0x8d: {  	s2 =	sadd.s32 s2, s16  }
0x8e: {  	[smem:$0x3FBD] =	sst s2  }
0x8f: {  	_ = 	snop  }
0x90: {  	(tm) =	ssettm $0x1  }
0x91: {  	s17 =	sld [smem:$0x3FFB];
	_ =	sdelay $0x3  }
0x92: {  	_ =	strace s17  }
0x93: {  	s2 =	sld [smem:$0x3FFC];
	_ =	sdelay $0x3  }
0x94: {  	_ =	strace s2  }
0x95: {  	s2 =	sld [smem:$0x3FFD];
	_ =	sdelay $0x3  }
0x96: {  	_ =	strace s2  }
0x97: {  	_ =	strace $0x8FFFFFFF  }
0x98: {  	s18 =	sld [smem:$0x3FDB];
	_ =	sdelay $0x1  }
0x99: {  	s19 =	simm.s32 $_scs_section_size  }
0x9a: {  	s4 =	simm.s32 $_size__tile_overlayer_lowered;
	s5 =	simm.s32 $_tile_overlayer_lowered  }
0x9b: {  	s22 =	simm.s32 $0x1BFF;
	s21 =	sshll.u32 s5, $0x1;
	s2 =	sadd.s32 s19, s18  }
0x9c: {  	s6 =	simm.s32 $0x0;
	s20 =	sshll.u32 s4, $0x1;
	s4 =	sadd.s32 s21, s2  }
0x9d: {  	[timem:s6], [sflag:s22] =	dma.local [hbm:s4], s20  }
0x9e: {  	_ =	swait.ge [sflag:s22], s20  }
0x9f: {  	s3 =	ssub.s32 $0x0, s20;
	[sflag:s22] =	ssyncset.done $0x0  }
0xa0: {  	[sflag:s22] =	ssyncadd.s32 s3;
	_ =	sdelay $0x1  }
0xa1: {  	s23 =	simm.s32 $0x1B8B  }
0xa2: {  	_ =	swait.ge [sflag:s23], $0x1  }
0xa3: {  	[sflag:s23] =	ssyncset.done $0x0  }
0xa4: {  	s25 =	simm.s32 $0x1B8E;
	s24 =	sld [smem:$0x3FFE];
	[sflag:s23] =	ssyncadd.s32 $0xFFFFFFFF  }
0xa5: {  	s26 =	simm.s32 $execute0_lowered;
	[smem:$0x3FD2] =	sst s25  }
0xa6: {  	s4 =	sshll.u32 s26, $0x1;
	_ =	strace $0x80000049;
	[dreg:$0x1] =	wrdreg $0xFFFFFFFF  }
0xa7: {  	s28 =	simm.s32 $_size_execute0_lowered;
	s2 =	sadd.s32 s2, s4;
	[dreg:$0x0] =	wrdreg $0x0  }
0xa8: {  	s4 =	sshll.u32 s28, $0x1;
	[dreg:$0x2] =	wrdreg s2  }
0xa9: {  	[dreg:$0x3] =	wrdreg s4  }
0xaa: {  	[dreg:$0x4] =	wrdreg $0xC0  }
0xab: {  	_ =	task [dreg:s6], $0x5FFFF  }
0xac: {  	[dreg:$0x1] =	wrdreg $0xFFFFFFFF  }
0xad: {  	[dreg:$0x0] =	wrdreg $0x60  }
0xae: {  	[dreg:$0x2] =	wrdreg s24  }
0xaf: {  	[dreg:$0x3] =	wrdreg $0x88000  }
0xb0: {  	[dreg:$0x4] =	wrdreg $0x9  }
0xb1: {  	_ =	task.clear_ibuf [dreg:s6], $0x5FFFF;
	_ =	strace $0x90000049  }
0xb2: {  	s29 =	simm.s32 $0x9;
	_ =	strace $0x8000004B  }
0xb3: {  	_ =	swait.ge [sflag:s29], $0x1  }
0xb4: {  	[sflag:s29] =	ssyncadd.s32 $0xFFFFFFFF  }
0xb5: {  	_ =	strace $0x9000004B  }
0xb6: {  	_ =	sfence  }
0xb7: {  	s30 =	sld [smem:$0x0];
	_ =	sdelay $0x2  }
0xb8: {  	s31 =	sshll.u32 s1, $0xD;
	s1 =	sshrl.u32 s1, $0x2  }
0xb9: {  	s3 =	sand.u32 $0x4000, s31;
	s1 =	sadd.s32 s1, s30  }
0xba: {  	s0 =	sor.u32 s3, s0;
	s1 =	sshll.u32 s1, $0x11  }
0xbb: {  	s0 =	sor.u32 s1, s0  }
0xbc: {  	s0 =	sadd.s32 $0x8F2B, s0  }
0xbd: {  	[sflag:s0] =	ssyncadd.remote.s32 $0x1  }
0xbe: {  	_ =	sfence.sel $0xFFFF  }
0xbf: {  	[dreg:$0x0] =	wrdreg $0xFFFFFFFF;
	(pc) =	sbr.abs _section_cstart, $3  }
0xc0: {  	[dreg:$0x1] =	wrdreg $0xFFFFFFFF  }
0xc1: {  	_ =	task.clear_ibuf [dreg:s6], $0x2FFFF;
	_ =	strace $0x9FFFFFFF  }
0xc2: {  	(tm) =	ssettm $0x7FFFFFFF  }
0xc3: {  	_ =	shalt  }
tec
execute0_lowered:
.L_overlay_start_1:
0x0: {  	(tag) =	ssettag $0x1  }
0x1: {  	s0 =	rddreg [dreg:$0x0]  }
0x2: {  	s2 =	rddreg [dreg:$0x1]  }
0x3: {  	s8 =	stileid.u32;
	s1 =	srdreg.scid  }
0x4: {  	s3 =	simm.s32 $0x0;
	s13 =	simm.s32 $0x800;
	s14 =	simm.s32 $0x5  }
0x5: {  	s15 =	simm.s32 $0x80;
	s16 =	simm.s32 $0x4800;
	s17 =	simm.s32 $0x400  }
0x6: {  	s28 =	simm.s32 $0x580;
	s29 =	simm.s32 $0x280;
	s4 =	smul.u32 $0x50, s8  }
0x7: {  	s30 =	simm.s32 $0x600;
	s31 =	simm.s32 $0x300;
	s6 =	smul.u32 $0x2800, s8  }
0x8: {  	s1 =	sand.u32 $0x1, s1;
	[smem:$0x7FF] =	sst s3;
	s8 =	smul.u32 $0x50000, s8  }
0x9: {  	p0 =	seq.s32 s1, $0x0;
	s7 =	smul.u32 $0x28000, s1;
	_ =	strace $0x8000004A  }
0xa: {  	s1 =	ssub.s32 $0x2, s1;
	s5 =	sadd.s32 $0x500, s4;
	s19 =	sshrl.u32 s8, $0x2  }
0xb: {  	s20 =	sshrl.u32 s1, $0x1;
	s8 =	simm.s32 $0x0;
	s5 =	smov.u32 @p0 s4  }
0xc: {  	s4 =	sadd.s32 $0x17600, s0;
	s18 =	sadd.s32 s6, s7;
	s11 =	sadd.s32 s19, s2  }
0xd: {  	s1 =	ssub.s32 s1, s20;
	s19 =	simm.s32 $0x3;
	s20 =	simm.s32 $0x100  }
0xe: {  	s6 =	simm.s32 $0x700;
	s21 =	sadd.s32 $0x4000, s11;
	[dreg:$0x4] =	wrdreg s11  }
0xf: {  	s7 =	simm.s32 $0x780;
	s22 =	sadd.s32 $0x8000, s11;
	[dreg:$0x5] =	wrdreg s21  }
0x10: {  	s5 =	sshll.u32 s5, $0x4;
	s23 =	sadd.s32 $0xC000, s11;
	[dreg:$0x6] =	wrdreg s22  }
0x11: {  	s24 =	sadd.s32 $0x10000, s11;
	s26 =	smax.u32 s1, $0x1;
	[dreg:$0x7] =	wrdreg s23  }
0x12: {  	s1 =	simm.s32 $0x680;
	s9 =	sadd.s32 s5, s0;
	[dreg:$0x8] =	wrdreg s24  }
0x13: {  	s0 =	sadd.s32 s18, s0;
	[dreg:$0xa] =	wrdreg s26;
	s18 =	simm.s32 $0x1  }
0x14: {  	s21 =	simm.s32 $0x2;
	s22 =	simm.s32 $0x480;
	s23 =	simm.s32 $0x4  }
0x15: {  	s24 =	simm.s32 $0x180;
	s26 =	simm.s32 $0x200;
	s0 =	sadd.s32 $0x3F600, s0  }
0x16: {  	s25 =	sadd.s32 $0x3600, s9;
	s12 =	sadd.s32 $0xD600, s9;
	[dreg:$0x9] =	wrdreg s0  }
0x17: {  	v0 =	vimm.f32 $0.0e+00;
	[dreg:$0x3] =	wrdreg s25;
	s25 =	simm.s32 $0x500;
	s0 =	simm.s32 $0x380  }
.LBB2_1:
0x18: {  	s9 =	simm.s32 $0x0;
	s10 =	simm.s32 $0x200  }
.LBB2_2:
0x19: {  	p0 =	sne.s32 s10, $0xFE00;
	[tilespmem:s9+$0x870] =	vst v0  }
0x1a: {  	[tilespmem:s9+$0x800] =	vst v0  }
0x1b: {  	[tilespmem:s9+$0x810] =	vst v0  }
.Ltmp0:
0x1c: {  	[tilespmem:s9+$0x820] =	vst v0;
	(pc) =	sbr.rel @p0 .LBB2_2-.Ltmp0, $4  }
0x1d: {  	[tilespmem:s9+$0x830] =	vst v0  }
0x1e: {  	[tilespmem:s9+$0x840] =	vst v0  }
0x1f: {  	[tilespmem:s9+$0x850] =	vst v0  }
0x20: {  	[tilespmem:s9+$0x860] =	vst v0;
	s9 =	sshra.s32 s10, $0x2;
	s10 =	sadd.s32 $0x200, s10  }
0x21: {  	[tilespmem:s9+$0x870] =	vst v0  }
0x22: {  	[tilespmem:s9+$0x800] =	vst v0  }
0x23: {  	[tilespmem:s9+$0x810] =	vst v0  }
0x24: {  	[tilespmem:s9+$0x820] =	vst v0  }
0x25: {  	[tilespmem:s9+$0x830] =	vst v0  }
0x26: {  	[tilespmem:s9+$0x840] =	vst v0  }
0x27: {  	[tilespmem:s9+$0x850] =	vst v0  }
0x28: {  	[dreg:$0xb] =	wrdreg s8;
	[tilespmem:s9+$0x860] =	vst v0  }
0x29: {  	[spmem:s11] =	stream.linear.scatter [tilespmem:s13], [sflag:$0x5], $0x4000, $0x38;
	[tilespmem:$0x1C800] =	vst v63  }
0x2a: {  	_ =	swait.ge [sflag:s14], $0x4000  }
0x2b: {  	[sflag:s14] =	ssyncset.done $0x0  }
0x2c: {  	s5 =	rddreg [dreg:$0x5];
	[sflag:s14] =	ssyncadd.s32 $0xFFFFC000  }
0x2d: {  	[spmem:s5] =	stream.linear.scatter [tilespmem:s13], [sflag:$0x5], $0x4000, $0x38;
	[tilespmem:$0x1C800] =	vst v63  }
0x2e: {  	_ =	swait.ge [sflag:s14], $0x4000  }
0x2f: {  	[sflag:s14] =	ssyncset.done $0x0  }
0x30: {  	s11 =	rddreg [dreg:$0x6];
	[sflag:s14] =	ssyncadd.s32 $0xFFFFC000  }
0x31: {  	[spmem:s11] =	stream.linear.scatter [tilespmem:s13], [sflag:$0x5], $0x4000, $0x38;
	[tilespmem:$0x1C800] =	vst v63  }
0x32: {  	_ =	swait.ge [sflag:s14], $0x4000  }
0x33: {  	[sflag:s14] =	ssyncset.done $0x0  }
0x34: {  	s8 =	rddreg [dreg:$0x7];
	[sflag:s14] =	ssyncadd.s32 $0xFFFFC000  }
0x35: {  	[spmem:s8] =	stream.linear.scatter [tilespmem:s13], [sflag:$0x5], $0x4000, $0x38;
	[tilespmem:$0x1C800] =	vst v63  }
0x36: {  	_ =	swait.ge [sflag:s14], $0x4000  }
0x37: {  	[sflag:s14] =	ssyncset.done $0x0  }
0x38: {  	s9 =	rddreg [dreg:$0x8];
	[sflag:s14] =	ssyncadd.s32 $0xFFFFC000  }
0x39: {  	[spmem:s9] =	stream.linear.scatter [tilespmem:s13], [sflag:$0x5], $0x4000, $0x38;
	[tilespmem:$0x1C800] =	vst v63  }
0x3a: {  	_ =	swait.ge [sflag:s14], $0x4000  }
0x3b: {  	[sflag:s14] =	ssyncset.done $0x0  }
0x3c: {  	[sflag:s14] =	ssyncadd.s32 $0xFFFFC000  }
0x3d: {  	s10 =	sadd.s32 $0x0, s12;
	[bflag:$0x0] =	sbarrier.arrive $0xFFFF  }
0x3e: {  	[tilespmem:s3], [sflag:$0x5] =	stream.linear.gather [hbm4b:s10+s3], $0x400, $0x38;
	[tilespmem:$0x1C800] =	vst v63  }
0x3f: {  	_ =	swait.ge [sflag:s14], $0x400  }
0x40: {  	[sflag:s14] =	ssyncset.done $0x0  }
0x41: {  	[sflag:s14] =	ssyncadd.s32 $0xFFFFFC00  }
0x42: {  	[tilespmem:s13], [sflag:$0x1] =	stream.indirect.gather [hbm4b:s4+s15], $0x80, s3, s15, $0xb8;
	[tilespmem:$0x1C800] =	vst v63  }
0x43: {  	s11 =	rddreg [dreg:$0x3]  }
0x44: {  	[tilespmem:s16], [sflag:$0x2] =	stream.indirect.gather [hbm4b:s4+s15], $0x80, s15, s15, $0xb8;
	[tilespmem:$0x1C800] =	vst v63  }
0x45: {  	s9 =	sadd.s32 $0x0, s11  }
0x46: {  	[tilespmem:s17], [sflag:$0x5] =	stream.linear.gather [hbm4b:s9+s3], $0x400, $0x38;
	[tilespmem:$0x1C800] =	vst v63  }
0x47: {  	_ =	swait.ge [sflag:s14], $0x400  }
0x48: {  	[sflag:s14] =	ssyncset.done $0x0  }
0x49: {  	[sflag:s14] =	ssyncadd.s32 $0xFFFFFC00  }
0x4a: {  	_ =	swait.ge [sflag:s18], $0x4000  }
0x4b: {  	[sflag:s18] =	ssyncset.done $0x0  }
0x4c: {  	[sflag:s18] =	ssyncadd.s32 $0xFFFFC000  }
0x4d: {  	[spmem:s2] =	stream.indirect.scatter.add.f32 [tilespmem:s13], [sflag:$0x3], $0x80, s17, s15, $0xb8;
	[tilespmem:$0x1C800] =	vst v63  }
0x4e: {  	_ =	swait.ge [sflag:s19], $0x4000  }
0x4f: {  	[sflag:s19] =	ssyncset.done $0x0  }
0x50: {  	[sflag:s19] =	ssyncadd.s32 $0xFFFFC000  }
0x51: {  	[tilespmem:s13], [sflag:$0x1] =	stream.indirect.gather [hbm4b:s4+s15], $0x80, s20, s15, $0xb8;
	[tilespmem:$0x1C800] =	vst v63  }
0x52: {  	_ =	swait.ge [sflag:s21], $0x4000  }
0x53: {  	[sflag:s21] =	ssyncset.done $0x0  }
0x54: {  	[sflag:s21] =	ssyncadd.s32 $0xFFFFC000  }
0x55: {  	[spmem:s2] =	stream.indirect.scatter.add.f32 [tilespmem:s16], [sflag:$0x4], $0x80, s22, s15, $0xb8;
	[tilespmem:$0x1C800] =	vst v63  }
0x56: {  	_ =	swait.ge [sflag:s23], $0x4000  }
0x57: {  	[sflag:s23] =	ssyncset.done $0x0  }
0x58: {  	[sflag:s23] =	ssyncadd.s32 $0xFFFFC000  }
0x59: {  	[tilespmem:s16], [sflag:$0x2] =	stream.indirect.gather [hbm4b:s4+s15], $0x80, s24, s15, $0xb8;
	[tilespmem:$0x1C800] =	vst v63  }
0x5a: {  	_ =	swait.ge [sflag:s18], $0x4000  }
0x5b: {  	[sflag:s18] =	ssyncset.done $0x0  }
0x5c: {  	[sflag:s18] =	ssyncadd.s32 $0xFFFFC000  }
0x5d: {  	[spmem:s2] =	stream.indirect.scatter.add.f32 [tilespmem:s13], [sflag:$0x3], $0x80, s25, s15, $0xb8;
	[tilespmem:$0x1C800] =	vst v63  }
0x5e: {  	_ =	swait.ge [sflag:s19], $0x4000  }
0x5f: {  	[sflag:s19] =	ssyncset.done $0x0  }
0x60: {  	[sflag:s19] =	ssyncadd.s32 $0xFFFFC000  }
0x61: {  	[tilespmem:s13], [sflag:$0x1] =	stream.indirect.gather [hbm4b:s4+s15], $0x80, s26, s15, $0xb8;
	[tilespmem:$0x1C800] =	vst v63  }
0x62: {  	_ =	swait.ge [sflag:s21], $0x4000  }
0x63: {  	[sflag:s21] =	ssyncset.done $0x0  }
0x64: {  	[sflag:s21] =	ssyncadd.s32 $0xFFFFC000  }
0x65: {  	[spmem:s2] =	stream.indirect.scatter.add.f32 [tilespmem:s16], [sflag:$0x4], $0x80, s28, s15, $0xb8;
	[tilespmem:$0x1C800] =	vst v63  }
0x66: {  	_ =	swait.ge [sflag:s23], $0x4000  }
0x67: {  	[sflag:s23] =	ssyncset.done $0x0  }
0x68: {  	[sflag:s23] =	ssyncadd.s32 $0xFFFFC000  }
0x69: {  	[tilespmem:s16], [sflag:$0x2] =	stream.indirect.gather [hbm4b:s4+s15], $0x80, s29, s15, $0xb8;
	[tilespmem:$0x1C800] =	vst v63  }
0x6a: {  	_ =	swait.ge [sflag:s18], $0x4000  }
0x6b: {  	[sflag:s18] =	ssyncset.done $0x0  }
0x6c: {  	[sflag:s18] =	ssyncadd.s32 $0xFFFFC000  }
0x6d: {  	[spmem:s2] =	stream.indirect.scatter.add.f32 [tilespmem:s13], [sflag:$0x3], $0x80, s30, s15, $0xb8;
	[tilespmem:$0x1C800] =	vst v63  }
0x6e: {  	_ =	swait.ge [sflag:s19], $0x4000  }
0x6f: {  	[sflag:s19] =	ssyncset.done $0x0  }
0x70: {  	[sflag:s19] =	ssyncadd.s32 $0xFFFFC000  }
0x71: {  	[tilespmem:s13], [sflag:$0x1] =	stream.indirect.gather [hbm4b:s4+s15], $0x80, s31, s15, $0xb8;
	[tilespmem:$0x1C800] =	vst v63  }
0x72: {  	_ =	swait.ge [sflag:s21], $0x4000  }
0x73: {  	[sflag:s21] =	ssyncset.done $0x0  }
0x74: {  	[sflag:s21] =	ssyncadd.s32 $0xFFFFC000  }
0x75: {  	[spmem:s2] =	stream.indirect.scatter.add.f32 [tilespmem:s16], [sflag:$0x4], $0x80, s1, s15, $0xb8;
	[tilespmem:$0x1C800] =	vst v63  }
0x76: {  	_ =	swait.ge [sflag:s23], $0x4000  }
0x77: {  	[sflag:s23] =	ssyncset.done $0x0  }
0x78: {  	[sflag:s23] =	ssyncadd.s32 $0xFFFFC000  }
0x79: {  	[tilespmem:s16], [sflag:$0x2] =	stream.indirect.gather [hbm4b:s4+s15], $0x80, s0, s15, $0xb8;
	[tilespmem:$0x1C800] =	vst v63  }
0x7a: {  	_ =	swait.ge [sflag:s18], $0x4000  }
0x7b: {  	[sflag:s18] =	ssyncset.done $0x0  }
0x7c: {  	[sflag:s18] =	ssyncadd.s32 $0xFFFFC000  }
0x7d: {  	[spmem:s2] =	stream.indirect.scatter.add.f32 [tilespmem:s13], [sflag:$0x3], $0x80, s6, s15, $0xb8;
	[tilespmem:$0x1C800] =	vst v63  }
0x7e: {  	_ =	swait.ge [sflag:s21], $0x4000  }
0x7f: {  	[sflag:s21] =	ssyncset.done $0x0  }
0x80: {  	[sflag:s21] =	ssyncadd.s32 $0xFFFFC000  }
0x81: {  	[spmem:s2] =	stream.indirect.scatter.add.f32 [tilespmem:s16], [sflag:$0x4], $0x80, s7, s15, $0xb8;
	[tilespmem:$0x1C800] =	vst v63  }
0x82: {  	_ =	swait.ge [sflag:s19], $0x4000  }
0x83: {  	[sflag:s19] =	ssyncset.done $0x0  }
0x84: {  	[sflag:s19] =	ssyncadd.s32 $0xFFFFC000  }
0x85: {  	_ =	swait.ge [sflag:s23], $0x4000  }
0x86: {  	s10 =	simm.s32 $0x100;
	s9 =	simm.s32 $0x80;
	[sflag:s23] =	ssyncset.done $0x0  }
.LBB2_4:
0x87: {  	s5 =	sadd.s32 s9, s12;
	[sflag:s23] =	ssyncadd.s32 $0xFFFFC000  }
0x88: {  	[tilespmem:s3], [sflag:$0x5] =	stream.linear.gather [hbm4b:s5+s3], $0x400, $0x38;
	[tilespmem:$0x1C800] =	vst v63  }
0x89: {  	_ =	swait.ge [sflag:s14], $0x400  }
0x8a: {  	[sflag:s14] =	ssyncset.done $0x0  }
0x8b: {  	s8 =	smov.u32 s10;
	[sflag:s14] =	ssyncadd.s32 $0xFFFFFC00  }
0x8c: {  	[tilespmem:s13], [sflag:$0x1] =	stream.indirect.gather [hbm4b:s4+s15], $0x80, s3, s15, $0xb8;
	[tilespmem:$0x1C800] =	vst v63  }
0x8d: {  	s11 =	sadd.s32 $0x80, s10;
	p0 =	sne.s32 s10, $0x480;
	s10 =	rddreg [dreg:$0x3]  }
0x8e: {  	[tilespmem:s16], [sflag:$0x2] =	stream.indirect.gather [hbm4b:s4+s15], $0x80, s15, s15, $0xb8;
	[tilespmem:$0x1C800] =	vst v63  }
0x8f: {  	s5 =	sadd.s32 s9, s10  }
0x90: {  	[tilespmem:s17], [sflag:$0x5] =	stream.linear.gather [hbm4b:s5+s3], $0x400, $0x38;
	[tilespmem:$0x1C800] =	vst v63  }
0x91: {  	_ =	swait.ge [sflag:s14], $0x400  }
0x92: {  	[sflag:s14] =	ssyncset.done $0x0  }
0x93: {  	[sflag:s14] =	ssyncadd.s32 $0xFFFFFC00  }
0x94: {  	_ =	swait.ge [sflag:s18], $0x4000  }
0x95: {  	[sflag:s18] =	ssyncset.done $0x0  }
0x96: {  	[sflag:s18] =	ssyncadd.s32 $0xFFFFC000  }
0x97: {  	[spmem:s2] =	stream.indirect.scatter.add.f32 [tilespmem:s13], [sflag:$0x3], $0x80, s17, s15, $0xb8;
	[tilespmem:$0x1C800] =	vst v63  }
0x98: {  	_ =	swait.ge [sflag:s19], $0x4000  }
0x99: {  	[sflag:s19] =	ssyncset.done $0x0  }
0x9a: {  	[sflag:s19] =	ssyncadd.s32 $0xFFFFC000  }
0x9b: {  	[tilespmem:s13], [sflag:$0x1] =	stream.indirect.gather [hbm4b:s4+s15], $0x80, s20, s15, $0xb8;
	[tilespmem:$0x1C800] =	vst v63  }
0x9c: {  	_ =	swait.ge [sflag:s21], $0x4000  }
0x9d: {  	[sflag:s21] =	ssyncset.done $0x0  }
0x9e: {  	[sflag:s21] =	ssyncadd.s32 $0xFFFFC000  }
0x9f: {  	[spmem:s2] =	stream.indirect.scatter.add.f32 [tilespmem:s16], [sflag:$0x4], $0x80, s22, s15, $0xb8;
	[tilespmem:$0x1C800] =	vst v63  }
0xa0: {  	_ =	swait.ge [sflag:s23], $0x4000  }
0xa1: {  	[sflag:s23] =	ssyncset.done $0x0  }
0xa2: {  	[sflag:s23] =	ssyncadd.s32 $0xFFFFC000  }
0xa3: {  	[tilespmem:s16], [sflag:$0x2] =	stream.indirect.gather [hbm4b:s4+s15], $0x80, s24, s15, $0xb8;
	[tilespmem:$0x1C800] =	vst v63  }
0xa4: {  	_ =	swait.ge [sflag:s18], $0x4000  }
0xa5: {  	[sflag:s18] =	ssyncset.done $0x0  }
0xa6: {  	[sflag:s18] =	ssyncadd.s32 $0xFFFFC000  }
0xa7: {  	[spmem:s2] =	stream.indirect.scatter.add.f32 [tilespmem:s13], [sflag:$0x3], $0x80, s25, s15, $0xb8;
	[tilespmem:$0x1C800] =	vst v63  }
0xa8: {  	_ =	swait.ge [sflag:s19], $0x4000  }
0xa9: {  	[sflag:s19] =	ssyncset.done $0x0  }
0xaa: {  	[sflag:s19] =	ssyncadd.s32 $0xFFFFC000  }
0xab: {  	[tilespmem:s13], [sflag:$0x1] =	stream.indirect.gather [hbm4b:s4+s15], $0x80, s26, s15, $0xb8;
	[tilespmem:$0x1C800] =	vst v63  }
0xac: {  	_ =	swait.ge [sflag:s21], $0x4000  }
0xad: {  	[sflag:s21] =	ssyncset.done $0x0  }
0xae: {  	[sflag:s21] =	ssyncadd.s32 $0xFFFFC000  }
0xaf: {  	[spmem:s2] =	stream.indirect.scatter.add.f32 [tilespmem:s16], [sflag:$0x4], $0x80, s28, s15, $0xb8;
	[tilespmem:$0x1C800] =	vst v63  }
0xb0: {  	_ =	swait.ge [sflag:s23], $0x4000  }
0xb1: {  	[sflag:s23] =	ssyncset.done $0x0  }
0xb2: {  	[sflag:s23] =	ssyncadd.s32 $0xFFFFC000  }
0xb3: {  	[tilespmem:s16], [sflag:$0x2] =	stream.indirect.gather [hbm4b:s4+s15], $0x80, s29, s15, $0xb8;
	[tilespmem:$0x1C800] =	vst v63  }
0xb4: {  	_ =	swait.ge [sflag:s18], $0x4000  }
0xb5: {  	[sflag:s18] =	ssyncset.done $0x0  }
0xb6: {  	[sflag:s18] =	ssyncadd.s32 $0xFFFFC000  }
0xb7: {  	[spmem:s2] =	stream.indirect.scatter.add.f32 [tilespmem:s13], [sflag:$0x3], $0x80, s30, s15, $0xb8;
	[tilespmem:$0x1C800] =	vst v63  }
0xb8: {  	_ =	swait.ge [sflag:s19], $0x4000  }
0xb9: {  	[sflag:s19] =	ssyncset.done $0x0  }
0xba: {  	[sflag:s19] =	ssyncadd.s32 $0xFFFFC000  }
0xbb: {  	[tilespmem:s13], [sflag:$0x1] =	stream.indirect.gather [hbm4b:s4+s15], $0x80, s31, s15, $0xb8;
	[tilespmem:$0x1C800] =	vst v63  }
0xbc: {  	_ =	swait.ge [sflag:s21], $0x4000  }
0xbd: {  	[sflag:s21] =	ssyncset.done $0x0  }
0xbe: {  	[sflag:s21] =	ssyncadd.s32 $0xFFFFC000  }
0xbf: {  	[spmem:s2] =	stream.indirect.scatter.add.f32 [tilespmem:s16], [sflag:$0x4], $0x80, s1, s15, $0xb8;
	[tilespmem:$0x1C800] =	vst v63  }
0xc0: {  	_ =	swait.ge [sflag:s23], $0x4000  }
0xc1: {  	[sflag:s23] =	ssyncset.done $0x0  }
0xc2: {  	[sflag:s23] =	ssyncadd.s32 $0xFFFFC000  }
0xc3: {  	[tilespmem:s16], [sflag:$0x2] =	stream.indirect.gather [hbm4b:s4+s15], $0x80, s0, s15, $0xb8;
	[tilespmem:$0x1C800] =	vst v63  }
0xc4: {  	_ =	swait.ge [sflag:s18], $0x4000  }
0xc5: {  	[sflag:s18] =	ssyncset.done $0x0  }
0xc6: {  	[sflag:s18] =	ssyncadd.s32 $0xFFFFC000  }
0xc7: {  	[spmem:s2] =	stream.indirect.scatter.add.f32 [tilespmem:s13], [sflag:$0x3], $0x80, s6, s15, $0xb8;
	[tilespmem:$0x1C800] =	vst v63  }
0xc8: {  	_ =	swait.ge [sflag:s21], $0x4000  }
0xc9: {  	[sflag:s21] =	ssyncset.done $0x0  }
0xca: {  	[sflag:s21] =	ssyncadd.s32 $0xFFFFC000  }
0xcb: {  	[spmem:s2] =	stream.indirect.scatter.add.f32 [tilespmem:s16], [sflag:$0x4], $0x80, s7, s15, $0xb8;
	[tilespmem:$0x1C800] =	vst v63  }
.Ltmp1:
0xcc: {  	_ =	swait.ge [sflag:s19], $0x4000;
	(pc) =	sbr.rel @p0 .LBB2_4-.Ltmp1, $4  }
0xcd: {  	[sflag:s19] =	ssyncset.done $0x0  }
0xce: {  	[sflag:s19] =	ssyncadd.s32 $0xFFFFC000  }
0xcf: {  	_ =	swait.ge [sflag:s23], $0x4000  }
0xd0: {  	s9 =	smov.u32 s8;
	s10 =	smov.u32 s11;
	[sflag:s23] =	ssyncset.done $0x0  }
0xd1: {  	s5 =	sadd.s32 s9, s12;
	[sflag:s23] =	ssyncadd.s32 $0xFFFFC000  }
0xd2: {  	[tilespmem:s3], [sflag:$0x5] =	stream.linear.gather [hbm4b:s5+s3], $0x400, $0x38;
	[tilespmem:$0x1C800] =	vst v63  }
0xd3: {  	_ =	swait.ge [sflag:s14], $0x400  }
0xd4: {  	[sflag:s14] =	ssyncset.done $0x0  }
0xd5: {  	[sflag:s14] =	ssyncadd.s32 $0xFFFFFC00  }
0xd6: {  	[tilespmem:s13], [sflag:$0x1] =	stream.indirect.gather [hbm4b:s4+s15], $0x80, s3, s15, $0xb8;
	[tilespmem:$0x1C800] =	vst v63  }
0xd7: {  	s8 =	rddreg [dreg:$0x3]  }
0xd8: {  	[tilespmem:s16], [sflag:$0x2] =	stream.indirect.gather [hbm4b:s4+s15], $0x80, s15, s15, $0xb8;
	[tilespmem:$0x1C800] =	vst v63  }
0xd9: {  	s5 =	sadd.s32 s9, s8  }
0xda: {  	[tilespmem:s17], [sflag:$0x5] =	stream.linear.gather [hbm4b:s5+s3], $0x400, $0x38;
	[tilespmem:$0x1C800] =	vst v63  }
0xdb: {  	_ =	swait.ge [sflag:s14], $0x400  }
0xdc: {  	[sflag:s14] =	ssyncset.done $0x0  }
0xdd: {  	[sflag:s14] =	ssyncadd.s32 $0xFFFFFC00  }
0xde: {  	_ =	swait.ge [sflag:s18], $0x4000  }
0xdf: {  	[sflag:s18] =	ssyncset.done $0x0  }
0xe0: {  	[sflag:s18] =	ssyncadd.s32 $0xFFFFC000  }
0xe1: {  	[spmem:s2] =	stream.indirect.scatter.add.f32 [tilespmem:s13], [sflag:$0x3], $0x80, s17, s15, $0xb8;
	[tilespmem:$0x1C800] =	vst v63  }
0xe2: {  	_ =	swait.ge [sflag:s19], $0x4000  }
0xe3: {  	[sflag:s19] =	ssyncset.done $0x0  }
0xe4: {  	[sflag:s19] =	ssyncadd.s32 $0xFFFFC000  }
0xe5: {  	[tilespmem:s13], [sflag:$0x1] =	stream.indirect.gather [hbm4b:s4+s15], $0x80, s20, s15, $0xb8;
	[tilespmem:$0x1C800] =	vst v63  }
0xe6: {  	_ =	swait.ge [sflag:s21], $0x4000  }
0xe7: {  	[sflag:s21] =	ssyncset.done $0x0  }
0xe8: {  	[sflag:s21] =	ssyncadd.s32 $0xFFFFC000  }
0xe9: {  	[spmem:s2] =	stream.indirect.scatter.add.f32 [tilespmem:s16], [sflag:$0x4], $0x80, s22, s15, $0xb8;
	[tilespmem:$0x1C800] =	vst v63  }
0xea: {  	_ =	swait.ge [sflag:s23], $0x4000  }
0xeb: {  	[sflag:s23] =	ssyncset.done $0x0  }
0xec: {  	[sflag:s23] =	ssyncadd.s32 $0xFFFFC000  }
0xed: {  	[tilespmem:s16], [sflag:$0x2] =	stream.indirect.gather [hbm4b:s4+s15], $0x80, s24, s15, $0xb8;
	[tilespmem:$0x1C800] =	vst v63  }
0xee: {  	_ =	swait.ge [sflag:s18], $0x4000  }
0xef: {  	[sflag:s18] =	ssyncset.done $0x0  }
0xf0: {  	[sflag:s18] =	ssyncadd.s32 $0xFFFFC000  }
0xf1: {  	[spmem:s2] =	stream.indirect.scatter.add.f32 [tilespmem:s13], [sflag:$0x3], $0x80, s25, s15, $0xb8;
	[tilespmem:$0x1C800] =	vst v63  }
0xf2: {  	_ =	swait.ge [sflag:s19], $0x4000  }
0xf3: {  	[sflag:s19] =	ssyncset.done $0x0  }
0xf4: {  	[sflag:s19] =	ssyncadd.s32 $0xFFFFC000  }
0xf5: {  	[tilespmem:s13], [sflag:$0x1] =	stream.indirect.gather [hbm4b:s4+s15], $0x80, s26, s15, $0xb8;
	[tilespmem:$0x1C800] =	vst v63  }
0xf6: {  	_ =	swait.ge [sflag:s21], $0x4000  }
0xf7: {  	[sflag:s21] =	ssyncset.done $0x0  }
0xf8: {  	[sflag:s21] =	ssyncadd.s32 $0xFFFFC000  }
0xf9: {  	[spmem:s2] =	stream.indirect.scatter.add.f32 [tilespmem:s16], [sflag:$0x4], $0x80, s28, s15, $0xb8;
	[tilespmem:$0x1C800] =	vst v63  }
0xfa: {  	_ =	swait.ge [sflag:s23], $0x4000  }
0xfb: {  	[sflag:s23] =	ssyncset.done $0x0  }
0xfc: {  	[sflag:s23] =	ssyncadd.s32 $0xFFFFC000  }
0xfd: {  	[tilespmem:s16], [sflag:$0x2] =	stream.indirect.gather [hbm4b:s4+s15], $0x80, s29, s15, $0xb8;
	[tilespmem:$0x1C800] =	vst v63  }
0xfe: {  	_ =	swait.ge [sflag:s18], $0x4000  }
0xff: {  	[sflag:s18] =	ssyncset.done $0x0  }
0x100: {  	[sflag:s18] =	ssyncadd.s32 $0xFFFFC000  }
0x101: {  	[spmem:s2] =	stream.indirect.scatter.add.f32 [tilespmem:s13], [sflag:$0x3], $0x80, s30, s15, $0xb8;
	[tilespmem:$0x1C800] =	vst v63  }
0x102: {  	_ =	swait.ge [sflag:s19], $0x4000  }
0x103: {  	[sflag:s19] =	ssyncset.done $0x0  }
0x104: {  	[sflag:s19] =	ssyncadd.s32 $0xFFFFC000  }
0x105: {  	[tilespmem:s13], [sflag:$0x1] =	stream.indirect.gather [hbm4b:s4+s15], $0x80, s31, s15, $0xb8;
	[tilespmem:$0x1C800] =	vst v63  }
0x106: {  	_ =	swait.ge [sflag:s21], $0x4000  }
0x107: {  	[sflag:s21] =	ssyncset.done $0x0  }
0x108: {  	[sflag:s21] =	ssyncadd.s32 $0xFFFFC000  }
0x109: {  	[spmem:s2] =	stream.indirect.scatter.add.f32 [tilespmem:s16], [sflag:$0x4], $0x80, s1, s15, $0xb8;
	[tilespmem:$0x1C800] =	vst v63  }
0x10a: {  	_ =	swait.ge [sflag:s23], $0x4000  }
0x10b: {  	[sflag:s23] =	ssyncset.done $0x0  }
0x10c: {  	[sflag:s23] =	ssyncadd.s32 $0xFFFFC000  }
0x10d: {  	[tilespmem:s16], [sflag:$0x2] =	stream.indirect.gather [hbm4b:s4+s15], $0x80, s0, s15, $0xb8;
	[tilespmem:$0x1C800] =	vst v63  }
0x10e: {  	_ =	swait.ge [sflag:s18], $0x4000  }
0x10f: {  	[sflag:s18] =	ssyncset.done $0x0  }
0x110: {  	[sflag:s18] =	ssyncadd.s32 $0xFFFFC000  }
0x111: {  	[spmem:s2] =	stream.indirect.scatter.add.f32 [tilespmem:s13], [sflag:$0x3], $0x80, s6, s15, $0xb8;
	[tilespmem:$0x1C800] =	vst v63  }
0x112: {  	_ =	swait.ge [sflag:s21], $0x4000  }
0x113: {  	[sflag:s21] =	ssyncset.done $0x0  }
0x114: {  	[sflag:s21] =	ssyncadd.s32 $0xFFFFC000  }
0x115: {  	[spmem:s2] =	stream.indirect.scatter.add.f32 [tilespmem:s16], [sflag:$0x4], $0x80, s7, s15, $0xb8;
	[tilespmem:$0x1C800] =	vst v63  }
0x116: {  	_ =	swait.ge [sflag:s19], $0x4000  }
0x117: {  	[sflag:s19] =	ssyncset.done $0x0  }
0x118: {  	[sflag:s19] =	ssyncadd.s32 $0xFFFFC000  }
0x119: {  	_ =	swait.ge [sflag:s23], $0x4000  }
0x11a: {  	[sflag:s23] =	ssyncset.done $0x0  }
0x11b: {  	[sflag:s23] =	ssyncadd.s32 $0xFFFFC000  }
0x11c: {  	s9 =	stileid.u32;
	[bflag:$0x0] =	sbarrier.arrive $0xFFFF  }
0x11d: {  	s5 =	sshll.u32 s9, $0x6;
	s11 =	rddreg [dreg:$0x4]  }
0x11e: {  	s5 =	sor.u32 $0x1C05, s5;
	s10 =	rddreg [dreg:$0x9];
	s8 =	sshrl.u32 s11, $0x3  }
0x11f: {  	[hbm:s10], [sflag:s5] =	dma.local [spmem:s8], $0x2800  }
0x120: {  	_ =	swait.ge [sflag:s14], $0x2800  }
0x121: {  	s9 =	rddreg [dreg:$0xb]  }
0x122: {  	s10 =	rddreg [dreg:$0xa];
	s8 =	sadd.s32 $0x1, s9  }
0x123: {  	p0 =	sne.s32 s8, s10  }
.Ltmp2:
0x124: {  	_ = 	snop;
	(pc) =	sbr.rel @p0 .LBB2_1-.Ltmp2, $3  }
0x125: {  	_ =	sdelay $0x1  }
0x126: {  	[sflag:s14] =	ssyncset.done $0x0  }
0x127: {  	[sflag:s14] =	ssyncadd.s32 $0xFFFFD800  }
0x128: {  	_ =	sfence.sel $0x180000  }
0x129: {  	[bflag:$0x0] =	sbarrier.arrive $0xFFFF  }
0x12a: {  	_ =	strace $0x9000004A  }
0x12b: {  	s0 =	stileid.u32;
	[bflag:$0x2] =	sbarrier.arrive $0xFFFF  }
0x12c: {  	p0 =	sne.s32 s0, $0x0;
	s0 =	rddreg [dreg:$0x2]  }
0x12d: {  	s0 =	sadd.s32 @!p0 $0x100000, s0  }
0x12e: {  	[sflag:s0] =	ssyncadd.tile.s32 @!p0 $0x1;
	_ =	shalt  }
.Lfunc_end2:
_tile_overlayer_lowered:
.L_overlay_start_2:
0x12f: {  	(tag) =	ssettag $0x2  }
0x130: {  	s0 =	rddreg [dreg:$0x0];
	s2 =	stileid.u32  }
0x131: {  	s1 =	rddreg [dreg:$0x1];
	p0 =	sne.s32 s2, $0x0  }
0x132: {  	s3 =	rddreg [dreg:$0x2];
	[bflag:$0x3] =	sbarrier.arrive $0xFFFF;
	s2 =	simm.s32 @!p0 $0x1C05  }
0x133: {  	[timem:s3], [sflag:s2] =	dma.local @!p0 [hbm:s0], s1  }
0x134: {  	s0 =	simm.s32 @!p0 $0x5  }
0x135: {  	_ =	swait.ge @!p0 [sflag:s0], s1  }
0x136: {  	s1 =	ssub.s32 @!p0 $0x0, s1;
	[sflag:s0] =	ssyncset.done @!p0 $0x0  }
0x137: {  	[sflag:s0] =	ssyncadd.s32 @!p0 s1  }
0x138: {  	[bflag:$0x3] =	sbarrier.arrive $0xFFFF  }
0x139: {  	_ =	shalt  }

// kernel: kernel.13.cloned.1.call-start
scs
__scs_entry_jumppad:
0x0: {  	(pc) =	sbr.rel $0x88, $3  }
0x1: {  	(tag) =	ssettag $0x0;
	lr =	simm.s32 $0x1  }
0x2: {  	[smem:$0x3F96] =	sst lr;
	_ =	strace $0xD0000000  }
0x3: {  	_ = 	snop  }
0x4: {  	_ = 	snop  }
0x5: {  	_ = 	snop  }
0x6: {  	_ = 	snop  }
0x7: {  	_ = 	snop  }
__scs_overlays_trampoline_lowered:
0x8: {  	[smem:$0x3FA5] =	sst s0  }
0x9: {  	[smem:$0x3FA6] =	sst s1  }
0xa: {  	[smem:$0x3FA7] =	sst s2  }
0xb: {  	[smem:$0x3FA8] =	sst s3  }
0xc: {  	[smem:$0x3FA9] =	sst s4  }
0xd: {  	[smem:$0x3FAA] =	sst s5  }
0xe: {  	[smem:$0x3FAB] =	sst s6  }
0xf: {  	[smem:$0x3FAC] =	sst s7  }
0x10: {  	[smem:$0x3FAD] =	sst s8  }
0x11: {  	[smem:$0x3FAE] =	sst s9;
	s0 =	simm.s32 @!p0 $0x0  }
0x12: {  	s1 =	sld [smem:$0x3F94];
	s0 =	simm.s32 @p0 $0x1  }
0x13: {  	[smem:$0x3FAF] =	sst s0;
	s0 =	simm.s32 @!p1 $0x0  }
0x14: {  	s2 =	sld [smem:$0x3F93];
	s0 =	simm.s32 @p1 $0x1  }
0x15: {  	[smem:$0x3FB0] =	sst s0;
	s0 =	simm.s32 @!p2 $0x0  }
0x16: {  	s3 =	sld [smem:$0x3FDB];
	s0 =	simm.s32 @p2 $0x1  }
0x17: {  	s4 =	simm.s32 $0x1BF5;
	[smem:$0x3FB2] =	sst s0  }
0x18: {  	s0 =	sld [smem:$0x3F95];
	_ =	swait.ge [sflag:s4], $0x0  }
0x19: {  	s7 =	sld [smem:$0x3F96]  }
0x1a: {  	s8 =	sadd.s32 $0xFFFFE003, lr  }
0x1b: {  	s9 =	sadd.s32 $0xFFFFFEF7, lr;
	s5 =	simm.s32 $0xFFFFFFFF;
	p2 =	slt.u32 s8, $0xFFFFF086  }
0x1c: {  	p1 =	slt.u32 s9, $0xF7A;
	s5 =	simm.s32 @!p2 $0x0  }
0x1d: {  	s5 =	simm.s32 @p1 $0x1;
	p0 =	seq.s32 s7, s2  }
0x1e: {  	s7 =	smul.u32 @!p0 $0xF7A, s2;
	p2 =	seq.s32 @!p0 s5, $0x0  }
0x1f: {  	s9 =	smul.u32 $0xF7A, s1;
	s8 =	simm.s32 @!p0 $0x1BF5;
	p2 =	por !p2, p0  }
0x20: {  	[sflag:s8] =	ssyncset.s32 @!p0 $0xFFFFF086;
	s6 =	sadd.s32 @!p0 s3, s7;
	s7 =	simm.s32 @!p0 $0x108  }
0x21: {  	s3 =	sadd.s32 s3, s9;
	s6 =	sadd.s32 @!p0 $0x88, s6;
	s7 =	simm.s32 @p2 $0x1082  }
0x22: {  	[simem:s7], [sflag:s8] =	dma.local @!p0 [hbm:s6], $0xF7A  }
0x23: {  	s9 =	sor.u32 $0xD0000000, s2;
	s6 =	simm.s32 $0x108;
	_ =	swait.ge @!p0 [sflag:s8], $0x0  }
0x24: {  	s3 =	sadd.s32 $0x88, s3;
	s6 =	simm.s32 @!p1 $0x1082;
	[sflag:s4] =	ssyncset.s32 $0xFFFFF086  }
0x25: {  	[simem:s6], [sflag:s4] =	dma.local [hbm:s3], $0xF7A  }
0x26: {  	[smem:$0x3F96] =	sst s1;
	(tag) =	ssettag s2;
	_ =	strace s9  }
0x27: {  	s1 =	sld [smem:$0x3FA6]  }
0x28: {  	s2 =	sld [smem:$0x3FA7]  }
0x29: {  	s4 =	sld [smem:$0x3FA9]  }
0x2a: {  	p0 =	seq.s32 s5, $0x0;
	s5 =	sld [smem:$0x3FAA]  }
0x2b: {  	s6 =	sld [smem:$0x3FAB]  }
0x2c: {  	s7 =	sld [smem:$0x3FAC]  }
0x2d: {  	s3 =	simm.s32 $0x108;
	s8 =	sld [smem:$0x3FAD]  }
0x2e: {  	s3 =	simm.s32 @!p0 $0x1082;
	s9 =	sld [smem:$0x3FAE]  }
0x2f: {  	lr =	sadd.s32 s0, s3;
	s0 =	sld [smem:$0x3FA5]  }
0x30: {  	s3 =	sld [smem:$0x3FA8]  }
0x31: {  	[smem:$0x3FB1] =	sst s10  }
0x32: {  	s10 =	sld [smem:$0x3FAF];
	_ =	sdelay $0x3  }
0x33: {  	p0 =	seq.s32 s10, $0x1;
	s10 =	sld [smem:$0x3FB1];
	_ =	sdelay $0x3  }
0x34: {  	[smem:$0x3FB1] =	sst s10  }
0x35: {  	s10 =	sld [smem:$0x3FB0];
	_ =	sdelay $0x3  }
0x36: {  	p1 =	seq.s32 s10, $0x1;
	s10 =	sld [smem:$0x3FB1];
	_ =	sdelay $0x3  }
0x37: {  	[smem:$0x3FB1] =	sst s10  }
0x38: {  	s10 =	sld [smem:$0x3FB2]  }
0x39: {  	_ = 	snop;
	(pc) =	sbr.ind lr, $3  }
0x3a: {  	_ = 	snop  }
0x3b: {  	_ = 	snop  }
0x3c: {  	p2 =	seq.s32 s10, $0x1;
	s10 =	sld [smem:$0x3FB1]  }
0x3d: {  	_ =	shalt  }
0x3e: {  	_ =	shalt  }
0x3f: {  	_ =	shalt  }
0x40: {  	_ =	shalt  }
0x41: {  	_ =	shalt  }
0x42: {  	_ =	shalt  }
0x43: {  	_ =	shalt  }
0x44: {  	_ =	shalt  }
0x45: {  	_ =	shalt  }
0x46: {  	_ =	shalt  }
0x47: {  	_ =	shalt  }
0x48: {  	_ =	shalt  }
0x49: {  	_ =	shalt  }
0x4a: {  	_ =	shalt  }
0x4b: {  	_ =	shalt  }
0x4c: {  	_ =	shalt  }
0x4d: {  	_ =	shalt  }
0x4e: {  	_ =	shalt  }
0x4f: {  	_ =	shalt  }
0x50: {  	_ =	shalt  }
0x51: {  	_ =	shalt  }
0x52: {  	_ =	shalt  }
0x53: {  	_ =	shalt  }
0x54: {  	_ =	shalt  }
0x55: {  	_ =	shalt  }
0x56: {  	_ =	shalt  }
0x57: {  	_ =	shalt  }
0x58: {  	_ =	shalt  }
0x59: {  	_ =	shalt  }
0x5a: {  	_ =	shalt  }
0x5b: {  	_ =	shalt  }
0x5c: {  	_ =	shalt  }
0x5d: {  	_ =	shalt  }
0x5e: {  	_ =	shalt  }
0x5f: {  	_ =	shalt  }
0x60: {  	_ =	shalt  }
0x61: {  	_ =	shalt  }
0x62: {  	_ =	shalt  }
0x63: {  	_ =	shalt  }
0x64: {  	_ =	shalt  }
0x65: {  	_ =	shalt  }
0x66: {  	_ =	shalt  }
0x67: {  	_ =	shalt  }
0x68: {  	_ =	shalt  }
0x69: {  	_ =	shalt  }
0x6a: {  	_ =	shalt  }
0x6b: {  	_ =	shalt  }
0x6c: {  	_ =	shalt  }
0x6d: {  	_ =	shalt  }
0x6e: {  	_ =	shalt  }
0x6f: {  	_ =	shalt  }
0x70: {  	_ =	shalt  }
0x71: {  	_ =	shalt  }
0x72: {  	_ =	shalt  }
0x73: {  	_ =	shalt  }
0x74: {  	_ =	shalt  }
0x75: {  	_ =	shalt  }
0x76: {  	_ =	shalt  }
0x77: {  	_ =	shalt  }
0x78: {  	_ =	shalt  }
0x79: {  	_ =	shalt  }
0x7a: {  	_ =	shalt  }
0x7b: {  	_ =	shalt  }
0x7c: {  	_ =	shalt  }
0x7d: {  	_ =	shalt  }
0x7e: {  	_ =	shalt  }
0x7f: {  	_ =	shalt  }
0x80: {  	_ =	shalt  }
0x81: {  	_ =	shalt  }
0x82: {  	_ =	shalt  }
0x83: {  	_ =	shalt  }
0x84: {  	_ =	shalt  }
0x85: {  	_ =	shalt  }
0x86: {  	_ =	shalt  }
0x87: {  	_ =	shalt  }
.Lfunc_end0:
.L_simem_size_0:
called_computation.2_lowered:
.L_overlay_start_0:
0x88: {  	s2 =	sld [smem:$0x3FD9]  }
0x89: {  	s3 =	sld [smem:$0x3FFE];
	_ =	sdelay $0x1  }
0x8a: {  	s1 =	srdreg.scid  }
0x8b: {  	s0 =	sand.u32 $0x1, s1  }
0x8c: {  	s17 =	sshll.u32 s0, $0xA;
	s2 =	sadd.s32 s3, s2  }
0x8d: {  	s2 =	sadd.s32 s2, s17  }
0x8e: {  	[smem:$0x3FBD] =	sst s2  }
0x8f: {  	_ = 	snop  }
0x90: {  	s2 =	sld [smem:$0x3FD0];
	(tm) =	ssettm $0x1  }
0x91: {  	s18 =	sld [smem:$0x3FFB];
	_ =	sdelay $0x3  }
0x92: {  	_ =	strace s18  }
0x93: {  	s3 =	sld [smem:$0x3FFC];
	_ =	sdelay $0x3  }
0x94: {  	_ =	strace s3  }
0x95: {  	s3 =	sld [smem:$0x3FFD];
	_ =	sdelay $0x3  }
0x96: {  	_ =	strace s3  }
0x97: {  	_ =	strace $0x8FFFFFFF  }
0x98: {  	s19 =	sld [smem:$0x3FDB];
	_ =	sdelay $0x1  }
0x99: {  	s4 =	simm.s32 $_scs_section_size  }
0x9a: {  	s5 =	simm.s32 $_size__tile_overlayer_lowered;
	s6 =	simm.s32 $_tile_overlayer_lowered  }
0x9b: {  	s22 =	simm.s32 $0x1BFF;
	s21 =	sshll.u32 s6, $0x1;
	s3 =	sadd.s32 s4, s19  }
0x9c: {  	s7 =	simm.s32 $0x0;
	s20 =	sshll.u32 s5, $0x1;
	s5 =	sadd.s32 s21, s3  }
0x9d: {  	[timem:s7], [sflag:s22] =	dma.local [hbm:s5], s20  }
0x9e: {  	_ =	swait.ge [sflag:s22], s20  }
0x9f: {  	s4 =	ssub.s32 $0x0, s20;
	[sflag:s22] =	ssyncset.done $0x0  }
0xa0: {  	[sflag:s22] =	ssyncadd.s32 s4;
	_ =	sdelay $0x1  }
0xa1: {  	s23 =	simm.s32 $0x1B8B  }
0xa2: {  	_ =	swait.ge [sflag:s23], $0x1  }
0xa3: {  	[sflag:s23] =	ssyncset.done $0x0  }
0xa4: {  	s25 =	simm.s32 $0x1B8E;
	s24 =	sld [smem:$0x3FFE];
	[sflag:s23] =	ssyncadd.s32 $0xFFFFFFFF  }
0xa5: {  	s26 =	simm.s32 $execute0_lowered;
	[smem:$0x3FD2] =	sst s25  }
0xa6: {  	s5 =	sshll.u32 s26, $0x1;
	_ =	strace $0x8000004C;
	[dreg:$0x1] =	wrdreg $0xFFFFFFFF  }
0xa7: {  	s28 =	simm.s32 $_size_execute0_lowered;
	s3 =	sadd.s32 s3, s5;
	[dreg:$0x0] =	wrdreg $0x0  }
0xa8: {  	s5 =	sshll.u32 s28, $0x1;
	[dreg:$0x2] =	wrdreg s3  }
0xa9: {  	[dreg:$0x3] =	wrdreg s5  }
0xaa: {  	[dreg:$0x4] =	wrdreg $0xC0  }
0xab: {  	_ =	task [dreg:s7], $0x5FFFF  }
0xac: {  	[dreg:$0x1] =	wrdreg $0xFFFFFFFF  }
0xad: {  	[dreg:$0x0] =	wrdreg $0x60  }
0xae: {  	[dreg:$0x2] =	wrdreg s24  }
0xaf: {  	[dreg:$0x3] =	wrdreg s2  }
0xb0: {  	[dreg:$0x4] =	wrdreg $0x41000  }
0xb1: {  	[dreg:$0x5] =	wrdreg $0x9  }
0xb2: {  	_ =	task.clear_ibuf [dreg:s7], $0x6FFFF;
	_ =	strace $0x9000004C  }
0xb3: {  	s29 =	simm.s32 $0x9;
	_ =	strace $0x8000004E  }
0xb4: {  	_ =	swait.ge [sflag:s29], $0x1  }
0xb5: {  	[sflag:s29] =	ssyncadd.s32 $0xFFFFFFFF  }
0xb6: {  	_ =	strace $0x9000004E  }
0xb7: {  	_ =	sfence  }
0xb8: {  	s30 =	sld [smem:$0x0];
	_ =	sdelay $0x2  }
0xb9: {  	s31 =	sshll.u32 s1, $0xD;
	s1 =	sshrl.u32 s1, $0x2  }
0xba: {  	s3 =	sand.u32 $0x4000, s31;
	s1 =	sadd.s32 s1, s30  }
0xbb: {  	s0 =	sor.u32 s3, s0;
	s1 =	sshll.u32 s1, $0x11  }
0xbc: {  	s0 =	sor.u32 s1, s0  }
0xbd: {  	s0 =	sadd.s32 $0x8F2B, s0  }
0xbe: {  	[sflag:s0] =	ssyncadd.remote.s32 $0x1  }
0xbf: {  	_ =	sfence.sel $0xFFFF  }
0xc0: {  	[dreg:$0x0] =	wrdreg $0xFFFFFFFF;
	(pc) =	sbr.abs _section_cstart, $3  }
0xc1: {  	[dreg:$0x1] =	wrdreg $0xFFFFFFFF  }
0xc2: {  	_ =	task.clear_ibuf [dreg:s7], $0x2FFFF;
	_ =	strace $0x9FFFFFFF  }
0xc3: {  	(tm) =	ssettm $0x7FFFFFFF  }
tec
execute0_lowered:
.L_overlay_start_1:
0x0: {  	(tag) =	ssettag $0x1  }
0x1: {  	s13 =	rddreg [dreg:$0x0]  }
0x2: {  	s12 =	rddreg [dreg:$0x1]  }
0x3: {  	s2 =	rddreg [dreg:$0x2]  }
0x4: {  	s0 =	rddreg [dreg:$0x3];
	s3 =	simm.s32 $0x0;
	s4 =	srdreg.scid  }
0x5: {  	s1 =	stileid.u32;
	[smem:$0x7FF] =	sst s3;
	s14 =	sand.u32 $0x1, s4  }
0x6: {  	s26 =	sshll.u32 s1, $0x7;
	s6 =	sshll.u32 s1, $0x4;
	s5 =	sshll.u32 s14, $0xB  }
0x7: {  	_ =	strace $0x8000004D;
	s28 =	sadd.s32 s6, s13;
	s6 =	simm.s32 $0x80  }
0x8: {  	s15 =	sor.u32 s26, s5;
	s4 =	sadd.s32 $0x2B600, s28;
	s5 =	simm.s32 $0x2  }
0x9: {  	[tilespmem:s6], [sflag:$0x2] =	stream.linear.gather [hbm4b:s4+s3], $0x80, $0x38;
	[tilespmem:$0x8100] =	vst v63  }
0xa: {  	s16 =	sshrl.u32 s15, $0x3;
	_ =	swait.ge [sflag:s5], $0x80  }
0xb: {  	s7 =	sadd.s32 s16, s13;
	[sflag:s5] =	ssyncset.done $0x0  }
0xc: {  	s7 =	sadd.s32 $0x8F600, s7;
	[sflag:s5] =	ssyncadd.s32 $0xFFFFFF80  }
0xd: {  	[tilespmem:s3], [sflag:$0x2] =	stream.linear.gather [hbm4b:s7+s3], $0x80, $0x38;
	[tilespmem:$0x8100] =	vst v63  }
0xe: {  	_ =	swait.ge [sflag:s5], $0x80  }
0xf: {  	s9 =	simm.s32 $0x100;
	[sflag:s5] =	ssyncset.done $0x0  }
0x10: {  	s10 =	simm.s32 $0x1;
	s8 =	sadd.s32 $0x3600, s13;
	[sflag:s5] =	ssyncadd.s32 $0xFFFFFF80  }
0x11: {  	[tilespmem:s9], [sflag:$0x1] =	stream.indirect.gather [hbm4b:s8+s6], $0x80, s3, s6, $0xb8;
	[tilespmem:$0x8100] =	vst v63  }
0x12: {  	_ =	swait.ge [sflag:s10], $0x4000  }
0x13: {  	s11 =	sshll.u32 s1, $0xE;
	[sflag:s10] =	ssyncset.done $0x0  }
0x14: {  	s11 =	sadd.s32 s11, s2;
	[sflag:s10] =	ssyncadd.s32 $0xFFFFC000  }
0x15: {  	[spmem:s11] =	stream.linear.scatter [tilespmem:s9], [sflag:$0x2], $0x4000, $0x38;
	[tilespmem:$0x8100] =	vst v63  }
0x16: {  	_ =	swait.ge [sflag:s5], $0x4000  }
0x17: {  	[sflag:s5] =	ssyncset.done $0x0  }
0x18: {  	s12 =	sadd.s32 s12, s16;
	[sflag:s5] =	ssyncadd.s32 $0xFFFFC000  }
0x19: {  	[tilespmem:s3], [sflag:$0x2] =	stream.linear.gather [hbm4b:s12+s3], $0x80, $0x38;
	[tilespmem:$0x8100] =	vst v63  }
0x1a: {  	_ =	swait.ge [sflag:s5], $0x80  }
0x1b: {  	[sflag:s5] =	ssyncset.done $0x0  }
0x1c: {  	[sflag:s5] =	ssyncadd.s32 $0xFFFFFF80  }
0x1d: {  	[tilespmem:s9], [sflag:$0x1] =	stream.indirect.gather [hbm4b:s8+s6], $0x80, s3, s6, $0xb8;
	[tilespmem:$0x8100] =	vst v63  }
0x1e: {  	s14 =	ssub.s32 $0x2, s14;
	_ =	swait.ge [sflag:s10], $0x4000  }
0x1f: {  	s29 =	sshrl.u32 s14, $0x1;
	[sflag:s10] =	ssyncset.done $0x0  }
0x20: {  	s31 =	sshll.u32 s1, $0x6;
	s14 =	ssub.s32 s14, s29;
	[sflag:s10] =	ssyncadd.s32 $0xFFFFC000  }
0x21: {  	[spmem:s2] =	stream.indirect.scatter.add.f32 [tilespmem:s9], [sflag:$0x2], $0x80, s6, s6, $0xb8;
	[tilespmem:$0x8100] =	vst v63  }
0x22: {  	s15 =	sshll.u32 s15, $0x4;
	s30 =	smax.u32 s14, $0x1;
	_ =	swait.ge [sflag:s5], $0x4000  }
0x23: {  	s13 =	sadd.s32 s15, s13;
	p0 =	sne.s32 s30, $0x1;
	[sflag:s5] =	ssyncset.done $0x0  }
.Ltmp0:
0x24: {  	s14 =	sor.u32 $0x1C02, s31;
	[sflag:s5] =	ssyncadd.s32 $0xFFFFC000;
	(pc) =	sbr.rel @!p0 .LBB2_2-.Ltmp0, $4  }
0x25: {  	s15 =	sshrl.u32 s11, $0x3;
	s13 =	sadd.s32 $0x2B800, s13;
	[bflag:$0x0] =	sbarrier.arrive $0xFFFF  }
0x26: {  	[hbm:s13], [sflag:s14] =	dma.local [spmem:s15], $0x800  }
0x27: {  	_ =	swait.ge [sflag:s5], $0x800  }
0x28: {  	s16 =	sadd.s32 $0xFFFFFFFF, s30;
	[sflag:s5] =	ssyncset.done $0x0  }
.LBB2_1:
0x29: {  	p0 =	sne.s32 s16, $0x1;
	s16 =	sadd.s32 $0xFFFFFFFF, s16;
	[sflag:s5] =	ssyncadd.s32 $0xFFFFF800  }
0x2a: {  	[tilespmem:s6], [sflag:$0x2] =	stream.linear.gather [hbm4b:s4+s3], $0x80, $0x38;
	[tilespmem:$0x8100] =	vst v63  }
0x2b: {  	_ =	swait.ge [sflag:s5], $0x80  }
0x2c: {  	[sflag:s5] =	ssyncset.done $0x0  }
0x2d: {  	[sflag:s5] =	ssyncadd.s32 $0xFFFFFF80  }
0x2e: {  	[tilespmem:s3], [sflag:$0x2] =	stream.linear.gather [hbm4b:s7+s3], $0x80, $0x38;
	[tilespmem:$0x8100] =	vst v63  }
0x2f: {  	_ =	swait.ge [sflag:s5], $0x80  }
0x30: {  	[sflag:s5] =	ssyncset.done $0x0  }
0x31: {  	[sflag:s5] =	ssyncadd.s32 $0xFFFFFF80  }
0x32: {  	[tilespmem:s9], [sflag:$0x1] =	stream.indirect.gather [hbm4b:s8+s6], $0x80, s3, s6, $0xb8;
	[tilespmem:$0x8100] =	vst v63  }
0x33: {  	_ =	swait.ge [sflag:s10], $0x4000  }
0x34: {  	[sflag:s10] =	ssyncset.done $0x0  }
0x35: {  	[sflag:s10] =	ssyncadd.s32 $0xFFFFC000  }
0x36: {  	[spmem:s11] =	stream.linear.scatter [tilespmem:s9], [sflag:$0x2], $0x4000, $0x38;
	[tilespmem:$0x8100] =	vst v63  }
0x37: {  	_ =	swait.ge [sflag:s5], $0x4000  }
0x38: {  	[sflag:s5] =	ssyncset.done $0x0  }
0x39: {  	[sflag:s5] =	ssyncadd.s32 $0xFFFFC000  }
0x3a: {  	[tilespmem:s3], [sflag:$0x2] =	stream.linear.gather [hbm4b:s12+s3], $0x80, $0x38;
	[tilespmem:$0x8100] =	vst v63  }
0x3b: {  	_ =	swait.ge [sflag:s5], $0x80  }
0x3c: {  	[sflag:s5] =	ssyncset.done $0x0  }
0x3d: {  	[sflag:s5] =	ssyncadd.s32 $0xFFFFFF80  }
0x3e: {  	[tilespmem:s9], [sflag:$0x1] =	stream.indirect.gather [hbm4b:s8+s6], $0x80, s3, s6, $0xb8;
	[tilespmem:$0x8100] =	vst v63  }
0x3f: {  	_ =	swait.ge [sflag:s10], $0x4000  }
0x40: {  	[sflag:s10] =	ssyncset.done $0x0  }
0x41: {  	[sflag:s10] =	ssyncadd.s32 $0xFFFFC000  }
0x42: {  	[spmem:s2] =	stream.indirect.scatter.add.f32 [tilespmem:s9], [sflag:$0x2], $0x80, s6, s6, $0xb8;
	[tilespmem:$0x8100] =	vst v63  }
0x43: {  	_ =	swait.ge [sflag:s5], $0x4000  }
0x44: {  	[sflag:s5] =	ssyncset.done $0x0  }
.Ltmp1:
0x45: {  	[sflag:s5] =	ssyncadd.s32 $0xFFFFC000;
	(pc) =	sbr.rel @p0 .LBB2_1-.Ltmp1, $4  }
0x46: {  	[bflag:$0x0] =	sbarrier.arrive $0xFFFF  }
0x47: {  	[hbm:s13], [sflag:s14] =	dma.local [spmem:s15], $0x800  }
0x48: {  	_ =	swait.ge [sflag:s5], $0x800  }
0x49: {  	[sflag:s5] =	ssyncset.done $0x0  }
.LBB2_2:
0x4a: {  	[sflag:s5] =	ssyncadd.s32 $0xFFFFF800  }
0x4b: {  	_ =	sfence.sel $0x180000  }
0x4c: {  	[bflag:$0x0] =	sbarrier.arrive $0xFFFF  }
0x4d: {  	p0 =	sne.s32 s1, $0x0;
	_ =	strace $0x9000004D  }
0x4e: {  	s0 =	sadd.s32 @!p0 $0x100000, s0;
	[bflag:$0x2] =	sbarrier.arrive $0xFFFF  }
0x4f: {  	[sflag:s0] =	ssyncadd.tile.s32 @!p0 $0x1;
	_ =	shalt  }
.Lfunc_end2:
_tile_overlayer_lowered:
.L_overlay_start_2:
0x50: {  	(tag) =	ssettag $0x2  }
0x51: {  	s0 =	rddreg [dreg:$0x0];
	s2 =	stileid.u32  }
0x52: {  	s1 =	rddreg [dreg:$0x1];
	p0 =	sne.s32 s2, $0x0  }
0x53: {  	s3 =	rddreg [dreg:$0x2];
	[bflag:$0x3] =	sbarrier.arrive $0xFFFF;
	s2 =	simm.s32 @!p0 $0x1C02  }
0x54: {  	[timem:s3], [sflag:s2] =	dma.local @!p0 [hbm:s0], s1  }
0x55: {  	s0 =	simm.s32 @!p0 $0x2  }
0x56: {  	_ =	swait.ge @!p0 [sflag:s0], s1  }
0x57: {  	s1 =	ssub.s32 @!p0 $0x0, s1;
	[sflag:s0] =	ssyncset.done @!p0 $0x0  }
0x58: {  	[sflag:s0] =	ssyncadd.s32 @!p0 s1  }
0x59: {  	[bflag:$0x3] =	sbarrier.arrive $0xFFFF  }
0x5a: {  	_ =	shalt  }

// kernel: kernel.7.cloned.1.call-start
scs
__scs_entry_jumppad:
0x0: {  	(pc) =	sbr.rel $0x88, $3  }
0x1: {  	(tag) =	ssettag $0x0;
	lr =	simm.s32 $0x1  }
0x2: {  	[smem:$0x3F96] =	sst lr;
	_ =	strace $0xD0000000  }
0x3: {  	_ = 	snop  }
0x4: {  	_ = 	snop  }
0x5: {  	_ = 	snop  }
0x6: {  	_ = 	snop  }
0x7: {  	_ = 	snop  }
__scs_overlays_trampoline_lowered:
0x8: {  	[smem:$0x3FA5] =	sst s0  }
0x9: {  	[smem:$0x3FA6] =	sst s1  }
0xa: {  	[smem:$0x3FA7] =	sst s2  }
0xb: {  	[smem:$0x3FA8] =	sst s3  }
0xc: {  	[smem:$0x3FA9] =	sst s4  }
0xd: {  	[smem:$0x3FAA] =	sst s5  }
0xe: {  	[smem:$0x3FAB] =	sst s6  }
0xf: {  	[smem:$0x3FAC] =	sst s7  }
0x10: {  	[smem:$0x3FAD] =	sst s8  }
0x11: {  	[smem:$0x3FAE] =	sst s9;
	s0 =	simm.s32 @!p0 $0x0  }
0x12: {  	s1 =	sld [smem:$0x3F94];
	s0 =	simm.s32 @p0 $0x1  }
0x13: {  	[smem:$0x3FAF] =	sst s0;
	s0 =	simm.s32 @!p1 $0x0  }
0x14: {  	s2 =	sld [smem:$0x3F93];
	s0 =	simm.s32 @p1 $0x1  }
0x15: {  	[smem:$0x3FB0] =	sst s0;
	s0 =	simm.s32 @!p2 $0x0  }
0x16: {  	s3 =	sld [smem:$0x3FDB];
	s0 =	simm.s32 @p2 $0x1  }
0x17: {  	s4 =	simm.s32 $0x1BF5;
	[smem:$0x3FB2] =	sst s0  }
0x18: {  	s0 =	sld [smem:$0x3F95];
	_ =	swait.ge [sflag:s4], $0x0  }
0x19: {  	s7 =	sld [smem:$0x3F96]  }
0x1a: {  	s8 =	sadd.s32 $0xFFFFE003, lr  }
0x1b: {  	s9 =	sadd.s32 $0xFFFFFEF7, lr;
	s5 =	simm.s32 $0xFFFFFFFF;
	p2 =	slt.u32 s8, $0xFFFFF086  }
0x1c: {  	p1 =	slt.u32 s9, $0xF7A;
	s5 =	simm.s32 @!p2 $0x0  }
0x1d: {  	s5 =	simm.s32 @p1 $0x1;
	p0 =	seq.s32 s7, s2  }
0x1e: {  	s7 =	smul.u32 @!p0 $0xF7A, s2;
	p2 =	seq.s32 @!p0 s5, $0x0  }
0x1f: {  	s9 =	smul.u32 $0xF7A, s1;
	s8 =	simm.s32 @!p0 $0x1BF5;
	p2 =	por !p2, p0  }
0x20: {  	[sflag:s8] =	ssyncset.s32 @!p0 $0xFFFFF086;
	s6 =	sadd.s32 @!p0 s3, s7;
	s7 =	simm.s32 @!p0 $0x108  }
0x21: {  	s3 =	sadd.s32 s3, s9;
	s6 =	sadd.s32 @!p0 $0x88, s6;
	s7 =	simm.s32 @p2 $0x1082  }
0x22: {  	[simem:s7], [sflag:s8] =	dma.local @!p0 [hbm:s6], $0xF7A  }
0x23: {  	s9 =	sor.u32 $0xD0000000, s2;
	s6 =	simm.s32 $0x108;
	_ =	swait.ge @!p0 [sflag:s8], $0x0  }
0x24: {  	s3 =	sadd.s32 $0x88, s3;
	s6 =	simm.s32 @!p1 $0x1082;
	[sflag:s4] =	ssyncset.s32 $0xFFFFF086  }
0x25: {  	[simem:s6], [sflag:s4] =	dma.local [hbm:s3], $0xF7A  }
0x26: {  	[smem:$0x3F96] =	sst s1;
	(tag) =	ssettag s2;
	_ =	strace s9  }
0x27: {  	s1 =	sld [smem:$0x3FA6]  }
0x28: {  	s2 =	sld [smem:$0x3FA7]  }
0x29: {  	s4 =	sld [smem:$0x3FA9]  }
0x2a: {  	p0 =	seq.s32 s5, $0x0;
	s5 =	sld [smem:$0x3FAA]  }
0x2b: {  	s6 =	sld [smem:$0x3FAB]  }
0x2c: {  	s7 =	sld [smem:$0x3FAC]  }
0x2d: {  	s3 =	simm.s32 $0x108;
	s8 =	sld [smem:$0x3FAD]  }
0x2e: {  	s3 =	simm.s32 @!p0 $0x1082;
	s9 =	sld [smem:$0x3FAE]  }
0x2f: {  	lr =	sadd.s32 s0, s3;
	s0 =	sld [smem:$0x3FA5]  }
0x30: {  	s3 =	sld [smem:$0x3FA8]  }
0x31: {  	[smem:$0x3FB1] =	sst s10  }
0x32: {  	s10 =	sld [smem:$0x3FAF];
	_ =	sdelay $0x3  }
0x33: {  	p0 =	seq.s32 s10, $0x1;
	s10 =	sld [smem:$0x3FB1];
	_ =	sdelay $0x3  }
0x34: {  	[smem:$0x3FB1] =	sst s10  }
0x35: {  	s10 =	sld [smem:$0x3FB0];
	_ =	sdelay $0x3  }
0x36: {  	p1 =	seq.s32 s10, $0x1;
	s10 =	sld [smem:$0x3FB1];
	_ =	sdelay $0x3  }
0x37: {  	[smem:$0x3FB1] =	sst s10  }
0x38: {  	s10 =	sld [smem:$0x3FB2]  }
0x39: {  	_ = 	snop;
	(pc) =	sbr.ind lr, $3  }
0x3a: {  	_ = 	snop  }
0x3b: {  	_ = 	snop  }
0x3c: {  	p2 =	seq.s32 s10, $0x1;
	s10 =	sld [smem:$0x3FB1]  }
0x3d: {  	_ =	shalt  }
0x3e: {  	_ =	shalt  }
0x3f: {  	_ =	shalt  }
0x40: {  	_ =	shalt  }
0x41: {  	_ =	shalt  }
0x42: {  	_ =	shalt  }
0x43: {  	_ =	shalt  }
0x44: {  	_ =	shalt  }
0x45: {  	_ =	shalt  }
0x46: {  	_ =	shalt  }
0x47: {  	_ =	shalt  }
0x48: {  	_ =	shalt  }
0x49: {  	_ =	shalt  }
0x4a: {  	_ =	shalt  }
0x4b: {  	_ =	shalt  }
0x4c: {  	_ =	shalt  }
0x4d: {  	_ =	shalt  }
0x4e: {  	_ =	shalt  }
0x4f: {  	_ =	shalt  }
0x50: {  	_ =	shalt  }
0x51: {  	_ =	shalt  }
0x52: {  	_ =	shalt  }
0x53: {  	_ =	shalt  }
0x54: {  	_ =	shalt  }
0x55: {  	_ =	shalt  }
0x56: {  	_ =	shalt  }
0x57: {  	_ =	shalt  }
0x58: {  	_ =	shalt  }
0x59: {  	_ =	shalt  }
0x5a: {  	_ =	shalt  }
0x5b: {  	_ =	shalt  }
0x5c: {  	_ =	shalt  }
0x5d: {  	_ =	shalt  }
0x5e: {  	_ =	shalt  }
0x5f: {  	_ =	shalt  }
0x60: {  	_ =	shalt  }
0x61: {  	_ =	shalt  }
0x62: {  	_ =	shalt  }
0x63: {  	_ =	shalt  }
0x64: {  	_ =	shalt  }
0x65: {  	_ =	shalt  }
0x66: {  	_ =	shalt  }
0x67: {  	_ =	shalt  }
0x68: {  	_ =	shalt  }
0x69: {  	_ =	shalt  }
0x6a: {  	_ =	shalt  }
0x6b: {  	_ =	shalt  }
0x6c: {  	_ =	shalt  }
0x6d: {  	_ =	shalt  }
0x6e: {  	_ =	shalt  }
0x6f: {  	_ =	shalt  }
0x70: {  	_ =	shalt  }
0x71: {  	_ =	shalt  }
0x72: {  	_ =	shalt  }
0x73: {  	_ =	shalt  }
0x74: {  	_ =	shalt  }
0x75: {  	_ =	shalt  }
0x76: {  	_ =	shalt  }
0x77: {  	_ =	shalt  }
0x78: {  	_ =	shalt  }
0x79: {  	_ =	shalt  }
0x7a: {  	_ =	shalt  }
0x7b: {  	_ =	shalt  }
0x7c: {  	_ =	shalt  }
0x7d: {  	_ =	shalt  }
0x7e: {  	_ =	shalt  }
0x7f: {  	_ =	shalt  }
0x80: {  	_ =	shalt  }
0x81: {  	_ =	shalt  }
0x82: {  	_ =	shalt  }
0x83: {  	_ =	shalt  }
0x84: {  	_ =	shalt  }
0x85: {  	_ =	shalt  }
0x86: {  	_ =	shalt  }
0x87: {  	_ =	shalt  }
.Lfunc_end0:
.L_simem_size_0:
called_computation_lowered:
.L_overlay_start_0:
0x88: {  	s2 =	sld [smem:$0x3FD9]  }
0x89: {  	s3 =	sld [smem:$0x3FFE];
	_ =	sdelay $0x1  }
0x8a: {  	s1 =	srdreg.scid  }
0x8b: {  	s0 =	sand.u32 $0x1, s1  }
0x8c: {  	s16 =	sshll.u32 s0, $0xA;
	s2 =	sadd.s32 s3, s2  }
0x8d: {  	s2 =	sadd.s32 s2, s16  }
0x8e: {  	[smem:$0x3FBD] =	sst s2  }
0x8f: {  	_ = 	snop  }
0x90: {  	(tm) =	ssettm $0x1  }
0x91: {  	s17 =	sld [smem:$0x3FFB];
	_ =	sdelay $0x3  }
0x92: {  	_ =	strace s17  }
0x93: {  	s2 =	sld [smem:$0x3FFC];
	_ =	sdelay $0x3  }
0x94: {  	_ =	strace s2  }
0x95: {  	s2 =	sld [smem:$0x3FFD];
	_ =	sdelay $0x3  }
0x96: {  	_ =	strace s2  }
0x97: {  	_ =	strace $0x8FFFFFFF  }
0x98: {  	s18 =	sld [smem:$0x3FDB];
	_ =	sdelay $0x1  }
0x99: {  	s19 =	simm.s32 $_scs_section_size  }
0x9a: {  	s4 =	simm.s32 $_size__tile_overlayer_lowered;
	s5 =	simm.s32 $_tile_overlayer_lowered  }
0x9b: {  	s22 =	simm.s32 $0x1BFF;
	s21 =	sshll.u32 s5, $0x1;
	s2 =	sadd.s32 s19, s18  }
0x9c: {  	s6 =	simm.s32 $0x0;
	s20 =	sshll.u32 s4, $0x1;
	s4 =	sadd.s32 s21, s2  }
0x9d: {  	[timem:s6], [sflag:s22] =	dma.local [hbm:s4], s20  }
0x9e: {  	_ =	swait.ge [sflag:s22], s20  }
0x9f: {  	s3 =	ssub.s32 $0x0, s20;
	[sflag:s22] =	ssyncset.done $0x0  }
0xa0: {  	[sflag:s22] =	ssyncadd.s32 s3;
	_ =	sdelay $0x1  }
0xa1: {  	s23 =	simm.s32 $0x1B8B  }
0xa2: {  	_ =	swait.ge [sflag:s23], $0x1  }
0xa3: {  	[sflag:s23] =	ssyncset.done $0x0  }
0xa4: {  	s25 =	simm.s32 $0x1B8E;
	s24 =	sld [smem:$0x3FFE];
	[sflag:s23] =	ssyncadd.s32 $0xFFFFFFFF  }
0xa5: {  	s26 =	simm.s32 $execute0_lowered;
	[smem:$0x3FD2] =	sst s25  }
0xa6: {  	s4 =	sshll.u32 s26, $0x1;
	_ =	strace $0x80000046;
	[dreg:$0x1] =	wrdreg $0xFFFFFFFF  }
0xa7: {  	s28 =	simm.s32 $_size_execute0_lowered;
	s2 =	sadd.s32 s2, s4;
	[dreg:$0x0] =	wrdreg $0x0  }
0xa8: {  	s4 =	sshll.u32 s28, $0x1;
	[dreg:$0x2] =	wrdreg s2  }
0xa9: {  	[dreg:$0x3] =	wrdreg s4  }
0xaa: {  	[dreg:$0x4] =	wrdreg $0xC0  }
0xab: {  	_ =	task [dreg:s6], $0x5FFFF  }
0xac: {  	[dreg:$0x1] =	wrdreg $0xFFFFFFFF  }
0xad: {  	[dreg:$0x0] =	wrdreg $0x60  }
0xae: {  	[dreg:$0x2] =	wrdreg s24  }
0xaf: {  	[dreg:$0x3] =	wrdreg $0x8E800  }
0xb0: {  	[dreg:$0x4] =	wrdreg $0x8C000  }
0xb1: {  	[dreg:$0x5] =	wrdreg $0x9  }
0xb2: {  	_ =	task.clear_ibuf [dreg:s6], $0x6FFFF;
	_ =	strace $0x90000046  }
0xb3: {  	s29 =	simm.s32 $0x9;
	_ =	strace $0x80000048  }
0xb4: {  	_ =	swait.ge [sflag:s29], $0x1  }
0xb5: {  	[sflag:s29] =	ssyncadd.s32 $0xFFFFFFFF  }
0xb6: {  	_ =	strace $0x90000048  }
0xb7: {  	_ =	sfence  }
0xb8: {  	s30 =	sld [smem:$0x0];
	_ =	sdelay $0x2  }
0xb9: {  	s31 =	sshll.u32 s1, $0xD;
	s1 =	sshrl.u32 s1, $0x2  }
0xba: {  	s3 =	sand.u32 $0x4000, s31;
	s1 =	sadd.s32 s1, s30  }
0xbb: {  	s0 =	sor.u32 s3, s0;
	s1 =	sshll.u32 s1, $0x11  }
0xbc: {  	s0 =	sor.u32 s1, s0  }
0xbd: {  	s0 =	sadd.s32 $0x8F2B, s0  }
0xbe: {  	[sflag:s0] =	ssyncadd.remote.s32 $0x1  }
0xbf: {  	_ =	sfence.sel $0xFFFF  }
0xc0: {  	[dreg:$0x0] =	wrdreg $0xFFFFFFFF;
	(pc) =	sbr.abs _section_cstart, $3  }
0xc1: {  	[dreg:$0x1] =	wrdreg $0xFFFFFFFF  }
0xc2: {  	_ =	task.clear_ibuf [dreg:s6], $0x2FFFF;
	_ =	strace $0x9FFFFFFF  }
0xc3: {  	(tm) =	ssettm $0x7FFFFFFF  }
tec
execute0_lowered:
.L_overlay_start_1:
0x0: {  	(tag) =	ssettag $0x1  }
0x1: {  	s0 =	rddreg [dreg:$0x0]  }
0x2: {  	s1 =	rddreg [dreg:$0x1]  }
0x3: {  	s10 =	stileid.u32;
	s2 =	srdreg.scid  }
0x4: {  	s3 =	rddreg [dreg:$0x2];
	s4 =	simm.s32 $0x0;
	s5 =	smul.u32 $0x50, s10  }
0x5: {  	s28 =	simm.s32 $0x2;
	s29 =	simm.s32 $0x480;
	s6 =	smul.u32 $0x280, s10  }
0x6: {  	s30 =	simm.s32 $0x4;
	s2 =	sand.u32 $0x1, s2;
	s10 =	smul.u32 $0x50000, s10  }
0x7: {  	s31 =	simm.s32 $0x500;
	[smem:$0x7FF] =	sst s4;
	s7 =	smul.u32 $0x2800, s2  }
0x8: {  	p0 =	seq.s32 s2, $0x0;
	_ =	strace $0x80000047;
	s2 =	ssub.s32 $0x2, s2  }
0x9: {  	s8 =	sadd.s32 $0x500, s5;
	s18 =	sshrl.u32 s2, $0x1;
	s12 =	sadd.s32 $0x80, s6  }
0xa: {  	s19 =	sshrl.u32 s10, $0x2;
	s22 =	sadd.s32 $0x100, s6;
	s13 =	sadd.s32 $0x180, s6  }
0xb: {  	s14 =	sadd.s32 $0x200, s6;
	s8 =	smov.u32 @p0 s5;
	s7 =	sadd.s32 s6, s7  }
0xc: {  	s5 =	sadd.s32 $0x17600, s0;
	s2 =	ssub.s32 s2, s18;
	s6 =	sadd.s32 s6, s3  }
0xd: {  	s20 =	sshll.u32 s12, $0x7;
	s26 =	sadd.s32 s12, s3;
	[dreg:$0x15] =	wrdreg s6  }
0xe: {  	s23 =	sshll.u32 s22, $0x7;
	s12 =	sadd.s32 s13, s3;
	[dreg:$0x16] =	wrdreg s26  }
0xf: {  	s24 =	sshll.u32 s13, $0x7;
	s15 =	sadd.s32 s14, s3;
	[dreg:$0x18] =	wrdreg s12  }
0x10: {  	s11 =	sshll.u32 s14, $0x7;
	s18 =	simm.s32 $0x100;
	[dreg:$0x19] =	wrdreg s15  }
0x11: {  	s14 =	simm.s32 $0x8B80;
	s21 =	sadd.s32 s20, s1;
	[dreg:$0x7] =	wrdreg s18  }
0x12: {  	s8 =	sshll.u32 s8, $0x4;
	s10 =	sadd.s32 s23, s1;
	[dreg:$0x11] =	wrdreg s21  }
0x13: {  	s9 =	sshll.u32 s7, $0x4;
	s25 =	sadd.s32 s11, s1;
	[dreg:$0x12] =	wrdreg s10  }
0x14: {  	s7 =	sshrl.u32 s7, $0x3;
	s2 =	smax.u32 s2, $0x1;
	[dreg:$0x14] =	wrdreg s25  }
0x15: {  	s20 =	simm.s32 $0x180;
	s23 =	simm.s32 $0x8980;
	[dreg:$0x1c] =	wrdreg s2  }
0x16: {  	s26 =	simm.s32 $0x300;
	s12 =	simm.s32 $0x8B00;
	[dreg:$0x9] =	wrdreg s20  }
0x17: {  	s8 =	sadd.s32 s8, s0;
	s9 =	sadd.s32 s9, s0;
	[dreg:$0xc] =	wrdreg s23  }
0x18: {  	s0 =	sadd.s32 s7, s0;
	s7 =	sadd.s32 s19, s1;
	[dreg:$0xf] =	wrdreg s26  }
0x19: {  	s15 =	simm.s32 $0x5;
	s10 =	sadd.s32 s24, s1;
	[dreg:$0x10] =	wrdreg s7  }
0x1a: {  	s19 =	simm.s32 $0x8880;
	s21 =	simm.s32 $0x8900;
	[dreg:$0x13] =	wrdreg s10  }
0x1b: {  	s20 =	simm.s32 $0x6;
	s24 =	simm.s32 $0x280;
	[dreg:$0x8] =	wrdreg s19  }
0x1c: {  	s23 =	simm.s32 $0x400;
	s25 =	simm.s32 $0x8A00;
	[dreg:$0xa] =	wrdreg s21  }
0x1d: {  	s26 =	simm.s32 $0x3;
	s2 =	simm.s32 $0x580;
	[dreg:$0xd] =	wrdreg s24  }
0x1e: {  	s10 =	sadd.s32 s22, s3;
	s11 =	sadd.s32 $0x3F600, s8;
	[dreg:$0xe] =	wrdreg s25  }
0x1f: {  	s13 =	sadd.s32 $0x3600, s8;
	s16 =	sadd.s32 $0xD600, s8;
	[dreg:$0x17] =	wrdreg s10  }
0x20: {  	s17 =	sadd.s32 $0x4A000, s9;
	s0 =	sadd.s32 $0x49600, s0;
	[dreg:$0x4] =	wrdreg s11  }
0x21: {  	s19 =	simm.s32 $0x800;
	s22 =	simm.s32 $0x200;
	[dreg:$0x5] =	wrdreg s13  }
0x22: {  	s21 =	simm.s32 $0x80;
	s24 =	simm.s32 $0x8800;
	[dreg:$0x1a] =	wrdreg s17  }
0x23: {  	s25 =	simm.s32 $0x1;
	s7 =	simm.s32 $0x680;
	[dreg:$0x6] =	wrdreg s16  }
0x24: {  	s8 =	simm.s32 $0x8A80;
	s9 =	simm.s32 $0x380;
	[dreg:$0x1b] =	wrdreg s0  }
0x25: {  	[dreg:$0xb] =	wrdreg s22;
	s22 =	simm.s32 $0x4800;
	s0 =	simm.s32 $0x600  }
0x26: {  	v0 =	vimm.f32 $0.0e+00;
	s10 =	simm.s32 $0x700;
	s13 =	simm.s32 $0x780;
	s16 =	simm.s32 $0x0  }
.LBB2_1:
0x27: {  	s17 =	simm.s32 $0x0;
	s18 =	simm.s32 $0x200  }
.LBB2_2:
0x28: {  	p0 =	sne.s32 s18, $0xFE00;
	[tilespmem:s17+$0x870] =	vst v0  }
0x29: {  	[tilespmem:s17+$0x800] =	vst v0  }
0x2a: {  	[tilespmem:s17+$0x810] =	vst v0  }
.Ltmp0:
0x2b: {  	[tilespmem:s17+$0x820] =	vst v0;
	(pc) =	sbr.rel @p0 .LBB2_2-.Ltmp0, $4  }
0x2c: {  	[tilespmem:s17+$0x830] =	vst v0  }
0x2d: {  	[tilespmem:s17+$0x840] =	vst v0  }
0x2e: {  	[tilespmem:s17+$0x850] =	vst v0  }
0x2f: {  	[tilespmem:s17+$0x860] =	vst v0;
	s17 =	sshra.s32 s18, $0x2;
	s18 =	sadd.s32 $0x200, s18  }
0x30: {  	[tilespmem:s17+$0x870] =	vst v0  }
0x31: {  	[tilespmem:s17+$0x800] =	vst v0  }
0x32: {  	[tilespmem:s17+$0x810] =	vst v0  }
0x33: {  	[tilespmem:s17+$0x820] =	vst v0  }
0x34: {  	[tilespmem:s17+$0x830] =	vst v0  }
0x35: {  	[tilespmem:s17+$0x840] =	vst v0  }
0x36: {  	[tilespmem:s17+$0x850] =	vst v0  }
0x37: {  	[tilespmem:s17+$0x860] =	vst v0;
	s6 =	rddreg [dreg:$0x10]  }
0x38: {  	[spmem:s6] =	stream.linear.scatter [tilespmem:s19], [sflag:$0x6], $0x4000, $0x38;
	[tilespmem:$0x1CE80] =	vst v63  }
0x39: {  	_ =	swait.ge [sflag:s20], $0x4000  }
0x3a: {  	[sflag:s20] =	ssyncset.done $0x0  }
0x3b: {  	s11 =	rddreg [dreg:$0x11];
	[sflag:s20] =	ssyncadd.s32 $0xFFFFC000  }
0x3c: {  	[spmem:s11] =	stream.linear.scatter [tilespmem:s19], [sflag:$0x6], $0x4000, $0x38;
	[tilespmem:$0x1CE80] =	vst v63  }
0x3d: {  	_ =	swait.ge [sflag:s20], $0x4000  }
0x3e: {  	[sflag:s20] =	ssyncset.done $0x0  }
0x3f: {  	s17 =	rddreg [dreg:$0x12];
	[sflag:s20] =	ssyncadd.s32 $0xFFFFC000  }
0x40: {  	[spmem:s17] =	stream.linear.scatter [tilespmem:s19], [sflag:$0x6], $0x4000, $0x38;
	[tilespmem:$0x1CE80] =	vst v63  }
0x41: {  	_ =	swait.ge [sflag:s20], $0x4000  }
0x42: {  	[sflag:s20] =	ssyncset.done $0x0  }
0x43: {  	s18 =	rddreg [dreg:$0x13];
	[sflag:s20] =	ssyncadd.s32 $0xFFFFC000  }
0x44: {  	[spmem:s18] =	stream.linear.scatter [tilespmem:s19], [sflag:$0x6], $0x4000, $0x38;
	[tilespmem:$0x1CE80] =	vst v63  }
0x45: {  	_ =	swait.ge [sflag:s20], $0x4000  }
0x46: {  	[sflag:s20] =	ssyncset.done $0x0  }
0x47: {  	s11 =	rddreg [dreg:$0x14];
	[sflag:s20] =	ssyncadd.s32 $0xFFFFC000  }
0x48: {  	[spmem:s11] =	stream.linear.scatter [tilespmem:s19], [sflag:$0x6], $0x4000, $0x38;
	[tilespmem:$0x1CE80] =	vst v63  }
0x49: {  	_ =	swait.ge [sflag:s20], $0x4000  }
0x4a: {  	[sflag:s20] =	ssyncset.done $0x0  }
0x4b: {  	s17 =	rddreg [dreg:$0x15];
	[sflag:s20] =	ssyncadd.s32 $0xFFFFC000  }
0x4c: {  	[spmem:s17] =	stream.linear.scatter [tilespmem:s19], [sflag:$0x6], $0x80, $0x38;
	[tilespmem:$0x1CE80] =	vst v63  }
0x4d: {  	_ =	swait.ge [sflag:s20], $0x80  }
0x4e: {  	[sflag:s20] =	ssyncset.done $0x0  }
0x4f: {  	s18 =	rddreg [dreg:$0x16];
	[sflag:s20] =	ssyncadd.s32 $0xFFFFFF80  }
0x50: {  	[spmem:s18] =	stream.linear.scatter [tilespmem:s19], [sflag:$0x6], $0x80, $0x38;
	[tilespmem:$0x1CE80] =	vst v63  }
0x51: {  	_ =	swait.ge [sflag:s20], $0x80  }
0x52: {  	[sflag:s20] =	ssyncset.done $0x0  }
0x53: {  	s11 =	rddreg [dreg:$0x17];
	[sflag:s20] =	ssyncadd.s32 $0xFFFFFF80  }
0x54: {  	[spmem:s11] =	stream.linear.scatter [tilespmem:s19], [sflag:$0x6], $0x80, $0x38;
	[tilespmem:$0x1CE80] =	vst v63  }
0x55: {  	_ =	swait.ge [sflag:s20], $0x80  }
0x56: {  	[sflag:s20] =	ssyncset.done $0x0  }
0x57: {  	s17 =	rddreg [dreg:$0x18];
	[sflag:s20] =	ssyncadd.s32 $0xFFFFFF80  }
0x58: {  	[spmem:s17] =	stream.linear.scatter [tilespmem:s19], [sflag:$0x6], $0x80, $0x38;
	[tilespmem:$0x1CE80] =	vst v63  }
0x59: {  	_ =	swait.ge [sflag:s20], $0x80  }
0x5a: {  	[sflag:s20] =	ssyncset.done $0x0  }
0x5b: {  	s18 =	rddreg [dreg:$0x19];
	[sflag:s20] =	ssyncadd.s32 $0xFFFFFF80  }
0x5c: {  	[spmem:s18] =	stream.linear.scatter [tilespmem:s19], [sflag:$0x6], $0x80, $0x38;
	[tilespmem:$0x1CE80] =	vst v63  }
0x5d: {  	_ =	swait.ge [sflag:s20], $0x80  }
0x5e: {  	[sflag:s20] =	ssyncset.done $0x0  }
0x5f: {  	[sflag:s20] =	ssyncadd.s32 $0xFFFFFF80  }
0x60: {  	[bflag:$0x0] =	sbarrier.arrive $0xFFFF  }
0x61: {  	s11 =	rddreg [dreg:$0x6]  }
0x62: {  	s6 =	sadd.s32 $0x0, s11  }
0x63: {  	[tilespmem:s4], [sflag:$0x6] =	stream.linear.gather [hbm4b:s6+s4], $0x400, $0x38;
	[tilespmem:$0x1CE80] =	vst v63  }
0x64: {  	_ =	swait.ge [sflag:s20], $0x400  }
0x65: {  	[sflag:s20] =	ssyncset.done $0x0  }
0x66: {  	[sflag:s20] =	ssyncadd.s32 $0xFFFFFC00  }
0x67: {  	[tilespmem:s19], [sflag:$0x1] =	stream.indirect.gather [hbm4b:s5+s21], $0x80, s4, s21, $0xb8;
	[tilespmem:$0x1CE80] =	vst v63  }
0x68: {  	s17 =	rddreg [dreg:$0x5]  }
0x69: {  	[tilespmem:s22], [sflag:$0x2] =	stream.indirect.gather [hbm4b:s5+s21], $0x80, s21, s21, $0xb8;
	[tilespmem:$0x1CE80] =	vst v63  }
0x6a: {  	s6 =	sadd.s32 $0x0, s17  }
0x6b: {  	[tilespmem:s23], [sflag:$0x6] =	stream.linear.gather [hbm4b:s6+s4], $0x400, $0x38;
	[tilespmem:$0x1CE80] =	vst v63  }
0x6c: {  	_ =	swait.ge [sflag:s20], $0x400  }
0x6d: {  	s18 =	rddreg [dreg:$0x4];
	[sflag:s20] =	ssyncset.done $0x0  }
0x6e: {  	[sflag:s20] =	ssyncadd.s32 $0xFFFFFC00;
	s6 =	sadd.s32 $0x0, s18  }
0x6f: {  	[tilespmem:s24], [sflag:$0x6] =	stream.linear.gather [hbm4b:s6+s4], $0x400, $0x38;
	[tilespmem:$0x1CE80] =	vst v63  }
0x70: {  	_ =	swait.ge [sflag:s20], $0x400  }
0x71: {  	[sflag:s20] =	ssyncset.done $0x0  }
0x72: {  	[sflag:s20] =	ssyncadd.s32 $0xFFFFFC00  }
0x73: {  	_ =	swait.ge [sflag:s25], $0x4000  }
0x74: {  	[sflag:s25] =	ssyncset.done $0x0  }
0x75: {  	[sflag:s25] =	ssyncadd.s32 $0xFFFFC000  }
0x76: {  	[spmem:s1] =	stream.indirect.scatter.add.f32 [tilespmem:s19], [sflag:$0x3], $0x80, s23, s21, $0xb8;
	[tilespmem:$0x1CE80] =	vst v63  }
0x77: {  	_ = 	snop  }
0x78: {  	[spmem:s3] =	stream.indirect.scatter.add.f32 [tilespmem:s24], [sflag:$0x5], $0x1, s23, s21, $0xb8;
	[tilespmem:$0x1CE80] =	vst v63  }
0x79: {  	_ =	swait.ge [sflag:s26], $0x4000  }
0x7a: {  	[sflag:s26] =	ssyncset.done $0x0  }
0x7b: {  	s11 =	rddreg [dreg:$0x7];
	[sflag:s26] =	ssyncadd.s32 $0xFFFFC000  }
0x7c: {  	[tilespmem:s19], [sflag:$0x1] =	stream.indirect.gather [hbm4b:s5+s21], $0x80, s11, s21, $0xb8;
	[tilespmem:$0x1CE80] =	vst v63  }
0x7d: {  	_ =	swait.ge [sflag:s28], $0x4000  }
0x7e: {  	[sflag:s28] =	ssyncset.done $0x0  }
0x7f: {  	[sflag:s28] =	ssyncadd.s32 $0xFFFFC000  }
0x80: {  	[spmem:s1] =	stream.indirect.scatter.add.f32 [tilespmem:s22], [sflag:$0x4], $0x80, s29, s21, $0xb8;
	[tilespmem:$0x1CE80] =	vst v63  }
0x81: {  	s17 =	rddreg [dreg:$0x8]  }
0x82: {  	[spmem:s3] =	stream.indirect.scatter.add.f32 [tilespmem:s17], [sflag:$0x5], $0x1, s29, s21, $0xb8;
	[tilespmem:$0x1CE80] =	vst v63  }
0x83: {  	_ =	swait.ge [sflag:s30], $0x4000  }
0x84: {  	[sflag:s30] =	ssyncset.done $0x0  }
0x85: {  	s18 =	rddreg [dreg:$0x9];
	[sflag:s30] =	ssyncadd.s32 $0xFFFFC000  }
0x86: {  	[tilespmem:s22], [sflag:$0x2] =	stream.indirect.gather [hbm4b:s5+s21], $0x80, s18, s21, $0xb8;
	[tilespmem:$0x1CE80] =	vst v63  }
0x87: {  	_ =	swait.ge [sflag:s25], $0x4000  }
0x88: {  	[sflag:s25] =	ssyncset.done $0x0  }
0x89: {  	[sflag:s25] =	ssyncadd.s32 $0xFFFFC000  }
0x8a: {  	[spmem:s1] =	stream.indirect.scatter.add.f32 [tilespmem:s19], [sflag:$0x3], $0x80, s31, s21, $0xb8;
	[tilespmem:$0x1CE80] =	vst v63  }
0x8b: {  	s11 =	rddreg [dreg:$0xa]  }
0x8c: {  	[spmem:s3] =	stream.indirect.scatter.add.f32 [tilespmem:s11], [sflag:$0x5], $0x1, s31, s21, $0xb8;
	[tilespmem:$0x1CE80] =	vst v63  }
0x8d: {  	_ =	swait.ge [sflag:s26], $0x4000  }
0x8e: {  	[sflag:s26] =	ssyncset.done $0x0  }
0x8f: {  	s17 =	rddreg [dreg:$0xb];
	[sflag:s26] =	ssyncadd.s32 $0xFFFFC000  }
0x90: {  	[tilespmem:s19], [sflag:$0x1] =	stream.indirect.gather [hbm4b:s5+s21], $0x80, s17, s21, $0xb8;
	[tilespmem:$0x1CE80] =	vst v63  }
0x91: {  	_ =	swait.ge [sflag:s28], $0x4000  }
0x92: {  	[sflag:s28] =	ssyncset.done $0x0  }
0x93: {  	[sflag:s28] =	ssyncadd.s32 $0xFFFFC000  }
0x94: {  	[spmem:s1] =	stream.indirect.scatter.add.f32 [tilespmem:s22], [sflag:$0x4], $0x80, s2, s21, $0xb8;
	[tilespmem:$0x1CE80] =	vst v63  }
0x95: {  	s18 =	rddreg [dreg:$0xc]  }
0x96: {  	[spmem:s3] =	stream.indirect.scatter.add.f32 [tilespmem:s18], [sflag:$0x5], $0x1, s2, s21, $0xb8;
	[tilespmem:$0x1CE80] =	vst v63  }
0x97: {  	_ =	swait.ge [sflag:s30], $0x4000  }
0x98: {  	[sflag:s30] =	ssyncset.done $0x0  }
0x99: {  	s11 =	rddreg [dreg:$0xd];
	[sflag:s30] =	ssyncadd.s32 $0xFFFFC000  }
0x9a: {  	[tilespmem:s22], [sflag:$0x2] =	stream.indirect.gather [hbm4b:s5+s21], $0x80, s11, s21, $0xb8;
	[tilespmem:$0x1CE80] =	vst v63  }
0x9b: {  	_ =	swait.ge [sflag:s25], $0x4000  }
0x9c: {  	[sflag:s25] =	ssyncset.done $0x0  }
0x9d: {  	[sflag:s25] =	ssyncadd.s32 $0xFFFFC000  }
0x9e: {  	[spmem:s1] =	stream.indirect.scatter.add.f32 [tilespmem:s19], [sflag:$0x3], $0x80, s0, s21, $0xb8;
	[tilespmem:$0x1CE80] =	vst v63  }
0x9f: {  	s17 =	rddreg [dreg:$0xe]  }
0xa0: {  	[spmem:s3] =	stream.indirect.scatter.add.f32 [tilespmem:s17], [sflag:$0x5], $0x1, s0, s21, $0xb8;
	[tilespmem:$0x1CE80] =	vst v63  }
0xa1: {  	_ =	swait.ge [sflag:s26], $0x4000  }
0xa2: {  	[sflag:s26] =	ssyncset.done $0x0  }
0xa3: {  	s18 =	rddreg [dreg:$0xf];
	[sflag:s26] =	ssyncadd.s32 $0xFFFFC000  }
0xa4: {  	[tilespmem:s19], [sflag:$0x1] =	stream.indirect.gather [hbm4b:s5+s21], $0x80, s18, s21, $0xb8;
	[tilespmem:$0x1CE80] =	vst v63  }
0xa5: {  	_ =	swait.ge [sflag:s28], $0x4000  }
0xa6: {  	[sflag:s28] =	ssyncset.done $0x0  }
0xa7: {  	[sflag:s28] =	ssyncadd.s32 $0xFFFFC000  }
0xa8: {  	[spmem:s1] =	stream.indirect.scatter.add.f32 [tilespmem:s22], [sflag:$0x4], $0x80, s7, s21, $0xb8;
	[tilespmem:$0x1CE80] =	vst v63  }
0xa9: {  	_ = 	snop  }
0xaa: {  	[spmem:s3] =	stream.indirect.scatter.add.f32 [tilespmem:s8], [sflag:$0x5], $0x1, s7, s21, $0xb8;
	[tilespmem:$0x1CE80] =	vst v63  }
0xab: {  	_ =	swait.ge [sflag:s30], $0x4000  }
0xac: {  	[sflag:s30] =	ssyncset.done $0x0  }
0xad: {  	[sflag:s30] =	ssyncadd.s32 $0xFFFFC000  }
0xae: {  	[tilespmem:s22], [sflag:$0x2] =	stream.indirect.gather [hbm4b:s5+s21], $0x80, s9, s21, $0xb8;
	[tilespmem:$0x1CE80] =	vst v63  }
0xaf: {  	_ =	swait.ge [sflag:s25], $0x4000  }
0xb0: {  	[sflag:s25] =	ssyncset.done $0x0  }
0xb1: {  	[sflag:s25] =	ssyncadd.s32 $0xFFFFC000  }
0xb2: {  	[spmem:s1] =	stream.indirect.scatter.add.f32 [tilespmem:s19], [sflag:$0x3], $0x80, s10, s21, $0xb8;
	[tilespmem:$0x1CE80] =	vst v63  }
0xb3: {  	_ = 	snop  }
0xb4: {  	[spmem:s3] =	stream.indirect.scatter.add.f32 [tilespmem:s12], [sflag:$0x5], $0x1, s10, s21, $0xb8;
	[tilespmem:$0x1CE80] =	vst v63  }
0xb5: {  	_ =	swait.ge [sflag:s28], $0x4000  }
0xb6: {  	[sflag:s28] =	ssyncset.done $0x0  }
0xb7: {  	[sflag:s28] =	ssyncadd.s32 $0xFFFFC000  }
0xb8: {  	[spmem:s1] =	stream.indirect.scatter.add.f32 [tilespmem:s22], [sflag:$0x4], $0x80, s13, s21, $0xb8;
	[tilespmem:$0x1CE80] =	vst v63  }
0xb9: {  	_ = 	snop  }
0xba: {  	[spmem:s3] =	stream.indirect.scatter.add.f32 [tilespmem:s14], [sflag:$0x5], $0x1, s13, s21, $0xb8;
	[tilespmem:$0x1CE80] =	vst v63  }
0xbb: {  	_ =	swait.ge [sflag:s26], $0x4000  }
0xbc: {  	[sflag:s26] =	ssyncset.done $0x0  }
0xbd: {  	[sflag:s26] =	ssyncadd.s32 $0xFFFFC000  }
0xbe: {  	_ =	swait.ge [sflag:s30], $0x4000  }
0xbf: {  	[sflag:s30] =	ssyncset.done $0x0  }
0xc0: {  	[sflag:s30] =	ssyncadd.s32 $0xFFFFC000  }
0xc1: {  	_ =	swait.ge [sflag:s15], $0x80  }
0xc2: {  	[sflag:s15] =	ssyncset.done $0x0  }
0xc3: {  	[sflag:s15] =	ssyncadd.s32 $0xFFFFFF80  }
0xc4: {  	_ =	swait.ge [sflag:s15], $0x80  }
0xc5: {  	[sflag:s15] =	ssyncset.done $0x0  }
0xc6: {  	[sflag:s15] =	ssyncadd.s32 $0xFFFFFF80  }
0xc7: {  	_ =	swait.ge [sflag:s15], $0x80  }
0xc8: {  	[sflag:s15] =	ssyncset.done $0x0  }
0xc9: {  	[sflag:s15] =	ssyncadd.s32 $0xFFFFFF80  }
0xca: {  	_ =	swait.ge [sflag:s15], $0x80  }
0xcb: {  	[sflag:s15] =	ssyncset.done $0x0  }
0xcc: {  	[sflag:s15] =	ssyncadd.s32 $0xFFFFFF80  }
0xcd: {  	_ =	swait.ge [sflag:s15], $0x80  }
0xce: {  	[sflag:s15] =	ssyncset.done $0x0  }
0xcf: {  	[sflag:s15] =	ssyncadd.s32 $0xFFFFFF80  }
0xd0: {  	_ =	swait.ge [sflag:s15], $0x80  }
0xd1: {  	[sflag:s15] =	ssyncset.done $0x0  }
0xd2: {  	[sflag:s15] =	ssyncadd.s32 $0xFFFFFF80  }
0xd3: {  	_ =	swait.ge [sflag:s15], $0x80  }
0xd4: {  	[sflag:s15] =	ssyncset.done $0x0  }
0xd5: {  	[sflag:s15] =	ssyncadd.s32 $0xFFFFFF80  }
0xd6: {  	s17 =	simm.s32 $0x80;
	_ =	swait.ge [sflag:s15], $0x80  }
0xd7: {  	s18 =	simm.s32 $0x100;
	s6 =	rddreg [dreg:$0x6];
	[sflag:s15] =	ssyncset.done $0x0  }
.LBB2_4:
0xd8: {  	[sflag:s15] =	ssyncadd.s32 $0xFFFFFF80;
	s6 =	sadd.s32 s17, s6  }
0xd9: {  	[tilespmem:s4], [sflag:$0x6] =	stream.linear.gather [hbm4b:s6+s4], $0x400, $0x38;
	[tilespmem:$0x1CE80] =	vst v63  }
0xda: {  	_ =	swait.ge [sflag:s20], $0x400  }
0xdb: {  	[sflag:s20] =	ssyncset.done $0x0  }
0xdc: {  	[sflag:s20] =	ssyncadd.s32 $0xFFFFFC00  }
0xdd: {  	[tilespmem:s19], [sflag:$0x1] =	stream.indirect.gather [hbm4b:s5+s21], $0x80, s4, s21, $0xb8;
	[tilespmem:$0x1CE80] =	vst v63  }
0xde: {  	s6 =	rddreg [dreg:$0x5]  }
0xdf: {  	[tilespmem:s22], [sflag:$0x2] =	stream.indirect.gather [hbm4b:s5+s21], $0x80, s21, s21, $0xb8;
	[tilespmem:$0x1CE80] =	vst v63  }
0xe0: {  	s6 =	sadd.s32 s17, s6  }
0xe1: {  	[tilespmem:s23], [sflag:$0x6] =	stream.linear.gather [hbm4b:s6+s4], $0x400, $0x38;
	[tilespmem:$0x1CE80] =	vst v63  }
0xe2: {  	_ =	swait.ge [sflag:s20], $0x400  }
0xe3: {  	s6 =	rddreg [dreg:$0x4];
	[sflag:s20] =	ssyncset.done $0x0  }
0xe4: {  	[sflag:s20] =	ssyncadd.s32 $0xFFFFFC00;
	s6 =	sadd.s32 s17, s6  }
0xe5: {  	[tilespmem:s24], [sflag:$0x6] =	stream.linear.gather [hbm4b:s6+s4], $0x400, $0x38;
	[tilespmem:$0x1CE80] =	vst v63  }
0xe6: {  	_ =	swait.ge [sflag:s20], $0x400  }
0xe7: {  	[sflag:s20] =	ssyncset.done $0x0  }
0xe8: {  	[sflag:s20] =	ssyncadd.s32 $0xFFFFFC00  }
0xe9: {  	_ =	swait.ge [sflag:s25], $0x4000  }
0xea: {  	[sflag:s25] =	ssyncset.done $0x0  }
0xeb: {  	[sflag:s25] =	ssyncadd.s32 $0xFFFFC000  }
0xec: {  	[spmem:s1] =	stream.indirect.scatter.add.f32 [tilespmem:s19], [sflag:$0x3], $0x80, s23, s21, $0xb8;
	[tilespmem:$0x1CE80] =	vst v63  }
0xed: {  	_ = 	snop  }
0xee: {  	[spmem:s3] =	stream.indirect.scatter.add.f32 [tilespmem:s24], [sflag:$0x5], $0x1, s23, s21, $0xb8;
	[tilespmem:$0x1CE80] =	vst v63  }
0xef: {  	_ =	swait.ge [sflag:s26], $0x4000  }
0xf0: {  	s11 =	smov.u32 s18;
	[sflag:s26] =	ssyncset.done $0x0  }
0xf1: {  	s17 =	smov.u32 s11;
	s11 =	rddreg [dreg:$0x7];
	[sflag:s26] =	ssyncadd.s32 $0xFFFFC000  }
0xf2: {  	[tilespmem:s19], [sflag:$0x1] =	stream.indirect.gather [hbm4b:s5+s21], $0x80, s11, s21, $0xb8;
	[tilespmem:$0x1CE80] =	vst v63  }
0xf3: {  	_ =	swait.ge [sflag:s28], $0x4000  }
0xf4: {  	[sflag:s28] =	ssyncset.done $0x0  }
0xf5: {  	[sflag:s28] =	ssyncadd.s32 $0xFFFFC000  }
0xf6: {  	[spmem:s1] =	stream.indirect.scatter.add.f32 [tilespmem:s22], [sflag:$0x4], $0x80, s29, s21, $0xb8;
	[tilespmem:$0x1CE80] =	vst v63  }
0xf7: {  	s11 =	rddreg [dreg:$0x8]  }
0xf8: {  	[spmem:s3] =	stream.indirect.scatter.add.f32 [tilespmem:s11], [sflag:$0x5], $0x1, s29, s21, $0xb8;
	[tilespmem:$0x1CE80] =	vst v63  }
0xf9: {  	_ =	swait.ge [sflag:s30], $0x4000  }
0xfa: {  	[sflag:s30] =	ssyncset.done $0x0  }
0xfb: {  	s11 =	rddreg [dreg:$0x9];
	[sflag:s30] =	ssyncadd.s32 $0xFFFFC000  }
0xfc: {  	[tilespmem:s22], [sflag:$0x2] =	stream.indirect.gather [hbm4b:s5+s21], $0x80, s11, s21, $0xb8;
	[tilespmem:$0x1CE80] =	vst v63  }
0xfd: {  	_ =	swait.ge [sflag:s25], $0x4000  }
0xfe: {  	[sflag:s25] =	ssyncset.done $0x0  }
0xff: {  	[sflag:s25] =	ssyncadd.s32 $0xFFFFC000  }
0x100: {  	[spmem:s1] =	stream.indirect.scatter.add.f32 [tilespmem:s19], [sflag:$0x3], $0x80, s31, s21, $0xb8;
	[tilespmem:$0x1CE80] =	vst v63  }
0x101: {  	s11 =	rddreg [dreg:$0xa]  }
0x102: {  	[spmem:s3] =	stream.indirect.scatter.add.f32 [tilespmem:s11], [sflag:$0x5], $0x1, s31, s21, $0xb8;
	[tilespmem:$0x1CE80] =	vst v63  }
0x103: {  	_ =	swait.ge [sflag:s26], $0x4000  }
0x104: {  	[sflag:s26] =	ssyncset.done $0x0  }
0x105: {  	s11 =	rddreg [dreg:$0xb];
	[sflag:s26] =	ssyncadd.s32 $0xFFFFC000  }
0x106: {  	[tilespmem:s19], [sflag:$0x1] =	stream.indirect.gather [hbm4b:s5+s21], $0x80, s11, s21, $0xb8;
	[tilespmem:$0x1CE80] =	vst v63  }
0x107: {  	_ =	swait.ge [sflag:s28], $0x4000  }
0x108: {  	[sflag:s28] =	ssyncset.done $0x0  }
0x109: {  	[sflag:s28] =	ssyncadd.s32 $0xFFFFC000  }
0x10a: {  	[spmem:s1] =	stream.indirect.scatter.add.f32 [tilespmem:s22], [sflag:$0x4], $0x80, s2, s21, $0xb8;
	[tilespmem:$0x1CE80] =	vst v63  }
0x10b: {  	s11 =	rddreg [dreg:$0xc]  }
0x10c: {  	[spmem:s3] =	stream.indirect.scatter.add.f32 [tilespmem:s11], [sflag:$0x5], $0x1, s2, s21, $0xb8;
	[tilespmem:$0x1CE80] =	vst v63  }
0x10d: {  	_ =	swait.ge [sflag:s30], $0x4000  }
0x10e: {  	[sflag:s30] =	ssyncset.done $0x0  }
0x10f: {  	s11 =	rddreg [dreg:$0xd];
	[sflag:s30] =	ssyncadd.s32 $0xFFFFC000  }
0x110: {  	[tilespmem:s22], [sflag:$0x2] =	stream.indirect.gather [hbm4b:s5+s21], $0x80, s11, s21, $0xb8;
	[tilespmem:$0x1CE80] =	vst v63  }
0x111: {  	_ =	swait.ge [sflag:s25], $0x4000  }
0x112: {  	[sflag:s25] =	ssyncset.done $0x0  }
0x113: {  	[sflag:s25] =	ssyncadd.s32 $0xFFFFC000  }
0x114: {  	[spmem:s1] =	stream.indirect.scatter.add.f32 [tilespmem:s19], [sflag:$0x3], $0x80, s0, s21, $0xb8;
	[tilespmem:$0x1CE80] =	vst v63  }
0x115: {  	s11 =	rddreg [dreg:$0xe]  }
0x116: {  	[spmem:s3] =	stream.indirect.scatter.add.f32 [tilespmem:s11], [sflag:$0x5], $0x1, s0, s21, $0xb8;
	[tilespmem:$0x1CE80] =	vst v63  }
0x117: {  	_ =	swait.ge [sflag:s26], $0x4000  }
0x118: {  	[sflag:s26] =	ssyncset.done $0x0  }
0x119: {  	s11 =	rddreg [dreg:$0xf];
	[sflag:s26] =	ssyncadd.s32 $0xFFFFC000  }
0x11a: {  	[tilespmem:s19], [sflag:$0x1] =	stream.indirect.gather [hbm4b:s5+s21], $0x80, s11, s21, $0xb8;
	[tilespmem:$0x1CE80] =	vst v63  }
0x11b: {  	_ =	swait.ge [sflag:s28], $0x4000  }
0x11c: {  	[sflag:s28] =	ssyncset.done $0x0  }
0x11d: {  	[sflag:s28] =	ssyncadd.s32 $0xFFFFC000  }
0x11e: {  	[spmem:s1] =	stream.indirect.scatter.add.f32 [tilespmem:s22], [sflag:$0x4], $0x80, s7, s21, $0xb8;
	[tilespmem:$0x1CE80] =	vst v63  }
0x11f: {  	_ = 	snop  }
0x120: {  	[spmem:s3] =	stream.indirect.scatter.add.f32 [tilespmem:s8], [sflag:$0x5], $0x1, s7, s21, $0xb8;
	[tilespmem:$0x1CE80] =	vst v63  }
0x121: {  	_ =	swait.ge [sflag:s30], $0x4000  }
0x122: {  	[sflag:s30] =	ssyncset.done $0x0  }
0x123: {  	[sflag:s30] =	ssyncadd.s32 $0xFFFFC000  }
0x124: {  	[tilespmem:s22], [sflag:$0x2] =	stream.indirect.gather [hbm4b:s5+s21], $0x80, s9, s21, $0xb8;
	[tilespmem:$0x1CE80] =	vst v63  }
0x125: {  	_ =	swait.ge [sflag:s25], $0x4000  }
0x126: {  	[sflag:s25] =	ssyncset.done $0x0  }
0x127: {  	[sflag:s25] =	ssyncadd.s32 $0xFFFFC000  }
0x128: {  	[spmem:s1] =	stream.indirect.scatter.add.f32 [tilespmem:s19], [sflag:$0x3], $0x80, s10, s21, $0xb8;
	[tilespmem:$0x1CE80] =	vst v63  }
0x129: {  	_ = 	snop  }
0x12a: {  	[spmem:s3] =	stream.indirect.scatter.add.f32 [tilespmem:s12], [sflag:$0x5], $0x1, s10, s21, $0xb8;
	[tilespmem:$0x1CE80] =	vst v63  }
0x12b: {  	_ =	swait.ge [sflag:s28], $0x4000  }
0x12c: {  	[sflag:s28] =	ssyncset.done $0x0  }
0x12d: {  	[sflag:s28] =	ssyncadd.s32 $0xFFFFC000  }
0x12e: {  	[spmem:s1] =	stream.indirect.scatter.add.f32 [tilespmem:s22], [sflag:$0x4], $0x80, s13, s21, $0xb8;
	[tilespmem:$0x1CE80] =	vst v63  }
0x12f: {  	_ = 	snop  }
0x130: {  	[spmem:s3] =	stream.indirect.scatter.add.f32 [tilespmem:s14], [sflag:$0x5], $0x1, s13, s21, $0xb8;
	[tilespmem:$0x1CE80] =	vst v63  }
0x131: {  	_ =	swait.ge [sflag:s26], $0x4000  }
0x132: {  	[sflag:s26] =	ssyncset.done $0x0  }
0x133: {  	[sflag:s26] =	ssyncadd.s32 $0xFFFFC000  }
0x134: {  	_ =	swait.ge [sflag:s30], $0x4000  }
0x135: {  	[sflag:s30] =	ssyncset.done $0x0  }
0x136: {  	[sflag:s30] =	ssyncadd.s32 $0xFFFFC000  }
0x137: {  	_ =	swait.ge [sflag:s15], $0x80  }
0x138: {  	[sflag:s15] =	ssyncset.done $0x0  }
0x139: {  	[sflag:s15] =	ssyncadd.s32 $0xFFFFFF80  }
0x13a: {  	_ =	swait.ge [sflag:s15], $0x80  }
0x13b: {  	[sflag:s15] =	ssyncset.done $0x0  }
0x13c: {  	[sflag:s15] =	ssyncadd.s32 $0xFFFFFF80  }
0x13d: {  	_ =	swait.ge [sflag:s15], $0x80  }
0x13e: {  	[sflag:s15] =	ssyncset.done $0x0  }
0x13f: {  	[sflag:s15] =	ssyncadd.s32 $0xFFFFFF80  }
0x140: {  	_ =	swait.ge [sflag:s15], $0x80  }
0x141: {  	[sflag:s15] =	ssyncset.done $0x0  }
0x142: {  	[sflag:s15] =	ssyncadd.s32 $0xFFFFFF80  }
0x143: {  	_ =	swait.ge [sflag:s15], $0x80  }
0x144: {  	[sflag:s15] =	ssyncset.done $0x0  }
0x145: {  	[sflag:s15] =	ssyncadd.s32 $0xFFFFFF80  }
0x146: {  	_ =	swait.ge [sflag:s15], $0x80  }
0x147: {  	[sflag:s15] =	ssyncset.done $0x0  }
0x148: {  	p0 =	sne.s32 s18, $0x480;
	[sflag:s15] =	ssyncadd.s32 $0xFFFFFF80  }
.Ltmp1:
0x149: {  	_ =	swait.ge [sflag:s15], $0x80;
	(pc) =	sbr.rel @p0 .LBB2_4-.Ltmp1, $4  }
0x14a: {  	[sflag:s15] =	ssyncset.done $0x0  }
0x14b: {  	[sflag:s15] =	ssyncadd.s32 $0xFFFFFF80  }
0x14c: {  	_ =	swait.ge [sflag:s15], $0x80  }
0x14d: {  	s18 =	sadd.s32 $0x80, s18;
	s6 =	rddreg [dreg:$0x6];
	[sflag:s15] =	ssyncset.done $0x0  }
0x14e: {  	[sflag:s15] =	ssyncadd.s32 $0xFFFFFF80;
	s6 =	sadd.s32 s17, s6  }
0x14f: {  	[tilespmem:s4], [sflag:$0x6] =	stream.linear.gather [hbm4b:s6+s4], $0x400, $0x38;
	[tilespmem:$0x1CE80] =	vst v63  }
0x150: {  	_ =	swait.ge [sflag:s20], $0x400  }
0x151: {  	[sflag:s20] =	ssyncset.done $0x0  }
0x152: {  	[sflag:s20] =	ssyncadd.s32 $0xFFFFFC00  }
0x153: {  	[tilespmem:s19], [sflag:$0x1] =	stream.indirect.gather [hbm4b:s5+s21], $0x80, s4, s21, $0xb8;
	[tilespmem:$0x1CE80] =	vst v63  }
0x154: {  	s18 =	rddreg [dreg:$0x5]  }
0x155: {  	[tilespmem:s22], [sflag:$0x2] =	stream.indirect.gather [hbm4b:s5+s21], $0x80, s21, s21, $0xb8;
	[tilespmem:$0x1CE80] =	vst v63  }
0x156: {  	s6 =	sadd.s32 s17, s18  }
0x157: {  	[tilespmem:s23], [sflag:$0x6] =	stream.linear.gather [hbm4b:s6+s4], $0x400, $0x38;
	[tilespmem:$0x1CE80] =	vst v63  }
0x158: {  	_ =	swait.ge [sflag:s20], $0x400  }
0x159: {  	s11 =	rddreg [dreg:$0x4];
	[sflag:s20] =	ssyncset.done $0x0  }
0x15a: {  	[sflag:s20] =	ssyncadd.s32 $0xFFFFFC00;
	s6 =	sadd.s32 s17, s11  }
0x15b: {  	[tilespmem:s24], [sflag:$0x6] =	stream.linear.gather [hbm4b:s6+s4], $0x400, $0x38;
	[tilespmem:$0x1CE80] =	vst v63  }
0x15c: {  	_ =	swait.ge [sflag:s20], $0x400  }
0x15d: {  	[sflag:s20] =	ssyncset.done $0x0  }
0x15e: {  	[sflag:s20] =	ssyncadd.s32 $0xFFFFFC00  }
0x15f: {  	_ =	swait.ge [sflag:s25], $0x4000  }
0x160: {  	[sflag:s25] =	ssyncset.done $0x0  }
0x161: {  	[sflag:s25] =	ssyncadd.s32 $0xFFFFC000  }
0x162: {  	[spmem:s1] =	stream.indirect.scatter.add.f32 [tilespmem:s19], [sflag:$0x3], $0x80, s23, s21, $0xb8;
	[tilespmem:$0x1CE80] =	vst v63  }
0x163: {  	_ = 	snop  }
0x164: {  	[spmem:s3] =	stream.indirect.scatter.add.f32 [tilespmem:s24], [sflag:$0x5], $0x1, s23, s21, $0xb8;
	[tilespmem:$0x1CE80] =	vst v63  }
0x165: {  	_ =	swait.ge [sflag:s26], $0x4000  }
0x166: {  	[sflag:s26] =	ssyncset.done $0x0  }
0x167: {  	s17 =	rddreg [dreg:$0x7];
	[sflag:s26] =	ssyncadd.s32 $0xFFFFC000  }
0x168: {  	[tilespmem:s19], [sflag:$0x1] =	stream.indirect.gather [hbm4b:s5+s21], $0x80, s17, s21, $0xb8;
	[tilespmem:$0x1CE80] =	vst v63  }
0x169: {  	_ =	swait.ge [sflag:s28], $0x4000  }
0x16a: {  	[sflag:s28] =	ssyncset.done $0x0  }
0x16b: {  	[sflag:s28] =	ssyncadd.s32 $0xFFFFC000  }
0x16c: {  	[spmem:s1] =	stream.indirect.scatter.add.f32 [tilespmem:s22], [sflag:$0x4], $0x80, s29, s21, $0xb8;
	[tilespmem:$0x1CE80] =	vst v63  }
0x16d: {  	s18 =	rddreg [dreg:$0x8]  }
0x16e: {  	[spmem:s3] =	stream.indirect.scatter.add.f32 [tilespmem:s18], [sflag:$0x5], $0x1, s29, s21, $0xb8;
	[tilespmem:$0x1CE80] =	vst v63  }
0x16f: {  	_ =	swait.ge [sflag:s30], $0x4000  }
0x170: {  	[sflag:s30] =	ssyncset.done $0x0  }
0x171: {  	s11 =	rddreg [dreg:$0x9];
	[sflag:s30] =	ssyncadd.s32 $0xFFFFC000  }
0x172: {  	[tilespmem:s22], [sflag:$0x2] =	stream.indirect.gather [hbm4b:s5+s21], $0x80, s11, s21, $0xb8;
	[tilespmem:$0x1CE80] =	vst v63  }
0x173: {  	_ =	swait.ge [sflag:s25], $0x4000  }
0x174: {  	[sflag:s25] =	ssyncset.done $0x0  }
0x175: {  	[sflag:s25] =	ssyncadd.s32 $0xFFFFC000  }
0x176: {  	[spmem:s1] =	stream.indirect.scatter.add.f32 [tilespmem:s19], [sflag:$0x3], $0x80, s31, s21, $0xb8;
	[tilespmem:$0x1CE80] =	vst v63  }
0x177: {  	s17 =	rddreg [dreg:$0xa]  }
0x178: {  	[spmem:s3] =	stream.indirect.scatter.add.f32 [tilespmem:s17], [sflag:$0x5], $0x1, s31, s21, $0xb8;
	[tilespmem:$0x1CE80] =	vst v63  }
0x179: {  	_ =	swait.ge [sflag:s26], $0x4000  }
0x17a: {  	[sflag:s26] =	ssyncset.done $0x0  }
0x17b: {  	s18 =	rddreg [dreg:$0xb];
	[sflag:s26] =	ssyncadd.s32 $0xFFFFC000  }
0x17c: {  	[tilespmem:s19], [sflag:$0x1] =	stream.indirect.gather [hbm4b:s5+s21], $0x80, s18, s21, $0xb8;
	[tilespmem:$0x1CE80] =	vst v63  }
0x17d: {  	_ =	swait.ge [sflag:s28], $0x4000  }
0x17e: {  	[sflag:s28] =	ssyncset.done $0x0  }
0x17f: {  	[sflag:s28] =	ssyncadd.s32 $0xFFFFC000  }
0x180: {  	[spmem:s1] =	stream.indirect.scatter.add.f32 [tilespmem:s22], [sflag:$0x4], $0x80, s2, s21, $0xb8;
	[tilespmem:$0x1CE80] =	vst v63  }
0x181: {  	s11 =	rddreg [dreg:$0xc]  }
0x182: {  	[spmem:s3] =	stream.indirect.scatter.add.f32 [tilespmem:s11], [sflag:$0x5], $0x1, s2, s21, $0xb8;
	[tilespmem:$0x1CE80] =	vst v63  }
0x183: {  	_ =	swait.ge [sflag:s30], $0x4000  }
0x184: {  	[sflag:s30] =	ssyncset.done $0x0  }
0x185: {  	s17 =	rddreg [dreg:$0xd];
	[sflag:s30] =	ssyncadd.s32 $0xFFFFC000  }
0x186: {  	[tilespmem:s22], [sflag:$0x2] =	stream.indirect.gather [hbm4b:s5+s21], $0x80, s17, s21, $0xb8;
	[tilespmem:$0x1CE80] =	vst v63  }
0x187: {  	_ =	swait.ge [sflag:s25], $0x4000  }
0x188: {  	[sflag:s25] =	ssyncset.done $0x0  }
0x189: {  	[sflag:s25] =	ssyncadd.s32 $0xFFFFC000  }
0x18a: {  	[spmem:s1] =	stream.indirect.scatter.add.f32 [tilespmem:s19], [sflag:$0x3], $0x80, s0, s21, $0xb8;
	[tilespmem:$0x1CE80] =	vst v63  }
0x18b: {  	s18 =	rddreg [dreg:$0xe]  }
0x18c: {  	[spmem:s3] =	stream.indirect.scatter.add.f32 [tilespmem:s18], [sflag:$0x5], $0x1, s0, s21, $0xb8;
	[tilespmem:$0x1CE80] =	vst v63  }
0x18d: {  	_ =	swait.ge [sflag:s26], $0x4000  }
0x18e: {  	[sflag:s26] =	ssyncset.done $0x0  }
0x18f: {  	s11 =	rddreg [dreg:$0xf];
	[sflag:s26] =	ssyncadd.s32 $0xFFFFC000  }
0x190: {  	[tilespmem:s19], [sflag:$0x1] =	stream.indirect.gather [hbm4b:s5+s21], $0x80, s11, s21, $0xb8;
	[tilespmem:$0x1CE80] =	vst v63  }
0x191: {  	_ =	swait.ge [sflag:s28], $0x4000  }
0x192: {  	[sflag:s28] =	ssyncset.done $0x0  }
0x193: {  	[sflag:s28] =	ssyncadd.s32 $0xFFFFC000  }
0x194: {  	[spmem:s1] =	stream.indirect.scatter.add.f32 [tilespmem:s22], [sflag:$0x4], $0x80, s7, s21, $0xb8;
	[tilespmem:$0x1CE80] =	vst v63  }
0x195: {  	_ = 	snop  }
0x196: {  	[spmem:s3] =	stream.indirect.scatter.add.f32 [tilespmem:s8], [sflag:$0x5], $0x1, s7, s21, $0xb8;
	[tilespmem:$0x1CE80] =	vst v63  }
0x197: {  	_ =	swait.ge [sflag:s30], $0x4000  }
0x198: {  	[sflag:s30] =	ssyncset.done $0x0  }
0x199: {  	[sflag:s30] =	ssyncadd.s32 $0xFFFFC000  }
0x19a: {  	[tilespmem:s22], [sflag:$0x2] =	stream.indirect.gather [hbm4b:s5+s21], $0x80, s9, s21, $0xb8;
	[tilespmem:$0x1CE80] =	vst v63  }
0x19b: {  	_ =	swait.ge [sflag:s25], $0x4000  }
0x19c: {  	[sflag:s25] =	ssyncset.done $0x0  }
0x19d: {  	[sflag:s25] =	ssyncadd.s32 $0xFFFFC000  }
0x19e: {  	[spmem:s1] =	stream.indirect.scatter.add.f32 [tilespmem:s19], [sflag:$0x3], $0x80, s10, s21, $0xb8;
	[tilespmem:$0x1CE80] =	vst v63  }
0x19f: {  	_ = 	snop  }
0x1a0: {  	[spmem:s3] =	stream.indirect.scatter.add.f32 [tilespmem:s12], [sflag:$0x5], $0x1, s10, s21, $0xb8;
	[tilespmem:$0x1CE80] =	vst v63  }
0x1a1: {  	_ =	swait.ge [sflag:s28], $0x4000  }
0x1a2: {  	[sflag:s28] =	ssyncset.done $0x0  }
0x1a3: {  	[sflag:s28] =	ssyncadd.s32 $0xFFFFC000  }
0x1a4: {  	[spmem:s1] =	stream.indirect.scatter.add.f32 [tilespmem:s22], [sflag:$0x4], $0x80, s13, s21, $0xb8;
	[tilespmem:$0x1CE80] =	vst v63  }
0x1a5: {  	_ = 	snop  }
0x1a6: {  	[spmem:s3] =	stream.indirect.scatter.add.f32 [tilespmem:s14], [sflag:$0x5], $0x1, s13, s21, $0xb8;
	[tilespmem:$0x1CE80] =	vst v63  }
0x1a7: {  	_ =	swait.ge [sflag:s26], $0x4000  }
0x1a8: {  	[sflag:s26] =	ssyncset.done $0x0  }
0x1a9: {  	[sflag:s26] =	ssyncadd.s32 $0xFFFFC000  }
0x1aa: {  	_ =	swait.ge [sflag:s30], $0x4000  }
0x1ab: {  	[sflag:s30] =	ssyncset.done $0x0  }
0x1ac: {  	[sflag:s30] =	ssyncadd.s32 $0xFFFFC000  }
0x1ad: {  	_ =	swait.ge [sflag:s15], $0x80  }
0x1ae: {  	[sflag:s15] =	ssyncset.done $0x0  }
0x1af: {  	[sflag:s15] =	ssyncadd.s32 $0xFFFFFF80  }
0x1b0: {  	_ =	swait.ge [sflag:s15], $0x80  }
0x1b1: {  	[sflag:s15] =	ssyncset.done $0x0  }
0x1b2: {  	[sflag:s15] =	ssyncadd.s32 $0xFFFFFF80  }
0x1b3: {  	_ =	swait.ge [sflag:s15], $0x80  }
0x1b4: {  	[sflag:s15] =	ssyncset.done $0x0  }
0x1b5: {  	[sflag:s15] =	ssyncadd.s32 $0xFFFFFF80  }
0x1b6: {  	_ =	swait.ge [sflag:s15], $0x80  }
0x1b7: {  	[sflag:s15] =	ssyncset.done $0x0  }
0x1b8: {  	[sflag:s15] =	ssyncadd.s32 $0xFFFFFF80  }
0x1b9: {  	_ =	swait.ge [sflag:s15], $0x80  }
0x1ba: {  	[sflag:s15] =	ssyncset.done $0x0  }
0x1bb: {  	[sflag:s15] =	ssyncadd.s32 $0xFFFFFF80  }
0x1bc: {  	_ =	swait.ge [sflag:s15], $0x80  }
0x1bd: {  	[sflag:s15] =	ssyncset.done $0x0  }
0x1be: {  	[sflag:s15] =	ssyncadd.s32 $0xFFFFFF80  }
0x1bf: {  	_ =	swait.ge [sflag:s15], $0x80  }
0x1c0: {  	[sflag:s15] =	ssyncset.done $0x0  }
0x1c1: {  	[sflag:s15] =	ssyncadd.s32 $0xFFFFFF80  }
0x1c2: {  	_ =	swait.ge [sflag:s15], $0x80  }
0x1c3: {  	[sflag:s15] =	ssyncset.done $0x0  }
0x1c4: {  	[sflag:s15] =	ssyncadd.s32 $0xFFFFFF80  }
0x1c5: {  	s17 =	stileid.u32;
	[bflag:$0x0] =	sbarrier.arrive $0xFFFF  }
0x1c6: {  	s6 =	sshll.u32 s17, $0x6;
	s11 =	rddreg [dreg:$0x10]  }
0x1c7: {  	s6 =	sor.u32 $0x1C06, s6;
	s18 =	rddreg [dreg:$0x1a];
	s11 =	sshrl.u32 s11, $0x3  }
0x1c8: {  	[hbm:s18], [sflag:s6] =	dma.local [spmem:s11], $0x2800  }
0x1c9: {  	_ =	swait.ge [sflag:s20], $0x2800  }
0x1ca: {  	[sflag:s20] =	ssyncset.done $0x0;
	s17 =	rddreg [dreg:$0x15]  }
0x1cb: {  	s18 =	rddreg [dreg:$0x1b];
	[sflag:s20] =	ssyncadd.s32 $0xFFFFD800;
	s11 =	sshrl.u32 s17, $0x3  }
0x1cc: {  	[hbm:s18], [sflag:s6] =	dma.local [spmem:s11], $0x50  }
0x1cd: {  	_ =	swait.ge [sflag:s20], $0x50  }
0x1ce: {  	s16 =	sadd.s32 $0x1, s16;
	s18 =	rddreg [dreg:$0x1c]  }
0x1cf: {  	p0 =	sne.s32 s16, s18  }
.Ltmp2:
0x1d0: {  	_ = 	snop;
	(pc) =	sbr.rel @p0 .LBB2_1-.Ltmp2, $3  }
0x1d1: {  	_ =	sdelay $0x1  }
0x1d2: {  	[sflag:s20] =	ssyncset.done $0x0  }
0x1d3: {  	[sflag:s20] =	ssyncadd.s32 $0xFFFFFFB0  }
0x1d4: {  	_ =	sfence.sel $0x180000  }
0x1d5: {  	[bflag:$0x0] =	sbarrier.arrive $0xFFFF  }
0x1d6: {  	_ =	strace $0x90000047  }
0x1d7: {  	s0 =	stileid.u32;
	[bflag:$0x2] =	sbarrier.arrive $0xFFFF  }
0x1d8: {  	p0 =	sne.s32 s0, $0x0;
	s0 =	rddreg [dreg:$0x3]  }
0x1d9: {  	s0 =	sadd.s32 @!p0 $0x100000, s0  }
0x1da: {  	[sflag:s0] =	ssyncadd.tile.s32 @!p0 $0x1;
	_ =	shalt  }
.Lfunc_end2:
_tile_overlayer_lowered:
.L_overlay_start_2:
0x1db: {  	(tag) =	ssettag $0x2  }
0x1dc: {  	s0 =	rddreg [dreg:$0x0];
	s2 =	stileid.u32  }
0x1dd: {  	s1 =	rddreg [dreg:$0x1];
	p0 =	sne.s32 s2, $0x0  }
0x1de: {  	s3 =	rddreg [dreg:$0x2];
	[bflag:$0x3] =	sbarrier.arrive $0xFFFF;
	s2 =	simm.s32 @!p0 $0x1C06  }
0x1df: {  	[timem:s3], [sflag:s2] =	dma.local @!p0 [hbm:s0], s1  }
0x1e0: {  	s0 =	simm.s32 @!p0 $0x6  }
0x1e1: {  	_ =	swait.ge @!p0 [sflag:s0], s1  }
0x1e2: {  	s1 =	ssub.s32 @!p0 $0x0, s1;
	[sflag:s0] =	ssyncset.done @!p0 $0x0  }
0x1e3: {  	[sflag:s0] =	ssyncadd.s32 @!p0 s1  }
0x1e4: {  	[bflag:$0x3] =	sbarrier.arrive $0xFFFF  }
0x1e5: {  	_ =	shalt  }

</sc_bundles>
